<compile_context>
chip_gen: v7x
topology: tpu7x:2x2x1
jax: 0.10.2.dev20260603
libtpu: 0.0.44.dev20260713+nightly
codegen_flags: <defaults>
</compile_context>

<pallas_src>
import functools

import jax
import jax.numpy as jnp
from jax import lax
from jax.experimental import pallas as pl
from jax.experimental.pallas import tpu as pltpu
from jax.experimental.pallas import tpu_sc as plsc

BATCH = 16384
DIM = 64
L = 16
NTAB = 1000

_info = plsc.get_sparse_core_info()
NC, NS = _info.num_cores, _info.num_subcores
NW = NC * NS
B_PER_W = BATCH // NW
CHUNK = 128
N_CHUNKS = B_PER_W // CHUNK


def _rt_body(r_id, t_id, rel_flat, tim_flat, rt_out,
             ridx, tidx, tab, rt, semt):
    wid = lax.axis_index("s") * NC + lax.axis_index("c")
    base = wid * B_PER_W

    cp_tab = pltpu.async_copy(rel_flat, tab, semt)
    pltpu.sync_copy(r_id.at[pl.ds(base, B_PER_W)], ridx)
    pltpu.sync_copy(t_id.at[pl.ds(base, B_PER_W)], tidx)
    cp_tab.wait()

    def rel_group(g, _):
        tv = ridx[pl.ds(g * L, L)] * DIM

        def d_body(d, _):
            rt[d, pl.ds(g * L, L)] = plsc.load_gather(tab, [tv + d])
            return 0

        lax.fori_loop(0, DIM, d_body, 0)
        return 0

    lax.fori_loop(0, B_PER_W // L, rel_group, 0)

    pltpu.sync_copy(tim_flat, tab)

    def tim_group(g, _):
        tv = tidx[pl.ds(g * L, L)] * DIM

        def d_body(d, _):
            rt[d, pl.ds(g * L, L)] += plsc.load_gather(tab, [tv + d])
            return 0

        lax.fori_loop(0, DIM, d_body, 0)
        return 0

    lax.fori_loop(0, B_PER_W // L, tim_group, 0)

    pltpu.sync_copy(rt, rt_out.at[wid])


def _score_body(s_id, o_id, rt_all, ent, out,
                sidx, oidx, rt, srow0, orow0, srow1, orow1,
                outv, sem, semt):
    wid = lax.axis_index("s") * NC + lax.axis_index("c")
    base = wid * B_PER_W
    lanes = lax.iota(jnp.int32, L)
    bufs = ((srow0, orow0, sem), (srow1, orow1, semt))

    cp_rt = pltpu.async_copy(rt_all.at[wid], rt, semt)
    pltpu.sync_copy(s_id.at[pl.ds(base, B_PER_W)], sidx)
    pltpu.sync_copy(o_id.at[pl.ds(base, B_PER_W)], oidx)

    def fetch_wave(c, sbuf, obuf, fsem):
        cb = c * CHUNK

        def fetch(g, _):
            sv_idx = sidx[pl.ds(cb + g * L, L)]
            ov_idx = oidx[pl.ds(cb + g * L, L)]
            j0 = g * L
            for k in range(L):
                si = sv_idx[k]
                oi = ov_idx[k]
                pltpu.async_copy(ent.at[pl.ds(si, 1)],
                                 sbuf.at[pl.ds(j0 + k, 1)], fsem)
                pltpu.async_copy(ent.at[pl.ds(oi, 1)],
                                 obuf.at[pl.ds(j0 + k, 1)], fsem)
            return 0

        lax.fori_loop(0, CHUNK // L, fetch, 0)

    cp_rt.wait()
    fetch_wave(0, srow0, orow0, sem)

    for c in range(N_CHUNKS):
        cb = c * CHUNK
        sbuf, obuf, csem = bufs[c % 2]
        pltpu.make_async_copy(ent.at[pl.ds(0, CHUNK)], sbuf, csem).wait()
        pltpu.make_async_copy(ent.at[pl.ds(0, CHUNK)], obuf, csem).wait()
        if c + 1 < N_CHUNKS:
            nsbuf, nobuf, nsem = bufs[(c + 1) % 2]
            fetch_wave(c + 1, nsbuf, nobuf, nsem)

        def score_group(g, _):
            lrow = lanes + g * L

            def d_body(q, acc):
                for u in range(4):
                    d = q * 4 + u
                    col = jnp.full((L,), 0, jnp.int32) + d
                    sv = plsc.load_gather(sbuf, [lrow, col])
                    ov = plsc.load_gather(obuf, [lrow, col])
                    rtv = rt[d, pl.ds(cb + g * L, L)]
                    diff = sv + rtv - ov
                    acc = acc + diff * diff
                return acc

            acc = lax.fori_loop(0, DIM // 4, d_body,
                                jnp.zeros((L,), jnp.float32))
            seed = jnp.int32(0x5F3759DF) - (plsc.bitcast(acc, jnp.int32) >> 1)
            y = plsc.bitcast(seed, jnp.float32)
            half = acc * jnp.float32(0.5)
            for _i in range(3):
                y = y * (jnp.float32(1.5) - half * y * y)
            outv[pl.ds(cb + g * L, L)] = -(acc * y)
            return 0

        lax.fori_loop(0, CHUNK // L, score_group, 0)

    pltpu.sync_copy(outv, out.at[pl.ds(base, B_PER_W)])


_mesh = plsc.VectorSubcoreMesh(core_axis_name="c", subcore_axis_name="s")

_rt_call = functools.partial(
    pl.kernel,
    mesh=_mesh,
    out_type=jax.ShapeDtypeStruct((NW, DIM, B_PER_W), jnp.float32),
    compiler_params=pltpu.CompilerParams(needs_layout_passes=False),
    scratch_types=[
        pltpu.VMEM((B_PER_W,), jnp.int32),
        pltpu.VMEM((B_PER_W,), jnp.int32),
        pltpu.VMEM((NTAB * DIM,), jnp.float32),
        pltpu.VMEM((DIM, B_PER_W), jnp.float32),
        pltpu.SemaphoreType.DMA,
    ],
)(_rt_body)

_score_call = functools.partial(
    pl.kernel,
    mesh=_mesh,
    out_type=jax.ShapeDtypeStruct((BATCH,), jnp.float32),
    compiler_params=pltpu.CompilerParams(needs_layout_passes=False),
    scratch_types=[
        pltpu.VMEM((B_PER_W,), jnp.int32),
        pltpu.VMEM((B_PER_W,), jnp.int32),
        pltpu.VMEM((DIM, B_PER_W), jnp.float32),
        pltpu.VMEM((CHUNK, DIM), jnp.float32),
        pltpu.VMEM((CHUNK, DIM), jnp.float32),
        pltpu.VMEM((CHUNK, DIM), jnp.float32),
        pltpu.VMEM((CHUNK, DIM), jnp.float32),
        pltpu.VMEM((B_PER_W,), jnp.float32),
        pltpu.SemaphoreType.DMA,
        pltpu.SemaphoreType.DMA,
    ],
)(_score_body)


def kernel(s_id, r_id, o_id, t_id, entities, relations, times):
    rt_all = _rt_call(r_id.astype(jnp.int32), t_id.astype(jnp.int32),
                      relations.reshape(-1), times.reshape(-1))
    return _score_call(s_id.astype(jnp.int32), o_id.astype(jnp.int32),
                       rt_all, entities)

# --- scband reference (transcript-rebuilt; emitter-appended) ---
"""Pipeline reference for scband-ttrans-e-77532749627480 (READ-ONLY COPY).

The authoritative reference and input builder live on the scoring server;
editing this copy changes nothing except your own understanding.
"""

import jax, jax.numpy as jnp
import numpy as np

NR_RELATIONS = 1000
NR_ENTITIES = 1000000
NR_TIMES = 1000
DIM = 64
BATCH = 16384


def setup_inputs(seed: int = 0) -> dict:
    key = jax.random.key(seed)
    k1, k2, k3, k4, k5, k6, k7 = jax.random.split(key, 7)
    s_id = jax.random.randint(k1, (BATCH,), 0, NR_ENTITIES, dtype=jnp.int64) if jax.config.jax_enable_x64 else jax.random.randint(k1, (BATCH,), 0, NR_ENTITIES).astype(jnp.int32)
    r_id = jax.random.randint(k2, (BATCH,), 0, NR_RELATIONS).astype(s_id.dtype)
    o_id = jax.random.randint(k3, (BATCH,), 0, NR_ENTITIES).astype(s_id.dtype)
    t_id = jax.random.randint(k4, (BATCH,), 0, NR_TIMES).astype(s_id.dtype)
    entities = jax.random.normal(k5, (NR_ENTITIES, DIM), dtype=jnp.float32)
    relations = jax.random.normal(k6, (NR_RELATIONS, DIM), dtype=jnp.float32)
    times = jax.random.normal(k7, (NR_TIMES, DIM), dtype=jnp.float32)
    return {"s_id": s_id, "r_id": r_id, "o_id": o_id, "t_id": t_id,
            "entities": entities, "relations": relations, "times": times}


def reference(s_id, r_id, o_id, t_id, entities, relations, times):
    s = jnp.take(entities, s_id, axis=0)
    r = jnp.take(relations, r_id, axis=0)
    o = jnp.take(entities, o_id, axis=0)
    tt = jnp.take(times, t_id, axis=0)
    diff = s + r + tt - o
    return -jnp.sqrt(jnp.sum(diff * diff, axis=1))

if __name__ == "__main__":
    import jax
    _d = setup_inputs()
    print(jax.jit(kernel)(*tuple(_d.values())))

</pallas_src>

<mosaic_0001>
#map = affine_map<(d0, d1) -> (0)>
#map1 = affine_map<(d0, d1) -> (0, 0, 0)>
module attributes {stable_mosaic.version = 14 : i64} {
  func.func @_rt_body(%arg0: i32, %arg1: i32, %arg2: memref<16384xi32, #tpu.memory_space<hbm>>, %arg3: memref<16384xi32, #tpu.memory_space<hbm>>, %arg4: memref<64000xf32, #tpu.memory_space<hbm>>, %arg5: memref<64000xf32, #tpu.memory_space<hbm>>, %arg6: memref<32x64x512xf32, #tpu.memory_space<hbm>>, %arg7: memref<512xi32, #tpu.memory_space<vmem>>, %arg8: memref<512xi32, #tpu.memory_space<vmem>>, %arg9: memref<64000xf32, #tpu.memory_space<vmem>>, %arg10: memref<64x512xf32, #tpu.memory_space<vmem>>, %arg11: memref<!tpu.dma_semaphore, #tpu.memory_space<semaphore_mem>>) attributes {dimension_semantics = [#tpu.dimension_semantics<core_parallel>, #tpu.dimension_semantics<subcore_parallel>], iteration_bounds = array<i64: 2, 16>, scalar_prefetch = 0 : i64, scratch_operands = 5 : i64, tpu.core_type = #tpu.core_type<sc_vector_subcore>, window_params = [{transform_indices = #map}, {transform_indices = #map}, {transform_indices = #map}, {transform_indices = #map}, {transform_indices = #map1}]} {
    %mul3A = arith.constant 2 : i32
    %mul3A_0 = arith.muli %arg1, %mul3A : i32
    %add3A = arith.addi %mul3A_0, %arg0 : i32
    %mul3A_1 = arith.constant 512 : i32
    %mul3A_2 = arith.muli %add3A, %mul3A_1 : i32
    tpu.enqueue_dma source(%arg4 : memref<64000xf32, #tpu.memory_space<hbm>>) target(%arg9 : memref<64000xf32, #tpu.memory_space<vmem>>) target_semaphore(%arg11 : memref<!tpu.dma_semaphore, #tpu.memory_space<semaphore_mem>>)
    "tpu.region"() ({
      %run_scoped3A = tpu.sem_alloc : memref<!tpu.dma_semaphore, #tpu.memory_space<semaphore_mem>>
      %dma_start3A = tpu.memref_slice %arg2[%mul3A_2] : memref<16384xi32, #tpu.memory_space<hbm>> -> memref<512xi32, #tpu.memory_space<hbm>>
      %dma_start3A_16 = tpu.memref_slice %arg2[%mul3A_2] : memref<16384xi32, #tpu.memory_space<hbm>> -> memref<512xi32, #tpu.memory_space<hbm>>
      tpu.enqueue_dma source(%dma_start3A_16 : memref<512xi32, #tpu.memory_space<hbm>>) target(%arg7 : memref<512xi32, #tpu.memory_space<vmem>>) target_semaphore(%run_scoped3A : memref<!tpu.dma_semaphore, #tpu.memory_space<semaphore_mem>>)
      %dma_wait3A = tpu.memref_slice %arg2[%mul3A_2] : memref<16384xi32, #tpu.memory_space<hbm>> -> memref<512xi32, #tpu.memory_space<hbm>>
      %dma_wait3A_17 = tpu.memref_slice %arg2[%mul3A_2] : memref<16384xi32, #tpu.memory_space<hbm>> -> memref<512xi32, #tpu.memory_space<hbm>>
      tpu.wait_dma2 semaphore(%run_scoped3A : memref<!tpu.dma_semaphore, #tpu.memory_space<semaphore_mem>>) src(%dma_wait3A_17 : memref<512xi32, #tpu.memory_space<hbm>>) dst(%arg7 : memref<512xi32, #tpu.memory_space<vmem>>)
      tpu.yield
    }) : () -> ()
    "tpu.region"() ({
      %run_scoped3A = tpu.sem_alloc : memref<!tpu.dma_semaphore, #tpu.memory_space<semaphore_mem>>
      %dma_start3A = tpu.memref_slice %arg3[%mul3A_2] : memref<16384xi32, #tpu.memory_space<hbm>> -> memref<512xi32, #tpu.memory_space<hbm>>
      %dma_start3A_16 = tpu.memref_slice %arg3[%mul3A_2] : memref<16384xi32, #tpu.memory_space<hbm>> -> memref<512xi32, #tpu.memory_space<hbm>>
      tpu.enqueue_dma source(%dma_start3A_16 : memref<512xi32, #tpu.memory_space<hbm>>) target(%arg8 : memref<512xi32, #tpu.memory_space<vmem>>) target_semaphore(%run_scoped3A : memref<!tpu.dma_semaphore, #tpu.memory_space<semaphore_mem>>)
      %dma_wait3A = tpu.memref_slice %arg3[%mul3A_2] : memref<16384xi32, #tpu.memory_space<hbm>> -> memref<512xi32, #tpu.memory_space<hbm>>
      %dma_wait3A_17 = tpu.memref_slice %arg3[%mul3A_2] : memref<16384xi32, #tpu.memory_space<hbm>> -> memref<512xi32, #tpu.memory_space<hbm>>
      tpu.wait_dma2 semaphore(%run_scoped3A : memref<!tpu.dma_semaphore, #tpu.memory_space<semaphore_mem>>) src(%dma_wait3A_17 : memref<512xi32, #tpu.memory_space<hbm>>) dst(%arg8 : memref<512xi32, #tpu.memory_space<vmem>>)
      tpu.yield
    }) : () -> ()
    tpu.wait_dma2 semaphore(%arg11 : memref<!tpu.dma_semaphore, #tpu.memory_space<semaphore_mem>>) src(%arg4 : memref<64000xf32, #tpu.memory_space<hbm>>) dst(%arg9 : memref<64000xf32, #tpu.memory_space<vmem>>)
    %scan3A = arith.constant 0 : i32
    %scan3A_3 = arith.constant 0 : i32
    %scan3A_4 = arith.constant 32 : i32
    %scan3A_5 = arith.addi %scan3A_3, %scan3A_4 : i32
    %scan3A_6 = arith.constant 1 : i32
    %scan3A_7 = scf.for %scan3A_16 = %scan3A_3 to %scan3A_5 step %scan3A_6 iter_args(%scan3A_17 = %scan3A) -> (i32)  : i32 {
      %mul3A_18 = arith.constant 16 : i32
      %mul3A_19 = arith.muli %scan3A_16, %mul3A_18 : i32
      %get3A = arith.index_cast %mul3A_19 : i32 to index
      %get3A_20 = tpu.vector_load %arg7[%get3A] {strides = array<i32>} : memref<512xi32, #tpu.memory_space<vmem>>, vector<16xi32>,
      %mul3A_21 = arith.constant 64 : i32
      %mul3A_22 = vector.broadcast %mul3A_21 : i32 to vector<16xi32>
      %mul3A_23 = arith.muli %get3A_20, %mul3A_22 : vector<16xi32>
      %scan3A_24 = arith.constant 0 : i32
      %scan3A_25 = arith.constant 0 : i32
      %scan3A_26 = arith.constant 64 : i32
      %scan3A_27 = arith.addi %scan3A_25, %scan3A_26 : i32
      %scan3A_28 = arith.constant 1 : i32
      %scan3A_29 = scf.for %scan3A_32 = %scan3A_25 to %scan3A_27 step %scan3A_28 iter_args(%scan3A_33 = %scan3A_24) -> (i32)  : i32 {
        %add3A_34 = vector.broadcast %scan3A_32 : i32 to vector<16xi32>
        %add3A_35 = arith.addi %mul3A_23, %add3A_34 : vector<16xi32>
        %gather3A = tpu.vector_load_idx %arg9[%add3A_35] : memref<64000xf32, #tpu.memory_space<vmem>>[vector<16xi32>], vector<16xf32>,
        %mul3A_36 = arith.constant 16 : i32
        %mul3A_37 = arith.muli %scan3A_16, %mul3A_36 : i32
        %swap3A = arith.index_cast %scan3A_32 : i32 to index
        %swap3A_38 = arith.index_cast %mul3A_37 : i32 to index
        %swap3A_39 = tpu.vector_load %arg10[%swap3A, %swap3A_38] {strides = array<i32>} : memref<64x512xf32, #tpu.memory_space<vmem>>, vector<16xf32>,
        tpu.vector_store %arg10[%swap3A, %swap3A_38], %gather3A {strides = array<i32>} : memref<64x512xf32, #tpu.memory_space<vmem>>, vector<16xf32>,
        %scan3A_40 = arith.constant 0 : i32
        scf.yield %scan3A_40 : i32
      }
      %scan3A_30 = arith.constant 64 : i32
      %scan3A_31 = arith.constant 0 : i32
      scf.yield %scan3A_31 : i32
    }
    %scan3A_8 = arith.constant 32 : i32
    "tpu.region"() ({
      %run_scoped3A = tpu.sem_alloc : memref<!tpu.dma_semaphore, #tpu.memory_space<semaphore_mem>>
      tpu.enqueue_dma source(%arg5 : memref<64000xf32, #tpu.memory_space<hbm>>) target(%arg9 : memref<64000xf32, #tpu.memory_space<vmem>>) target_semaphore(%run_scoped3A : memref<!tpu.dma_semaphore, #tpu.memory_space<semaphore_mem>>)
      tpu.wait_dma2 semaphore(%run_scoped3A : memref<!tpu.dma_semaphore, #tpu.memory_space<semaphore_mem>>) src(%arg5 : memref<64000xf32, #tpu.memory_space<hbm>>) dst(%arg9 : memref<64000xf32, #tpu.memory_space<vmem>>)
      tpu.yield
    }) : () -> ()
    %scan3A_9 = arith.constant 0 : i32
    %scan3A_10 = arith.constant 0 : i32
    %scan3A_11 = arith.constant 32 : i32
    %scan3A_12 = arith.addi %scan3A_10, %scan3A_11 : i32
    %scan3A_13 = arith.constant 1 : i32
    %scan3A_14 = scf.for %scan3A_16 = %scan3A_10 to %scan3A_12 step %scan3A_13 iter_args(%scan3A_17 = %scan3A_9) -> (i32)  : i32 {
      %mul3A_18 = arith.constant 16 : i32
      %mul3A_19 = arith.muli %scan3A_16, %mul3A_18 : i32
      %get3A = arith.index_cast %mul3A_19 : i32 to index
      %get3A_20 = tpu.vector_load %arg8[%get3A] {strides = array<i32>} : memref<512xi32, #tpu.memory_space<vmem>>, vector<16xi32>,
      %mul3A_21 = arith.constant 64 : i32
      %mul3A_22 = vector.broadcast %mul3A_21 : i32 to vector<16xi32>
      %mul3A_23 = arith.muli %get3A_20, %mul3A_22 : vector<16xi32>
      %scan3A_24 = arith.constant 0 : i32
      %scan3A_25 = arith.constant 0 : i32
      %scan3A_26 = arith.constant 64 : i32
      %scan3A_27 = arith.addi %scan3A_25, %scan3A_26 : i32
      %scan3A_28 = arith.constant 1 : i32
      %scan3A_29 = scf.for %scan3A_32 = %scan3A_25 to %scan3A_27 step %scan3A_28 iter_args(%scan3A_33 = %scan3A_24) -> (i32)  : i32 {
        %mul3A_34 = arith.constant 16 : i32
        %mul3A_35 = arith.muli %scan3A_16, %mul3A_34 : i32
        %get3A_36 = arith.index_cast %scan3A_32 : i32 to index
        %get3A_37 = arith.index_cast %mul3A_35 : i32 to index
        %get3A_38 = tpu.vector_load %arg10[%get3A_36, %get3A_37] {strides = array<i32>} : memref<64x512xf32, #tpu.memory_space<vmem>>, vector<16xf32>,
        %add3A_39 = vector.broadcast %scan3A_32 : i32 to vector<16xi32>
        %add3A_40 = arith.addi %mul3A_23, %add3A_39 : vector<16xi32>
        %gather3A = tpu.vector_load_idx %arg9[%add3A_40] : memref<64000xf32, #tpu.memory_space<vmem>>[vector<16xi32>], vector<16xf32>,
        %add3A_41 = arith.addf %get3A_38, %gather3A : vector<16xf32>
        %swap3A = arith.index_cast %scan3A_32 : i32 to index
        %swap3A_42 = arith.index_cast %mul3A_35 : i32 to index
        %swap3A_43 = tpu.vector_load %arg10[%swap3A, %swap3A_42] {strides = array<i32>} : memref<64x512xf32, #tpu.memory_space<vmem>>, vector<16xf32>,
        tpu.vector_store %arg10[%swap3A, %swap3A_42], %add3A_41 {strides = array<i32>} : memref<64x512xf32, #tpu.memory_space<vmem>>, vector<16xf32>,
        %scan3A_44 = arith.constant 0 : i32
        scf.yield %scan3A_44 : i32
      }
      %scan3A_30 = arith.constant 64 : i32
      %scan3A_31 = arith.constant 0 : i32
      scf.yield %scan3A_31 : i32
    }
    %scan3A_15 = arith.constant 32 : i32
    "tpu.region"() ({
      %run_scoped3A = tpu.sem_alloc : memref<!tpu.dma_semaphore, #tpu.memory_space<semaphore_mem>>
      %dma_start3A = arith.constant 0 : i32
      %dma_start3A_16 = arith.constant 0 : i32
      %dma_start3A_17 = tpu.memref_slice %arg6[%add3A, %dma_start3A, %dma_start3A_16] : memref<32x64x512xf32, #tpu.memory_space<hbm>> -> memref<1x64x512xf32, #tpu.memory_space<hbm>>
      %dma_start3A_18 = tpu.memref_squeeze %dma_start3A_17 : memref<1x64x512xf32, #tpu.memory_space<hbm>> -> memref<64x512xf32, #tpu.memory_space<hbm>>
      %dma_start3A_19 = arith.constant 0 : i32
      %dma_start3A_20 = arith.constant 0 : i32
      %dma_start3A_21 = tpu.memref_slice %arg6[%add3A, %dma_start3A_19, %dma_start3A_20] : memref<32x64x512xf32, #tpu.memory_space<hbm>> -> memref<1x64x512xf32, #tpu.memory_space<hbm>>
      %dma_start3A_22 = tpu.memref_squeeze %dma_start3A_21 : memref<1x64x512xf32, #tpu.memory_space<hbm>> -> memref<64x512xf32, #tpu.memory_space<hbm>>
      tpu.enqueue_dma source(%arg10 : memref<64x512xf32, #tpu.memory_space<vmem>>) target(%dma_start3A_22 : memref<64x512xf32, #tpu.memory_space<hbm>>) target_semaphore(%run_scoped3A : memref<!tpu.dma_semaphore, #tpu.memory_space<semaphore_mem>>)
      %dma_wait3A = arith.constant 0 : i32
      %dma_wait3A_23 = arith.constant 0 : i32
      %dma_wait3A_24 = tpu.memref_slice %arg6[%add3A, %dma_wait3A, %dma_wait3A_23] : memref<32x64x512xf32, #tpu.memory_space<hbm>> -> memref<1x64x512xf32, #tpu.memory_space<hbm>>
      %dma_wait3A_25 = tpu.memref_squeeze %dma_wait3A_24 : memref<1x64x512xf32, #tpu.memory_space<hbm>> -> memref<64x512xf32, #tpu.memory_space<hbm>>
      %dma_wait3A_26 = arith.constant 0 : i32
      %dma_wait3A_27 = arith.constant 0 : i32
      %dma_wait3A_28 = tpu.memref_slice %arg6[%add3A, %dma_wait3A_26, %dma_wait3A_27] : memref<32x64x512xf32, #tpu.memory_space<hbm>> -> memref<1x64x512xf32, #tpu.memory_space<hbm>>
      %dma_wait3A_29 = tpu.memref_squeeze %dma_wait3A_28 : memref<1x64x512xf32, #tpu.memory_space<hbm>> -> memref<64x512xf32, #tpu.memory_space<hbm>>
      tpu.wait_dma2 semaphore(%run_scoped3A : memref<!tpu.dma_semaphore, #tpu.memory_space<semaphore_mem>>) src(%arg10 : memref<64x512xf32, #tpu.memory_space<vmem>>) dst(%dma_wait3A_29 : memref<64x512xf32, #tpu.memory_space<hbm>>)
      tpu.yield
    }) : () -> ()
    return
  }
}

#map = affine_map<(d0, d1) -> (0)>
#map1 = affine_map<(d0, d1) -> (0, 0, 0)>
#map2 = affine_map<(d0, d1) -> (0, 0)>
module attributes {stable_mosaic.version = 14 : i64} {
  func.func @_score_body(%arg0: i32, %arg1: i32, %arg2: memref<16384xi32, #tpu.memory_space<hbm>>, %arg3: memref<16384xi32, #tpu.memory_space<hbm>>, %arg4: memref<32x64x512xf32, #tpu.memory_space<hbm>>, %arg5: memref<1000000x64xf32, #tpu.memory_space<hbm>>, %arg6: memref<16384xf32, #tpu.memory_space<hbm>>, %arg7: memref<512xi32, #tpu.memory_space<vmem>>, %arg8: memref<512xi32, #tpu.memory_space<vmem>>, %arg9: memref<64x512xf32, #tpu.memory_space<vmem>>, %arg10: memref<128x64xf32, #tpu.memory_space<vmem>>, %arg11: memref<128x64xf32, #tpu.memory_space<vmem>>, %arg12: memref<128x64xf32, #tpu.memory_space<vmem>>, %arg13: memref<128x64xf32, #tpu.memory_space<vmem>>, %arg14: memref<512xf32, #tpu.memory_space<vmem>>, %arg15: memref<!tpu.dma_semaphore, #tpu.memory_space<semaphore_mem>>, %arg16: memref<!tpu.dma_semaphore, #tpu.memory_space<semaphore_mem>>) attributes {dimension_semantics = [#tpu.dimension_semantics<core_parallel>, #tpu.dimension_semantics<subcore_parallel>], iteration_bounds = array<i64: 2, 16>, scalar_prefetch = 0 : i64, scratch_operands = 10 : i64, tpu.core_type = #tpu.core_type<sc_vector_subcore>, window_params = [{transform_indices = #map}, {transform_indices = #map}, {transform_indices = #map1}, {transform_indices = #map2}, {transform_indices = #map}]} {
    %mul3A = arith.constant 2 : i32
    %mul3A_0 = arith.muli %arg1, %mul3A : i32
    %add3A = arith.addi %mul3A_0, %arg0 : i32
    %mul3A_1 = arith.constant 512 : i32
    %mul3A_2 = arith.muli %add3A, %mul3A_1 : i32
    %iota3A = tpu.iota {dimensions = array<i32: 0>} : vector<16xi32>
    %dma_start3A = arith.constant 0 : i32
    %dma_start3A_3 = arith.constant 0 : i32
    %dma_start3A_4 = tpu.memref_slice %arg4[%add3A, %dma_start3A, %dma_start3A_3] : memref<32x64x512xf32, #tpu.memory_space<hbm>> -> memref<1x64x512xf32, #tpu.memory_space<hbm>>
    %dma_start3A_5 = tpu.memref_squeeze %dma_start3A_4 : memref<1x64x512xf32, #tpu.memory_space<hbm>> -> memref<64x512xf32, #tpu.memory_space<hbm>>
    %dma_start3A_6 = arith.constant 0 : i32
    %dma_start3A_7 = arith.constant 0 : i32
    %dma_start3A_8 = tpu.memref_slice %arg4[%add3A, %dma_start3A_6, %dma_start3A_7] : memref<32x64x512xf32, #tpu.memory_space<hbm>> -> memref<1x64x512xf32, #tpu.memory_space<hbm>>
    %dma_start3A_9 = tpu.memref_squeeze %dma_start3A_8 : memref<1x64x512xf32, #tpu.memory_space<hbm>> -> memref<64x512xf32, #tpu.memory_space<hbm>>
    tpu.enqueue_dma source(%dma_start3A_9 : memref<64x512xf32, #tpu.memory_space<hbm>>) target(%arg9 : memref<64x512xf32, #tpu.memory_space<vmem>>) target_semaphore(%arg16 : memref<!tpu.dma_semaphore, #tpu.memory_space<semaphore_mem>>)
    "tpu.region"() ({
      %run_scoped3A = tpu.sem_alloc : memref<!tpu.dma_semaphore, #tpu.memory_space<semaphore_mem>>
      %dma_start3A_120 = tpu.memref_slice %arg2[%mul3A_2] : memref<16384xi32, #tpu.memory_space<hbm>> -> memref<512xi32, #tpu.memory_space<hbm>>
      %dma_start3A_121 = tpu.memref_slice %arg2[%mul3A_2] : memref<16384xi32, #tpu.memory_space<hbm>> -> memref<512xi32, #tpu.memory_space<hbm>>
      tpu.enqueue_dma source(%dma_start3A_121 : memref<512xi32, #tpu.memory_space<hbm>>) target(%arg7 : memref<512xi32, #tpu.memory_space<vmem>>) target_semaphore(%run_scoped3A : memref<!tpu.dma_semaphore, #tpu.memory_space<semaphore_mem>>)
      %dma_wait3A_122 = tpu.memref_slice %arg2[%mul3A_2] : memref<16384xi32, #tpu.memory_space<hbm>> -> memref<512xi32, #tpu.memory_space<hbm>>
      %dma_wait3A_123 = tpu.memref_slice %arg2[%mul3A_2] : memref<16384xi32, #tpu.memory_space<hbm>> -> memref<512xi32, #tpu.memory_space<hbm>>
      tpu.wait_dma2 semaphore(%run_scoped3A : memref<!tpu.dma_semaphore, #tpu.memory_space<semaphore_mem>>) src(%dma_wait3A_123 : memref<512xi32, #tpu.memory_space<hbm>>) dst(%arg7 : memref<512xi32, #tpu.memory_space<vmem>>)
      tpu.yield
    }) : () -> ()
    "tpu.region"() ({
      %run_scoped3A = tpu.sem_alloc : memref<!tpu.dma_semaphore, #tpu.memory_space<semaphore_mem>>
      %dma_start3A_120 = tpu.memref_slice %arg3[%mul3A_2] : memref<16384xi32, #tpu.memory_space<hbm>> -> memref<512xi32, #tpu.memory_space<hbm>>
      %dma_start3A_121 = tpu.memref_slice %arg3[%mul3A_2] : memref<16384xi32, #tpu.memory_space<hbm>> -> memref<512xi32, #tpu.memory_space<hbm>>
      tpu.enqueue_dma source(%dma_start3A_121 : memref<512xi32, #tpu.memory_space<hbm>>) target(%arg8 : memref<512xi32, #tpu.memory_space<vmem>>) target_semaphore(%run_scoped3A : memref<!tpu.dma_semaphore, #tpu.memory_space<semaphore_mem>>)
      %dma_wait3A_122 = tpu.memref_slice %arg3[%mul3A_2] : memref<16384xi32, #tpu.memory_space<hbm>> -> memref<512xi32, #tpu.memory_space<hbm>>
      %dma_wait3A_123 = tpu.memref_slice %arg3[%mul3A_2] : memref<16384xi32, #tpu.memory_space<hbm>> -> memref<512xi32, #tpu.memory_space<hbm>>
      tpu.wait_dma2 semaphore(%run_scoped3A : memref<!tpu.dma_semaphore, #tpu.memory_space<semaphore_mem>>) src(%dma_wait3A_123 : memref<512xi32, #tpu.memory_space<hbm>>) dst(%arg8 : memref<512xi32, #tpu.memory_space<vmem>>)
      tpu.yield
    }) : () -> ()
    %dma_wait3A = arith.constant 0 : i32
    %dma_wait3A_10 = arith.constant 0 : i32
    %dma_wait3A_11 = tpu.memref_slice %arg4[%add3A, %dma_wait3A, %dma_wait3A_10] : memref<32x64x512xf32, #tpu.memory_space<hbm>> -> memref<1x64x512xf32, #tpu.memory_space<hbm>>
    %dma_wait3A_12 = tpu.memref_squeeze %dma_wait3A_11 : memref<1x64x512xf32, #tpu.memory_space<hbm>> -> memref<64x512xf32, #tpu.memory_space<hbm>>
    %dma_wait3A_13 = arith.constant 0 : i32
    %dma_wait3A_14 = arith.constant 0 : i32
    %dma_wait3A_15 = tpu.memref_slice %arg4[%add3A, %dma_wait3A_13, %dma_wait3A_14] : memref<32x64x512xf32, #tpu.memory_space<hbm>> -> memref<1x64x512xf32, #tpu.memory_space<hbm>>
    %dma_wait3A_16 = tpu.memref_squeeze %dma_wait3A_15 : memref<1x64x512xf32, #tpu.memory_space<hbm>> -> memref<64x512xf32, #tpu.memory_space<hbm>>
    tpu.wait_dma2 semaphore(%arg16 : memref<!tpu.dma_semaphore, #tpu.memory_space<semaphore_mem>>) src(%dma_wait3A_16 : memref<64x512xf32, #tpu.memory_space<hbm>>) dst(%arg9 : memref<64x512xf32, #tpu.memory_space<vmem>>)
    %scan3A = arith.constant 0 : i32
    %scan3A_17 = arith.constant 0 : i32
    %scan3A_18 = arith.constant 8 : i32
    %scan3A_19 = arith.addi %scan3A_17, %scan3A_18 : i32
    %scan3A_20 = arith.constant 1 : i32
    %scan3A_21 = scf.for %scan3A_120 = %scan3A_17 to %scan3A_19 step %scan3A_20 iter_args(%scan3A_121 = %scan3A) -> (i32)  : i32 {
      %mul3A_122 = arith.constant 16 : i32
      %mul3A_123 = arith.muli %scan3A_120, %mul3A_122 : i32
      %add3A_124 = arith.constant 0 : i32
      %add3A_125 = arith.addi %add3A_124, %mul3A_123 : i32
      %get3A = arith.index_cast %add3A_125 : i32 to index
      %get3A_126 = tpu.vector_load %arg7[%get3A] {strides = array<i32>} : memref<512xi32, #tpu.memory_space<vmem>>, vector<16xi32>,
      %mul3A_127 = arith.constant 16 : i32
      %mul3A_128 = arith.muli %scan3A_120, %mul3A_127 : i32
      %add3A_129 = arith.constant 0 : i32
      %add3A_130 = arith.addi %add3A_129, %mul3A_128 : i32
      %get3A_131 = arith.index_cast %add3A_130 : i32 to index
      %get3A_132 = tpu.vector_load %arg8[%get3A_131] {strides = array<i32>} : memref<512xi32, #tpu.memory_space<vmem>>, vector<16xi32>,
      %mul3A_133 = arith.constant 16 : i32
      %mul3A_134 = arith.muli %scan3A_120, %mul3A_133 : i32
      %slice3A = vector.extract_strided_slice %get3A_126 {offsets = [0], sizes = [1], strides = [1]} : vector<16xi32> to vector<1xi32>
      %squeeze3A = vector.extract %slice3A[0] : i32 from vector<1xi32>
      %slice3A_135 = vector.extract_strided_slice %get3A_132 {offsets = [0], sizes = [1], strides = [1]} : vector<16xi32> to vector<1xi32>
      %squeeze3A_136 = vector.extract %slice3A_135[0] : i32 from vector<1xi32>
      %add3A_137 = arith.constant 0 : i32
      %add3A_138 = arith.addi %mul3A_134, %add3A_137 : i32
      %dma_start3A_139 = arith.constant 0 : i32
      %dma_start3A_140 = tpu.memref_slice %arg10[%add3A_138, %dma_start3A_139] : memref<128x64xf32, #tpu.memory_space<vmem>> -> memref<1x64xf32, #tpu.memory_space<vmem>>
      %dma_start3A_141 = arith.constant 0 : i32
      %dma_start3A_142 = tpu.memref_slice %arg5[%squeeze3A, %dma_start3A_141] : memref<1000000x64xf32, #tpu.memory_space<hbm>> -> memref<1x64xf32, #tpu.memory_space<hbm>>
      %dma_start3A_143 = arith.constant 0 : i32
      %dma_start3A_144 = tpu.memref_slice %arg10[%add3A_138, %dma_start3A_143] : memref<128x64xf32, #tpu.memory_space<vmem>> -> memref<1x64xf32, #tpu.memory_space<vmem>>
      %dma_start3A_145 = arith.constant 0 : i32
      %dma_start3A_146 = tpu.memref_slice %arg5[%squeeze3A, %dma_start3A_145] : memref<1000000x64xf32, #tpu.memory_space<hbm>> -> memref<1x64xf32, #tpu.memory_space<hbm>>
      tpu.enqueue_dma source(%dma_start3A_146 : memref<1x64xf32, #tpu.memory_space<hbm>>) target(%dma_start3A_144 : memref<1x64xf32, #tpu.memory_space<vmem>>) target_semaphore(%arg15 : memref<!tpu.dma_semaphore, #tpu.memory_space<semaphore_mem>>)
      %add3A_147 = arith.constant 0 : i32
      %add3A_148 = arith.addi %mul3A_134, %add3A_147 : i32
      %dma_start3A_149 = arith.constant 0 : i32
      %dma_start3A_150 = tpu.memref_slice %arg11[%add3A_148, %dma_start3A_149] : memref<128x64xf32, #tpu.memory_space<vmem>> -> memref<1x64xf32, #tpu.memory_space<vmem>>
      %dma_start3A_151 = arith.constant 0 : i32
      %dma_start3A_152 = tpu.memref_slice %arg5[%squeeze3A_136, %dma_start3A_151] : memref<1000000x64xf32, #tpu.memory_space<hbm>> -> memref<1x64xf32, #tpu.memory_space<hbm>>
      %dma_start3A_153 = arith.constant 0 : i32
      %dma_start3A_154 = tpu.memref_slice %arg11[%add3A_148, %dma_start3A_153] : memref<128x64xf32, #tpu.memory_space<vmem>> -> memref<1x64xf32, #tpu.memory_space<vmem>>
      %dma_start3A_155 = arith.constant 0 : i32
      %dma_start3A_156 = tpu.memref_slice %arg5[%squeeze3A_136, %dma_start3A_155] : memref<1000000x64xf32, #tpu.memory_space<hbm>> -> memref<1x64xf32, #tpu.memory_space<hbm>>
      tpu.enqueue_dma source(%dma_start3A_156 : memref<1x64xf32, #tpu.memory_space<hbm>>) target(%dma_start3A_154 : memref<1x64xf32, #tpu.memory_space<vmem>>) target_semaphore(%arg15 : memref<!tpu.dma_semaphore, #tpu.memory_space<semaphore_mem>>)
      %slice3A_157 = vector.extract_strided_slice %get3A_126 {offsets = [1], sizes = [1], strides = [1]} : vector<16xi32> to vector<1xi32>
      %squeeze3A_158 = vector.extract %slice3A_157[0] : i32 from vector<1xi32>
      %slice3A_159 = vector.extract_strided_slice %get3A_132 {offsets = [1], sizes = [1], strides = [1]} : vector<16xi32> to vector<1xi32>
      %squeeze3A_160 = vector.extract %slice3A_159[0] : i32 from vector<1xi32>
      %add3A_161 = arith.constant 1 : i32
      %add3A_162 = arith.addi %mul3A_134, %add3A_161 : i32
      %dma_start3A_163 = arith.constant 0 : i32
      %dma_start3A_164 = tpu.memref_slice %arg10[%add3A_162, %dma_start3A_163] : memref<128x64xf32, #tpu.memory_space<vmem>> -> memref<1x64xf32, #tpu.memory_space<vmem>>
      %dma_start3A_165 = arith.constant 0 : i32
      %dma_start3A_166 = tpu.memref_slice %arg5[%squeeze3A_158, %dma_start3A_165] : memref<1000000x64xf32, #tpu.memory_space<hbm>> -> memref<1x64xf32, #tpu.memory_space<hbm>>
      %dma_start3A_167 = arith.constant 0 : i32
      %dma_start3A_168 = tpu.memref_slice %arg10[%add3A_162, %dma_start3A_167] : memref<128x64xf32, #tpu.memory_space<vmem>> -> memref<1x64xf32, #tpu.memory_space<vmem>>
      %dma_start3A_169 = arith.constant 0 : i32
      %dma_start3A_170 = tpu.memref_slice %arg5[%squeeze3A_158, %dma_start3A_169] : memref<1000000x64xf32, #tpu.memory_space<hbm>> -> memref<1x64xf32, #tpu.memory_space<hbm>>
      tpu.enqueue_dma source(%dma_start3A_170 : memref<1x64xf32, #tpu.memory_space<hbm>>) target(%dma_start3A_168 : memref<1x64xf32, #tpu.memory_space<vmem>>) target_semaphore(%arg15 : memref<!tpu.dma_semaphore, #tpu.memory_space<semaphore_mem>>)
      %add3A_171 = arith.constant 1 : i32
      %add3A_172 = arith.addi %mul3A_134, %add3A_171 : i32
      %dma_start3A_173 = arith.constant 0 : i32
      %dma_start3A_174 = tpu.memref_slice %arg11[%add3A_172, %dma_start3A_173] : memref<128x64xf32, #tpu.memory_space<vmem>> -> memref<1x64xf32, #tpu.memory_space<vmem>>
      %dma_start3A_175 = arith.constant 0 : i32
      %dma_start3A_176 = tpu.memref_slice %arg5[%squeeze3A_160, %dma_start3A_175] : memref<1000000x64xf32, #tpu.memory_space<hbm>> -> memref<1x64xf32, #tpu.memory_space<hbm>>
      %dma_start3A_177 = arith.constant 0 : i32
      %dma_start3A_178 = tpu.memref_slice %arg11[%add3A_172, %dma_start3A_177] : memref<128x64xf32, #tpu.memory_space<vmem>> -> memref<1x64xf32, #tpu.memory_space<vmem>>
      %dma_start3A_179 = arith.constant 0 : i32
      %dma_start3A_180 = tpu.memref_slice %arg5[%squeeze3A_160, %dma_start3A_179] : memref<1000000x64xf32, #tpu.memory_space<hbm>> -> memref<1x64xf32, #tpu.memory_space<hbm>>
      tpu.enqueue_dma source(%dma_start3A_180 : memref<1x64xf32, #tpu.memory_space<hbm>>) target(%dma_start3A_178 : memref<1x64xf32, #tpu.memory_space<vmem>>) target_semaphore(%arg15 : memref<!tpu.dma_semaphore, #tpu.memory_space<semaphore_mem>>)
      %slice3A_181 = vector.extract_strided_slice %get3A_126 {offsets = [2], sizes = [1], strides = [1]} : vector<16xi32> to vector<1xi32>
      %squeeze3A_182 = vector.extract %slice3A_181[0] : i32 from vector<1xi32>
      %slice3A_183 = vector.extract_strided_slice %get3A_132 {offsets = [2], sizes = [1], strides = [1]} : vector<16xi32> to vector<1xi32>
      %squeeze3A_184 = vector.extract %slice3A_183[0] : i32 from vector<1xi32>
      %add3A_185 = arith.constant 2 : i32
      %add3A_186 = arith.addi %mul3A_134, %add3A_185 : i32
      %dma_start3A_187 = arith.constant 0 : i32
      %dma_start3A_188 = tpu.memref_slice %arg10[%add3A_186, %dma_start3A_187] : memref<128x64xf32, #tpu.memory_space<vmem>> -> memref<1x64xf32, #tpu.memory_space<vmem>>
      %dma_start3A_189 = arith.constant 0 : i32
      %dma_start3A_190 = tpu.memref_slice %arg5[%squeeze3A_182, %dma_start3A_189] : memref<1000000x64xf32, #tpu.memory_space<hbm>> -> memref<1x64xf32, #tpu.memory_space<hbm>>
      %dma_start3A_191 = arith.constant 0 : i32
      %dma_start3A_192 = tpu.memref_slice %arg10[%add3A_186, %dma_start3A_191] : memref<128x64xf32, #tpu.memory_space<vmem>> -> memref<1x64xf32, #tpu.memory_space<vmem>>
      %dma_start3A_193 = arith.constant 0 : i32
      %dma_start3A_194 = tpu.memref_slice %arg5[%squeeze3A_182, %dma_start3A_193] : memref<1000000x64xf32, #tpu.memory_space<hbm>> -> memref<1x64xf32, #tpu.memory_space<hbm>>
      tpu.enqueue_dma source(%dma_start3A_194 : memref<1x64xf32, #tpu.memory_space<hbm>>) target(%dma_start3A_192 : memref<1x64xf32, #tpu.memory_space<vmem>>) target_semaphore(%arg15 : memref<!tpu.dma_semaphore, #tpu.memory_space<semaphore_mem>>)
      %add3A_195 = arith.constant 2 : i32
      %add3A_196 = arith.addi %mul3A_134, %add3A_195 : i32
      %dma_start3A_197 = arith.constant 0 : i32
      %dma_start3A_198 = tpu.memref_slice %arg11[%add3A_196, %dma_start3A_197] : memref<128x64xf32, #tpu.memory_space<vmem>> -> memref<1x64xf32, #tpu.memory_space<vmem>>
      %dma_start3A_199 = arith.constant 0 : i32
      %dma_start3A_200 = tpu.memref_slice %arg5[%squeeze3A_184, %dma_start3A_199] : memref<1000000x64xf32, #tpu.memory_space<hbm>> -> memref<1x64xf32, #tpu.memory_space<hbm>>
      %dma_start3A_201 = arith.constant 0 : i32
      %dma_start3A_202 = tpu.memref_slice %arg11[%add3A_196, %dma_start3A_201] : memref<128x64xf32, #tpu.memory_space<vmem>> -> memref<1x64xf32, #tpu.memory_space<vmem>>
      %dma_start3A_203 = arith.constant 0 : i32
      %dma_start3A_204 = tpu.memref_slice %arg5[%squeeze3A_184, %dma_start3A_203] : memref<1000000x64xf32, #tpu.memory_space<hbm>> -> memref<1x64xf32, #tpu.memory_space<hbm>>
      tpu.enqueue_dma source(%dma_start3A_204 : memref<1x64xf32, #tpu.memory_space<hbm>>) target(%dma_start3A_202 : memref<1x64xf32, #tpu.memory_space<vmem>>) target_semaphore(%arg15 : memref<!tpu.dma_semaphore, #tpu.memory_space<semaphore_mem>>)
      %slice3A_205 = vector.extract_strided_slice %get3A_126 {offsets = [3], sizes = [1], strides = [1]} : vector<16xi32> to vector<1xi32>
      %squeeze3A_206 = vector.extract %slice3A_205[0] : i32 from vector<1xi32>
      %slice3A_207 = vector.extract_strided_slice %get3A_132 {offsets = [3], sizes = [1], strides = [1]} : vector<16xi32> to vector<1xi32>
      %squeeze3A_208 = vector.extract %slice3A_207[0] : i32 from vector<1xi32>
      %add3A_209 = arith.constant 3 : i32
      %add3A_210 = arith.addi %mul3A_134, %add3A_209 : i32
      %dma_start3A_211 = arith.constant 0 : i32
      %dma_start3A_212 = tpu.memref_slice %arg10[%add3A_210, %dma_start3A_211] : memref<128x64xf32, #tpu.memory_space<vmem>> -> memref<1x64xf32, #tpu.memory_space<vmem>>
      %dma_start3A_213 = arith.constant 0 : i32
      %dma_start3A_214 = tpu.memref_slice %arg5[%squeeze3A_206, %dma_start3A_213] : memref<1000000x64xf32, #tpu.memory_space<hbm>> -> memref<1x64xf32, #tpu.memory_space<hbm>>
      %dma_start3A_215 = arith.constant 0 : i32
      %dma_start3A_216 = tpu.memref_slice %arg10[%add3A_210, %dma_start3A_215] : memref<128x64xf32, #tpu.memory_space<vmem>> -> memref<1x64xf32, #tpu.memory_space<vmem>>
      %dma_start3A_217 = arith.constant 0 : i32
      %dma_start3A_218 = tpu.memref_slice %arg5[%squeeze3A_206, %dma_start3A_217] : memref<1000000x64xf32, #tpu.memory_space<hbm>> -> memref<1x64xf32, #tpu.memory_space<hbm>>
      tpu.enqueue_dma source(%dma_start3A_218 : memref<1x64xf32, #tpu.memory_space<hbm>>) target(%dma_start3A_216 : memref<1x64xf32, #tpu.memory_space<vmem>>) target_semaphore(%arg15 : memref<!tpu.dma_semaphore, #tpu.memory_space<semaphore_mem>>)
      %add3A_219 = arith.constant 3 : i32
      %add3A_220 = arith.addi %mul3A_134, %add3A_219 : i32
      %dma_start3A_221 = arith.constant 0 : i32
      %dma_start3A_222 = tpu.memref_slice %arg11[%add3A_220, %dma_start3A_221] : memref<128x64xf32, #tpu.memory_space<vmem>> -> memref<1x64xf32, #tpu.memory_space<vmem>>
      %dma_start3A_223 = arith.constant 0 : i32
      %dma_start3A_224 = tpu.memref_slice %arg5[%squeeze3A_208, %dma_start3A_223] : memref<1000000x64xf32, #tpu.memory_space<hbm>> -> memref<1x64xf32, #tpu.memory_space<hbm>>
      %dma_start3A_225 = arith.constant 0 : i32
      %dma_start3A_226 = tpu.memref_slice %arg11[%add3A_220, %dma_start3A_225] : memref<128x64xf32, #tpu.memory_space<vmem>> -> memref<1x64xf32, #tpu.memory_space<vmem>>
      %dma_start3A_227 = arith.constant 0 : i32
      %dma_start3A_228 = tpu.memref_slice %arg5[%squeeze3A_208, %dma_start3A_227] : memref<1000000x64xf32, #tpu.memory_space<hbm>> -> memref<1x64xf32, #tpu.memory_space<hbm>>
      tpu.enqueue_dma source(%dma_start3A_228 : memref<1x64xf32, #tpu.memory_space<hbm>>) target(%dma_start3A_226 : memref<1x64xf32, #tpu.memory_space<vmem>>) target_semaphore(%arg15 : memref<!tpu.dma_semaphore, #tpu.memory_space<semaphore_mem>>)
      %slice3A_229 = vector.extract_strided_slice %get3A_126 {offsets = [4], sizes = [1], strides = [1]} : vector<16xi32> to vector<1xi32>
      %squeeze3A_230 = vector.extract %slice3A_229[0] : i32 from vector<1xi32>
      %slice3A_231 = vector.extract_strided_slice %get3A_132 {offsets = [4], sizes = [1], strides = [1]} : vector<16xi32> to vector<1xi32>
      %squeeze3A_232 = vector.extract %slice3A_231[0] : i32 from vector<1xi32>
      %add3A_233 = arith.constant 4 : i32
      %add3A_234 = arith.addi %mul3A_134, %add3A_233 : i32
      %dma_start3A_235 = arith.constant 0 : i32
      %dma_start3A_236 = tpu.memref_slice %arg10[%add3A_234, %dma_start3A_235] : memref<128x64xf32, #tpu.memory_space<vmem>> -> memref<1x64xf32, #tpu.memory_space<vmem>>
      %dma_start3A_237 = arith.constant 0 : i32
      %dma_start3A_238 = tpu.memref_slice %arg5[%squeeze3A_230, %dma_start3A_237] : memref<1000000x64xf32, #tpu.memory_space<hbm>> -> memref<1x64xf32, #tpu.memory_space<hbm>>
      %dma_start3A_239 = arith.constant 0 : i32
      %dma_start3A_240 = tpu.memref_slice %arg10[%add3A_234, %dma_start3A_239] : memref<128x64xf32, #tpu.memory_space<vmem>> -> memref<1x64xf32, #tpu.memory_space<vmem>>
      %dma_start3A_241 = arith.constant 0 : i32
      %dma_start3A_242 = tpu.memref_slice %arg5[%squeeze3A_230, %dma_start3A_241] : memref<1000000x64xf32, #tpu.memory_space<hbm>> -> memref<1x64xf32, #tpu.memory_space<hbm>>
      tpu.enqueue_dma source(%dma_start3A_242 : memref<1x64xf32, #tpu.memory_space<hbm>>) target(%dma_start3A_240 : memref<1x64xf32, #tpu.memory_space<vmem>>) target_semaphore(%arg15 : memref<!tpu.dma_semaphore, #tpu.memory_space<semaphore_mem>>)
      %add3A_243 = arith.constant 4 : i32
      %add3A_244 = arith.addi %mul3A_134, %add3A_243 : i32
      %dma_start3A_245 = arith.constant 0 : i32
      %dma_start3A_246 = tpu.memref_slice %arg11[%add3A_244, %dma_start3A_245] : memref<128x64xf32, #tpu.memory_space<vmem>> -> memref<1x64xf32, #tpu.memory_space<vmem>>
      %dma_start3A_247 = arith.constant 0 : i32
      %dma_start3A_248 = tpu.memref_slice %arg5[%squeeze3A_232, %dma_start3A_247] : memref<1000000x64xf32, #tpu.memory_space<hbm>> -> memref<1x64xf32, #tpu.memory_space<hbm>>
      %dma_start3A_249 = arith.constant 0 : i32
      %dma_start3A_250 = tpu.memref_slice %arg11[%add3A_244, %dma_start3A_249] : memref<128x64xf32, #tpu.memory_space<vmem>> -> memref<1x64xf32, #tpu.memory_space<vmem>>
      %dma_start3A_251 = arith.constant 0 : i32
      %dma_start3A_252 = tpu.memref_slice %arg5[%squeeze3A_232, %dma_start3A_251] : memref<1000000x64xf32, #tpu.memory_space<hbm>> -> memref<1x64xf32, #tpu.memory_space<hbm>>
      tpu.enqueue_dma source(%dma_start3A_252 : memref<1x64xf32, #tpu.memory_space<hbm>>) target(%dma_start3A_250 : memref<1x64xf32, #tpu.memory_space<vmem>>) target_semaphore(%arg15 : memref<!tpu.dma_semaphore, #tpu.memory_space<semaphore_mem>>)
      %slice3A_253 = vector.extract_strided_slice %get3A_126 {offsets = [5], sizes = [1], strides = [1]} : vector<16xi32> to vector<1xi32>
      %squeeze3A_254 = vector.extract %slice3A_253[0] : i32 from vector<1xi32>
      %slice3A_255 = vector.extract_strided_slice %get3A_132 {offsets = [5], sizes = [1], strides = [1]} : vector<16xi32> to vector<1xi32>
      %squeeze3A_256 = vector.extract %slice3A_255[0] : i32 from vector<1xi32>
      %add3A_257 = arith.constant 5 : i32
      %add3A_258 = arith.addi %mul3A_134, %add3A_257 : i32
      %dma_start3A_259 = arith.constant 0 : i32
      %dma_start3A_260 = tpu.memref_slice %arg10[%add3A_258, %dma_start3A_259] : memref<128x64xf32, #tpu.memory_space<vmem>> -> memref<1x64xf32, #tpu.memory_space<vmem>>
      %dma_start3A_261 = arith.constant 0 : i32
      %dma_start3A_262 = tpu.memref_slice %arg5[%squeeze3A_254, %dma_start3A_261] : memref<1000000x64xf32, #tpu.memory_space<hbm>> -> memref<1x64xf32, #tpu.memory_space<hbm>>
      %dma_start3A_263 = arith.constant 0 : i32
      %dma_start3A_264 = tpu.memref_slice %arg10[%add3A_258, %dma_start3A_263] : memref<128x64xf32, #tpu.memory_space<vmem>> -> memref<1x64xf32, #tpu.memory_space<vmem>>
      %dma_start3A_265 = arith.constant 0 : i32
      %dma_start3A_266 = tpu.memref_slice %arg5[%squeeze3A_254, %dma_start3A_265] : memref<1000000x64xf32, #tpu.memory_space<hbm>> -> memref<1x64xf32, #tpu.memory_space<hbm>>
      tpu.enqueue_dma source(%dma_start3A_266 : memref<1x64xf32, #tpu.memory_space<hbm>>) target(%dma_start3A_264 : memref<1x64xf32, #tpu.memory_space<vmem>>) target_semaphore(%arg15 : memref<!tpu.dma_semaphore, #tpu.memory_space<semaphore_mem>>)
      %add3A_267 = arith.constant 5 : i32
      %add3A_268 = arith.addi %mul3A_134, %add3A_267 : i32
      %dma_start3A_269 = arith.constant 0 : i32
      %dma_start3A_270 = tpu.memref_slice %arg11[%add3A_268, %dma_start3A_269] : memref<128x64xf32, #tpu.memory_space<vmem>> -> memref<1x64xf32, #tpu.memory_space<vmem>>
      %dma_start3A_271 = arith.constant 0 : i32
      %dma_start3A_272 = tpu.memref_slice %arg5[%squeeze3A_256, %dma_start3A_271] : memref<1000000x64xf32, #tpu.memory_space<hbm>> -> memref<1x64xf32, #tpu.memory_space<hbm>>
      %dma_start3A_273 = arith.constant 0 : i32
      %dma_start3A_274 = tpu.memref_slice %arg11[%add3A_268, %dma_start3A_273] : memref<128x64xf32, #tpu.memory_space<vmem>> -> memref<1x64xf32, #tpu.memory_space<vmem>>
      %dma_start3A_275 = arith.constant 0 : i32
      %dma_start3A_276 = tpu.memref_slice %arg5[%squeeze3A_256, %dma_start3A_275] : memref<1000000x64xf32, #tpu.memory_space<hbm>> -> memref<1x64xf32, #tpu.memory_space<hbm>>
      tpu.enqueue_dma source(%dma_start3A_276 : memref<1x64xf32, #tpu.memory_space<hbm>>) target(%dma_start3A_274 : memref<1x64xf32, #tpu.memory_space<vmem>>) target_semaphore(%arg15 : memref<!tpu.dma_semaphore, #tpu.memory_space<semaphore_mem>>)
      %slice3A_277 = vector.extract_strided_slice %get3A_126 {offsets = [6], sizes = [1], strides = [1]} : vector<16xi32> to vector<1xi32>
      %squeeze3A_278 = vector.extract %slice3A_277[0] : i32 from vector<1xi32>
      %slice3A_279 = vector.extract_strided_slice %get3A_132 {offsets = [6], sizes = [1], strides = [1]} : vector<16xi32> to vector<1xi32>
      %squeeze3A_280 = vector.extract %slice3A_279[0] : i32 from vector<1xi32>
      %add3A_281 = arith.constant 6 : i32
      %add3A_282 = arith.addi %mul3A_134, %add3A_281 : i32
      %dma_start3A_283 = arith.constant 0 : i32
      %dma_start3A_284 = tpu.memref_slice %arg10[%add3A_282, %dma_start3A_283] : memref<128x64xf32, #tpu.memory_space<vmem>> -> memref<1x64xf32, #tpu.memory_space<vmem>>
      %dma_start3A_285 = arith.constant 0 : i32
      %dma_start3A_286 = tpu.memref_slice %arg5[%squeeze3A_278, %dma_start3A_285] : memref<1000000x64xf32, #tpu.memory_space<hbm>> -> memref<1x64xf32, #tpu.memory_space<hbm>>
      %dma_start3A_287 = arith.constant 0 : i32
      %dma_start3A_288 = tpu.memref_slice %arg10[%add3A_282, %dma_start3A_287] : memref<128x64xf32, #tpu.memory_space<vmem>> -> memref<1x64xf32, #tpu.memory_space<vmem>>
      %dma_start3A_289 = arith.constant 0 : i32
      %dma_start3A_290 = tpu.memref_slice %arg5[%squeeze3A_278, %dma_start3A_289] : memref<1000000x64xf32, #tpu.memory_space<hbm>> -> memref<1x64xf32, #tpu.memory_space<hbm>>
      tpu.enqueue_dma source(%dma_start3A_290 : memref<1x64xf32, #tpu.memory_space<hbm>>) target(%dma_start3A_288 : memref<1x64xf32, #tpu.memory_space<vmem>>) target_semaphore(%arg15 : memref<!tpu.dma_semaphore, #tpu.memory_space<semaphore_mem>>)
      %add3A_291 = arith.constant 6 : i32
      %add3A_292 = arith.addi %mul3A_134, %add3A_291 : i32
      %dma_start3A_293 = arith.constant 0 : i32
      %dma_start3A_294 = tpu.memref_slice %arg11[%add3A_292, %dma_start3A_293] : memref<128x64xf32, #tpu.memory_space<vmem>> -> memref<1x64xf32, #tpu.memory_space<vmem>>
      %dma_start3A_295 = arith.constant 0 : i32
      %dma_start3A_296 = tpu.memref_slice %arg5[%squeeze3A_280, %dma_start3A_295] : memref<1000000x64xf32, #tpu.memory_space<hbm>> -> memref<1x64xf32, #tpu.memory_space<hbm>>
      %dma_start3A_297 = arith.constant 0 : i32
      %dma_start3A_298 = tpu.memref_slice %arg11[%add3A_292, %dma_start3A_297] : memref<128x64xf32, #tpu.memory_space<vmem>> -> memref<1x64xf32, #tpu.memory_space<vmem>>
      %dma_start3A_299 = arith.constant 0 : i32
      %dma_start3A_300 = tpu.memref_slice %arg5[%squeeze3A_280, %dma_start3A_299] : memref<1000000x64xf32, #tpu.memory_space<hbm>> -> memref<1x64xf32, #tpu.memory_space<hbm>>
      tpu.enqueue_dma source(%dma_start3A_300 : memref<1x64xf32, #tpu.memory_space<hbm>>) target(%dma_start3A_298 : memref<1x64xf32, #tpu.memory_space<vmem>>) target_semaphore(%arg15 : memref<!tpu.dma_semaphore, #tpu.memory_space<semaphore_mem>>)
      %slice3A_301 = vector.extract_strided_slice %get3A_126 {offsets = [7], sizes = [1], strides = [1]} : vector<16xi32> to vector<1xi32>
      %squeeze3A_302 = vector.extract %slice3A_301[0] : i32 from vector<1xi32>
      %slice3A_303 = vector.extract_strided_slice %get3A_132 {offsets = [7], sizes = [1], strides = [1]} : vector<16xi32> to vector<1xi32>
      %squeeze3A_304 = vector.extract %slice3A_303[0] : i32 from vector<1xi32>
      %add3A_305 = arith.constant 7 : i32
      %add3A_306 = arith.addi %mul3A_134, %add3A_305 : i32
      %dma_start3A_307 = arith.constant 0 : i32
      %dma_start3A_308 = tpu.memref_slice %arg10[%add3A_306, %dma_start3A_307] : memref<128x64xf32, #tpu.memory_space<vmem>> -> memref<1x64xf32, #tpu.memory_space<vmem>>
      %dma_start3A_309 = arith.constant 0 : i32
      %dma_start3A_310 = tpu.memref_slice %arg5[%squeeze3A_302, %dma_start3A_309] : memref<1000000x64xf32, #tpu.memory_space<hbm>> -> memref<1x64xf32, #tpu.memory_space<hbm>>
      %dma_start3A_311 = arith.constant 0 : i32
      %dma_start3A_312 = tpu.memref_slice %arg10[%add3A_306, %dma_start3A_311] : memref<128x64xf32, #tpu.memory_space<vmem>> -> memref<1x64xf32, #tpu.memory_space<vmem>>
      %dma_start3A_313 = arith.constant 0 : i32
      %dma_start3A_314 = tpu.memref_slice %arg5[%squeeze3A_302, %dma_start3A_313] : memref<1000000x64xf32, #tpu.memory_space<hbm>> -> memref<1x64xf32, #tpu.memory_space<hbm>>
      tpu.enqueue_dma source(%dma_start3A_314 : memref<1x64xf32, #tpu.memory_space<hbm>>) target(%dma_start3A_312 : memref<1x64xf32, #tpu.memory_space<vmem>>) target_semaphore(%arg15 : memref<!tpu.dma_semaphore, #tpu.memory_space<semaphore_mem>>)
      %add3A_315 = arith.constant 7 : i32
      %add3A_316 = arith.addi %mul3A_134, %add3A_315 : i32
      %dma_start3A_317 = arith.constant 0 : i32
      %dma_start3A_318 = tpu.memref_slice %arg11[%add3A_316, %dma_start3A_317] : memref<128x64xf32, #tpu.memory_space<vmem>> -> memref<1x64xf32, #tpu.memory_space<vmem>>
      %dma_start3A_319 = arith.constant 0 : i32
      %dma_start3A_320 = tpu.memref_slice %arg5[%squeeze3A_304, %dma_start3A_319] : memref<1000000x64xf32, #tpu.memory_space<hbm>> -> memref<1x64xf32, #tpu.memory_space<hbm>>
      %dma_start3A_321 = arith.constant 0 : i32
      %dma_start3A_322 = tpu.memref_slice %arg11[%add3A_316, %dma_start3A_321] : memref<128x64xf32, #tpu.memory_space<vmem>> -> memref<1x64xf32, #tpu.memory_space<vmem>>
      %dma_start3A_323 = arith.constant 0 : i32
      %dma_start3A_324 = tpu.memref_slice %arg5[%squeeze3A_304, %dma_start3A_323] : memref<1000000x64xf32, #tpu.memory_space<hbm>> -> memref<1x64xf32, #tpu.memory_space<hbm>>
      tpu.enqueue_dma source(%dma_start3A_324 : memref<1x64xf32, #tpu.memory_space<hbm>>) target(%dma_start3A_322 : memref<1x64xf32, #tpu.memory_space<vmem>>) target_semaphore(%arg15 : memref<!tpu.dma_semaphore, #tpu.memory_space<semaphore_mem>>)
      %slice3A_325 = vector.extract_strided_slice %get3A_126 {offsets = [8], sizes = [1], strides = [1]} : vector<16xi32> to vector<1xi32>
      %squeeze3A_326 = vector.extract %slice3A_325[0] : i32 from vector<1xi32>
      %slice3A_327 = vector.extract_strided_slice %get3A_132 {offsets = [8], sizes = [1], strides = [1]} : vector<16xi32> to vector<1xi32>
      %squeeze3A_328 = vector.extract %slice3A_327[0] : i32 from vector<1xi32>
      %add3A_329 = arith.constant 8 : i32
      %add3A_330 = arith.addi %mul3A_134, %add3A_329 : i32
      %dma_start3A_331 = arith.constant 0 : i32
      %dma_start3A_332 = tpu.memref_slice %arg10[%add3A_330, %dma_start3A_331] : memref<128x64xf32, #tpu.memory_space<vmem>> -> memref<1x64xf32, #tpu.memory_space<vmem>>
      %dma_start3A_333 = arith.constant 0 : i32
      %dma_start3A_334 = tpu.memref_slice %arg5[%squeeze3A_326, %dma_start3A_333] : memref<1000000x64xf32, #tpu.memory_space<hbm>> -> memref<1x64xf32, #tpu.memory_space<hbm>>
      %dma_start3A_335 = arith.constant 0 : i32
      %dma_start3A_336 = tpu.memref_slice %arg10[%add3A_330, %dma_start3A_335] : memref<128x64xf32, #tpu.memory_space<vmem>> -> memref<1x64xf32, #tpu.memory_space<vmem>>
      %dma_start3A_337 = arith.constant 0 : i32
      %dma_start3A_338 = tpu.memref_slice %arg5[%squeeze3A_326, %dma_start3A_337] : memref<1000000x64xf32, #tpu.memory_space<hbm>> -> memref<1x64xf32, #tpu.memory_space<hbm>>
      tpu.enqueue_dma source(%dma_start3A_338 : memref<1x64xf32, #tpu.memory_space<hbm>>) target(%dma_start3A_336 : memref<1x64xf32, #tpu.memory_space<vmem>>) target_semaphore(%arg15 : memref<!tpu.dma_semaphore, #tpu.memory_space<semaphore_mem>>)
      %add3A_339 = arith.constant 8 : i32
      %add3A_340 = arith.addi %mul3A_134, %add3A_339 : i32
      %dma_start3A_341 = arith.constant 0 : i32
      %dma_start3A_342 = tpu.memref_slice %arg11[%add3A_340, %dma_start3A_341] : memref<128x64xf32, #tpu.memory_space<vmem>> -> memref<1x64xf32, #tpu.memory_space<vmem>>
      %dma_start3A_343 = arith.constant 0 : i32
      %dma_start3A_344 = tpu.memref_slice %arg5[%squeeze3A_328, %dma_start3A_343] : memref<1000000x64xf32, #tpu.memory_space<hbm>> -> memref<1x64xf32, #tpu.memory_space<hbm>>
      %dma_start3A_345 = arith.constant 0 : i32
      %dma_start3A_346 = tpu.memref_slice %arg11[%add3A_340, %dma_start3A_345] : memref<128x64xf32, #tpu.memory_space<vmem>> -> memref<1x64xf32, #tpu.memory_space<vmem>>
      %dma_start3A_347 = arith.constant 0 : i32
      %dma_start3A_348 = tpu.memref_slice %arg5[%squeeze3A_328, %dma_start3A_347] : memref<1000000x64xf32, #tpu.memory_space<hbm>> -> memref<1x64xf32, #tpu.memory_space<hbm>>
      tpu.enqueue_dma source(%dma_start3A_348 : memref<1x64xf32, #tpu.memory_space<hbm>>) target(%dma_start3A_346 : memref<1x64xf32, #tpu.memory_space<vmem>>) target_semaphore(%arg15 : memref<!tpu.dma_semaphore, #tpu.memory_space<semaphore_mem>>)
      %slice3A_349 = vector.extract_strided_slice %get3A_126 {offsets = [9], sizes = [1], strides = [1]} : vector<16xi32> to vector<1xi32>
      %squeeze3A_350 = vector.extract %slice3A_349[0] : i32 from vector<1xi32>
      %slice3A_351 = vector.extract_strided_slice %get3A_132 {offsets = [9], sizes = [1], strides = [1]} : vector<16xi32> to vector<1xi32>
      %squeeze3A_352 = vector.extract %slice3A_351[0] : i32 from vector<1xi32>
      %add3A_353 = arith.constant 9 : i32
      %add3A_354 = arith.addi %mul3A_134, %add3A_353 : i32
      %dma_start3A_355 = arith.constant 0 : i32
      %dma_start3A_356 = tpu.memref_slice %arg10[%add3A_354, %dma_start3A_355] : memref<128x64xf32, #tpu.memory_space<vmem>> -> memref<1x64xf32, #tpu.memory_space<vmem>>
      %dma_start3A_357 = arith.constant 0 : i32
      %dma_start3A_358 = tpu.memref_slice %arg5[%squeeze3A_350, %dma_start3A_357] : memref<1000000x64xf32, #tpu.memory_space<hbm>> -> memref<1x64xf32, #tpu.memory_space<hbm>>
      %dma_start3A_359 = arith.constant 0 : i32
      %dma_start3A_360 = tpu.memref_slice %arg10[%add3A_354, %dma_start3A_359] : memref<128x64xf32, #tpu.memory_space<vmem>> -> memref<1x64xf32, #tpu.memory_space<vmem>>
      %dma_start3A_361 = arith.constant 0 : i32
      %dma_start3A_362 = tpu.memref_slice %arg5[%squeeze3A_350, %dma_start3A_361] : memref<1000000x64xf32, #tpu.memory_space<hbm>> -> memref<1x64xf32, #tpu.memory_space<hbm>>
      tpu.enqueue_dma source(%dma_start3A_362 : memref<1x64xf32, #tpu.memory_space<hbm>>) target(%dma_start3A_360 : memref<1x64xf32, #tpu.memory_space<vmem>>) target_semaphore(%arg15 : memref<!tpu.dma_semaphore, #tpu.memory_space<semaphore_mem>>)
      %add3A_363 = arith.constant 9 : i32
      %add3A_364 = arith.addi %mul3A_134, %add3A_363 : i32
      %dma_start3A_365 = arith.constant 0 : i32
      %dma_start3A_366 = tpu.memref_slice %arg11[%add3A_364, %dma_start3A_365] : memref<128x64xf32, #tpu.memory_space<vmem>> -> memref<1x64xf32, #tpu.memory_space<vmem>>
      %dma_start3A_367 = arith.constant 0 : i32
      %dma_start3A_368 = tpu.memref_slice %arg5[%squeeze3A_352, %dma_start3A_367] : memref<1000000x64xf32, #tpu.memory_space<hbm>> -> memref<1x64xf32, #tpu.memory_space<hbm>>
      %dma_start3A_369 = arith.constant 0 : i32
      %dma_start3A_370 = tpu.memref_slice %arg11[%add3A_364, %dma_start3A_369] : memref<128x64xf32, #tpu.memory_space<vmem>> -> memref<1x64xf32, #tpu.memory_space<vmem>>
      %dma_start3A_371 = arith.constant 0 : i32
      %dma_start3A_372 = tpu.memref_slice %arg5[%squeeze3A_352, %dma_start3A_371] : memref<1000000x64xf32, #tpu.memory_space<hbm>> -> memref<1x64xf32, #tpu.memory_space<hbm>>
      tpu.enqueue_dma source(%dma_start3A_372 : memref<1x64xf32, #tpu.memory_space<hbm>>) target(%dma_start3A_370 : memref<1x64xf32, #tpu.memory_space<vmem>>) target_semaphore(%arg15 : memref<!tpu.dma_semaphore, #tpu.memory_space<semaphore_mem>>)
      %slice3A_373 = vector.extract_strided_slice %get3A_126 {offsets = [10], sizes = [1], strides = [1]} : vector<16xi32> to vector<1xi32>
      %squeeze3A_374 = vector.extract %slice3A_373[0] : i32 from vector<1xi32>
      %slice3A_375 = vector.extract_strided_slice %get3A_132 {offsets = [10], sizes = [1], strides = [1]} : vector<16xi32> to vector<1xi32>
      %squeeze3A_376 = vector.extract %slice3A_375[0] : i32 from vector<1xi32>
      %add3A_377 = arith.constant 10 : i32
      %add3A_378 = arith.addi %mul3A_134, %add3A_377 : i32
      %dma_start3A_379 = arith.constant 0 : i32
      %dma_start3A_380 = tpu.memref_slice %arg10[%add3A_378, %dma_start3A_379] : memref<128x64xf32, #tpu.memory_space<vmem>> -> memref<1x64xf32, #tpu.memory_space<vmem>>
      %dma_start3A_381 = arith.constant 0 : i32
      %dma_start3A_382 = tpu.memref_slice %arg5[%squeeze3A_374, %dma_start3A_381] : memref<1000000x64xf32, #tpu.memory_space<hbm>> -> memref<1x64xf32, #tpu.memory_space<hbm>>
      %dma_start3A_383 = arith.constant 0 : i32
      %dma_start3A_384 = tpu.memref_slice %arg10[%add3A_378, %dma_start3A_383] : memref<128x64xf32, #tpu.memory_space<vmem>> -> memref<1x64xf32, #tpu.memory_space<vmem>>
      %dma_start3A_385 = arith.constant 0 : i32
      %dma_start3A_386 = tpu.memref_slice %arg5[%squeeze3A_374, %dma_start3A_385] : memref<1000000x64xf32, #tpu.memory_space<hbm>> -> memref<1x64xf32, #tpu.memory_space<hbm>>
      tpu.enqueue_dma source(%dma_start3A_386 : memref<1x64xf32, #tpu.memory_space<hbm>>) target(%dma_start3A_384 : memref<1x64xf32, #tpu.memory_space<vmem>>) target_semaphore(%arg15 : memref<!tpu.dma_semaphore, #tpu.memory_space<semaphore_mem>>)
      %add3A_387 = arith.constant 10 : i32
      %add3A_388 = arith.addi %mul3A_134, %add3A_387 : i32
      %dma_start3A_389 = arith.constant 0 : i32
      %dma_start3A_390 = tpu.memref_slice %arg11[%add3A_388, %dma_start3A_389] : memref<128x64xf32, #tpu.memory_space<vmem>> -> memref<1x64xf32, #tpu.memory_space<vmem>>
      %dma_start3A_391 = arith.constant 0 : i32
      %dma_start3A_392 = tpu.memref_slice %arg5[%squeeze3A_376, %dma_start3A_391] : memref<1000000x64xf32, #tpu.memory_space<hbm>> -> memref<1x64xf32, #tpu.memory_space<hbm>>
      %dma_start3A_393 = arith.constant 0 : i32
      %dma_start3A_394 = tpu.memref_slice %arg11[%add3A_388, %dma_start3A_393] : memref<128x64xf32, #tpu.memory_space<vmem>> -> memref<1x64xf32, #tpu.memory_space<vmem>>
      %dma_start3A_395 = arith.constant 0 : i32
      %dma_start3A_396 = tpu.memref_slice %arg5[%squeeze3A_376, %dma_start3A_395] : memref<1000000x64xf32, #tpu.memory_space<hbm>> -> memref<1x64xf32, #tpu.memory_space<hbm>>
      tpu.enqueue_dma source(%dma_start3A_396 : memref<1x64xf32, #tpu.memory_space<hbm>>) target(%dma_start3A_394 : memref<1x64xf32, #tpu.memory_space<vmem>>) target_semaphore(%arg15 : memref<!tpu.dma_semaphore, #tpu.memory_space<semaphore_mem>>)
      %slice3A_397 = vector.extract_strided_slice %get3A_126 {offsets = [11], sizes = [1], strides = [1]} : vector<16xi32> to vector<1xi32>
      %squeeze3A_398 = vector.extract %slice3A_397[0] : i32 from vector<1xi32>
      %slice3A_399 = vector.extract_strided_slice %get3A_132 {offsets = [11], sizes = [1], strides = [1]} : vector<16xi32> to vector<1xi32>
      %squeeze3A_400 = vector.extract %slice3A_399[0] : i32 from vector<1xi32>
      %add3A_401 = arith.constant 11 : i32
      %add3A_402 = arith.addi %mul3A_134, %add3A_401 : i32
      %dma_start3A_403 = arith.constant 0 : i32
      %dma_start3A_404 = tpu.memref_slice %arg10[%add3A_402, %dma_start3A_403] : memref<128x64xf32, #tpu.memory_space<vmem>> -> memref<1x64xf32, #tpu.memory_space<vmem>>
      %dma_start3A_405 = arith.constant 0 : i32
      %dma_start3A_406 = tpu.memref_slice %arg5[%squeeze3A_398, %dma_start3A_405] : memref<1000000x64xf32, #tpu.memory_space<hbm>> -> memref<1x64xf32, #tpu.memory_space<hbm>>
      %dma_start3A_407 = arith.constant 0 : i32
      %dma_start3A_408 = tpu.memref_slice %arg10[%add3A_402, %dma_start3A_407] : memref<128x64xf32, #tpu.memory_space<vmem>> -> memref<1x64xf32, #tpu.memory_space<vmem>>
      %dma_start3A_409 = arith.constant 0 : i32
      %dma_start3A_410 = tpu.memref_slice %arg5[%squeeze3A_398, %dma_start3A_409] : memref<1000000x64xf32, #tpu.memory_space<hbm>> -> memref<1x64xf32, #tpu.memory_space<hbm>>
      tpu.enqueue_dma source(%dma_start3A_410 : memref<1x64xf32, #tpu.memory_space<hbm>>) target(%dma_start3A_408 : memref<1x64xf32, #tpu.memory_space<vmem>>) target_semaphore(%arg15 : memref<!tpu.dma_semaphore, #tpu.memory_space<semaphore_mem>>)
      %add3A_411 = arith.constant 11 : i32
      %add3A_412 = arith.addi %mul3A_134, %add3A_411 : i32
      %dma_start3A_413 = arith.constant 0 : i32
      %dma_start3A_414 = tpu.memref_slice %arg11[%add3A_412, %dma_start3A_413] : memref<128x64xf32, #tpu.memory_space<vmem>> -> memref<1x64xf32, #tpu.memory_space<vmem>>
      %dma_start3A_415 = arith.constant 0 : i32
      %dma_start3A_416 = tpu.memref_slice %arg5[%squeeze3A_400, %dma_start3A_415] : memref<1000000x64xf32, #tpu.memory_space<hbm>> -> memref<1x64xf32, #tpu.memory_space<hbm>>
      %dma_start3A_417 = arith.constant 0 : i32
      %dma_start3A_418 = tpu.memref_slice %arg11[%add3A_412, %dma_start3A_417] : memref<128x64xf32, #tpu.memory_space<vmem>> -> memref<1x64xf32, #tpu.memory_space<vmem>>
      %dma_start3A_419 = arith.constant 0 : i32
      %dma_start3A_420 = tpu.memref_slice %arg5[%squeeze3A_400, %dma_start3A_419] : memref<1000000x64xf32, #tpu.memory_space<hbm>> -> memref<1x64xf32, #tpu.memory_space<hbm>>
      tpu.enqueue_dma source(%dma_start3A_420 : memref<1x64xf32, #tpu.memory_space<hbm>>) target(%dma_start3A_418 : memref<1x64xf32, #tpu.memory_space<vmem>>) target_semaphore(%arg15 : memref<!tpu.dma_semaphore, #tpu.memory_space<semaphore_mem>>)
      %slice3A_421 = vector.extract_strided_slice %get3A_126 {offsets = [12], sizes = [1], strides = [1]} : vector<16xi32> to vector<1xi32>
      %squeeze3A_422 = vector.extract %slice3A_421[0] : i32 from vector<1xi32>
      %slice3A_423 = vector.extract_strided_slice %get3A_132 {offsets = [12], sizes = [1], strides = [1]} : vector<16xi32> to vector<1xi32>
      %squeeze3A_424 = vector.extract %slice3A_423[0] : i32 from vector<1xi32>
      %add3A_425 = arith.constant 12 : i32
      %add3A_426 = arith.addi %mul3A_134, %add3A_425 : i32
      %dma_start3A_427 = arith.constant 0 : i32
      %dma_start3A_428 = tpu.memref_slice %arg10[%add3A_426, %dma_start3A_427] : memref<128x64xf32, #tpu.memory_space<vmem>> -> memref<1x64xf32, #tpu.memory_space<vmem>>
      %dma_start3A_429 = arith.constant 0 : i32
      %dma_start3A_430 = tpu.memref_slice %arg5[%squeeze3A_422, %dma_start3A_429] : memref<1000000x64xf32, #tpu.memory_space<hbm>> -> memref<1x64xf32, #tpu.memory_space<hbm>>
      %dma_start3A_431 = arith.constant 0 : i32
      %dma_start3A_432 = tpu.memref_slice %arg10[%add3A_426, %dma_start3A_431] : memref<128x64xf32, #tpu.memory_space<vmem>> -> memref<1x64xf32, #tpu.memory_space<vmem>>
      %dma_start3A_433 = arith.constant 0 : i32
      %dma_start3A_434 = tpu.memref_slice %arg5[%squeeze3A_422, %dma_start3A_433] : memref<1000000x64xf32, #tpu.memory_space<hbm>> -> memref<1x64xf32, #tpu.memory_space<hbm>>
      tpu.enqueue_dma source(%dma_start3A_434 : memref<1x64xf32, #tpu.memory_space<hbm>>) target(%dma_start3A_432 : memref<1x64xf32, #tpu.memory_space<vmem>>) target_semaphore(%arg15 : memref<!tpu.dma_semaphore, #tpu.memory_space<semaphore_mem>>)
      %add3A_435 = arith.constant 12 : i32
      %add3A_436 = arith.addi %mul3A_134, %add3A_435 : i32
      %dma_start3A_437 = arith.constant 0 : i32
      %dma_start3A_438 = tpu.memref_slice %arg11[%add3A_436, %dma_start3A_437] : memref<128x64xf32, #tpu.memory_space<vmem>> -> memref<1x64xf32, #tpu.memory_space<vmem>>
      %dma_start3A_439 = arith.constant 0 : i32
      %dma_start3A_440 = tpu.memref_slice %arg5[%squeeze3A_424, %dma_start3A_439] : memref<1000000x64xf32, #tpu.memory_space<hbm>> -> memref<1x64xf32, #tpu.memory_space<hbm>>
      %dma_start3A_441 = arith.constant 0 : i32
      %dma_start3A_442 = tpu.memref_slice %arg11[%add3A_436, %dma_start3A_441] : memref<128x64xf32, #tpu.memory_space<vmem>> -> memref<1x64xf32, #tpu.memory_space<vmem>>
      %dma_start3A_443 = arith.constant 0 : i32
      %dma_start3A_444 = tpu.memref_slice %arg5[%squeeze3A_424, %dma_start3A_443] : memref<1000000x64xf32, #tpu.memory_space<hbm>> -> memref<1x64xf32, #tpu.memory_space<hbm>>
      tpu.enqueue_dma source(%dma_start3A_444 : memref<1x64xf32, #tpu.memory_space<hbm>>) target(%dma_start3A_442 : memref<1x64xf32, #tpu.memory_space<vmem>>) target_semaphore(%arg15 : memref<!tpu.dma_semaphore, #tpu.memory_space<semaphore_mem>>)
      %slice3A_445 = vector.extract_strided_slice %get3A_126 {offsets = [13], sizes = [1], strides = [1]} : vector<16xi32> to vector<1xi32>
      %squeeze3A_446 = vector.extract %slice3A_445[0] : i32 from vector<1xi32>
      %slice3A_447 = vector.extract_strided_slice %get3A_132 {offsets = [13], sizes = [1], strides = [1]} : vector<16xi32> to vector<1xi32>
      %squeeze3A_448 = vector.extract %slice3A_447[0] : i32 from vector<1xi32>
      %add3A_449 = arith.constant 13 : i32
      %add3A_450 = arith.addi %mul3A_134, %add3A_449 : i32
      %dma_start3A_451 = arith.constant 0 : i32
      %dma_start3A_452 = tpu.memref_slice %arg10[%add3A_450, %dma_start3A_451] : memref<128x64xf32, #tpu.memory_space<vmem>> -> memref<1x64xf32, #tpu.memory_space<vmem>>
      %dma_start3A_453 = arith.constant 0 : i32
      %dma_start3A_454 = tpu.memref_slice %arg5[%squeeze3A_446, %dma_start3A_453] : memref<1000000x64xf32, #tpu.memory_space<hbm>> -> memref<1x64xf32, #tpu.memory_space<hbm>>
      %dma_start3A_455 = arith.constant 0 : i32
      %dma_start3A_456 = tpu.memref_slice %arg10[%add3A_450, %dma_start3A_455] : memref<128x64xf32, #tpu.memory_space<vmem>> -> memref<1x64xf32, #tpu.memory_space<vmem>>
      %dma_start3A_457 = arith.constant 0 : i32
      %dma_start3A_458 = tpu.memref_slice %arg5[%squeeze3A_446, %dma_start3A_457] : memref<1000000x64xf32, #tpu.memory_space<hbm>> -> memref<1x64xf32, #tpu.memory_space<hbm>>
      tpu.enqueue_dma source(%dma_start3A_458 : memref<1x64xf32, #tpu.memory_space<hbm>>) target(%dma_start3A_456 : memref<1x64xf32, #tpu.memory_space<vmem>>) target_semaphore(%arg15 : memref<!tpu.dma_semaphore, #tpu.memory_space<semaphore_mem>>)
      %add3A_459 = arith.constant 13 : i32
      %add3A_460 = arith.addi %mul3A_134, %add3A_459 : i32
      %dma_start3A_461 = arith.constant 0 : i32
      %dma_start3A_462 = tpu.memref_slice %arg11[%add3A_460, %dma_start3A_461] : memref<128x64xf32, #tpu.memory_space<vmem>> -> memref<1x64xf32, #tpu.memory_space<vmem>>
      %dma_start3A_463 = arith.constant 0 : i32
      %dma_start3A_464 = tpu.memref_slice %arg5[%squeeze3A_448, %dma_start3A_463] : memref<1000000x64xf32, #tpu.memory_space<hbm>> -> memref<1x64xf32, #tpu.memory_space<hbm>>
      %dma_start3A_465 = arith.constant 0 : i32
      %dma_start3A_466 = tpu.memref_slice %arg11[%add3A_460, %dma_start3A_465] : memref<128x64xf32, #tpu.memory_space<vmem>> -> memref<1x64xf32, #tpu.memory_space<vmem>>
      %dma_start3A_467 = arith.constant 0 : i32
      %dma_start3A_468 = tpu.memref_slice %arg5[%squeeze3A_448, %dma_start3A_467] : memref<1000000x64xf32, #tpu.memory_space<hbm>> -> memref<1x64xf32, #tpu.memory_space<hbm>>
      tpu.enqueue_dma source(%dma_start3A_468 : memref<1x64xf32, #tpu.memory_space<hbm>>) target(%dma_start3A_466 : memref<1x64xf32, #tpu.memory_space<vmem>>) target_semaphore(%arg15 : memref<!tpu.dma_semaphore, #tpu.memory_space<semaphore_mem>>)
      %slice3A_469 = vector.extract_strided_slice %get3A_126 {offsets = [14], sizes = [1], strides = [1]} : vector<16xi32> to vector<1xi32>
      %squeeze3A_470 = vector.extract %slice3A_469[0] : i32 from vector<1xi32>
      %slice3A_471 = vector.extract_strided_slice %get3A_132 {offsets = [14], sizes = [1], strides = [1]} : vector<16xi32> to vector<1xi32>
      %squeeze3A_472 = vector.extract %slice3A_471[0] : i32 from vector<1xi32>
      %add3A_473 = arith.constant 14 : i32
      %add3A_474 = arith.addi %mul3A_134, %add3A_473 : i32
      %dma_start3A_475 = arith.constant 0 : i32
      %dma_start3A_476 = tpu.memref_slice %arg10[%add3A_474, %dma_start3A_475] : memref<128x64xf32, #tpu.memory_space<vmem>> -> memref<1x64xf32, #tpu.memory_space<vmem>>
      %dma_start3A_477 = arith.constant 0 : i32
      %dma_start3A_478 = tpu.memref_slice %arg5[%squeeze3A_470, %dma_start3A_477] : memref<1000000x64xf32, #tpu.memory_space<hbm>> -> memref<1x64xf32, #tpu.memory_space<hbm>>
      %dma_start3A_479 = arith.constant 0 : i32
      %dma_start3A_480 = tpu.memref_slice %arg10[%add3A_474, %dma_start3A_479] : memref<128x64xf32, #tpu.memory_space<vmem>> -> memref<1x64xf32, #tpu.memory_space<vmem>>
      %dma_start3A_481 = arith.constant 0 : i32
      %dma_start3A_482 = tpu.memref_slice %arg5[%squeeze3A_470, %dma_start3A_481] : memref<1000000x64xf32, #tpu.memory_space<hbm>> -> memref<1x64xf32, #tpu.memory_space<hbm>>
      tpu.enqueue_dma source(%dma_start3A_482 : memref<1x64xf32, #tpu.memory_space<hbm>>) target(%dma_start3A_480 : memref<1x64xf32, #tpu.memory_space<vmem>>) target_semaphore(%arg15 : memref<!tpu.dma_semaphore, #tpu.memory_space<semaphore_mem>>)
      %add3A_483 = arith.constant 14 : i32
      %add3A_484 = arith.addi %mul3A_134, %add3A_483 : i32
      %dma_start3A_485 = arith.constant 0 : i32
      %dma_start3A_486 = tpu.memref_slice %arg11[%add3A_484, %dma_start3A_485] : memref<128x64xf32, #tpu.memory_space<vmem>> -> memref<1x64xf32, #tpu.memory_space<vmem>>
      %dma_start3A_487 = arith.constant 0 : i32
      %dma_start3A_488 = tpu.memref_slice %arg5[%squeeze3A_472, %dma_start3A_487] : memref<1000000x64xf32, #tpu.memory_space<hbm>> -> memref<1x64xf32, #tpu.memory_space<hbm>>
      %dma_start3A_489 = arith.constant 0 : i32
      %dma_start3A_490 = tpu.memref_slice %arg11[%add3A_484, %dma_start3A_489] : memref<128x64xf32, #tpu.memory_space<vmem>> -> memref<1x64xf32, #tpu.memory_space<vmem>>
      %dma_start3A_491 = arith.constant 0 : i32
      %dma_start3A_492 = tpu.memref_slice %arg5[%squeeze3A_472, %dma_start3A_491] : memref<1000000x64xf32, #tpu.memory_space<hbm>> -> memref<1x64xf32, #tpu.memory_space<hbm>>
      tpu.enqueue_dma source(%dma_start3A_492 : memref<1x64xf32, #tpu.memory_space<hbm>>) target(%dma_start3A_490 : memref<1x64xf32, #tpu.memory_space<vmem>>) target_semaphore(%arg15 : memref<!tpu.dma_semaphore, #tpu.memory_space<semaphore_mem>>)
      %slice3A_493 = vector.extract_strided_slice %get3A_126 {offsets = [15], sizes = [1], strides = [1]} : vector<16xi32> to vector<1xi32>
      %squeeze3A_494 = vector.extract %slice3A_493[0] : i32 from vector<1xi32>
      %slice3A_495 = vector.extract_strided_slice %get3A_132 {offsets = [15], sizes = [1], strides = [1]} : vector<16xi32> to vector<1xi32>
      %squeeze3A_496 = vector.extract %slice3A_495[0] : i32 from vector<1xi32>
      %add3A_497 = arith.constant 15 : i32
      %add3A_498 = arith.addi %mul3A_134, %add3A_497 : i32
      %dma_start3A_499 = arith.constant 0 : i32
      %dma_start3A_500 = tpu.memref_slice %arg10[%add3A_498, %dma_start3A_499] : memref<128x64xf32, #tpu.memory_space<vmem>> -> memref<1x64xf32, #tpu.memory_space<vmem>>
      %dma_start3A_501 = arith.constant 0 : i32
      %dma_start3A_502 = tpu.memref_slice %arg5[%squeeze3A_494, %dma_start3A_501] : memref<1000000x64xf32, #tpu.memory_space<hbm>> -> memref<1x64xf32, #tpu.memory_space<hbm>>
      %dma_start3A_503 = arith.constant 0 : i32
      %dma_start3A_504 = tpu.memref_slice %arg10[%add3A_498, %dma_start3A_503] : memref<128x64xf32, #tpu.memory_space<vmem>> -> memref<1x64xf32, #tpu.memory_space<vmem>>
      %dma_start3A_505 = arith.constant 0 : i32
      %dma_start3A_506 = tpu.memref_slice %arg5[%squeeze3A_494, %dma_start3A_505] : memref<1000000x64xf32, #tpu.memory_space<hbm>> -> memref<1x64xf32, #tpu.memory_space<hbm>>
      tpu.enqueue_dma source(%dma_start3A_506 : memref<1x64xf32, #tpu.memory_space<hbm>>) target(%dma_start3A_504 : memref<1x64xf32, #tpu.memory_space<vmem>>) target_semaphore(%arg15 : memref<!tpu.dma_semaphore, #tpu.memory_space<semaphore_mem>>)
      %add3A_507 = arith.constant 15 : i32
      %add3A_508 = arith.addi %mul3A_134, %add3A_507 : i32
      %dma_start3A_509 = arith.constant 0 : i32
      %dma_start3A_510 = tpu.memref_slice %arg11[%add3A_508, %dma_start3A_509] : memref<128x64xf32, #tpu.memory_space<vmem>> -> memref<1x64xf32, #tpu.memory_space<vmem>>
      %dma_start3A_511 = arith.constant 0 : i32
      %dma_start3A_512 = tpu.memref_slice %arg5[%squeeze3A_496, %dma_start3A_511] : memref<1000000x64xf32, #tpu.memory_space<hbm>> -> memref<1x64xf32, #tpu.memory_space<hbm>>
      %dma_start3A_513 = arith.constant 0 : i32
      %dma_start3A_514 = tpu.memref_slice %arg11[%add3A_508, %dma_start3A_513] : memref<128x64xf32, #tpu.memory_space<vmem>> -> memref<1x64xf32, #tpu.memory_space<vmem>>
      %dma_start3A_515 = arith.constant 0 : i32
      %dma_start3A_516 = tpu.memref_slice %arg5[%squeeze3A_496, %dma_start3A_515] : memref<1000000x64xf32, #tpu.memory_space<hbm>> -> memref<1x64xf32, #tpu.memory_space<hbm>>
      tpu.enqueue_dma source(%dma_start3A_516 : memref<1x64xf32, #tpu.memory_space<hbm>>) target(%dma_start3A_514 : memref<1x64xf32, #tpu.memory_space<vmem>>) target_semaphore(%arg15 : memref<!tpu.dma_semaphore, #tpu.memory_space<semaphore_mem>>)
      %scan3A_517 = arith.constant 0 : i32
      scf.yield %scan3A_517 : i32
    }
    %scan3A_22 = arith.constant 8 : i32
    %dma_wait3A_23 = arith.constant 0 : i32
    %dma_wait3A_24 = arith.constant 0 : i32
    %dma_wait3A_25 = tpu.memref_slice %arg5[%dma_wait3A_23, %dma_wait3A_24] : memref<1000000x64xf32, #tpu.memory_space<hbm>> -> memref<128x64xf32, #tpu.memory_space<hbm>>
    %dma_wait3A_26 = arith.constant 0 : i32
    %dma_wait3A_27 = arith.constant 0 : i32
    %dma_wait3A_28 = tpu.memref_slice %arg5[%dma_wait3A_26, %dma_wait3A_27] : memref<1000000x64xf32, #tpu.memory_space<hbm>> -> memref<128x64xf32, #tpu.memory_space<hbm>>
    tpu.wait_dma2 semaphore(%arg15 : memref<!tpu.dma_semaphore, #tpu.memory_space<semaphore_mem>>) src(%dma_wait3A_28 : memref<128x64xf32, #tpu.memory_space<hbm>>) dst(%arg10 : memref<128x64xf32, #tpu.memory_space<vmem>>)
    %dma_wait3A_29 = arith.constant 0 : i32
    %dma_wait3A_30 = arith.constant 0 : i32
    %dma_wait3A_31 = tpu.memref_slice %arg5[%dma_wait3A_29, %dma_wait3A_30] : memref<1000000x64xf32, #tpu.memory_space<hbm>> -> memref<128x64xf32, #tpu.memory_space<hbm>>
    %dma_wait3A_32 = arith.constant 0 : i32
    %dma_wait3A_33 = arith.constant 0 : i32
    %dma_wait3A_34 = tpu.memref_slice %arg5[%dma_wait3A_32, %dma_wait3A_33] : memref<1000000x64xf32, #tpu.memory_space<hbm>> -> memref<128x64xf32, #tpu.memory_space<hbm>>
    tpu.wait_dma2 semaphore(%arg15 : memref<!tpu.dma_semaphore, #tpu.memory_space<semaphore_mem>>) src(%dma_wait3A_34 : memref<128x64xf32, #tpu.memory_space<hbm>>) dst(%arg11 : memref<128x64xf32, #tpu.memory_space<vmem>>)
    %scan3A_35 = arith.constant 0 : i32
    %scan3A_36 = arith.constant 0 : i32
    %scan3A_37 = arith.constant 8 : i32
    %scan3A_38 = arith.addi %scan3A_36, %scan3A_37 : i32
    %scan3A_39 = arith.constant 1 : i32
    %scan3A_40 = scf.for %scan3A_120 = %scan3A_36 to %scan3A_38 step %scan3A_39 iter_args(%scan3A_121 = %scan3A_35) -> (i32)  : i32 {
      %mul3A_122 = arith.constant 16 : i32
      %mul3A_123 = arith.muli %scan3A_120, %mul3A_122 : i32
      %add3A_124 = arith.constant 128 : i32
      %add3A_125 = arith.addi %add3A_124, %mul3A_123 : i32
      %get3A = arith.index_cast %add3A_125 : i32 to index
      %get3A_126 = tpu.vector_load %arg7[%get3A] {strides = array<i32>} : memref<512xi32, #tpu.memory_space<vmem>>, vector<16xi32>,
      %mul3A_127 = arith.constant 16 : i32
      %mul3A_128 = arith.muli %scan3A_120, %mul3A_127 : i32
      %add3A_129 = arith.constant 128 : i32
      %add3A_130 = arith.addi %add3A_129, %mul3A_128 : i32
      %get3A_131 = arith.index_cast %add3A_130 : i32 to index
      %get3A_132 = tpu.vector_load %arg8[%get3A_131] {strides = array<i32>} : memref<512xi32, #tpu.memory_space<vmem>>, vector<16xi32>,
      %mul3A_133 = arith.constant 16 : i32
      %mul3A_134 = arith.muli %scan3A_120, %mul3A_133 : i32
      %slice3A = vector.extract_strided_slice %get3A_126 {offsets = [0], sizes = [1], strides = [1]} : vector<16xi32> to vector<1xi32>
      %squeeze3A = vector.extract %slice3A[0] : i32 from vector<1xi32>
      %slice3A_135 = vector.extract_strided_slice %get3A_132 {offsets = [0], sizes = [1], strides = [1]} : vector<16xi32> to vector<1xi32>
      %squeeze3A_136 = vector.extract %slice3A_135[0] : i32 from vector<1xi32>
      %add3A_137 = arith.constant 0 : i32
      %add3A_138 = arith.addi %mul3A_134, %add3A_137 : i32
      %dma_start3A_139 = arith.constant 0 : i32
      %dma_start3A_140 = tpu.memref_slice %arg12[%add3A_138, %dma_start3A_139] : memref<128x64xf32, #tpu.memory_space<vmem>> -> memref<1x64xf32, #tpu.memory_space<vmem>>
      %dma_start3A_141 = arith.constant 0 : i32
      %dma_start3A_142 = tpu.memref_slice %arg5[%squeeze3A, %dma_start3A_141] : memref<1000000x64xf32, #tpu.memory_space<hbm>> -> memref<1x64xf32, #tpu.memory_space<hbm>>
      %dma_start3A_143 = arith.constant 0 : i32
      %dma_start3A_144 = tpu.memref_slice %arg12[%add3A_138, %dma_start3A_143] : memref<128x64xf32, #tpu.memory_space<vmem>> -> memref<1x64xf32, #tpu.memory_space<vmem>>
      %dma_start3A_145 = arith.constant 0 : i32
      %dma_start3A_146 = tpu.memref_slice %arg5[%squeeze3A, %dma_start3A_145] : memref<1000000x64xf32, #tpu.memory_space<hbm>> -> memref<1x64xf32, #tpu.memory_space<hbm>>
      tpu.enqueue_dma source(%dma_start3A_146 : memref<1x64xf32, #tpu.memory_space<hbm>>) target(%dma_start3A_144 : memref<1x64xf32, #tpu.memory_space<vmem>>) target_semaphore(%arg16 : memref<!tpu.dma_semaphore, #tpu.memory_space<semaphore_mem>>)
      %add3A_147 = arith.constant 0 : i32
      %add3A_148 = arith.addi %mul3A_134, %add3A_147 : i32
      %dma_start3A_149 = arith.constant 0 : i32
      %dma_start3A_150 = tpu.memref_slice %arg13[%add3A_148, %dma_start3A_149] : memref<128x64xf32, #tpu.memory_space<vmem>> -> memref<1x64xf32, #tpu.memory_space<vmem>>
      %dma_start3A_151 = arith.constant 0 : i32
      %dma_start3A_152 = tpu.memref_slice %arg5[%squeeze3A_136, %dma_start3A_151] : memref<1000000x64xf32, #tpu.memory_space<hbm>> -> memref<1x64xf32, #tpu.memory_space<hbm>>
      %dma_start3A_153 = arith.constant 0 : i32
      %dma_start3A_154 = tpu.memref_slice %arg13[%add3A_148, %dma_start3A_153] : memref<128x64xf32, #tpu.memory_space<vmem>> -> memref<1x64xf32, #tpu.memory_space<vmem>>
      %dma_start3A_155 = arith.constant 0 : i32
      %dma_start3A_156 = tpu.memref_slice %arg5[%squeeze3A_136, %dma_start3A_155] : memref<1000000x64xf32, #tpu.memory_space<hbm>> -> memref<1x64xf32, #tpu.memory_space<hbm>>
      tpu.enqueue_dma source(%dma_start3A_156 : memref<1x64xf32, #tpu.memory_space<hbm>>) target(%dma_start3A_154 : memref<1x64xf32, #tpu.memory_space<vmem>>) target_semaphore(%arg16 : memref<!tpu.dma_semaphore, #tpu.memory_space<semaphore_mem>>)
      %slice3A_157 = vector.extract_strided_slice %get3A_126 {offsets = [1], sizes = [1], strides = [1]} : vector<16xi32> to vector<1xi32>
      %squeeze3A_158 = vector.extract %slice3A_157[0] : i32 from vector<1xi32>
      %slice3A_159 = vector.extract_strided_slice %get3A_132 {offsets = [1], sizes = [1], strides = [1]} : vector<16xi32> to vector<1xi32>
      %squeeze3A_160 = vector.extract %slice3A_159[0] : i32 from vector<1xi32>
      %add3A_161 = arith.constant 1 : i32
      %add3A_162 = arith.addi %mul3A_134, %add3A_161 : i32
      %dma_start3A_163 = arith.constant 0 : i32
      %dma_start3A_164 = tpu.memref_slice %arg12[%add3A_162, %dma_start3A_163] : memref<128x64xf32, #tpu.memory_space<vmem>> -> memref<1x64xf32, #tpu.memory_space<vmem>>
      %dma_start3A_165 = arith.constant 0 : i32
      %dma_start3A_166 = tpu.memref_slice %arg5[%squeeze3A_158, %dma_start3A_165] : memref<1000000x64xf32, #tpu.memory_space<hbm>> -> memref<1x64xf32, #tpu.memory_space<hbm>>
      %dma_start3A_167 = arith.constant 0 : i32
      %dma_start3A_168 = tpu.memref_slice %arg12[%add3A_162, %dma_start3A_167] : memref<128x64xf32, #tpu.memory_space<vmem>> -> memref<1x64xf32, #tpu.memory_space<vmem>>
      %dma_start3A_169 = arith.constant 0 : i32
      %dma_start3A_170 = tpu.memref_slice %arg5[%squeeze3A_158, %dma_start3A_169] : memref<1000000x64xf32, #tpu.memory_space<hbm>> -> memref<1x64xf32, #tpu.memory_space<hbm>>
      tpu.enqueue_dma source(%dma_start3A_170 : memref<1x64xf32, #tpu.memory_space<hbm>>) target(%dma_start3A_168 : memref<1x64xf32, #tpu.memory_space<vmem>>) target_semaphore(%arg16 : memref<!tpu.dma_semaphore, #tpu.memory_space<semaphore_mem>>)
      %add3A_171 = arith.constant 1 : i32
      %add3A_172 = arith.addi %mul3A_134, %add3A_171 : i32
      %dma_start3A_173 = arith.constant 0 : i32
      %dma_start3A_174 = tpu.memref_slice %arg13[%add3A_172, %dma_start3A_173] : memref<128x64xf32, #tpu.memory_space<vmem>> -> memref<1x64xf32, #tpu.memory_space<vmem>>
      %dma_start3A_175 = arith.constant 0 : i32
      %dma_start3A_176 = tpu.memref_slice %arg5[%squeeze3A_160, %dma_start3A_175] : memref<1000000x64xf32, #tpu.memory_space<hbm>> -> memref<1x64xf32, #tpu.memory_space<hbm>>
      %dma_start3A_177 = arith.constant 0 : i32
      %dma_start3A_178 = tpu.memref_slice %arg13[%add3A_172, %dma_start3A_177] : memref<128x64xf32, #tpu.memory_space<vmem>> -> memref<1x64xf32, #tpu.memory_space<vmem>>
      %dma_start3A_179 = arith.constant 0 : i32
      %dma_start3A_180 = tpu.memref_slice %arg5[%squeeze3A_160, %dma_start3A_179] : memref<1000000x64xf32, #tpu.memory_space<hbm>> -> memref<1x64xf32, #tpu.memory_space<hbm>>
      tpu.enqueue_dma source(%dma_start3A_180 : memref<1x64xf32, #tpu.memory_space<hbm>>) target(%dma_start3A_178 : memref<1x64xf32, #tpu.memory_space<vmem>>) target_semaphore(%arg16 : memref<!tpu.dma_semaphore, #tpu.memory_space<semaphore_mem>>)
      %slice3A_181 = vector.extract_strided_slice %get3A_126 {offsets = [2], sizes = [1], strides = [1]} : vector<16xi32> to vector<1xi32>
      %squeeze3A_182 = vector.extract %slice3A_181[0] : i32 from vector<1xi32>
      %slice3A_183 = vector.extract_strided_slice %get3A_132 {offsets = [2], sizes = [1], strides = [1]} : vector<16xi32> to vector<1xi32>
      %squeeze3A_184 = vector.extract %slice3A_183[0] : i32 from vector<1xi32>
      %add3A_185 = arith.constant 2 : i32
      %add3A_186 = arith.addi %mul3A_134, %add3A_185 : i32
      %dma_start3A_187 = arith.constant 0 : i32
      %dma_start3A_188 = tpu.memref_slice %arg12[%add3A_186, %dma_start3A_187] : memref<128x64xf32, #tpu.memory_space<vmem>> -> memref<1x64xf32, #tpu.memory_space<vmem>>
      %dma_start3A_189 = arith.constant 0 : i32
      %dma_start3A_190 = tpu.memref_slice %arg5[%squeeze3A_182, %dma_start3A_189] : memref<1000000x64xf32, #tpu.memory_space<hbm>> -> memref<1x64xf32, #tpu.memory_space<hbm>>
      %dma_start3A_191 = arith.constant 0 : i32
      %dma_start3A_192 = tpu.memref_slice %arg12[%add3A_186, %dma_start3A_191] : memref<128x64xf32, #tpu.memory_space<vmem>> -> memref<1x64xf32, #tpu.memory_space<vmem>>
      %dma_start3A_193 = arith.constant 0 : i32
      %dma_start3A_194 = tpu.memref_slice %arg5[%squeeze3A_182, %dma_start3A_193] : memref<1000000x64xf32, #tpu.memory_space<hbm>> -> memref<1x64xf32, #tpu.memory_space<hbm>>
      tpu.enqueue_dma source(%dma_start3A_194 : memref<1x64xf32, #tpu.memory_space<hbm>>) target(%dma_start3A_192 : memref<1x64xf32, #tpu.memory_space<vmem>>) target_semaphore(%arg16 : memref<!tpu.dma_semaphore, #tpu.memory_space<semaphore_mem>>)
      %add3A_195 = arith.constant 2 : i32
      %add3A_196 = arith.addi %mul3A_134, %add3A_195 : i32
      %dma_start3A_197 = arith.constant 0 : i32
      %dma_start3A_198 = tpu.memref_slice %arg13[%add3A_196, %dma_start3A_197] : memref<128x64xf32, #tpu.memory_space<vmem>> -> memref<1x64xf32, #tpu.memory_space<vmem>>
      %dma_start3A_199 = arith.constant 0 : i32
      %dma_start3A_200 = tpu.memref_slice %arg5[%squeeze3A_184, %dma_start3A_199] : memref<1000000x64xf32, #tpu.memory_space<hbm>> -> memref<1x64xf32, #tpu.memory_space<hbm>>
      %dma_start3A_201 = arith.constant 0 : i32
      %dma_start3A_202 = tpu.memref_slice %arg13[%add3A_196, %dma_start3A_201] : memref<128x64xf32, #tpu.memory_space<vmem>> -> memref<1x64xf32, #tpu.memory_space<vmem>>
      %dma_start3A_203 = arith.constant 0 : i32
      %dma_start3A_204 = tpu.memref_slice %arg5[%squeeze3A_184, %dma_start3A_203] : memref<1000000x64xf32, #tpu.memory_space<hbm>> -> memref<1x64xf32, #tpu.memory_space<hbm>>
      tpu.enqueue_dma source(%dma_start3A_204 : memref<1x64xf32, #tpu.memory_space<hbm>>) target(%dma_start3A_202 : memref<1x64xf32, #tpu.memory_space<vmem>>) target_semaphore(%arg16 : memref<!tpu.dma_semaphore, #tpu.memory_space<semaphore_mem>>)
      %slice3A_205 = vector.extract_strided_slice %get3A_126 {offsets = [3], sizes = [1], strides = [1]} : vector<16xi32> to vector<1xi32>
      %squeeze3A_206 = vector.extract %slice3A_205[0] : i32 from vector<1xi32>
      %slice3A_207 = vector.extract_strided_slice %get3A_132 {offsets = [3], sizes = [1], strides = [1]} : vector<16xi32> to vector<1xi32>
      %squeeze3A_208 = vector.extract %slice3A_207[0] : i32 from vector<1xi32>
      %add3A_209 = arith.constant 3 : i32
      %add3A_210 = arith.addi %mul3A_134, %add3A_209 : i32
      %dma_start3A_211 = arith.constant 0 : i32
      %dma_start3A_212 = tpu.memref_slice %arg12[%add3A_210, %dma_start3A_211] : memref<128x64xf32, #tpu.memory_space<vmem>> -> memref<1x64xf32, #tpu.memory_space<vmem>>
      %dma_start3A_213 = arith.constant 0 : i32
      %dma_start3A_214 = tpu.memref_slice %arg5[%squeeze3A_206, %dma_start3A_213] : memref<1000000x64xf32, #tpu.memory_space<hbm>> -> memref<1x64xf32, #tpu.memory_space<hbm>>
      %dma_start3A_215 = arith.constant 0 : i32
      %dma_start3A_216 = tpu.memref_slice %arg12[%add3A_210, %dma_start3A_215] : memref<128x64xf32, #tpu.memory_space<vmem>> -> memref<1x64xf32, #tpu.memory_space<vmem>>
      %dma_start3A_217 = arith.constant 0 : i32
      %dma_start3A_218 = tpu.memref_slice %arg5[%squeeze3A_206, %dma_start3A_217] : memref<1000000x64xf32, #tpu.memory_space<hbm>> -> memref<1x64xf32, #tpu.memory_space<hbm>>
      tpu.enqueue_dma source(%dma_start3A_218 : memref<1x64xf32, #tpu.memory_space<hbm>>) target(%dma_start3A_216 : memref<1x64xf32, #tpu.memory_space<vmem>>) target_semaphore(%arg16 : memref<!tpu.dma_semaphore, #tpu.memory_space<semaphore_mem>>)
      %add3A_219 = arith.constant 3 : i32
      %add3A_220 = arith.addi %mul3A_134, %add3A_219 : i32
      %dma_start3A_221 = arith.constant 0 : i32
      %dma_start3A_222 = tpu.memref_slice %arg13[%add3A_220, %dma_start3A_221] : memref<128x64xf32, #tpu.memory_space<vmem>> -> memref<1x64xf32, #tpu.memory_space<vmem>>
      %dma_start3A_223 = arith.constant 0 : i32
      %dma_start3A_224 = tpu.memref_slice %arg5[%squeeze3A_208, %dma_start3A_223] : memref<1000000x64xf32, #tpu.memory_space<hbm>> -> memref<1x64xf32, #tpu.memory_space<hbm>>
      %dma_start3A_225 = arith.constant 0 : i32
      %dma_start3A_226 = tpu.memref_slice %arg13[%add3A_220, %dma_start3A_225] : memref<128x64xf32, #tpu.memory_space<vmem>> -> memref<1x64xf32, #tpu.memory_space<vmem>>
      %dma_start3A_227 = arith.constant 0 : i32
      %dma_start3A_228 = tpu.memref_slice %arg5[%squeeze3A_208, %dma_start3A_227] : memref<1000000x64xf32, #tpu.memory_space<hbm>> -> memref<1x64xf32, #tpu.memory_space<hbm>>
      tpu.enqueue_dma source(%dma_start3A_228 : memref<1x64xf32, #tpu.memory_space<hbm>>) target(%dma_start3A_226 : memref<1x64xf32, #tpu.memory_space<vmem>>) target_semaphore(%arg16 : memref<!tpu.dma_semaphore, #tpu.memory_space<semaphore_mem>>)
      %slice3A_229 = vector.extract_strided_slice %get3A_126 {offsets = [4], sizes = [1], strides = [1]} : vector<16xi32> to vector<1xi32>
      %squeeze3A_230 = vector.extract %slice3A_229[0] : i32 from vector<1xi32>
      %slice3A_231 = vector.extract_strided_slice %get3A_132 {offsets = [4], sizes = [1], strides = [1]} : vector<16xi32> to vector<1xi32>
      %squeeze3A_232 = vector.extract %slice3A_231[0] : i32 from vector<1xi32>
      %add3A_233 = arith.constant 4 : i32
      %add3A_234 = arith.addi %mul3A_134, %add3A_233 : i32
      %dma_start3A_235 = arith.constant 0 : i32
      %dma_start3A_236 = tpu.memref_slice %arg12[%add3A_234, %dma_start3A_235] : memref<128x64xf32, #tpu.memory_space<vmem>> -> memref<1x64xf32, #tpu.memory_space<vmem>>
      %dma_start3A_237 = arith.constant 0 : i32
      %dma_start3A_238 = tpu.memref_slice %arg5[%squeeze3A_230, %dma_start3A_237] : memref<1000000x64xf32, #tpu.memory_space<hbm>> -> memref<1x64xf32, #tpu.memory_space<hbm>>
      %dma_start3A_239 = arith.constant 0 : i32
      %dma_start3A_240 = tpu.memref_slice %arg12[%add3A_234, %dma_start3A_239] : memref<128x64xf32, #tpu.memory_space<vmem>> -> memref<1x64xf32, #tpu.memory_space<vmem>>
      %dma_start3A_241 = arith.constant 0 : i32
      %dma_start3A_242 = tpu.memref_slice %arg5[%squeeze3A_230, %dma_start3A_241] : memref<1000000x64xf32, #tpu.memory_space<hbm>> -> memref<1x64xf32, #tpu.memory_space<hbm>>
      tpu.enqueue_dma source(%dma_start3A_242 : memref<1x64xf32, #tpu.memory_space<hbm>>) target(%dma_start3A_240 : memref<1x64xf32, #tpu.memory_space<vmem>>) target_semaphore(%arg16 : memref<!tpu.dma_semaphore, #tpu.memory_space<semaphore_mem>>)
      %add3A_243 = arith.constant 4 : i32
      %add3A_244 = arith.addi %mul3A_134, %add3A_243 : i32
      %dma_start3A_245 = arith.constant 0 : i32
      %dma_start3A_246 = tpu.memref_slice %arg13[%add3A_244, %dma_start3A_245] : memref<128x64xf32, #tpu.memory_space<vmem>> -> memref<1x64xf32, #tpu.memory_space<vmem>>
      %dma_start3A_247 = arith.constant 0 : i32
      %dma_start3A_248 = tpu.memref_slice %arg5[%squeeze3A_232, %dma_start3A_247] : memref<1000000x64xf32, #tpu.memory_space<hbm>> -> memref<1x64xf32, #tpu.memory_space<hbm>>
      %dma_start3A_249 = arith.constant 0 : i32
      %dma_start3A_250 = tpu.memref_slice %arg13[%add3A_244, %dma_start3A_249] : memref<128x64xf32, #tpu.memory_space<vmem>> -> memref<1x64xf32, #tpu.memory_space<vmem>>
      %dma_start3A_251 = arith.constant 0 : i32
      %dma_start3A_252 = tpu.memref_slice %arg5[%squeeze3A_232, %dma_start3A_251] : memref<1000000x64xf32, #tpu.memory_space<hbm>> -> memref<1x64xf32, #tpu.memory_space<hbm>>
      tpu.enqueue_dma source(%dma_start3A_252 : memref<1x64xf32, #tpu.memory_space<hbm>>) target(%dma_start3A_250 : memref<1x64xf32, #tpu.memory_space<vmem>>) target_semaphore(%arg16 : memref<!tpu.dma_semaphore, #tpu.memory_space<semaphore_mem>>)
      %slice3A_253 = vector.extract_strided_slice %get3A_126 {offsets = [5], sizes = [1], strides = [1]} : vector<16xi32> to vector<1xi32>
      %squeeze3A_254 = vector.extract %slice3A_253[0] : i32 from vector<1xi32>
      %slice3A_255 = vector.extract_strided_slice %get3A_132 {offsets = [5], sizes = [1], strides = [1]} : vector<16xi32> to vector<1xi32>
      %squeeze3A_256 = vector.extract %slice3A_255[0] : i32 from vector<1xi32>
      %add3A_257 = arith.constant 5 : i32
      %add3A_258 = arith.addi %mul3A_134, %add3A_257 : i32
      %dma_start3A_259 = arith.constant 0 : i32
      %dma_start3A_260 = tpu.memref_slice %arg12[%add3A_258, %dma_start3A_259] : memref<128x64xf32, #tpu.memory_space<vmem>> -> memref<1x64xf32, #tpu.memory_space<vmem>>
      %dma_start3A_261 = arith.constant 0 : i32
      %dma_start3A_262 = tpu.memref_slice %arg5[%squeeze3A_254, %dma_start3A_261] : memref<1000000x64xf32, #tpu.memory_space<hbm>> -> memref<1x64xf32, #tpu.memory_space<hbm>>
      %dma_start3A_263 = arith.constant 0 : i32
      %dma_start3A_264 = tpu.memref_slice %arg12[%add3A_258, %dma_start3A_263] : memref<128x64xf32, #tpu.memory_space<vmem>> -> memref<1x64xf32, #tpu.memory_space<vmem>>
      %dma_start3A_265 = arith.constant 0 : i32
      %dma_start3A_266 = tpu.memref_slice %arg5[%squeeze3A_254, %dma_start3A_265] : memref<1000000x64xf32, #tpu.memory_space<hbm>> -> memref<1x64xf32, #tpu.memory_space<hbm>>
      tpu.enqueue_dma source(%dma_start3A_266 : memref<1x64xf32, #tpu.memory_space<hbm>>) target(%dma_start3A_264 : memref<1x64xf32, #tpu.memory_space<vmem>>) target_semaphore(%arg16 : memref<!tpu.dma_semaphore, #tpu.memory_space<semaphore_mem>>)
      %add3A_267 = arith.constant 5 : i32
      %add3A_268 = arith.addi %mul3A_134, %add3A_267 : i32
      %dma_start3A_269 = arith.constant 0 : i32
      %dma_start3A_270 = tpu.memref_slice %arg13[%add3A_268, %dma_start3A_269] : memref<128x64xf32, #tpu.memory_space<vmem>> -> memref<1x64xf32, #tpu.memory_space<vmem>>
      %dma_start3A_271 = arith.constant 0 : i32
      %dma_start3A_272 = tpu.memref_slice %arg5[%squeeze3A_256, %dma_start3A_271] : memref<1000000x64xf32, #tpu.memory_space<hbm>> -> memref<1x64xf32, #tpu.memory_space<hbm>>
      %dma_start3A_273 = arith.constant 0 : i32
      %dma_start3A_274 = tpu.memref_slice %arg13[%add3A_268, %dma_start3A_273] : memref<128x64xf32, #tpu.memory_space<vmem>> -> memref<1x64xf32, #tpu.memory_space<vmem>>
      %dma_start3A_275 = arith.constant 0 : i32
      %dma_start3A_276 = tpu.memref_slice %arg5[%squeeze3A_256, %dma_start3A_275] : memref<1000000x64xf32, #tpu.memory_space<hbm>> -> memref<1x64xf32, #tpu.memory_space<hbm>>
      tpu.enqueue_dma source(%dma_start3A_276 : memref<1x64xf32, #tpu.memory_space<hbm>>) target(%dma_start3A_274 : memref<1x64xf32, #tpu.memory_space<vmem>>) target_semaphore(%arg16 : memref<!tpu.dma_semaphore, #tpu.memory_space<semaphore_mem>>)
      %slice3A_277 = vector.extract_strided_slice %get3A_126 {offsets = [6], sizes = [1], strides = [1]} : vector<16xi32> to vector<1xi32>
      %squeeze3A_278 = vector.extract %slice3A_277[0] : i32 from vector<1xi32>
      %slice3A_279 = vector.extract_strided_slice %get3A_132 {offsets = [6], sizes = [1], strides = [1]} : vector<16xi32> to vector<1xi32>
      %squeeze3A_280 = vector.extract %slice3A_279[0] : i32 from vector<1xi32>
      %add3A_281 = arith.constant 6 : i32
      %add3A_282 = arith.addi %mul3A_134, %add3A_281 : i32
      %dma_start3A_283 = arith.constant 0 : i32
      %dma_start3A_284 = tpu.memref_slice %arg12[%add3A_282, %dma_start3A_283] : memref<128x64xf32, #tpu.memory_space<vmem>> -> memref<1x64xf32, #tpu.memory_space<vmem>>
      %dma_start3A_285 = arith.constant 0 : i32
      %dma_start3A_286 = tpu.memref_slice %arg5[%squeeze3A_278, %dma_start3A_285] : memref<1000000x64xf32, #tpu.memory_space<hbm>> -> memref<1x64xf32, #tpu.memory_space<hbm>>
      %dma_start3A_287 = arith.constant 0 : i32
      %dma_start3A_288 = tpu.memref_slice %arg12[%add3A_282, %dma_start3A_287] : memref<128x64xf32, #tpu.memory_space<vmem>> -> memref<1x64xf32, #tpu.memory_space<vmem>>
      %dma_start3A_289 = arith.constant 0 : i32
      %dma_start3A_290 = tpu.memref_slice %arg5[%squeeze3A_278, %dma_start3A_289] : memref<1000000x64xf32, #tpu.memory_space<hbm>> -> memref<1x64xf32, #tpu.memory_space<hbm>>
      tpu.enqueue_dma source(%dma_start3A_290 : memref<1x64xf32, #tpu.memory_space<hbm>>) target(%dma_start3A_288 : memref<1x64xf32, #tpu.memory_space<vmem>>) target_semaphore(%arg16 : memref<!tpu.dma_semaphore, #tpu.memory_space<semaphore_mem>>)
      %add3A_291 = arith.constant 6 : i32
      %add3A_292 = arith.addi %mul3A_134, %add3A_291 : i32
      %dma_start3A_293 = arith.constant 0 : i32
      %dma_start3A_294 = tpu.memref_slice %arg13[%add3A_292, %dma_start3A_293] : memref<128x64xf32, #tpu.memory_space<vmem>> -> memref<1x64xf32, #tpu.memory_space<vmem>>
      %dma_start3A_295 = arith.constant 0 : i32
      %dma_start3A_296 = tpu.memref_slice %arg5[%squeeze3A_280, %dma_start3A_295] : memref<1000000x64xf32, #tpu.memory_space<hbm>> -> memref<1x64xf32, #tpu.memory_space<hbm>>
      %dma_start3A_297 = arith.constant 0 : i32
      %dma_start3A_298 = tpu.memref_slice %arg13[%add3A_292, %dma_start3A_297] : memref<128x64xf32, #tpu.memory_space<vmem>> -> memref<1x64xf32, #tpu.memory_space<vmem>>
      %dma_start3A_299 = arith.constant 0 : i32
      %dma_start3A_300 = tpu.memref_slice %arg5[%squeeze3A_280, %dma_start3A_299] : memref<1000000x64xf32, #tpu.memory_space<hbm>> -> memref<1x64xf32, #tpu.memory_space<hbm>>
      tpu.enqueue_dma source(%dma_start3A_300 : memref<1x64xf32, #tpu.memory_space<hbm>>) target(%dma_start3A_298 : memref<1x64xf32, #tpu.memory_space<vmem>>) target_semaphore(%arg16 : memref<!tpu.dma_semaphore, #tpu.memory_space<semaphore_mem>>)
      %slice3A_301 = vector.extract_strided_slice %get3A_126 {offsets = [7], sizes = [1], strides = [1]} : vector<16xi32> to vector<1xi32>
      %squeeze3A_302 = vector.extract %slice3A_301[0] : i32 from vector<1xi32>
      %slice3A_303 = vector.extract_strided_slice %get3A_132 {offsets = [7], sizes = [1], strides = [1]} : vector<16xi32> to vector<1xi32>
      %squeeze3A_304 = vector.extract %slice3A_303[0] : i32 from vector<1xi32>
      %add3A_305 = arith.constant 7 : i32
      %add3A_306 = arith.addi %mul3A_134, %add3A_305 : i32
      %dma_start3A_307 = arith.constant 0 : i32
      %dma_start3A_308 = tpu.memref_slice %arg12[%add3A_306, %dma_start3A_307] : memref<128x64xf32, #tpu.memory_space<vmem>> -> memref<1x64xf32, #tpu.memory_space<vmem>>
      %dma_start3A_309 = arith.constant 0 : i32
      %dma_start3A_310 = tpu.memref_slice %arg5[%squeeze3A_302, %dma_start3A_309] : memref<1000000x64xf32, #tpu.memory_space<hbm>> -> memref<1x64xf32, #tpu.memory_space<hbm>>
      %dma_start3A_311 = arith.constant 0 : i32
      %dma_start3A_312 = tpu.memref_slice %arg12[%add3A_306, %dma_start3A_311] : memref<128x64xf32, #tpu.memory_space<vmem>> -> memref<1x64xf32, #tpu.memory_space<vmem>>
      %dma_start3A_313 = arith.constant 0 : i32
      %dma_start3A_314 = tpu.memref_slice %arg5[%squeeze3A_302, %dma_start3A_313] : memref<1000000x64xf32, #tpu.memory_space<hbm>> -> memref<1x64xf32, #tpu.memory_space<hbm>>
      tpu.enqueue_dma source(%dma_start3A_314 : memref<1x64xf32, #tpu.memory_space<hbm>>) target(%dma_start3A_312 : memref<1x64xf32, #tpu.memory_space<vmem>>) target_semaphore(%arg16 : memref<!tpu.dma_semaphore, #tpu.memory_space<semaphore_mem>>)
      %add3A_315 = arith.constant 7 : i32
      %add3A_316 = arith.addi %mul3A_134, %add3A_315 : i32
      %dma_start3A_317 = arith.constant 0 : i32
      %dma_start3A_318 = tpu.memref_slice %arg13[%add3A_316, %dma_start3A_317] : memref<128x64xf32, #tpu.memory_space<vmem>> -> memref<1x64xf32, #tpu.memory_space<vmem>>
      %dma_start3A_319 = arith.constant 0 : i32
      %dma_start3A_320 = tpu.memref_slice %arg5[%squeeze3A_304, %dma_start3A_319] : memref<1000000x64xf32, #tpu.memory_space<hbm>> -> memref<1x64xf32, #tpu.memory_space<hbm>>
      %dma_start3A_321 = arith.constant 0 : i32
      %dma_start3A_322 = tpu.memref_slice %arg13[%add3A_316, %dma_start3A_321] : memref<128x64xf32, #tpu.memory_space<vmem>> -> memref<1x64xf32, #tpu.memory_space<vmem>>
      %dma_start3A_323 = arith.constant 0 : i32
      %dma_start3A_324 = tpu.memref_slice %arg5[%squeeze3A_304, %dma_start3A_323] : memref<1000000x64xf32, #tpu.memory_space<hbm>> -> memref<1x64xf32, #tpu.memory_space<hbm>>
      tpu.enqueue_dma source(%dma_start3A_324 : memref<1x64xf32, #tpu.memory_space<hbm>>) target(%dma_start3A_322 : memref<1x64xf32, #tpu.memory_space<vmem>>) target_semaphore(%arg16 : memref<!tpu.dma_semaphore, #tpu.memory_space<semaphore_mem>>)
      %slice3A_325 = vector.extract_strided_slice %get3A_126 {offsets = [8], sizes = [1], strides = [1]} : vector<16xi32> to vector<1xi32>
      %squeeze3A_326 = vector.extract %slice3A_325[0] : i32 from vector<1xi32>
      %slice3A_327 = vector.extract_strided_slice %get3A_132 {offsets = [8], sizes = [1], strides = [1]} : vector<16xi32> to vector<1xi32>
      %squeeze3A_328 = vector.extract %slice3A_327[0] : i32 from vector<1xi32>
      %add3A_329 = arith.constant 8 : i32
      %add3A_330 = arith.addi %mul3A_134, %add3A_329 : i32
      %dma_start3A_331 = arith.constant 0 : i32
      %dma_start3A_332 = tpu.memref_slice %arg12[%add3A_330, %dma_start3A_331] : memref<128x64xf32, #tpu.memory_space<vmem>> -> memref<1x64xf32, #tpu.memory_space<vmem>>
      %dma_start3A_333 = arith.constant 0 : i32
      %dma_start3A_334 = tpu.memref_slice %arg5[%squeeze3A_326, %dma_start3A_333] : memref<1000000x64xf32, #tpu.memory_space<hbm>> -> memref<1x64xf32, #tpu.memory_space<hbm>>
      %dma_start3A_335 = arith.constant 0 : i32
      %dma_start3A_336 = tpu.memref_slice %arg12[%add3A_330, %dma_start3A_335] : memref<128x64xf32, #tpu.memory_space<vmem>> -> memref<1x64xf32, #tpu.memory_space<vmem>>
      %dma_start3A_337 = arith.constant 0 : i32
      %dma_start3A_338 = tpu.memref_slice %arg5[%squeeze3A_326, %dma_start3A_337] : memref<1000000x64xf32, #tpu.memory_space<hbm>> -> memref<1x64xf32, #tpu.memory_space<hbm>>
      tpu.enqueue_dma source(%dma_start3A_338 : memref<1x64xf32, #tpu.memory_space<hbm>>) target(%dma_start3A_336 : memref<1x64xf32, #tpu.memory_space<vmem>>) target_semaphore(%arg16 : memref<!tpu.dma_semaphore, #tpu.memory_space<semaphore_mem>>)
      %add3A_339 = arith.constant 8 : i32
      %add3A_340 = arith.addi %mul3A_134, %add3A_339 : i32
      %dma_start3A_341 = arith.constant 0 : i32
      %dma_start3A_342 = tpu.memref_slice %arg13[%add3A_340, %dma_start3A_341] : memref<128x64xf32, #tpu.memory_space<vmem>> -> memref<1x64xf32, #tpu.memory_space<vmem>>
      %dma_start3A_343 = arith.constant 0 : i32
      %dma_start3A_344 = tpu.memref_slice %arg5[%squeeze3A_328, %dma_start3A_343] : memref<1000000x64xf32, #tpu.memory_space<hbm>> -> memref<1x64xf32, #tpu.memory_space<hbm>>
      %dma_start3A_345 = arith.constant 0 : i32
      %dma_start3A_346 = tpu.memref_slice %arg13[%add3A_340, %dma_start3A_345] : memref<128x64xf32, #tpu.memory_space<vmem>> -> memref<1x64xf32, #tpu.memory_space<vmem>>
      %dma_start3A_347 = arith.constant 0 : i32
      %dma_start3A_348 = tpu.memref_slice %arg5[%squeeze3A_328, %dma_start3A_347] : memref<1000000x64xf32, #tpu.memory_space<hbm>> -> memref<1x64xf32, #tpu.memory_space<hbm>>
      tpu.enqueue_dma source(%dma_start3A_348 : memref<1x64xf32, #tpu.memory_space<hbm>>) target(%dma_start3A_346 : memref<1x64xf32, #tpu.memory_space<vmem>>) target_semaphore(%arg16 : memref<!tpu.dma_semaphore, #tpu.memory_space<semaphore_mem>>)
      %slice3A_349 = vector.extract_strided_slice %get3A_126 {offsets = [9], sizes = [1], strides = [1]} : vector<16xi32> to vector<1xi32>
      %squeeze3A_350 = vector.extract %slice3A_349[0] : i32 from vector<1xi32>
      %slice3A_351 = vector.extract_strided_slice %get3A_132 {offsets = [9], sizes = [1], strides = [1]} : vector<16xi32> to vector<1xi32>
      %squeeze3A_352 = vector.extract %slice3A_351[0] : i32 from vector<1xi32>
      %add3A_353 = arith.constant 9 : i32
      %add3A_354 = arith.addi %mul3A_134, %add3A_353 : i32
      %dma_start3A_355 = arith.constant 0 : i32
      %dma_start3A_356 = tpu.memref_slice %arg12[%add3A_354, %dma_start3A_355] : memref<128x64xf32, #tpu.memory_space<vmem>> -> memref<1x64xf32, #tpu.memory_space<vmem>>
      %dma_start3A_357 = arith.constant 0 : i32
      %dma_start3A_358 = tpu.memref_slice %arg5[%squeeze3A_350, %dma_start3A_357] : memref<1000000x64xf32, #tpu.memory_space<hbm>> -> memref<1x64xf32, #tpu.memory_space<hbm>>
      %dma_start3A_359 = arith.constant 0 : i32
      %dma_start3A_360 = tpu.memref_slice %arg12[%add3A_354, %dma_start3A_359] : memref<128x64xf32, #tpu.memory_space<vmem>> -> memref<1x64xf32, #tpu.memory_space<vmem>>
      %dma_start3A_361 = arith.constant 0 : i32
      %dma_start3A_362 = tpu.memref_slice %arg5[%squeeze3A_350, %dma_start3A_361] : memref<1000000x64xf32, #tpu.memory_space<hbm>> -> memref<1x64xf32, #tpu.memory_space<hbm>>
      tpu.enqueue_dma source(%dma_start3A_362 : memref<1x64xf32, #tpu.memory_space<hbm>>) target(%dma_start3A_360 : memref<1x64xf32, #tpu.memory_space<vmem>>) target_semaphore(%arg16 : memref<!tpu.dma_semaphore, #tpu.memory_space<semaphore_mem>>)
      %add3A_363 = arith.constant 9 : i32
      %add3A_364 = arith.addi %mul3A_134, %add3A_363 : i32
      %dma_start3A_365 = arith.constant 0 : i32
      %dma_start3A_366 = tpu.memref_slice %arg13[%add3A_364, %dma_start3A_365] : memref<128x64xf32, #tpu.memory_space<vmem>> -> memref<1x64xf32, #tpu.memory_space<vmem>>
      %dma_start3A_367 = arith.constant 0 : i32
      %dma_start3A_368 = tpu.memref_slice %arg5[%squeeze3A_352, %dma_start3A_367] : memref<1000000x64xf32, #tpu.memory_space<hbm>> -> memref<1x64xf32, #tpu.memory_space<hbm>>
      %dma_start3A_369 = arith.constant 0 : i32
      %dma_start3A_370 = tpu.memref_slice %arg13[%add3A_364, %dma_start3A_369] : memref<128x64xf32, #tpu.memory_space<vmem>> -> memref<1x64xf32, #tpu.memory_space<vmem>>
      %dma_start3A_371 = arith.constant 0 : i32
      %dma_start3A_372 = tpu.memref_slice %arg5[%squeeze3A_352, %dma_start3A_371] : memref<1000000x64xf32, #tpu.memory_space<hbm>> -> memref<1x64xf32, #tpu.memory_space<hbm>>
      tpu.enqueue_dma source(%dma_start3A_372 : memref<1x64xf32, #tpu.memory_space<hbm>>) target(%dma_start3A_370 : memref<1x64xf32, #tpu.memory_space<vmem>>) target_semaphore(%arg16 : memref<!tpu.dma_semaphore, #tpu.memory_space<semaphore_mem>>)
      %slice3A_373 = vector.extract_strided_slice %get3A_126 {offsets = [10], sizes = [1], strides = [1]} : vector<16xi32> to vector<1xi32>
      %squeeze3A_374 = vector.extract %slice3A_373[0] : i32 from vector<1xi32>
      %slice3A_375 = vector.extract_strided_slice %get3A_132 {offsets = [10], sizes = [1], strides = [1]} : vector<16xi32> to vector<1xi32>
      %squeeze3A_376 = vector.extract %slice3A_375[0] : i32 from vector<1xi32>
      %add3A_377 = arith.constant 10 : i32
      %add3A_378 = arith.addi %mul3A_134, %add3A_377 : i32
      %dma_start3A_379 = arith.constant 0 : i32
      %dma_start3A_380 = tpu.memref_slice %arg12[%add3A_378, %dma_start3A_379] : memref<128x64xf32, #tpu.memory_space<vmem>> -> memref<1x64xf32, #tpu.memory_space<vmem>>
      %dma_start3A_381 = arith.constant 0 : i32
      %dma_start3A_382 = tpu.memref_slice %arg5[%squeeze3A_374, %dma_start3A_381] : memref<1000000x64xf32, #tpu.memory_space<hbm>> -> memref<1x64xf32, #tpu.memory_space<hbm>>
      %dma_start3A_383 = arith.constant 0 : i32
      %dma_start3A_384 = tpu.memref_slice %arg12[%add3A_378, %dma_start3A_383] : memref<128x64xf32, #tpu.memory_space<vmem>> -> memref<1x64xf32, #tpu.memory_space<vmem>>
      %dma_start3A_385 = arith.constant 0 : i32
      %dma_start3A_386 = tpu.memref_slice %arg5[%squeeze3A_374, %dma_start3A_385] : memref<1000000x64xf32, #tpu.memory_space<hbm>> -> memref<1x64xf32, #tpu.memory_space<hbm>>
      tpu.enqueue_dma source(%dma_start3A_386 : memref<1x64xf32, #tpu.memory_space<hbm>>) target(%dma_start3A_384 : memref<1x64xf32, #tpu.memory_space<vmem>>) target_semaphore(%arg16 : memref<!tpu.dma_semaphore, #tpu.memory_space<semaphore_mem>>)
      %add3A_387 = arith.constant 10 : i32
      %add3A_388 = arith.addi %mul3A_134, %add3A_387 : i32
      %dma_start3A_389 = arith.constant 0 : i32
      %dma_start3A_390 = tpu.memref_slice %arg13[%add3A_388, %dma_start3A_389] : memref<128x64xf32, #tpu.memory_space<vmem>> -> memref<1x64xf32, #tpu.memory_space<vmem>>
      %dma_start3A_391 = arith.constant 0 : i32
      %dma_start3A_392 = tpu.memref_slice %arg5[%squeeze3A_376, %dma_start3A_391] : memref<1000000x64xf32, #tpu.memory_space<hbm>> -> memref<1x64xf32, #tpu.memory_space<hbm>>
      %dma_start3A_393 = arith.constant 0 : i32
      %dma_start3A_394 = tpu.memref_slice %arg13[%add3A_388, %dma_start3A_393] : memref<128x64xf32, #tpu.memory_space<vmem>> -> memref<1x64xf32, #tpu.memory_space<vmem>>
      %dma_start3A_395 = arith.constant 0 : i32
      %dma_start3A_396 = tpu.memref_slice %arg5[%squeeze3A_376, %dma_start3A_395] : memref<1000000x64xf32, #tpu.memory_space<hbm>> -> memref<1x64xf32, #tpu.memory_space<hbm>>
      tpu.enqueue_dma source(%dma_start3A_396 : memref<1x64xf32, #tpu.memory_space<hbm>>) target(%dma_start3A_394 : memref<1x64xf32, #tpu.memory_space<vmem>>) target_semaphore(%arg16 : memref<!tpu.dma_semaphore, #tpu.memory_space<semaphore_mem>>)
      %slice3A_397 = vector.extract_strided_slice %get3A_126 {offsets = [11], sizes = [1], strides = [1]} : vector<16xi32> to vector<1xi32>
      %squeeze3A_398 = vector.extract %slice3A_397[0] : i32 from vector<1xi32>
      %slice3A_399 = vector.extract_strided_slice %get3A_132 {offsets = [11], sizes = [1], strides = [1]} : vector<16xi32> to vector<1xi32>
      %squeeze3A_400 = vector.extract %slice3A_399[0] : i32 from vector<1xi32>
      %add3A_401 = arith.constant 11 : i32
      %add3A_402 = arith.addi %mul3A_134, %add3A_401 : i32
      %dma_start3A_403 = arith.constant 0 : i32
      %dma_start3A_404 = tpu.memref_slice %arg12[%add3A_402, %dma_start3A_403] : memref<128x64xf32, #tpu.memory_space<vmem>> -> memref<1x64xf32, #tpu.memory_space<vmem>>
      %dma_start3A_405 = arith.constant 0 : i32
      %dma_start3A_406 = tpu.memref_slice %arg5[%squeeze3A_398, %dma_start3A_405] : memref<1000000x64xf32, #tpu.memory_space<hbm>> -> memref<1x64xf32, #tpu.memory_space<hbm>>
      %dma_start3A_407 = arith.constant 0 : i32
      %dma_start3A_408 = tpu.memref_slice %arg12[%add3A_402, %dma_start3A_407] : memref<128x64xf32, #tpu.memory_space<vmem>> -> memref<1x64xf32, #tpu.memory_space<vmem>>
      %dma_start3A_409 = arith.constant 0 : i32
      %dma_start3A_410 = tpu.memref_slice %arg5[%squeeze3A_398, %dma_start3A_409] : memref<1000000x64xf32, #tpu.memory_space<hbm>> -> memref<1x64xf32, #tpu.memory_space<hbm>>
      tpu.enqueue_dma source(%dma_start3A_410 : memref<1x64xf32, #tpu.memory_space<hbm>>) target(%dma_start3A_408 : memref<1x64xf32, #tpu.memory_space<vmem>>) target_semaphore(%arg16 : memref<!tpu.dma_semaphore, #tpu.memory_space<semaphore_mem>>)
      %add3A_411 = arith.constant 11 : i32
      %add3A_412 = arith.addi %mul3A_134, %add3A_411 : i32
      %dma_start3A_413 = arith.constant 0 : i32
      %dma_start3A_414 = tpu.memref_slice %arg13[%add3A_412, %dma_start3A_413] : memref<128x64xf32, #tpu.memory_space<vmem>> -> memref<1x64xf32, #tpu.memory_space<vmem>>
      %dma_start3A_415 = arith.constant 0 : i32
      %dma_start3A_416 = tpu.memref_slice %arg5[%squeeze3A_400, %dma_start3A_415] : memref<1000000x64xf32, #tpu.memory_space<hbm>> -> memref<1x64xf32, #tpu.memory_space<hbm>>
      %dma_start3A_417 = arith.constant 0 : i32
      %dma_start3A_418 = tpu.memref_slice %arg13[%add3A_412, %dma_start3A_417] : memref<128x64xf32, #tpu.memory_space<vmem>> -> memref<1x64xf32, #tpu.memory_space<vmem>>
      %dma_start3A_419 = arith.constant 0 : i32
      %dma_start3A_420 = tpu.memref_slice %arg5[%squeeze3A_400, %dma_start3A_419] : memref<1000000x64xf32, #tpu.memory_space<hbm>> -> memref<1x64xf32, #tpu.memory_space<hbm>>
      tpu.enqueue_dma source(%dma_start3A_420 : memref<1x64xf32, #tpu.memory_space<hbm>>) target(%dma_start3A_418 : memref<1x64xf32, #tpu.memory_space<vmem>>) target_semaphore(%arg16 : memref<!tpu.dma_semaphore, #tpu.memory_space<semaphore_mem>>)
      %slice3A_421 = vector.extract_strided_slice %get3A_126 {offsets = [12], sizes = [1], strides = [1]} : vector<16xi32> to vector<1xi32>
      %squeeze3A_422 = vector.extract %slice3A_421[0] : i32 from vector<1xi32>
      %slice3A_423 = vector.extract_strided_slice %get3A_132 {offsets = [12], sizes = [1], strides = [1]} : vector<16xi32> to vector<1xi32>
      %squeeze3A_424 = vector.extract %slice3A_423[0] : i32 from vector<1xi32>
      %add3A_425 = arith.constant 12 : i32
      %add3A_426 = arith.addi %mul3A_134, %add3A_425 : i32
      %dma_start3A_427 = arith.constant 0 : i32
      %dma_start3A_428 = tpu.memref_slice %arg12[%add3A_426, %dma_start3A_427] : memref<128x64xf32, #tpu.memory_space<vmem>> -> memref<1x64xf32, #tpu.memory_space<vmem>>
      %dma_start3A_429 = arith.constant 0 : i32
      %dma_start3A_430 = tpu.memref_slice %arg5[%squeeze3A_422, %dma_start3A_429] : memref<1000000x64xf32, #tpu.memory_space<hbm>> -> memref<1x64xf32, #tpu.memory_space<hbm>>
      %dma_start3A_431 = arith.constant 0 : i32
      %dma_start3A_432 = tpu.memref_slice %arg12[%add3A_426, %dma_start3A_431] : memref<128x64xf32, #tpu.memory_space<vmem>> -> memref<1x64xf32, #tpu.memory_space<vmem>>
      %dma_start3A_433 = arith.constant 0 : i32
      %dma_start3A_434 = tpu.memref_slice %arg5[%squeeze3A_422, %dma_start3A_433] : memref<1000000x64xf32, #tpu.memory_space<hbm>> -> memref<1x64xf32, #tpu.memory_space<hbm>>
      tpu.enqueue_dma source(%dma_start3A_434 : memref<1x64xf32, #tpu.memory_space<hbm>>) target(%dma_start3A_432 : memref<1x64xf32, #tpu.memory_space<vmem>>) target_semaphore(%arg16 : memref<!tpu.dma_semaphore, #tpu.memory_space<semaphore_mem>>)
      %add3A_435 = arith.constant 12 : i32
      %add3A_436 = arith.addi %mul3A_134, %add3A_435 : i32
      %dma_start3A_437 = arith.constant 0 : i32
      %dma_start3A_438 = tpu.memref_slice %arg13[%add3A_436, %dma_start3A_437] : memref<128x64xf32, #tpu.memory_space<vmem>> -> memref<1x64xf32, #tpu.memory_space<vmem>>
      %dma_start3A_439 = arith.constant 0 : i32
      %dma_start3A_440 = tpu.memref_slice %arg5[%squeeze3A_424, %dma_start3A_439] : memref<1000000x64xf32, #tpu.memory_space<hbm>> -> memref<1x64xf32, #tpu.memory_space<hbm>>
      %dma_start3A_441 = arith.constant 0 : i32
      %dma_start3A_442 = tpu.memref_slice %arg13[%add3A_436, %dma_start3A_441] : memref<128x64xf32, #tpu.memory_space<vmem>> -> memref<1x64xf32, #tpu.memory_space<vmem>>
      %dma_start3A_443 = arith.constant 0 : i32
      %dma_start3A_444 = tpu.memref_slice %arg5[%squeeze3A_424, %dma_start3A_443] : memref<1000000x64xf32, #tpu.memory_space<hbm>> -> memref<1x64xf32, #tpu.memory_space<hbm>>
      tpu.enqueue_dma source(%dma_start3A_444 : memref<1x64xf32, #tpu.memory_space<hbm>>) target(%dma_start3A_442 : memref<1x64xf32, #tpu.memory_space<vmem>>) target_semaphore(%arg16 : memref<!tpu.dma_semaphore, #tpu.memory_space<semaphore_mem>>)
      %slice3A_445 = vector.extract_strided_slice %get3A_126 {offsets = [13], sizes = [1], strides = [1]} : vector<16xi32> to vector<1xi32>
      %squeeze3A_446 = vector.extract %slice3A_445[0] : i32 from vector<1xi32>
      %slice3A_447 = vector.extract_strided_slice %get3A_132 {offsets = [13], sizes = [1], strides = [1]} : vector<16xi32> to vector<1xi32>
      %squeeze3A_448 = vector.extract %slice3A_447[0] : i32 from vector<1xi32>
      %add3A_449 = arith.constant 13 : i32
      %add3A_450 = arith.addi %mul3A_134, %add3A_449 : i32
      %dma_start3A_451 = arith.constant 0 : i32
      %dma_start3A_452 = tpu.memref_slice %arg12[%add3A_450, %dma_start3A_451] : memref<128x64xf32, #tpu.memory_space<vmem>> -> memref<1x64xf32, #tpu.memory_space<vmem>>
      %dma_start3A_453 = arith.constant 0 : i32
      %dma_start3A_454 = tpu.memref_slice %arg5[%squeeze3A_446, %dma_start3A_453] : memref<1000000x64xf32, #tpu.memory_space<hbm>> -> memref<1x64xf32, #tpu.memory_space<hbm>>
      %dma_start3A_455 = arith.constant 0 : i32
      %dma_start3A_456 = tpu.memref_slice %arg12[%add3A_450, %dma_start3A_455] : memref<128x64xf32, #tpu.memory_space<vmem>> -> memref<1x64xf32, #tpu.memory_space<vmem>>
      %dma_start3A_457 = arith.constant 0 : i32
      %dma_start3A_458 = tpu.memref_slice %arg5[%squeeze3A_446, %dma_start3A_457] : memref<1000000x64xf32, #tpu.memory_space<hbm>> -> memref<1x64xf32, #tpu.memory_space<hbm>>
      tpu.enqueue_dma source(%dma_start3A_458 : memref<1x64xf32, #tpu.memory_space<hbm>>) target(%dma_start3A_456 : memref<1x64xf32, #tpu.memory_space<vmem>>) target_semaphore(%arg16 : memref<!tpu.dma_semaphore, #tpu.memory_space<semaphore_mem>>)
      %add3A_459 = arith.constant 13 : i32
      %add3A_460 = arith.addi %mul3A_134, %add3A_459 : i32
      %dma_start3A_461 = arith.constant 0 : i32
      %dma_start3A_462 = tpu.memref_slice %arg13[%add3A_460, %dma_start3A_461] : memref<128x64xf32, #tpu.memory_space<vmem>> -> memref<1x64xf32, #tpu.memory_space<vmem>>
      %dma_start3A_463 = arith.constant 0 : i32
      %dma_start3A_464 = tpu.memref_slice %arg5[%squeeze3A_448, %dma_start3A_463] : memref<1000000x64xf32, #tpu.memory_space<hbm>> -> memref<1x64xf32, #tpu.memory_space<hbm>>
      %dma_start3A_465 = arith.constant 0 : i32
      %dma_start3A_466 = tpu.memref_slice %arg13[%add3A_460, %dma_start3A_465] : memref<128x64xf32, #tpu.memory_space<vmem>> -> memref<1x64xf32, #tpu.memory_space<vmem>>
      %dma_start3A_467 = arith.constant 0 : i32
      %dma_start3A_468 = tpu.memref_slice %arg5[%squeeze3A_448, %dma_start3A_467] : memref<1000000x64xf32, #tpu.memory_space<hbm>> -> memref<1x64xf32, #tpu.memory_space<hbm>>
      tpu.enqueue_dma source(%dma_start3A_468 : memref<1x64xf32, #tpu.memory_space<hbm>>) target(%dma_start3A_466 : memref<1x64xf32, #tpu.memory_space<vmem>>) target_semaphore(%arg16 : memref<!tpu.dma_semaphore, #tpu.memory_space<semaphore_mem>>)
      %slice3A_469 = vector.extract_strided_slice %get3A_126 {offsets = [14], sizes = [1], strides = [1]} : vector<16xi32> to vector<1xi32>
      %squeeze3A_470 = vector.extract %slice3A_469[0] : i32 from vector<1xi32>
      %slice3A_471 = vector.extract_strided_slice %get3A_132 {offsets = [14], sizes = [1], strides = [1]} : vector<16xi32> to vector<1xi32>
      %squeeze3A_472 = vector.extract %slice3A_471[0] : i32 from vector<1xi32>
      %add3A_473 = arith.constant 14 : i32
      %add3A_474 = arith.addi %mul3A_134, %add3A_473 : i32
      %dma_start3A_475 = arith.constant 0 : i32
      %dma_start3A_476 = tpu.memref_slice %arg12[%add3A_474, %dma_start3A_475] : memref<128x64xf32, #tpu.memory_space<vmem>> -> memref<1x64xf32, #tpu.memory_space<vmem>>
      %dma_start3A_477 = arith.constant 0 : i32
      %dma_start3A_478 = tpu.memref_slice %arg5[%squeeze3A_470, %dma_start3A_477] : memref<1000000x64xf32, #tpu.memory_space<hbm>> -> memref<1x64xf32, #tpu.memory_space<hbm>>
      %dma_start3A_479 = arith.constant 0 : i32
      %dma_start3A_480 = tpu.memref_slice %arg12[%add3A_474, %dma_start3A_479] : memref<128x64xf32, #tpu.memory_space<vmem>> -> memref<1x64xf32, #tpu.memory_space<vmem>>
      %dma_start3A_481 = arith.constant 0 : i32
      %dma_start3A_482 = tpu.memref_slice %arg5[%squeeze3A_470, %dma_start3A_481] : memref<1000000x64xf32, #tpu.memory_space<hbm>> -> memref<1x64xf32, #tpu.memory_space<hbm>>
      tpu.enqueue_dma source(%dma_start3A_482 : memref<1x64xf32, #tpu.memory_space<hbm>>) target(%dma_start3A_480 : memref<1x64xf32, #tpu.memory_space<vmem>>) target_semaphore(%arg16 : memref<!tpu.dma_semaphore, #tpu.memory_space<semaphore_mem>>)
      %add3A_483 = arith.constant 14 : i32
      %add3A_484 = arith.addi %mul3A_134, %add3A_483 : i32
      %dma_start3A_485 = arith.constant 0 : i32
      %dma_start3A_486 = tpu.memref_slice %arg13[%add3A_484, %dma_start3A_485] : memref<128x64xf32, #tpu.memory_space<vmem>> -> memref<1x64xf32, #tpu.memory_space<vmem>>
      %dma_start3A_487 = arith.constant 0 : i32
      %dma_start3A_488 = tpu.memref_slice %arg5[%squeeze3A_472, %dma_start3A_487] : memref<1000000x64xf32, #tpu.memory_space<hbm>> -> memref<1x64xf32, #tpu.memory_space<hbm>>
      %dma_start3A_489 = arith.constant 0 : i32
      %dma_start3A_490 = tpu.memref_slice %arg13[%add3A_484, %dma_start3A_489] : memref<128x64xf32, #tpu.memory_space<vmem>> -> memref<1x64xf32, #tpu.memory_space<vmem>>
      %dma_start3A_491 = arith.constant 0 : i32
      %dma_start3A_492 = tpu.memref_slice %arg5[%squeeze3A_472, %dma_start3A_491] : memref<1000000x64xf32, #tpu.memory_space<hbm>> -> memref<1x64xf32, #tpu.memory_space<hbm>>
      tpu.enqueue_dma source(%dma_start3A_492 : memref<1x64xf32, #tpu.memory_space<hbm>>) target(%dma_start3A_490 : memref<1x64xf32, #tpu.memory_space<vmem>>) target_semaphore(%arg16 : memref<!tpu.dma_semaphore, #tpu.memory_space<semaphore_mem>>)
      %slice3A_493 = vector.extract_strided_slice %get3A_126 {offsets = [15], sizes = [1], strides = [1]} : vector<16xi32> to vector<1xi32>
      %squeeze3A_494 = vector.extract %slice3A_493[0] : i32 from vector<1xi32>
      %slice3A_495 = vector.extract_strided_slice %get3A_132 {offsets = [15], sizes = [1], strides = [1]} : vector<16xi32> to vector<1xi32>
      %squeeze3A_496 = vector.extract %slice3A_495[0] : i32 from vector<1xi32>
      %add3A_497 = arith.constant 15 : i32
      %add3A_498 = arith.addi %mul3A_134, %add3A_497 : i32
      %dma_start3A_499 = arith.constant 0 : i32
      %dma_start3A_500 = tpu.memref_slice %arg12[%add3A_498, %dma_start3A_499] : memref<128x64xf32, #tpu.memory_space<vmem>> -> memref<1x64xf32, #tpu.memory_space<vmem>>
      %dma_start3A_501 = arith.constant 0 : i32
      %dma_start3A_502 = tpu.memref_slice %arg5[%squeeze3A_494, %dma_start3A_501] : memref<1000000x64xf32, #tpu.memory_space<hbm>> -> memref<1x64xf32, #tpu.memory_space<hbm>>
      %dma_start3A_503 = arith.constant 0 : i32
      %dma_start3A_504 = tpu.memref_slice %arg12[%add3A_498, %dma_start3A_503] : memref<128x64xf32, #tpu.memory_space<vmem>> -> memref<1x64xf32, #tpu.memory_space<vmem>>
      %dma_start3A_505 = arith.constant 0 : i32
      %dma_start3A_506 = tpu.memref_slice %arg5[%squeeze3A_494, %dma_start3A_505] : memref<1000000x64xf32, #tpu.memory_space<hbm>> -> memref<1x64xf32, #tpu.memory_space<hbm>>
      tpu.enqueue_dma source(%dma_start3A_506 : memref<1x64xf32, #tpu.memory_space<hbm>>) target(%dma_start3A_504 : memref<1x64xf32, #tpu.memory_space<vmem>>) target_semaphore(%arg16 : memref<!tpu.dma_semaphore, #tpu.memory_space<semaphore_mem>>)
      %add3A_507 = arith.constant 15 : i32
      %add3A_508 = arith.addi %mul3A_134, %add3A_507 : i32
      %dma_start3A_509 = arith.constant 0 : i32
      %dma_start3A_510 = tpu.memref_slice %arg13[%add3A_508, %dma_start3A_509] : memref<128x64xf32, #tpu.memory_space<vmem>> -> memref<1x64xf32, #tpu.memory_space<vmem>>
      %dma_start3A_511 = arith.constant 0 : i32
      %dma_start3A_512 = tpu.memref_slice %arg5[%squeeze3A_496, %dma_start3A_511] : memref<1000000x64xf32, #tpu.memory_space<hbm>> -> memref<1x64xf32, #tpu.memory_space<hbm>>
      %dma_start3A_513 = arith.constant 0 : i32
      %dma_start3A_514 = tpu.memref_slice %arg13[%add3A_508, %dma_start3A_513] : memref<128x64xf32, #tpu.memory_space<vmem>> -> memref<1x64xf32, #tpu.memory_space<vmem>>
      %dma_start3A_515 = arith.constant 0 : i32
      %dma_start3A_516 = tpu.memref_slice %arg5[%squeeze3A_496, %dma_start3A_515] : memref<1000000x64xf32, #tpu.memory_space<hbm>> -> memref<1x64xf32, #tpu.memory_space<hbm>>
      tpu.enqueue_dma source(%dma_start3A_516 : memref<1x64xf32, #tpu.memory_space<hbm>>) target(%dma_start3A_514 : memref<1x64xf32, #tpu.memory_space<vmem>>) target_semaphore(%arg16 : memref<!tpu.dma_semaphore, #tpu.memory_space<semaphore_mem>>)
      %scan3A_517 = arith.constant 0 : i32
      scf.yield %scan3A_517 : i32
    }
    %scan3A_41 = arith.constant 8 : i32
    %scan3A_42 = arith.constant 0 : i32
    %scan3A_43 = arith.constant 0 : i32
    %scan3A_44 = arith.constant 8 : i32
    %scan3A_45 = arith.addi %scan3A_43, %scan3A_44 : i32
    %scan3A_46 = arith.constant 1 : i32
    %scan3A_47 = scf.for %scan3A_120 = %scan3A_43 to %scan3A_45 step %scan3A_46 iter_args(%scan3A_121 = %scan3A_42) -> (i32)  : i32 {
      %mul3A_122 = arith.constant 16 : i32
      %mul3A_123 = arith.muli %scan3A_120, %mul3A_122 : i32
      %add3A_124 = vector.broadcast %mul3A_123 : i32 to vector<16xi32>
      %add3A_125 = arith.addi %iota3A, %add3A_124 : vector<16xi32>
      %broadcast_in_dim3A = arith.constant 0.000000e+00 : f32
      %broadcast_in_dim3A_126 = vector.broadcast %broadcast_in_dim3A : f32 to vector<16xf32>
      %scan3A_127 = arith.constant 0 : i32
      %scan3A_128 = arith.constant 16 : i32
      %scan3A_129 = arith.addi %scan3A_127, %scan3A_128 : i32
      %scan3A_130 = arith.constant 1 : i32
      %scan3A_131 = scf.for %scan3A_168 = %scan3A_127 to %scan3A_129 step %scan3A_130 iter_args(%scan3A_169 = %broadcast_in_dim3A_126) -> (vector<16xf32>)  : i32 {
        %mul3A_170 = arith.constant 4 : i32
        %mul3A_171 = arith.muli %scan3A_168, %mul3A_170 : i32
        %add3A_172 = arith.constant 0 : i32
        %add3A_173 = arith.addi %mul3A_171, %add3A_172 : i32
        %broadcast_in_dim3A_174 = arith.constant 0 : i32
        %broadcast_in_dim3A_175 = vector.broadcast %broadcast_in_dim3A_174 : i32 to vector<16xi32>
        %add3A_176 = vector.broadcast %add3A_173 : i32 to vector<16xi32>
        %add3A_177 = arith.addi %broadcast_in_dim3A_175, %add3A_176 : vector<16xi32>
        %gather3A = tpu.vector_load_idx %arg10[%add3A_125, %add3A_177] : memref<128x64xf32, #tpu.memory_space<vmem>>[vector<16xi32>, vector<16xi32>], vector<16xf32>,
        %gather3A_178 = tpu.vector_load_idx %arg11[%add3A_125, %add3A_177] : memref<128x64xf32, #tpu.memory_space<vmem>>[vector<16xi32>, vector<16xi32>], vector<16xf32>,
        %mul3A_179 = arith.constant 16 : i32
        %mul3A_180 = arith.muli %scan3A_120, %mul3A_179 : i32
        %add3A_181 = arith.constant 0 : i32
        %add3A_182 = arith.addi %add3A_181, %mul3A_180 : i32
        %get3A = arith.index_cast %add3A_173 : i32 to index
        %get3A_183 = arith.index_cast %add3A_182 : i32 to index
        %get3A_184 = tpu.vector_load %arg9[%get3A, %get3A_183] {strides = array<i32>} : memref<64x512xf32, #tpu.memory_space<vmem>>, vector<16xf32>,
        %add3A_185 = arith.addf %gather3A, %get3A_184 : vector<16xf32>
        %sub3A_186 = arith.subf %add3A_185, %gather3A_178 : vector<16xf32>
        %mul3A_187 = arith.mulf %sub3A_186, %sub3A_186 : vector<16xf32>
        %add3A_188 = arith.addf %scan3A_169, %mul3A_187 : vector<16xf32>
        %mul3A_189 = arith.constant 4 : i32
        %mul3A_190 = arith.muli %scan3A_168, %mul3A_189 : i32
        %add3A_191 = arith.constant 1 : i32
        %add3A_192 = arith.addi %mul3A_190, %add3A_191 : i32
        %broadcast_in_dim3A_193 = arith.constant 0 : i32
        %broadcast_in_dim3A_194 = vector.broadcast %broadcast_in_dim3A_193 : i32 to vector<16xi32>
        %add3A_195 = vector.broadcast %add3A_192 : i32 to vector<16xi32>
        %add3A_196 = arith.addi %broadcast_in_dim3A_194, %add3A_195 : vector<16xi32>
        %gather3A_197 = tpu.vector_load_idx %arg10[%add3A_125, %add3A_196] : memref<128x64xf32, #tpu.memory_space<vmem>>[vector<16xi32>, vector<16xi32>], vector<16xf32>,
        %gather3A_198 = tpu.vector_load_idx %arg11[%add3A_125, %add3A_196] : memref<128x64xf32, #tpu.memory_space<vmem>>[vector<16xi32>, vector<16xi32>], vector<16xf32>,
        %mul3A_199 = arith.constant 16 : i32
        %mul3A_200 = arith.muli %scan3A_120, %mul3A_199 : i32
        %add3A_201 = arith.constant 0 : i32
        %add3A_202 = arith.addi %add3A_201, %mul3A_200 : i32
        %get3A_203 = arith.index_cast %add3A_192 : i32 to index
        %get3A_204 = arith.index_cast %add3A_202 : i32 to index
        %get3A_205 = tpu.vector_load %arg9[%get3A_203, %get3A_204] {strides = array<i32>} : memref<64x512xf32, #tpu.memory_space<vmem>>, vector<16xf32>,
        %add3A_206 = arith.addf %gather3A_197, %get3A_205 : vector<16xf32>
        %sub3A_207 = arith.subf %add3A_206, %gather3A_198 : vector<16xf32>
        %mul3A_208 = arith.mulf %sub3A_207, %sub3A_207 : vector<16xf32>
        %add3A_209 = arith.addf %add3A_188, %mul3A_208 : vector<16xf32>
        %mul3A_210 = arith.constant 4 : i32
        %mul3A_211 = arith.muli %scan3A_168, %mul3A_210 : i32
        %add3A_212 = arith.constant 2 : i32
        %add3A_213 = arith.addi %mul3A_211, %add3A_212 : i32
        %broadcast_in_dim3A_214 = arith.constant 0 : i32
        %broadcast_in_dim3A_215 = vector.broadcast %broadcast_in_dim3A_214 : i32 to vector<16xi32>
        %add3A_216 = vector.broadcast %add3A_213 : i32 to vector<16xi32>
        %add3A_217 = arith.addi %broadcast_in_dim3A_215, %add3A_216 : vector<16xi32>
        %gather3A_218 = tpu.vector_load_idx %arg10[%add3A_125, %add3A_217] : memref<128x64xf32, #tpu.memory_space<vmem>>[vector<16xi32>, vector<16xi32>], vector<16xf32>,
        %gather3A_219 = tpu.vector_load_idx %arg11[%add3A_125, %add3A_217] : memref<128x64xf32, #tpu.memory_space<vmem>>[vector<16xi32>, vector<16xi32>], vector<16xf32>,
        %mul3A_220 = arith.constant 16 : i32
        %mul3A_221 = arith.muli %scan3A_120, %mul3A_220 : i32
        %add3A_222 = arith.constant 0 : i32
        %add3A_223 = arith.addi %add3A_222, %mul3A_221 : i32
        %get3A_224 = arith.index_cast %add3A_213 : i32 to index
        %get3A_225 = arith.index_cast %add3A_223 : i32 to index
        %get3A_226 = tpu.vector_load %arg9[%get3A_224, %get3A_225] {strides = array<i32>} : memref<64x512xf32, #tpu.memory_space<vmem>>, vector<16xf32>,
        %add3A_227 = arith.addf %gather3A_218, %get3A_226 : vector<16xf32>
        %sub3A_228 = arith.subf %add3A_227, %gather3A_219 : vector<16xf32>
        %mul3A_229 = arith.mulf %sub3A_228, %sub3A_228 : vector<16xf32>
        %add3A_230 = arith.addf %add3A_209, %mul3A_229 : vector<16xf32>
        %mul3A_231 = arith.constant 4 : i32
        %mul3A_232 = arith.muli %scan3A_168, %mul3A_231 : i32
        %add3A_233 = arith.constant 3 : i32
        %add3A_234 = arith.addi %mul3A_232, %add3A_233 : i32
        %broadcast_in_dim3A_235 = arith.constant 0 : i32
        %broadcast_in_dim3A_236 = vector.broadcast %broadcast_in_dim3A_235 : i32 to vector<16xi32>
        %add3A_237 = vector.broadcast %add3A_234 : i32 to vector<16xi32>
        %add3A_238 = arith.addi %broadcast_in_dim3A_236, %add3A_237 : vector<16xi32>
        %gather3A_239 = tpu.vector_load_idx %arg10[%add3A_125, %add3A_238] : memref<128x64xf32, #tpu.memory_space<vmem>>[vector<16xi32>, vector<16xi32>], vector<16xf32>,
        %gather3A_240 = tpu.vector_load_idx %arg11[%add3A_125, %add3A_238] : memref<128x64xf32, #tpu.memory_space<vmem>>[vector<16xi32>, vector<16xi32>], vector<16xf32>,
        %mul3A_241 = arith.constant 16 : i32
        %mul3A_242 = arith.muli %scan3A_120, %mul3A_241 : i32
        %add3A_243 = arith.constant 0 : i32
        %add3A_244 = arith.addi %add3A_243, %mul3A_242 : i32
        %get3A_245 = arith.index_cast %add3A_234 : i32 to index
        %get3A_246 = arith.index_cast %add3A_244 : i32 to index
        %get3A_247 = tpu.vector_load %arg9[%get3A_245, %get3A_246] {strides = array<i32>} : memref<64x512xf32, #tpu.memory_space<vmem>>, vector<16xf32>,
        %add3A_248 = arith.addf %gather3A_239, %get3A_247 : vector<16xf32>
        %sub3A_249 = arith.subf %add3A_248, %gather3A_240 : vector<16xf32>
        %mul3A_250 = arith.mulf %sub3A_249, %sub3A_249 : vector<16xf32>
        %add3A_251 = arith.addf %add3A_230, %mul3A_250 : vector<16xf32>
        scf.yield %add3A_251 : vector<16xf32>
      }
      %scan3A_132 = arith.constant 16 : i32
      %bitcast3A = vector.bitcast %scan3A_131 : vector<16xf32> to vector<16xi32>
      %shift_right_arithmetic3A = arith.constant 1 : i32
      %shift_right_arithmetic3A_133 = vector.broadcast %shift_right_arithmetic3A : i32 to vector<16xi32>
      %shift_right_arithmetic3A_134 = arith.shrsi %bitcast3A, %shift_right_arithmetic3A_133 : vector<16xi32>
      %sub3A = arith.constant 1597463007 : i32
      %sub3A_135 = vector.broadcast %sub3A : i32 to vector<16xi32>
      %sub3A_136 = arith.subi %sub3A_135, %shift_right_arithmetic3A_134 : vector<16xi32>
      %bitcast3A_137 = vector.bitcast %sub3A_136 : vector<16xi32> to vector<16xf32>
      %mul3A_138 = arith.constant 5.000000e-01 : f32
      %mul3A_139 = vector.broadcast %mul3A_138 : f32 to vector<16xf32>
      %mul3A_140 = arith.mulf %scan3A_131, %mul3A_139 : vector<16xf32>
      %mul3A_141 = arith.mulf %mul3A_140, %bitcast3A_137 : vector<16xf32>
      %mul3A_142 = arith.mulf %mul3A_141, %bitcast3A_137 : vector<16xf32>
      %sub3A_143 = arith.constant 1.500000e+00 : f32
      %sub3A_144 = vector.broadcast %sub3A_143 : f32 to vector<16xf32>
      %sub3A_145 = arith.subf %sub3A_144, %mul3A_142 : vector<16xf32>
      %mul3A_146 = arith.mulf %bitcast3A_137, %sub3A_145 : vector<16xf32>
      %mul3A_147 = arith.mulf %mul3A_140, %mul3A_146 : vector<16xf32>
      %mul3A_148 = arith.mulf %mul3A_147, %mul3A_146 : vector<16xf32>
      %sub3A_149 = arith.constant 1.500000e+00 : f32
      %sub3A_150 = vector.broadcast %sub3A_149 : f32 to vector<16xf32>
      %sub3A_151 = arith.subf %sub3A_150, %mul3A_148 : vector<16xf32>
      %mul3A_152 = arith.mulf %mul3A_146, %sub3A_151 : vector<16xf32>
      %mul3A_153 = arith.mulf %mul3A_140, %mul3A_152 : vector<16xf32>
      %mul3A_154 = arith.mulf %mul3A_153, %mul3A_152 : vector<16xf32>
      %sub3A_155 = arith.constant 1.500000e+00 : f32
      %sub3A_156 = vector.broadcast %sub3A_155 : f32 to vector<16xf32>
      %sub3A_157 = arith.subf %sub3A_156, %mul3A_154 : vector<16xf32>
      %mul3A_158 = arith.mulf %mul3A_152, %sub3A_157 : vector<16xf32>
      %mul3A_159 = arith.mulf %scan3A_131, %mul3A_158 : vector<16xf32>
      %neg3A = arith.constant 0.000000e+00 : f32
      %neg3A_160 = vector.broadcast %neg3A : f32 to vector<16xf32>
      %neg3A_161 = arith.subf %neg3A_160, %mul3A_159 : vector<16xf32>
      %mul3A_162 = arith.constant 16 : i32
      %mul3A_163 = arith.muli %scan3A_120, %mul3A_162 : i32
      %add3A_164 = arith.constant 0 : i32
      %add3A_165 = arith.addi %add3A_164, %mul3A_163 : i32
      %swap3A = arith.index_cast %add3A_165 : i32 to index
      %swap3A_166 = tpu.vector_load %arg14[%swap3A] {strides = array<i32>} : memref<512xf32, #tpu.memory_space<vmem>>, vector<16xf32>,
      tpu.vector_store %arg14[%swap3A], %neg3A_161 {strides = array<i32>} : memref<512xf32, #tpu.memory_space<vmem>>, vector<16xf32>,
      %scan3A_167 = arith.constant 0 : i32
      scf.yield %scan3A_167 : i32
    }
    %scan3A_48 = arith.constant 8 : i32
    %dma_wait3A_49 = arith.constant 0 : i32
    %dma_wait3A_50 = arith.constant 0 : i32
    %dma_wait3A_51 = tpu.memref_slice %arg5[%dma_wait3A_49, %dma_wait3A_50] : memref<1000000x64xf32, #tpu.memory_space<hbm>> -> memref<128x64xf32, #tpu.memory_space<hbm>>
    %dma_wait3A_52 = arith.constant 0 : i32
    %dma_wait3A_53 = arith.constant 0 : i32
    %dma_wait3A_54 = tpu.memref_slice %arg5[%dma_wait3A_52, %dma_wait3A_53] : memref<1000000x64xf32, #tpu.memory_space<hbm>> -> memref<128x64xf32, #tpu.memory_space<hbm>>
    tpu.wait_dma2 semaphore(%arg16 : memref<!tpu.dma_semaphore, #tpu.memory_space<semaphore_mem>>) src(%dma_wait3A_54 : memref<128x64xf32, #tpu.memory_space<hbm>>) dst(%arg12 : memref<128x64xf32, #tpu.memory_space<vmem>>)
    %dma_wait3A_55 = arith.constant 0 : i32
    %dma_wait3A_56 = arith.constant 0 : i32
    %dma_wait3A_57 = tpu.memref_slice %arg5[%dma_wait3A_55, %dma_wait3A_56] : memref<1000000x64xf32, #tpu.memory_space<hbm>> -> memref<128x64xf32, #tpu.memory_space<hbm>>
    %dma_wait3A_58 = arith.constant 0 : i32
    %dma_wait3A_59 = arith.constant 0 : i32
    %dma_wait3A_60 = tpu.memref_slice %arg5[%dma_wait3A_58, %dma_wait3A_59] : memref<1000000x64xf32, #tpu.memory_space<hbm>> -> memref<128x64xf32, #tpu.memory_space<hbm>>
    tpu.wait_dma2 semaphore(%arg16 : memref<!tpu.dma_semaphore, #tpu.memory_space<semaphore_mem>>) src(%dma_wait3A_60 : memref<128x64xf32, #tpu.memory_space<hbm>>) dst(%arg13 : memref<128x64xf32, #tpu.memory_space<vmem>>)
    %scan3A_61 = arith.constant 0 : i32
    %scan3A_62 = arith.constant 0 : i32
    %scan3A_63 = arith.constant 8 : i32
    %scan3A_64 = arith.addi %scan3A_62, %scan3A_63 : i32
    %scan3A_65 = arith.constant 1 : i32
    %scan3A_66 = scf.for %scan3A_120 = %scan3A_62 to %scan3A_64 step %scan3A_65 iter_args(%scan3A_121 = %scan3A_61) -> (i32)  : i32 {
      %mul3A_122 = arith.constant 16 : i32
      %mul3A_123 = arith.muli %scan3A_120, %mul3A_122 : i32
      %add3A_124 = arith.constant 256 : i32
      %add3A_125 = arith.addi %add3A_124, %mul3A_123 : i32
      %get3A = arith.index_cast %add3A_125 : i32 to index
      %get3A_126 = tpu.vector_load %arg7[%get3A] {strides = array<i32>} : memref<512xi32, #tpu.memory_space<vmem>>, vector<16xi32>,
      %mul3A_127 = arith.constant 16 : i32
      %mul3A_128 = arith.muli %scan3A_120, %mul3A_127 : i32
      %add3A_129 = arith.constant 256 : i32
      %add3A_130 = arith.addi %add3A_129, %mul3A_128 : i32
      %get3A_131 = arith.index_cast %add3A_130 : i32 to index
      %get3A_132 = tpu.vector_load %arg8[%get3A_131] {strides = array<i32>} : memref<512xi32, #tpu.memory_space<vmem>>, vector<16xi32>,
      %mul3A_133 = arith.constant 16 : i32
      %mul3A_134 = arith.muli %scan3A_120, %mul3A_133 : i32
      %slice3A = vector.extract_strided_slice %get3A_126 {offsets = [0], sizes = [1], strides = [1]} : vector<16xi32> to vector<1xi32>
      %squeeze3A = vector.extract %slice3A[0] : i32 from vector<1xi32>
      %slice3A_135 = vector.extract_strided_slice %get3A_132 {offsets = [0], sizes = [1], strides = [1]} : vector<16xi32> to vector<1xi32>
      %squeeze3A_136 = vector.extract %slice3A_135[0] : i32 from vector<1xi32>
      %add3A_137 = arith.constant 0 : i32
      %add3A_138 = arith.addi %mul3A_134, %add3A_137 : i32
      %dma_start3A_139 = arith.constant 0 : i32
      %dma_start3A_140 = tpu.memref_slice %arg10[%add3A_138, %dma_start3A_139] : memref<128x64xf32, #tpu.memory_space<vmem>> -> memref<1x64xf32, #tpu.memory_space<vmem>>
      %dma_start3A_141 = arith.constant 0 : i32
      %dma_start3A_142 = tpu.memref_slice %arg5[%squeeze3A, %dma_start3A_141] : memref<1000000x64xf32, #tpu.memory_space<hbm>> -> memref<1x64xf32, #tpu.memory_space<hbm>>
      %dma_start3A_143 = arith.constant 0 : i32
      %dma_start3A_144 = tpu.memref_slice %arg10[%add3A_138, %dma_start3A_143] : memref<128x64xf32, #tpu.memory_space<vmem>> -> memref<1x64xf32, #tpu.memory_space<vmem>>
      %dma_start3A_145 = arith.constant 0 : i32
      %dma_start3A_146 = tpu.memref_slice %arg5[%squeeze3A, %dma_start3A_145] : memref<1000000x64xf32, #tpu.memory_space<hbm>> -> memref<1x64xf32, #tpu.memory_space<hbm>>
      tpu.enqueue_dma source(%dma_start3A_146 : memref<1x64xf32, #tpu.memory_space<hbm>>) target(%dma_start3A_144 : memref<1x64xf32, #tpu.memory_space<vmem>>) target_semaphore(%arg15 : memref<!tpu.dma_semaphore, #tpu.memory_space<semaphore_mem>>)
      %add3A_147 = arith.constant 0 : i32
      %add3A_148 = arith.addi %mul3A_134, %add3A_147 : i32
      %dma_start3A_149 = arith.constant 0 : i32
      %dma_start3A_150 = tpu.memref_slice %arg11[%add3A_148, %dma_start3A_149] : memref<128x64xf32, #tpu.memory_space<vmem>> -> memref<1x64xf32, #tpu.memory_space<vmem>>
      %dma_start3A_151 = arith.constant 0 : i32
      %dma_start3A_152 = tpu.memref_slice %arg5[%squeeze3A_136, %dma_start3A_151] : memref<1000000x64xf32, #tpu.memory_space<hbm>> -> memref<1x64xf32, #tpu.memory_space<hbm>>
      %dma_start3A_153 = arith.constant 0 : i32
      %dma_start3A_154 = tpu.memref_slice %arg11[%add3A_148, %dma_start3A_153] : memref<128x64xf32, #tpu.memory_space<vmem>> -> memref<1x64xf32, #tpu.memory_space<vmem>>
      %dma_start3A_155 = arith.constant 0 : i32
      %dma_start3A_156 = tpu.memref_slice %arg5[%squeeze3A_136, %dma_start3A_155] : memref<1000000x64xf32, #tpu.memory_space<hbm>> -> memref<1x64xf32, #tpu.memory_space<hbm>>
      tpu.enqueue_dma source(%dma_start3A_156 : memref<1x64xf32, #tpu.memory_space<hbm>>) target(%dma_start3A_154 : memref<1x64xf32, #tpu.memory_space<vmem>>) target_semaphore(%arg15 : memref<!tpu.dma_semaphore, #tpu.memory_space<semaphore_mem>>)
      %slice3A_157 = vector.extract_strided_slice %get3A_126 {offsets = [1], sizes = [1], strides = [1]} : vector<16xi32> to vector<1xi32>
      %squeeze3A_158 = vector.extract %slice3A_157[0] : i32 from vector<1xi32>
      %slice3A_159 = vector.extract_strided_slice %get3A_132 {offsets = [1], sizes = [1], strides = [1]} : vector<16xi32> to vector<1xi32>
      %squeeze3A_160 = vector.extract %slice3A_159[0] : i32 from vector<1xi32>
      %add3A_161 = arith.constant 1 : i32
      %add3A_162 = arith.addi %mul3A_134, %add3A_161 : i32
      %dma_start3A_163 = arith.constant 0 : i32
      %dma_start3A_164 = tpu.memref_slice %arg10[%add3A_162, %dma_start3A_163] : memref<128x64xf32, #tpu.memory_space<vmem>> -> memref<1x64xf32, #tpu.memory_space<vmem>>
      %dma_start3A_165 = arith.constant 0 : i32
      %dma_start3A_166 = tpu.memref_slice %arg5[%squeeze3A_158, %dma_start3A_165] : memref<1000000x64xf32, #tpu.memory_space<hbm>> -> memref<1x64xf32, #tpu.memory_space<hbm>>
      %dma_start3A_167 = arith.constant 0 : i32
      %dma_start3A_168 = tpu.memref_slice %arg10[%add3A_162, %dma_start3A_167] : memref<128x64xf32, #tpu.memory_space<vmem>> -> memref<1x64xf32, #tpu.memory_space<vmem>>
      %dma_start3A_169 = arith.constant 0 : i32
      %dma_start3A_170 = tpu.memref_slice %arg5[%squeeze3A_158, %dma_start3A_169] : memref<1000000x64xf32, #tpu.memory_space<hbm>> -> memref<1x64xf32, #tpu.memory_space<hbm>>
      tpu.enqueue_dma source(%dma_start3A_170 : memref<1x64xf32, #tpu.memory_space<hbm>>) target(%dma_start3A_168 : memref<1x64xf32, #tpu.memory_space<vmem>>) target_semaphore(%arg15 : memref<!tpu.dma_semaphore, #tpu.memory_space<semaphore_mem>>)
      %add3A_171 = arith.constant 1 : i32
      %add3A_172 = arith.addi %mul3A_134, %add3A_171 : i32
      %dma_start3A_173 = arith.constant 0 : i32
      %dma_start3A_174 = tpu.memref_slice %arg11[%add3A_172, %dma_start3A_173] : memref<128x64xf32, #tpu.memory_space<vmem>> -> memref<1x64xf32, #tpu.memory_space<vmem>>
      %dma_start3A_175 = arith.constant 0 : i32
      %dma_start3A_176 = tpu.memref_slice %arg5[%squeeze3A_160, %dma_start3A_175] : memref<1000000x64xf32, #tpu.memory_space<hbm>> -> memref<1x64xf32, #tpu.memory_space<hbm>>
      %dma_start3A_177 = arith.constant 0 : i32
      %dma_start3A_178 = tpu.memref_slice %arg11[%add3A_172, %dma_start3A_177] : memref<128x64xf32, #tpu.memory_space<vmem>> -> memref<1x64xf32, #tpu.memory_space<vmem>>
      %dma_start3A_179 = arith.constant 0 : i32
      %dma_start3A_180 = tpu.memref_slice %arg5[%squeeze3A_160, %dma_start3A_179] : memref<1000000x64xf32, #tpu.memory_space<hbm>> -> memref<1x64xf32, #tpu.memory_space<hbm>>
      tpu.enqueue_dma source(%dma_start3A_180 : memref<1x64xf32, #tpu.memory_space<hbm>>) target(%dma_start3A_178 : memref<1x64xf32, #tpu.memory_space<vmem>>) target_semaphore(%arg15 : memref<!tpu.dma_semaphore, #tpu.memory_space<semaphore_mem>>)
      %slice3A_181 = vector.extract_strided_slice %get3A_126 {offsets = [2], sizes = [1], strides = [1]} : vector<16xi32> to vector<1xi32>
      %squeeze3A_182 = vector.extract %slice3A_181[0] : i32 from vector<1xi32>
      %slice3A_183 = vector.extract_strided_slice %get3A_132 {offsets = [2], sizes = [1], strides = [1]} : vector<16xi32> to vector<1xi32>
      %squeeze3A_184 = vector.extract %slice3A_183[0] : i32 from vector<1xi32>
      %add3A_185 = arith.constant 2 : i32
      %add3A_186 = arith.addi %mul3A_134, %add3A_185 : i32
      %dma_start3A_187 = arith.constant 0 : i32
      %dma_start3A_188 = tpu.memref_slice %arg10[%add3A_186, %dma_start3A_187] : memref<128x64xf32, #tpu.memory_space<vmem>> -> memref<1x64xf32, #tpu.memory_space<vmem>>
      %dma_start3A_189 = arith.constant 0 : i32
      %dma_start3A_190 = tpu.memref_slice %arg5[%squeeze3A_182, %dma_start3A_189] : memref<1000000x64xf32, #tpu.memory_space<hbm>> -> memref<1x64xf32, #tpu.memory_space<hbm>>
      %dma_start3A_191 = arith.constant 0 : i32
      %dma_start3A_192 = tpu.memref_slice %arg10[%add3A_186, %dma_start3A_191] : memref<128x64xf32, #tpu.memory_space<vmem>> -> memref<1x64xf32, #tpu.memory_space<vmem>>
      %dma_start3A_193 = arith.constant 0 : i32
      %dma_start3A_194 = tpu.memref_slice %arg5[%squeeze3A_182, %dma_start3A_193] : memref<1000000x64xf32, #tpu.memory_space<hbm>> -> memref<1x64xf32, #tpu.memory_space<hbm>>
      tpu.enqueue_dma source(%dma_start3A_194 : memref<1x64xf32, #tpu.memory_space<hbm>>) target(%dma_start3A_192 : memref<1x64xf32, #tpu.memory_space<vmem>>) target_semaphore(%arg15 : memref<!tpu.dma_semaphore, #tpu.memory_space<semaphore_mem>>)
      %add3A_195 = arith.constant 2 : i32
      %add3A_196 = arith.addi %mul3A_134, %add3A_195 : i32
      %dma_start3A_197 = arith.constant 0 : i32
      %dma_start3A_198 = tpu.memref_slice %arg11[%add3A_196, %dma_start3A_197] : memref<128x64xf32, #tpu.memory_space<vmem>> -> memref<1x64xf32, #tpu.memory_space<vmem>>
      %dma_start3A_199 = arith.constant 0 : i32
      %dma_start3A_200 = tpu.memref_slice %arg5[%squeeze3A_184, %dma_start3A_199] : memref<1000000x64xf32, #tpu.memory_space<hbm>> -> memref<1x64xf32, #tpu.memory_space<hbm>>
      %dma_start3A_201 = arith.constant 0 : i32
      %dma_start3A_202 = tpu.memref_slice %arg11[%add3A_196, %dma_start3A_201] : memref<128x64xf32, #tpu.memory_space<vmem>> -> memref<1x64xf32, #tpu.memory_space<vmem>>
      %dma_start3A_203 = arith.constant 0 : i32
      %dma_start3A_204 = tpu.memref_slice %arg5[%squeeze3A_184, %dma_start3A_203] : memref<1000000x64xf32, #tpu.memory_space<hbm>> -> memref<1x64xf32, #tpu.memory_space<hbm>>
      tpu.enqueue_dma source(%dma_start3A_204 : memref<1x64xf32, #tpu.memory_space<hbm>>) target(%dma_start3A_202 : memref<1x64xf32, #tpu.memory_space<vmem>>) target_semaphore(%arg15 : memref<!tpu.dma_semaphore, #tpu.memory_space<semaphore_mem>>)
      %slice3A_205 = vector.extract_strided_slice %get3A_126 {offsets = [3], sizes = [1], strides = [1]} : vector<16xi32> to vector<1xi32>
      %squeeze3A_206 = vector.extract %slice3A_205[0] : i32 from vector<1xi32>
      %slice3A_207 = vector.extract_strided_slice %get3A_132 {offsets = [3], sizes = [1], strides = [1]} : vector<16xi32> to vector<1xi32>
      %squeeze3A_208 = vector.extract %slice3A_207[0] : i32 from vector<1xi32>
      %add3A_209 = arith.constant 3 : i32
      %add3A_210 = arith.addi %mul3A_134, %add3A_209 : i32
      %dma_start3A_211 = arith.constant 0 : i32
      %dma_start3A_212 = tpu.memref_slice %arg10[%add3A_210, %dma_start3A_211] : memref<128x64xf32, #tpu.memory_space<vmem>> -> memref<1x64xf32, #tpu.memory_space<vmem>>
      %dma_start3A_213 = arith.constant 0 : i32
      %dma_start3A_214 = tpu.memref_slice %arg5[%squeeze3A_206, %dma_start3A_213] : memref<1000000x64xf32, #tpu.memory_space<hbm>> -> memref<1x64xf32, #tpu.memory_space<hbm>>
      %dma_start3A_215 = arith.constant 0 : i32
      %dma_start3A_216 = tpu.memref_slice %arg10[%add3A_210, %dma_start3A_215] : memref<128x64xf32, #tpu.memory_space<vmem>> -> memref<1x64xf32, #tpu.memory_space<vmem>>
      %dma_start3A_217 = arith.constant 0 : i32
      %dma_start3A_218 = tpu.memref_slice %arg5[%squeeze3A_206, %dma_start3A_217] : memref<1000000x64xf32, #tpu.memory_space<hbm>> -> memref<1x64xf32, #tpu.memory_space<hbm>>
      tpu.enqueue_dma source(%dma_start3A_218 : memref<1x64xf32, #tpu.memory_space<hbm>>) target(%dma_start3A_216 : memref<1x64xf32, #tpu.memory_space<vmem>>) target_semaphore(%arg15 : memref<!tpu.dma_semaphore, #tpu.memory_space<semaphore_mem>>)
      %add3A_219 = arith.constant 3 : i32
      %add3A_220 = arith.addi %mul3A_134, %add3A_219 : i32
      %dma_start3A_221 = arith.constant 0 : i32
      %dma_start3A_222 = tpu.memref_slice %arg11[%add3A_220, %dma_start3A_221] : memref<128x64xf32, #tpu.memory_space<vmem>> -> memref<1x64xf32, #tpu.memory_space<vmem>>
      %dma_start3A_223 = arith.constant 0 : i32
      %dma_start3A_224 = tpu.memref_slice %arg5[%squeeze3A_208, %dma_start3A_223] : memref<1000000x64xf32, #tpu.memory_space<hbm>> -> memref<1x64xf32, #tpu.memory_space<hbm>>
      %dma_start3A_225 = arith.constant 0 : i32
      %dma_start3A_226 = tpu.memref_slice %arg11[%add3A_220, %dma_start3A_225] : memref<128x64xf32, #tpu.memory_space<vmem>> -> memref<1x64xf32, #tpu.memory_space<vmem>>
      %dma_start3A_227 = arith.constant 0 : i32
      %dma_start3A_228 = tpu.memref_slice %arg5[%squeeze3A_208, %dma_start3A_227] : memref<1000000x64xf32, #tpu.memory_space<hbm>> -> memref<1x64xf32, #tpu.memory_space<hbm>>
      tpu.enqueue_dma source(%dma_start3A_228 : memref<1x64xf32, #tpu.memory_space<hbm>>) target(%dma_start3A_226 : memref<1x64xf32, #tpu.memory_space<vmem>>) target_semaphore(%arg15 : memref<!tpu.dma_semaphore, #tpu.memory_space<semaphore_mem>>)
      %slice3A_229 = vector.extract_strided_slice %get3A_126 {offsets = [4], sizes = [1], strides = [1]} : vector<16xi32> to vector<1xi32>
      %squeeze3A_230 = vector.extract %slice3A_229[0] : i32 from vector<1xi32>
      %slice3A_231 = vector.extract_strided_slice %get3A_132 {offsets = [4], sizes = [1], strides = [1]} : vector<16xi32> to vector<1xi32>
      %squeeze3A_232 = vector.extract %slice3A_231[0] : i32 from vector<1xi32>
      %add3A_233 = arith.constant 4 : i32
      %add3A_234 = arith.addi %mul3A_134, %add3A_233 : i32
      %dma_start3A_235 = arith.constant 0 : i32
      %dma_start3A_236 = tpu.memref_slice %arg10[%add3A_234, %dma_start3A_235] : memref<128x64xf32, #tpu.memory_space<vmem>> -> memref<1x64xf32, #tpu.memory_space<vmem>>
      %dma_start3A_237 = arith.constant 0 : i32
      %dma_start3A_238 = tpu.memref_slice %arg5[%squeeze3A_230, %dma_start3A_237] : memref<1000000x64xf32, #tpu.memory_space<hbm>> -> memref<1x64xf32, #tpu.memory_space<hbm>>
      %dma_start3A_239 = arith.constant 0 : i32
      %dma_start3A_240 = tpu.memref_slice %arg10[%add3A_234, %dma_start3A_239] : memref<128x64xf32, #tpu.memory_space<vmem>> -> memref<1x64xf32, #tpu.memory_space<vmem>>
      %dma_start3A_241 = arith.constant 0 : i32
      %dma_start3A_242 = tpu.memref_slice %arg5[%squeeze3A_230, %dma_start3A_241] : memref<1000000x64xf32, #tpu.memory_space<hbm>> -> memref<1x64xf32, #tpu.memory_space<hbm>>
      tpu.enqueue_dma source(%dma_start3A_242 : memref<1x64xf32, #tpu.memory_space<hbm>>) target(%dma_start3A_240 : memref<1x64xf32, #tpu.memory_space<vmem>>) target_semaphore(%arg15 : memref<!tpu.dma_semaphore, #tpu.memory_space<semaphore_mem>>)
      %add3A_243 = arith.constant 4 : i32
      %add3A_244 = arith.addi %mul3A_134, %add3A_243 : i32
      %dma_start3A_245 = arith.constant 0 : i32
      %dma_start3A_246 = tpu.memref_slice %arg11[%add3A_244, %dma_start3A_245] : memref<128x64xf32, #tpu.memory_space<vmem>> -> memref<1x64xf32, #tpu.memory_space<vmem>>
      %dma_start3A_247 = arith.constant 0 : i32
      %dma_start3A_248 = tpu.memref_slice %arg5[%squeeze3A_232, %dma_start3A_247] : memref<1000000x64xf32, #tpu.memory_space<hbm>> -> memref<1x64xf32, #tpu.memory_space<hbm>>
      %dma_start3A_249 = arith.constant 0 : i32
      %dma_start3A_250 = tpu.memref_slice %arg11[%add3A_244, %dma_start3A_249] : memref<128x64xf32, #tpu.memory_space<vmem>> -> memref<1x64xf32, #tpu.memory_space<vmem>>
      %dma_start3A_251 = arith.constant 0 : i32
      %dma_start3A_252 = tpu.memref_slice %arg5[%squeeze3A_232, %dma_start3A_251] : memref<1000000x64xf32, #tpu.memory_space<hbm>> -> memref<1x64xf32, #tpu.memory_space<hbm>>
      tpu.enqueue_dma source(%dma_start3A_252 : memref<1x64xf32, #tpu.memory_space<hbm>>) target(%dma_start3A_250 : memref<1x64xf32, #tpu.memory_space<vmem>>) target_semaphore(%arg15 : memref<!tpu.dma_semaphore, #tpu.memory_space<semaphore_mem>>)
      %slice3A_253 = vector.extract_strided_slice %get3A_126 {offsets = [5], sizes = [1], strides = [1]} : vector<16xi32> to vector<1xi32>
      %squeeze3A_254 = vector.extract %slice3A_253[0] : i32 from vector<1xi32>
      %slice3A_255 = vector.extract_strided_slice %get3A_132 {offsets = [5], sizes = [1], strides = [1]} : vector<16xi32> to vector<1xi32>
      %squeeze3A_256 = vector.extract %slice3A_255[0] : i32 from vector<1xi32>
      %add3A_257 = arith.constant 5 : i32
      %add3A_258 = arith.addi %mul3A_134, %add3A_257 : i32
      %dma_start3A_259 = arith.constant 0 : i32
      %dma_start3A_260 = tpu.memref_slice %arg10[%add3A_258, %dma_start3A_259] : memref<128x64xf32, #tpu.memory_space<vmem>> -> memref<1x64xf32, #tpu.memory_space<vmem>>
      %dma_start3A_261 = arith.constant 0 : i32
      %dma_start3A_262 = tpu.memref_slice %arg5[%squeeze3A_254, %dma_start3A_261] : memref<1000000x64xf32, #tpu.memory_space<hbm>> -> memref<1x64xf32, #tpu.memory_space<hbm>>
      %dma_start3A_263 = arith.constant 0 : i32
      %dma_start3A_264 = tpu.memref_slice %arg10[%add3A_258, %dma_start3A_263] : memref<128x64xf32, #tpu.memory_space<vmem>> -> memref<1x64xf32, #tpu.memory_space<vmem>>
      %dma_start3A_265 = arith.constant 0 : i32
      %dma_start3A_266 = tpu.memref_slice %arg5[%squeeze3A_254, %dma_start3A_265] : memref<1000000x64xf32, #tpu.memory_space<hbm>> -> memref<1x64xf32, #tpu.memory_space<hbm>>
      tpu.enqueue_dma source(%dma_start3A_266 : memref<1x64xf32, #tpu.memory_space<hbm>>) target(%dma_start3A_264 : memref<1x64xf32, #tpu.memory_space<vmem>>) target_semaphore(%arg15 : memref<!tpu.dma_semaphore, #tpu.memory_space<semaphore_mem>>)
      %add3A_267 = arith.constant 5 : i32
      %add3A_268 = arith.addi %mul3A_134, %add3A_267 : i32
      %dma_start3A_269 = arith.constant 0 : i32
      %dma_start3A_270 = tpu.memref_slice %arg11[%add3A_268, %dma_start3A_269] : memref<128x64xf32, #tpu.memory_space<vmem>> -> memref<1x64xf32, #tpu.memory_space<vmem>>
      %dma_start3A_271 = arith.constant 0 : i32
      %dma_start3A_272 = tpu.memref_slice %arg5[%squeeze3A_256, %dma_start3A_271] : memref<1000000x64xf32, #tpu.memory_space<hbm>> -> memref<1x64xf32, #tpu.memory_space<hbm>>
      %dma_start3A_273 = arith.constant 0 : i32
      %dma_start3A_274 = tpu.memref_slice %arg11[%add3A_268, %dma_start3A_273] : memref<128x64xf32, #tpu.memory_space<vmem>> -> memref<1x64xf32, #tpu.memory_space<vmem>>
      %dma_start3A_275 = arith.constant 0 : i32
      %dma_start3A_276 = tpu.memref_slice %arg5[%squeeze3A_256, %dma_start3A_275] : memref<1000000x64xf32, #tpu.memory_space<hbm>> -> memref<1x64xf32, #tpu.memory_space<hbm>>
      tpu.enqueue_dma source(%dma_start3A_276 : memref<1x64xf32, #tpu.memory_space<hbm>>) target(%dma_start3A_274 : memref<1x64xf32, #tpu.memory_space<vmem>>) target_semaphore(%arg15 : memref<!tpu.dma_semaphore, #tpu.memory_space<semaphore_mem>>)
      %slice3A_277 = vector.extract_strided_slice %get3A_126 {offsets = [6], sizes = [1], strides = [1]} : vector<16xi32> to vector<1xi32>
      %squeeze3A_278 = vector.extract %slice3A_277[0] : i32 from vector<1xi32>
      %slice3A_279 = vector.extract_strided_slice %get3A_132 {offsets = [6], sizes = [1], strides = [1]} : vector<16xi32> to vector<1xi32>
      %squeeze3A_280 = vector.extract %slice3A_279[0] : i32 from vector<1xi32>
      %add3A_281 = arith.constant 6 : i32
      %add3A_282 = arith.addi %mul3A_134, %add3A_281 : i32
      %dma_start3A_283 = arith.constant 0 : i32
      %dma_start3A_284 = tpu.memref_slice %arg10[%add3A_282, %dma_start3A_283] : memref<128x64xf32, #tpu.memory_space<vmem>> -> memref<1x64xf32, #tpu.memory_space<vmem>>
      %dma_start3A_285 = arith.constant 0 : i32
      %dma_start3A_286 = tpu.memref_slice %arg5[%squeeze3A_278, %dma_start3A_285] : memref<1000000x64xf32, #tpu.memory_space<hbm>> -> memref<1x64xf32, #tpu.memory_space<hbm>>
      %dma_start3A_287 = arith.constant 0 : i32
      %dma_start3A_288 = tpu.memref_slice %arg10[%add3A_282, %dma_start3A_287] : memref<128x64xf32, #tpu.memory_space<vmem>> -> memref<1x64xf32, #tpu.memory_space<vmem>>
      %dma_start3A_289 = arith.constant 0 : i32
      %dma_start3A_290 = tpu.memref_slice %arg5[%squeeze3A_278, %dma_start3A_289] : memref<1000000x64xf32, #tpu.memory_space<hbm>> -> memref<1x64xf32, #tpu.memory_space<hbm>>
      tpu.enqueue_dma source(%dma_start3A_290 : memref<1x64xf32, #tpu.memory_space<hbm>>) target(%dma_start3A_288 : memref<1x64xf32, #tpu.memory_space<vmem>>) target_semaphore(%arg15 : memref<!tpu.dma_semaphore, #tpu.memory_space<semaphore_mem>>)
      %add3A_291 = arith.constant 6 : i32
      %add3A_292 = arith.addi %mul3A_134, %add3A_291 : i32
      %dma_start3A_293 = arith.constant 0 : i32
      %dma_start3A_294 = tpu.memref_slice %arg11[%add3A_292, %dma_start3A_293] : memref<128x64xf32, #tpu.memory_space<vmem>> -> memref<1x64xf32, #tpu.memory_space<vmem>>
      %dma_start3A_295 = arith.constant 0 : i32
      %dma_start3A_296 = tpu.memref_slice %arg5[%squeeze3A_280, %dma_start3A_295] : memref<1000000x64xf32, #tpu.memory_space<hbm>> -> memref<1x64xf32, #tpu.memory_space<hbm>>
      %dma_start3A_297 = arith.constant 0 : i32
      %dma_start3A_298 = tpu.memref_slice %arg11[%add3A_292, %dma_start3A_297] : memref<128x64xf32, #tpu.memory_space<vmem>> -> memref<1x64xf32, #tpu.memory_space<vmem>>
      %dma_start3A_299 = arith.constant 0 : i32
      %dma_start3A_300 = tpu.memref_slice %arg5[%squeeze3A_280, %dma_start3A_299] : memref<1000000x64xf32, #tpu.memory_space<hbm>> -> memref<1x64xf32, #tpu.memory_space<hbm>>
      tpu.enqueue_dma source(%dma_start3A_300 : memref<1x64xf32, #tpu.memory_space<hbm>>) target(%dma_start3A_298 : memref<1x64xf32, #tpu.memory_space<vmem>>) target_semaphore(%arg15 : memref<!tpu.dma_semaphore, #tpu.memory_space<semaphore_mem>>)
      %slice3A_301 = vector.extract_strided_slice %get3A_126 {offsets = [7], sizes = [1], strides = [1]} : vector<16xi32> to vector<1xi32>
      %squeeze3A_302 = vector.extract %slice3A_301[0] : i32 from vector<1xi32>
      %slice3A_303 = vector.extract_strided_slice %get3A_132 {offsets = [7], sizes = [1], strides = [1]} : vector<16xi32> to vector<1xi32>
      %squeeze3A_304 = vector.extract %slice3A_303[0] : i32 from vector<1xi32>
      %add3A_305 = arith.constant 7 : i32
      %add3A_306 = arith.addi %mul3A_134, %add3A_305 : i32
      %dma_start3A_307 = arith.constant 0 : i32
      %dma_start3A_308 = tpu.memref_slice %arg10[%add3A_306, %dma_start3A_307] : memref<128x64xf32, #tpu.memory_space<vmem>> -> memref<1x64xf32, #tpu.memory_space<vmem>>
      %dma_start3A_309 = arith.constant 0 : i32
      %dma_start3A_310 = tpu.memref_slice %arg5[%squeeze3A_302, %dma_start3A_309] : memref<1000000x64xf32, #tpu.memory_space<hbm>> -> memref<1x64xf32, #tpu.memory_space<hbm>>
      %dma_start3A_311 = arith.constant 0 : i32
      %dma_start3A_312 = tpu.memref_slice %arg10[%add3A_306, %dma_start3A_311] : memref<128x64xf32, #tpu.memory_space<vmem>> -> memref<1x64xf32, #tpu.memory_space<vmem>>
      %dma_start3A_313 = arith.constant 0 : i32
      %dma_start3A_314 = tpu.memref_slice %arg5[%squeeze3A_302, %dma_start3A_313] : memref<1000000x64xf32, #tpu.memory_space<hbm>> -> memref<1x64xf32, #tpu.memory_space<hbm>>
      tpu.enqueue_dma source(%dma_start3A_314 : memref<1x64xf32, #tpu.memory_space<hbm>>) target(%dma_start3A_312 : memref<1x64xf32, #tpu.memory_space<vmem>>) target_semaphore(%arg15 : memref<!tpu.dma_semaphore, #tpu.memory_space<semaphore_mem>>)
      %add3A_315 = arith.constant 7 : i32
      %add3A_316 = arith.addi %mul3A_134, %add3A_315 : i32
      %dma_start3A_317 = arith.constant 0 : i32
      %dma_start3A_318 = tpu.memref_slice %arg11[%add3A_316, %dma_start3A_317] : memref<128x64xf32, #tpu.memory_space<vmem>> -> memref<1x64xf32, #tpu.memory_space<vmem>>
      %dma_start3A_319 = arith.constant 0 : i32
      %dma_start3A_320 = tpu.memref_slice %arg5[%squeeze3A_304, %dma_start3A_319] : memref<1000000x64xf32, #tpu.memory_space<hbm>> -> memref<1x64xf32, #tpu.memory_space<hbm>>
      %dma_start3A_321 = arith.constant 0 : i32
      %dma_start3A_322 = tpu.memref_slice %arg11[%add3A_316, %dma_start3A_321] : memref<128x64xf32, #tpu.memory_space<vmem>> -> memref<1x64xf32, #tpu.memory_space<vmem>>
      %dma_start3A_323 = arith.constant 0 : i32
      %dma_start3A_324 = tpu.memref_slice %arg5[%squeeze3A_304, %dma_start3A_323] : memref<1000000x64xf32, #tpu.memory_space<hbm>> -> memref<1x64xf32, #tpu.memory_space<hbm>>
      tpu.enqueue_dma source(%dma_start3A_324 : memref<1x64xf32, #tpu.memory_space<hbm>>) target(%dma_start3A_322 : memref<1x64xf32, #tpu.memory_space<vmem>>) target_semaphore(%arg15 : memref<!tpu.dma_semaphore, #tpu.memory_space<semaphore_mem>>)
      %slice3A_325 = vector.extract_strided_slice %get3A_126 {offsets = [8], sizes = [1], strides = [1]} : vector<16xi32> to vector<1xi32>
      %squeeze3A_326 = vector.extract %slice3A_325[0] : i32 from vector<1xi32>
      %slice3A_327 = vector.extract_strided_slice %get3A_132 {offsets = [8], sizes = [1], strides = [1]} : vector<16xi32> to vector<1xi32>
      %squeeze3A_328 = vector.extract %slice3A_327[0] : i32 from vector<1xi32>
      %add3A_329 = arith.constant 8 : i32
      %add3A_330 = arith.addi %mul3A_134, %add3A_329 : i32
      %dma_start3A_331 = arith.constant 0 : i32
      %dma_start3A_332 = tpu.memref_slice %arg10[%add3A_330, %dma_start3A_331] : memref<128x64xf32, #tpu.memory_space<vmem>> -> memref<1x64xf32, #tpu.memory_space<vmem>>
      %dma_start3A_333 = arith.constant 0 : i32
      %dma_start3A_334 = tpu.memref_slice %arg5[%squeeze3A_326, %dma_start3A_333] : memref<1000000x64xf32, #tpu.memory_space<hbm>> -> memref<1x64xf32, #tpu.memory_space<hbm>>
      %dma_start3A_335 = arith.constant 0 : i32
      %dma_start3A_336 = tpu.memref_slice %arg10[%add3A_330, %dma_start3A_335] : memref<128x64xf32, #tpu.memory_space<vmem>> -> memref<1x64xf32, #tpu.memory_space<vmem>>
      %dma_start3A_337 = arith.constant 0 : i32
      %dma_start3A_338 = tpu.memref_slice %arg5[%squeeze3A_326, %dma_start3A_337] : memref<1000000x64xf32, #tpu.memory_space<hbm>> -> memref<1x64xf32, #tpu.memory_space<hbm>>
      tpu.enqueue_dma source(%dma_start3A_338 : memref<1x64xf32, #tpu.memory_space<hbm>>) target(%dma_start3A_336 : memref<1x64xf32, #tpu.memory_space<vmem>>) target_semaphore(%arg15 : memref<!tpu.dma_semaphore, #tpu.memory_space<semaphore_mem>>)
      %add3A_339 = arith.constant 8 : i32
      %add3A_340 = arith.addi %mul3A_134, %add3A_339 : i32
      %dma_start3A_341 = arith.constant 0 : i32
      %dma_start3A_342 = tpu.memref_slice %arg11[%add3A_340, %dma_start3A_341] : memref<128x64xf32, #tpu.memory_space<vmem>> -> memref<1x64xf32, #tpu.memory_space<vmem>>
      %dma_start3A_343 = arith.constant 0 : i32
      %dma_start3A_344 = tpu.memref_slice %arg5[%squeeze3A_328, %dma_start3A_343] : memref<1000000x64xf32, #tpu.memory_space<hbm>> -> memref<1x64xf32, #tpu.memory_space<hbm>>
      %dma_start3A_345 = arith.constant 0 : i32
      %dma_start3A_346 = tpu.memref_slice %arg11[%add3A_340, %dma_start3A_345] : memref<128x64xf32, #tpu.memory_space<vmem>> -> memref<1x64xf32, #tpu.memory_space<vmem>>
      %dma_start3A_347 = arith.constant 0 : i32
      %dma_start3A_348 = tpu.memref_slice %arg5[%squeeze3A_328, %dma_start3A_347] : memref<1000000x64xf32, #tpu.memory_space<hbm>> -> memref<1x64xf32, #tpu.memory_space<hbm>>
      tpu.enqueue_dma source(%dma_start3A_348 : memref<1x64xf32, #tpu.memory_space<hbm>>) target(%dma_start3A_346 : memref<1x64xf32, #tpu.memory_space<vmem>>) target_semaphore(%arg15 : memref<!tpu.dma_semaphore, #tpu.memory_space<semaphore_mem>>)
      %slice3A_349 = vector.extract_strided_slice %get3A_126 {offsets = [9], sizes = [1], strides = [1]} : vector<16xi32> to vector<1xi32>
      %squeeze3A_350 = vector.extract %slice3A_349[0] : i32 from vector<1xi32>
      %slice3A_351 = vector.extract_strided_slice %get3A_132 {offsets = [9], sizes = [1], strides = [1]} : vector<16xi32> to vector<1xi32>
      %squeeze3A_352 = vector.extract %slice3A_351[0] : i32 from vector<1xi32>
      %add3A_353 = arith.constant 9 : i32
      %add3A_354 = arith.addi %mul3A_134, %add3A_353 : i32
      %dma_start3A_355 = arith.constant 0 : i32
      %dma_start3A_356 = tpu.memref_slice %arg10[%add3A_354, %dma_start3A_355] : memref<128x64xf32, #tpu.memory_space<vmem>> -> memref<1x64xf32, #tpu.memory_space<vmem>>
      %dma_start3A_357 = arith.constant 0 : i32
      %dma_start3A_358 = tpu.memref_slice %arg5[%squeeze3A_350, %dma_start3A_357] : memref<1000000x64xf32, #tpu.memory_space<hbm>> -> memref<1x64xf32, #tpu.memory_space<hbm>>
      %dma_start3A_359 = arith.constant 0 : i32
      %dma_start3A_360 = tpu.memref_slice %arg10[%add3A_354, %dma_start3A_359] : memref<128x64xf32, #tpu.memory_space<vmem>> -> memref<1x64xf32, #tpu.memory_space<vmem>>
      %dma_start3A_361 = arith.constant 0 : i32
      %dma_start3A_362 = tpu.memref_slice %arg5[%squeeze3A_350, %dma_start3A_361] : memref<1000000x64xf32, #tpu.memory_space<hbm>> -> memref<1x64xf32, #tpu.memory_space<hbm>>
      tpu.enqueue_dma source(%dma_start3A_362 : memref<1x64xf32, #tpu.memory_space<hbm>>) target(%dma_start3A_360 : memref<1x64xf32, #tpu.memory_space<vmem>>) target_semaphore(%arg15 : memref<!tpu.dma_semaphore, #tpu.memory_space<semaphore_mem>>)
      %add3A_363 = arith.constant 9 : i32
      %add3A_364 = arith.addi %mul3A_134, %add3A_363 : i32
      %dma_start3A_365 = arith.constant 0 : i32
      %dma_start3A_366 = tpu.memref_slice %arg11[%add3A_364, %dma_start3A_365] : memref<128x64xf32, #tpu.memory_space<vmem>> -> memref<1x64xf32, #tpu.memory_space<vmem>>
      %dma_start3A_367 = arith.constant 0 : i32
      %dma_start3A_368 = tpu.memref_slice %arg5[%squeeze3A_352, %dma_start3A_367] : memref<1000000x64xf32, #tpu.memory_space<hbm>> -> memref<1x64xf32, #tpu.memory_space<hbm>>
      %dma_start3A_369 = arith.constant 0 : i32
      %dma_start3A_370 = tpu.memref_slice %arg11[%add3A_364, %dma_start3A_369] : memref<128x64xf32, #tpu.memory_space<vmem>> -> memref<1x64xf32, #tpu.memory_space<vmem>>
      %dma_start3A_371 = arith.constant 0 : i32
      %dma_start3A_372 = tpu.memref_slice %arg5[%squeeze3A_352, %dma_start3A_371] : memref<1000000x64xf32, #tpu.memory_space<hbm>> -> memref<1x64xf32, #tpu.memory_space<hbm>>
      tpu.enqueue_dma source(%dma_start3A_372 : memref<1x64xf32, #tpu.memory_space<hbm>>) target(%dma_start3A_370 : memref<1x64xf32, #tpu.memory_space<vmem>>) target_semaphore(%arg15 : memref<!tpu.dma_semaphore, #tpu.memory_space<semaphore_mem>>)
      %slice3A_373 = vector.extract_strided_slice %get3A_126 {offsets = [10], sizes = [1], strides = [1]} : vector<16xi32> to vector<1xi32>
      %squeeze3A_374 = vector.extract %slice3A_373[0] : i32 from vector<1xi32>
      %slice3A_375 = vector.extract_strided_slice %get3A_132 {offsets = [10], sizes = [1], strides = [1]} : vector<16xi32> to vector<1xi32>
      %squeeze3A_376 = vector.extract %slice3A_375[0] : i32 from vector<1xi32>
      %add3A_377 = arith.constant 10 : i32
      %add3A_378 = arith.addi %mul3A_134, %add3A_377 : i32
      %dma_start3A_379 = arith.constant 0 : i32
      %dma_start3A_380 = tpu.memref_slice %arg10[%add3A_378, %dma_start3A_379] : memref<128x64xf32, #tpu.memory_space<vmem>> -> memref<1x64xf32, #tpu.memory_space<vmem>>
      %dma_start3A_381 = arith.constant 0 : i32
      %dma_start3A_382 = tpu.memref_slice %arg5[%squeeze3A_374, %dma_start3A_381] : memref<1000000x64xf32, #tpu.memory_space<hbm>> -> memref<1x64xf32, #tpu.memory_space<hbm>>
      %dma_start3A_383 = arith.constant 0 : i32
      %dma_start3A_384 = tpu.memref_slice %arg10[%add3A_378, %dma_start3A_383] : memref<128x64xf32, #tpu.memory_space<vmem>> -> memref<1x64xf32, #tpu.memory_space<vmem>>
      %dma_start3A_385 = arith.constant 0 : i32
      %dma_start3A_386 = tpu.memref_slice %arg5[%squeeze3A_374, %dma_start3A_385] : memref<1000000x64xf32, #tpu.memory_space<hbm>> -> memref<1x64xf32, #tpu.memory_space<hbm>>
      tpu.enqueue_dma source(%dma_start3A_386 : memref<1x64xf32, #tpu.memory_space<hbm>>) target(%dma_start3A_384 : memref<1x64xf32, #tpu.memory_space<vmem>>) target_semaphore(%arg15 : memref<!tpu.dma_semaphore, #tpu.memory_space<semaphore_mem>>)
      %add3A_387 = arith.constant 10 : i32
      %add3A_388 = arith.addi %mul3A_134, %add3A_387 : i32
      %dma_start3A_389 = arith.constant 0 : i32
      %dma_start3A_390 = tpu.memref_slice %arg11[%add3A_388, %dma_start3A_389] : memref<128x64xf32, #tpu.memory_space<vmem>> -> memref<1x64xf32, #tpu.memory_space<vmem>>
      %dma_start3A_391 = arith.constant 0 : i32
      %dma_start3A_392 = tpu.memref_slice %arg5[%squeeze3A_376, %dma_start3A_391] : memref<1000000x64xf32, #tpu.memory_space<hbm>> -> memref<1x64xf32, #tpu.memory_space<hbm>>
      %dma_start3A_393 = arith.constant 0 : i32
      %dma_start3A_394 = tpu.memref_slice %arg11[%add3A_388, %dma_start3A_393] : memref<128x64xf32, #tpu.memory_space<vmem>> -> memref<1x64xf32, #tpu.memory_space<vmem>>
      %dma_start3A_395 = arith.constant 0 : i32
      %dma_start3A_396 = tpu.memref_slice %arg5[%squeeze3A_376, %dma_start3A_395] : memref<1000000x64xf32, #tpu.memory_space<hbm>> -> memref<1x64xf32, #tpu.memory_space<hbm>>
      tpu.enqueue_dma source(%dma_start3A_396 : memref<1x64xf32, #tpu.memory_space<hbm>>) target(%dma_start3A_394 : memref<1x64xf32, #tpu.memory_space<vmem>>) target_semaphore(%arg15 : memref<!tpu.dma_semaphore, #tpu.memory_space<semaphore_mem>>)
      %slice3A_397 = vector.extract_strided_slice %get3A_126 {offsets = [11], sizes = [1], strides = [1]} : vector<16xi32> to vector<1xi32>
      %squeeze3A_398 = vector.extract %slice3A_397[0] : i32 from vector<1xi32>
      %slice3A_399 = vector.extract_strided_slice %get3A_132 {offsets = [11], sizes = [1], strides = [1]} : vector<16xi32> to vector<1xi32>
      %squeeze3A_400 = vector.extract %slice3A_399[0] : i32 from vector<1xi32>
      %add3A_401 = arith.constant 11 : i32
      %add3A_402 = arith.addi %mul3A_134, %add3A_401 : i32
      %dma_start3A_403 = arith.constant 0 : i32
      %dma_start3A_404 = tpu.memref_slice %arg10[%add3A_402, %dma_start3A_403] : memref<128x64xf32, #tpu.memory_space<vmem>> -> memref<1x64xf32, #tpu.memory_space<vmem>>
      %dma_start3A_405 = arith.constant 0 : i32
      %dma_start3A_406 = tpu.memref_slice %arg5[%squeeze3A_398, %dma_start3A_405] : memref<1000000x64xf32, #tpu.memory_space<hbm>> -> memref<1x64xf32, #tpu.memory_space<hbm>>
      %dma_start3A_407 = arith.constant 0 : i32
      %dma_start3A_408 = tpu.memref_slice %arg10[%add3A_402, %dma_start3A_407] : memref<128x64xf32, #tpu.memory_space<vmem>> -> memref<1x64xf32, #tpu.memory_space<vmem>>
      %dma_start3A_409 = arith.constant 0 : i32
      %dma_start3A_410 = tpu.memref_slice %arg5[%squeeze3A_398, %dma_start3A_409] : memref<1000000x64xf32, #tpu.memory_space<hbm>> -> memref<1x64xf32, #tpu.memory_space<hbm>>
      tpu.enqueue_dma source(%dma_start3A_410 : memref<1x64xf32, #tpu.memory_space<hbm>>) target(%dma_start3A_408 : memref<1x64xf32, #tpu.memory_space<vmem>>) target_semaphore(%arg15 : memref<!tpu.dma_semaphore, #tpu.memory_space<semaphore_mem>>)
      %add3A_411 = arith.constant 11 : i32
      %add3A_412 = arith.addi %mul3A_134, %add3A_411 : i32
      %dma_start3A_413 = arith.constant 0 : i32
      %dma_start3A_414 = tpu.memref_slice %arg11[%add3A_412, %dma_start3A_413] : memref<128x64xf32, #tpu.memory_space<vmem>> -> memref<1x64xf32, #tpu.memory_space<vmem>>
      %dma_start3A_415 = arith.constant 0 : i32
      %dma_start3A_416 = tpu.memref_slice %arg5[%squeeze3A_400, %dma_start3A_415] : memref<1000000x64xf32, #tpu.memory_space<hbm>> -> memref<1x64xf32, #tpu.memory_space<hbm>>
      %dma_start3A_417 = arith.constant 0 : i32
      %dma_start3A_418 = tpu.memref_slice %arg11[%add3A_412, %dma_start3A_417] : memref<128x64xf32, #tpu.memory_space<vmem>> -> memref<1x64xf32, #tpu.memory_space<vmem>>
      %dma_start3A_419 = arith.constant 0 : i32
      %dma_start3A_420 = tpu.memref_slice %arg5[%squeeze3A_400, %dma_start3A_419] : memref<1000000x64xf32, #tpu.memory_space<hbm>> -> memref<1x64xf32, #tpu.memory_space<hbm>>
      tpu.enqueue_dma source(%dma_start3A_420 : memref<1x64xf32, #tpu.memory_space<hbm>>) target(%dma_start3A_418 : memref<1x64xf32, #tpu.memory_space<vmem>>) target_semaphore(%arg15 : memref<!tpu.dma_semaphore, #tpu.memory_space<semaphore_mem>>)
      %slice3A_421 = vector.extract_strided_slice %get3A_126 {offsets = [12], sizes = [1], strides = [1]} : vector<16xi32> to vector<1xi32>
      %squeeze3A_422 = vector.extract %slice3A_421[0] : i32 from vector<1xi32>
      %slice3A_423 = vector.extract_strided_slice %get3A_132 {offsets = [12], sizes = [1], strides = [1]} : vector<16xi32> to vector<1xi32>
      %squeeze3A_424 = vector.extract %slice3A_423[0] : i32 from vector<1xi32>
      %add3A_425 = arith.constant 12 : i32
      %add3A_426 = arith.addi %mul3A_134, %add3A_425 : i32
      %dma_start3A_427 = arith.constant 0 : i32
      %dma_start3A_428 = tpu.memref_slice %arg10[%add3A_426, %dma_start3A_427] : memref<128x64xf32, #tpu.memory_space<vmem>> -> memref<1x64xf32, #tpu.memory_space<vmem>>
      %dma_start3A_429 = arith.constant 0 : i32
      %dma_start3A_430 = tpu.memref_slice %arg5[%squeeze3A_422, %dma_start3A_429] : memref<1000000x64xf32, #tpu.memory_space<hbm>> -> memref<1x64xf32, #tpu.memory_space<hbm>>
      %dma_start3A_431 = arith.constant 0 : i32
      %dma_start3A_432 = tpu.memref_slice %arg10[%add3A_426, %dma_start3A_431] : memref<128x64xf32, #tpu.memory_space<vmem>> -> memref<1x64xf32, #tpu.memory_space<vmem>>
      %dma_start3A_433 = arith.constant 0 : i32
      %dma_start3A_434 = tpu.memref_slice %arg5[%squeeze3A_422, %dma_start3A_433] : memref<1000000x64xf32, #tpu.memory_space<hbm>> -> memref<1x64xf32, #tpu.memory_space<hbm>>
      tpu.enqueue_dma source(%dma_start3A_434 : memref<1x64xf32, #tpu.memory_space<hbm>>) target(%dma_start3A_432 : memref<1x64xf32, #tpu.memory_space<vmem>>) target_semaphore(%arg15 : memref<!tpu.dma_semaphore, #tpu.memory_space<semaphore_mem>>)
      %add3A_435 = arith.constant 12 : i32
      %add3A_436 = arith.addi %mul3A_134, %add3A_435 : i32
      %dma_start3A_437 = arith.constant 0 : i32
      %dma_start3A_438 = tpu.memref_slice %arg11[%add3A_436, %dma_start3A_437] : memref<128x64xf32, #tpu.memory_space<vmem>> -> memref<1x64xf32, #tpu.memory_space<vmem>>
      %dma_start3A_439 = arith.constant 0 : i32
      %dma_start3A_440 = tpu.memref_slice %arg5[%squeeze3A_424, %dma_start3A_439] : memref<1000000x64xf32, #tpu.memory_space<hbm>> -> memref<1x64xf32, #tpu.memory_space<hbm>>
      %dma_start3A_441 = arith.constant 0 : i32
      %dma_start3A_442 = tpu.memref_slice %arg11[%add3A_436, %dma_start3A_441] : memref<128x64xf32, #tpu.memory_space<vmem>> -> memref<1x64xf32, #tpu.memory_space<vmem>>
      %dma_start3A_443 = arith.constant 0 : i32
      %dma_start3A_444 = tpu.memref_slice %arg5[%squeeze3A_424, %dma_start3A_443] : memref<1000000x64xf32, #tpu.memory_space<hbm>> -> memref<1x64xf32, #tpu.memory_space<hbm>>
      tpu.enqueue_dma source(%dma_start3A_444 : memref<1x64xf32, #tpu.memory_space<hbm>>) target(%dma_start3A_442 : memref<1x64xf32, #tpu.memory_space<vmem>>) target_semaphore(%arg15 : memref<!tpu.dma_semaphore, #tpu.memory_space<semaphore_mem>>)
      %slice3A_445 = vector.extract_strided_slice %get3A_126 {offsets = [13], sizes = [1], strides = [1]} : vector<16xi32> to vector<1xi32>
      %squeeze3A_446 = vector.extract %slice3A_445[0] : i32 from vector<1xi32>
      %slice3A_447 = vector.extract_strided_slice %get3A_132 {offsets = [13], sizes = [1], strides = [1]} : vector<16xi32> to vector<1xi32>
      %squeeze3A_448 = vector.extract %slice3A_447[0] : i32 from vector<1xi32>
      %add3A_449 = arith.constant 13 : i32
      %add3A_450 = arith.addi %mul3A_134, %add3A_449 : i32
      %dma_start3A_451 = arith.constant 0 : i32
      %dma_start3A_452 = tpu.memref_slice %arg10[%add3A_450, %dma_start3A_451] : memref<128x64xf32, #tpu.memory_space<vmem>> -> memref<1x64xf32, #tpu.memory_space<vmem>>
      %dma_start3A_453 = arith.constant 0 : i32
      %dma_start3A_454 = tpu.memref_slice %arg5[%squeeze3A_446, %dma_start3A_453] : memref<1000000x64xf32, #tpu.memory_space<hbm>> -> memref<1x64xf32, #tpu.memory_space<hbm>>
      %dma_start3A_455 = arith.constant 0 : i32
      %dma_start3A_456 = tpu.memref_slice %arg10[%add3A_450, %dma_start3A_455] : memref<128x64xf32, #tpu.memory_space<vmem>> -> memref<1x64xf32, #tpu.memory_space<vmem>>
      %dma_start3A_457 = arith.constant 0 : i32
      %dma_start3A_458 = tpu.memref_slice %arg5[%squeeze3A_446, %dma_start3A_457] : memref<1000000x64xf32, #tpu.memory_space<hbm>> -> memref<1x64xf32, #tpu.memory_space<hbm>>
      tpu.enqueue_dma source(%dma_start3A_458 : memref<1x64xf32, #tpu.memory_space<hbm>>) target(%dma_start3A_456 : memref<1x64xf32, #tpu.memory_space<vmem>>) target_semaphore(%arg15 : memref<!tpu.dma_semaphore, #tpu.memory_space<semaphore_mem>>)
      %add3A_459 = arith.constant 13 : i32
      %add3A_460 = arith.addi %mul3A_134, %add3A_459 : i32
      %dma_start3A_461 = arith.constant 0 : i32
      %dma_start3A_462 = tpu.memref_slice %arg11[%add3A_460, %dma_start3A_461] : memref<128x64xf32, #tpu.memory_space<vmem>> -> memref<1x64xf32, #tpu.memory_space<vmem>>
      %dma_start3A_463 = arith.constant 0 : i32
      %dma_start3A_464 = tpu.memref_slice %arg5[%squeeze3A_448, %dma_start3A_463] : memref<1000000x64xf32, #tpu.memory_space<hbm>> -> memref<1x64xf32, #tpu.memory_space<hbm>>
      %dma_start3A_465 = arith.constant 0 : i32
      %dma_start3A_466 = tpu.memref_slice %arg11[%add3A_460, %dma_start3A_465] : memref<128x64xf32, #tpu.memory_space<vmem>> -> memref<1x64xf32, #tpu.memory_space<vmem>>
      %dma_start3A_467 = arith.constant 0 : i32
      %dma_start3A_468 = tpu.memref_slice %arg5[%squeeze3A_448, %dma_start3A_467] : memref<1000000x64xf32, #tpu.memory_space<hbm>> -> memref<1x64xf32, #tpu.memory_space<hbm>>
      tpu.enqueue_dma source(%dma_start3A_468 : memref<1x64xf32, #tpu.memory_space<hbm>>) target(%dma_start3A_466 : memref<1x64xf32, #tpu.memory_space<vmem>>) target_semaphore(%arg15 : memref<!tpu.dma_semaphore, #tpu.memory_space<semaphore_mem>>)
      %slice3A_469 = vector.extract_strided_slice %get3A_126 {offsets = [14], sizes = [1], strides = [1]} : vector<16xi32> to vector<1xi32>
      %squeeze3A_470 = vector.extract %slice3A_469[0] : i32 from vector<1xi32>
      %slice3A_471 = vector.extract_strided_slice %get3A_132 {offsets = [14], sizes = [1], strides = [1]} : vector<16xi32> to vector<1xi32>
      %squeeze3A_472 = vector.extract %slice3A_471[0] : i32 from vector<1xi32>
      %add3A_473 = arith.constant 14 : i32
      %add3A_474 = arith.addi %mul3A_134, %add3A_473 : i32
      %dma_start3A_475 = arith.constant 0 : i32
      %dma_start3A_476 = tpu.memref_slice %arg10[%add3A_474, %dma_start3A_475] : memref<128x64xf32, #tpu.memory_space<vmem>> -> memref<1x64xf32, #tpu.memory_space<vmem>>
      %dma_start3A_477 = arith.constant 0 : i32
      %dma_start3A_478 = tpu.memref_slice %arg5[%squeeze3A_470, %dma_start3A_477] : memref<1000000x64xf32, #tpu.memory_space<hbm>> -> memref<1x64xf32, #tpu.memory_space<hbm>>
      %dma_start3A_479 = arith.constant 0 : i32
      %dma_start3A_480 = tpu.memref_slice %arg10[%add3A_474, %dma_start3A_479] : memref<128x64xf32, #tpu.memory_space<vmem>> -> memref<1x64xf32, #tpu.memory_space<vmem>>
      %dma_start3A_481 = arith.constant 0 : i32
      %dma_start3A_482 = tpu.memref_slice %arg5[%squeeze3A_470, %dma_start3A_481] : memref<1000000x64xf32, #tpu.memory_space<hbm>> -> memref<1x64xf32, #tpu.memory_space<hbm>>
      tpu.enqueue_dma source(%dma_start3A_482 : memref<1x64xf32, #tpu.memory_space<hbm>>) target(%dma_start3A_480 : memref<1x64xf32, #tpu.memory_space<vmem>>) target_semaphore(%arg15 : memref<!tpu.dma_semaphore, #tpu.memory_space<semaphore_mem>>)
      %add3A_483 = arith.constant 14 : i32
      %add3A_484 = arith.addi %mul3A_134, %add3A_483 : i32
      %dma_start3A_485 = arith.constant 0 : i32
      %dma_start3A_486 = tpu.memref_slice %arg11[%add3A_484, %dma_start3A_485] : memref<128x64xf32, #tpu.memory_space<vmem>> -> memref<1x64xf32, #tpu.memory_space<vmem>>
      %dma_start3A_487 = arith.constant 0 : i32
      %dma_start3A_488 = tpu.memref_slice %arg5[%squeeze3A_472, %dma_start3A_487] : memref<1000000x64xf32, #tpu.memory_space<hbm>> -> memref<1x64xf32, #tpu.memory_space<hbm>>
      %dma_start3A_489 = arith.constant 0 : i32
      %dma_start3A_490 = tpu.memref_slice %arg11[%add3A_484, %dma_start3A_489] : memref<128x64xf32, #tpu.memory_space<vmem>> -> memref<1x64xf32, #tpu.memory_space<vmem>>
      %dma_start3A_491 = arith.constant 0 : i32
      %dma_start3A_492 = tpu.memref_slice %arg5[%squeeze3A_472, %dma_start3A_491] : memref<1000000x64xf32, #tpu.memory_space<hbm>> -> memref<1x64xf32, #tpu.memory_space<hbm>>
      tpu.enqueue_dma source(%dma_start3A_492 : memref<1x64xf32, #tpu.memory_space<hbm>>) target(%dma_start3A_490 : memref<1x64xf32, #tpu.memory_space<vmem>>) target_semaphore(%arg15 : memref<!tpu.dma_semaphore, #tpu.memory_space<semaphore_mem>>)
      %slice3A_493 = vector.extract_strided_slice %get3A_126 {offsets = [15], sizes = [1], strides = [1]} : vector<16xi32> to vector<1xi32>
      %squeeze3A_494 = vector.extract %slice3A_493[0] : i32 from vector<1xi32>
      %slice3A_495 = vector.extract_strided_slice %get3A_132 {offsets = [15], sizes = [1], strides = [1]} : vector<16xi32> to vector<1xi32>
      %squeeze3A_496 = vector.extract %slice3A_495[0] : i32 from vector<1xi32>
      %add3A_497 = arith.constant 15 : i32
      %add3A_498 = arith.addi %mul3A_134, %add3A_497 : i32
      %dma_start3A_499 = arith.constant 0 : i32
      %dma_start3A_500 = tpu.memref_slice %arg10[%add3A_498, %dma_start3A_499] : memref<128x64xf32, #tpu.memory_space<vmem>> -> memref<1x64xf32, #tpu.memory_space<vmem>>
      %dma_start3A_501 = arith.constant 0 : i32
      %dma_start3A_502 = tpu.memref_slice %arg5[%squeeze3A_494, %dma_start3A_501] : memref<1000000x64xf32, #tpu.memory_space<hbm>> -> memref<1x64xf32, #tpu.memory_space<hbm>>
      %dma_start3A_503 = arith.constant 0 : i32
      %dma_start3A_504 = tpu.memref_slice %arg10[%add3A_498, %dma_start3A_503] : memref<128x64xf32, #tpu.memory_space<vmem>> -> memref<1x64xf32, #tpu.memory_space<vmem>>
      %dma_start3A_505 = arith.constant 0 : i32
      %dma_start3A_506 = tpu.memref_slice %arg5[%squeeze3A_494, %dma_start3A_505] : memref<1000000x64xf32, #tpu.memory_space<hbm>> -> memref<1x64xf32, #tpu.memory_space<hbm>>
      tpu.enqueue_dma source(%dma_start3A_506 : memref<1x64xf32, #tpu.memory_space<hbm>>) target(%dma_start3A_504 : memref<1x64xf32, #tpu.memory_space<vmem>>) target_semaphore(%arg15 : memref<!tpu.dma_semaphore, #tpu.memory_space<semaphore_mem>>)
      %add3A_507 = arith.constant 15 : i32
      %add3A_508 = arith.addi %mul3A_134, %add3A_507 : i32
      %dma_start3A_509 = arith.constant 0 : i32
      %dma_start3A_510 = tpu.memref_slice %arg11[%add3A_508, %dma_start3A_509] : memref<128x64xf32, #tpu.memory_space<vmem>> -> memref<1x64xf32, #tpu.memory_space<vmem>>
      %dma_start3A_511 = arith.constant 0 : i32
      %dma_start3A_512 = tpu.memref_slice %arg5[%squeeze3A_496, %dma_start3A_511] : memref<1000000x64xf32, #tpu.memory_space<hbm>> -> memref<1x64xf32, #tpu.memory_space<hbm>>
      %dma_start3A_513 = arith.constant 0 : i32
      %dma_start3A_514 = tpu.memref_slice %arg11[%add3A_508, %dma_start3A_513] : memref<128x64xf32, #tpu.memory_space<vmem>> -> memref<1x64xf32, #tpu.memory_space<vmem>>
      %dma_start3A_515 = arith.constant 0 : i32
      %dma_start3A_516 = tpu.memref_slice %arg5[%squeeze3A_496, %dma_start3A_515] : memref<1000000x64xf32, #tpu.memory_space<hbm>> -> memref<1x64xf32, #tpu.memory_space<hbm>>
      tpu.enqueue_dma source(%dma_start3A_516 : memref<1x64xf32, #tpu.memory_space<hbm>>) target(%dma_start3A_514 : memref<1x64xf32, #tpu.memory_space<vmem>>) target_semaphore(%arg15 : memref<!tpu.dma_semaphore, #tpu.memory_space<semaphore_mem>>)
      %scan3A_517 = arith.constant 0 : i32
      scf.yield %scan3A_517 : i32
    }
    %scan3A_67 = arith.constant 8 : i32
    %scan3A_68 = arith.constant 0 : i32
    %scan3A_69 = arith.constant 0 : i32
    %scan3A_70 = arith.constant 8 : i32
    %scan3A_71 = arith.addi %scan3A_69, %scan3A_70 : i32
    %scan3A_72 = arith.constant 1 : i32
    %scan3A_73 = scf.for %scan3A_120 = %scan3A_69 to %scan3A_71 step %scan3A_72 iter_args(%scan3A_121 = %scan3A_68) -> (i32)  : i32 {
      %mul3A_122 = arith.constant 16 : i32
      %mul3A_123 = arith.muli %scan3A_120, %mul3A_122 : i32
      %add3A_124 = vector.broadcast %mul3A_123 : i32 to vector<16xi32>
      %add3A_125 = arith.addi %iota3A, %add3A_124 : vector<16xi32>
      %broadcast_in_dim3A = arith.constant 0.000000e+00 : f32
      %broadcast_in_dim3A_126 = vector.broadcast %broadcast_in_dim3A : f32 to vector<16xf32>
      %scan3A_127 = arith.constant 0 : i32
      %scan3A_128 = arith.constant 16 : i32
      %scan3A_129 = arith.addi %scan3A_127, %scan3A_128 : i32
      %scan3A_130 = arith.constant 1 : i32
      %scan3A_131 = scf.for %scan3A_168 = %scan3A_127 to %scan3A_129 step %scan3A_130 iter_args(%scan3A_169 = %broadcast_in_dim3A_126) -> (vector<16xf32>)  : i32 {
        %mul3A_170 = arith.constant 4 : i32
        %mul3A_171 = arith.muli %scan3A_168, %mul3A_170 : i32
        %add3A_172 = arith.constant 0 : i32
        %add3A_173 = arith.addi %mul3A_171, %add3A_172 : i32
        %broadcast_in_dim3A_174 = arith.constant 0 : i32
        %broadcast_in_dim3A_175 = vector.broadcast %broadcast_in_dim3A_174 : i32 to vector<16xi32>
        %add3A_176 = vector.broadcast %add3A_173 : i32 to vector<16xi32>
        %add3A_177 = arith.addi %broadcast_in_dim3A_175, %add3A_176 : vector<16xi32>
        %gather3A = tpu.vector_load_idx %arg12[%add3A_125, %add3A_177] : memref<128x64xf32, #tpu.memory_space<vmem>>[vector<16xi32>, vector<16xi32>], vector<16xf32>,
        %gather3A_178 = tpu.vector_load_idx %arg13[%add3A_125, %add3A_177] : memref<128x64xf32, #tpu.memory_space<vmem>>[vector<16xi32>, vector<16xi32>], vector<16xf32>,
        %mul3A_179 = arith.constant 16 : i32
        %mul3A_180 = arith.muli %scan3A_120, %mul3A_179 : i32
        %add3A_181 = arith.constant 128 : i32
        %add3A_182 = arith.addi %add3A_181, %mul3A_180 : i32
        %get3A = arith.index_cast %add3A_173 : i32 to index
        %get3A_183 = arith.index_cast %add3A_182 : i32 to index
        %get3A_184 = tpu.vector_load %arg9[%get3A, %get3A_183] {strides = array<i32>} : memref<64x512xf32, #tpu.memory_space<vmem>>, vector<16xf32>,
        %add3A_185 = arith.addf %gather3A, %get3A_184 : vector<16xf32>
        %sub3A_186 = arith.subf %add3A_185, %gather3A_178 : vector<16xf32>
        %mul3A_187 = arith.mulf %sub3A_186, %sub3A_186 : vector<16xf32>
        %add3A_188 = arith.addf %scan3A_169, %mul3A_187 : vector<16xf32>
        %mul3A_189 = arith.constant 4 : i32
        %mul3A_190 = arith.muli %scan3A_168, %mul3A_189 : i32
        %add3A_191 = arith.constant 1 : i32
        %add3A_192 = arith.addi %mul3A_190, %add3A_191 : i32
        %broadcast_in_dim3A_193 = arith.constant 0 : i32
        %broadcast_in_dim3A_194 = vector.broadcast %broadcast_in_dim3A_193 : i32 to vector<16xi32>
        %add3A_195 = vector.broadcast %add3A_192 : i32 to vector<16xi32>
        %add3A_196 = arith.addi %broadcast_in_dim3A_194, %add3A_195 : vector<16xi32>
        %gather3A_197 = tpu.vector_load_idx %arg12[%add3A_125, %add3A_196] : memref<128x64xf32, #tpu.memory_space<vmem>>[vector<16xi32>, vector<16xi32>], vector<16xf32>,
        %gather3A_198 = tpu.vector_load_idx %arg13[%add3A_125, %add3A_196] : memref<128x64xf32, #tpu.memory_space<vmem>>[vector<16xi32>, vector<16xi32>], vector<16xf32>,
        %mul3A_199 = arith.constant 16 : i32
        %mul3A_200 = arith.muli %scan3A_120, %mul3A_199 : i32
        %add3A_201 = arith.constant 128 : i32
        %add3A_202 = arith.addi %add3A_201, %mul3A_200 : i32
        %get3A_203 = arith.index_cast %add3A_192 : i32 to index
        %get3A_204 = arith.index_cast %add3A_202 : i32 to index
        %get3A_205 = tpu.vector_load %arg9[%get3A_203, %get3A_204] {strides = array<i32>} : memref<64x512xf32, #tpu.memory_space<vmem>>, vector<16xf32>,
        %add3A_206 = arith.addf %gather3A_197, %get3A_205 : vector<16xf32>
        %sub3A_207 = arith.subf %add3A_206, %gather3A_198 : vector<16xf32>
        %mul3A_208 = arith.mulf %sub3A_207, %sub3A_207 : vector<16xf32>
        %add3A_209 = arith.addf %add3A_188, %mul3A_208 : vector<16xf32>
        %mul3A_210 = arith.constant 4 : i32
        %mul3A_211 = arith.muli %scan3A_168, %mul3A_210 : i32
        %add3A_212 = arith.constant 2 : i32
        %add3A_213 = arith.addi %mul3A_211, %add3A_212 : i32
        %broadcast_in_dim3A_214 = arith.constant 0 : i32
        %broadcast_in_dim3A_215 = vector.broadcast %broadcast_in_dim3A_214 : i32 to vector<16xi32>
        %add3A_216 = vector.broadcast %add3A_213 : i32 to vector<16xi32>
        %add3A_217 = arith.addi %broadcast_in_dim3A_215, %add3A_216 : vector<16xi32>
        %gather3A_218 = tpu.vector_load_idx %arg12[%add3A_125, %add3A_217] : memref<128x64xf32, #tpu.memory_space<vmem>>[vector<16xi32>, vector<16xi32>], vector<16xf32>,
        %gather3A_219 = tpu.vector_load_idx %arg13[%add3A_125, %add3A_217] : memref<128x64xf32, #tpu.memory_space<vmem>>[vector<16xi32>, vector<16xi32>], vector<16xf32>,
        %mul3A_220 = arith.constant 16 : i32
        %mul3A_221 = arith.muli %scan3A_120, %mul3A_220 : i32
        %add3A_222 = arith.constant 128 : i32
        %add3A_223 = arith.addi %add3A_222, %mul3A_221 : i32
        %get3A_224 = arith.index_cast %add3A_213 : i32 to index
        %get3A_225 = arith.index_cast %add3A_223 : i32 to index
        %get3A_226 = tpu.vector_load %arg9[%get3A_224, %get3A_225] {strides = array<i32>} : memref<64x512xf32, #tpu.memory_space<vmem>>, vector<16xf32>,
        %add3A_227 = arith.addf %gather3A_218, %get3A_226 : vector<16xf32>
        %sub3A_228 = arith.subf %add3A_227, %gather3A_219 : vector<16xf32>
        %mul3A_229 = arith.mulf %sub3A_228, %sub3A_228 : vector<16xf32>
        %add3A_230 = arith.addf %add3A_209, %mul3A_229 : vector<16xf32>
        %mul3A_231 = arith.constant 4 : i32
        %mul3A_232 = arith.muli %scan3A_168, %mul3A_231 : i32
        %add3A_233 = arith.constant 3 : i32
        %add3A_234 = arith.addi %mul3A_232, %add3A_233 : i32
        %broadcast_in_dim3A_235 = arith.constant 0 : i32
        %broadcast_in_dim3A_236 = vector.broadcast %broadcast_in_dim3A_235 : i32 to vector<16xi32>
        %add3A_237 = vector.broadcast %add3A_234 : i32 to vector<16xi32>
        %add3A_238 = arith.addi %broadcast_in_dim3A_236, %add3A_237 : vector<16xi32>
        %gather3A_239 = tpu.vector_load_idx %arg12[%add3A_125, %add3A_238] : memref<128x64xf32, #tpu.memory_space<vmem>>[vector<16xi32>, vector<16xi32>], vector<16xf32>,
        %gather3A_240 = tpu.vector_load_idx %arg13[%add3A_125, %add3A_238] : memref<128x64xf32, #tpu.memory_space<vmem>>[vector<16xi32>, vector<16xi32>], vector<16xf32>,
        %mul3A_241 = arith.constant 16 : i32
        %mul3A_242 = arith.muli %scan3A_120, %mul3A_241 : i32
        %add3A_243 = arith.constant 128 : i32
        %add3A_244 = arith.addi %add3A_243, %mul3A_242 : i32
        %get3A_245 = arith.index_cast %add3A_234 : i32 to index
        %get3A_246 = arith.index_cast %add3A_244 : i32 to index
        %get3A_247 = tpu.vector_load %arg9[%get3A_245, %get3A_246] {strides = array<i32>} : memref<64x512xf32, #tpu.memory_space<vmem>>, vector<16xf32>,
        %add3A_248 = arith.addf %gather3A_239, %get3A_247 : vector<16xf32>
        %sub3A_249 = arith.subf %add3A_248, %gather3A_240 : vector<16xf32>
        %mul3A_250 = arith.mulf %sub3A_249, %sub3A_249 : vector<16xf32>
        %add3A_251 = arith.addf %add3A_230, %mul3A_250 : vector<16xf32>
        scf.yield %add3A_251 : vector<16xf32>
      }
      %scan3A_132 = arith.constant 16 : i32
      %bitcast3A = vector.bitcast %scan3A_131 : vector<16xf32> to vector<16xi32>
      %shift_right_arithmetic3A = arith.constant 1 : i32
      %shift_right_arithmetic3A_133 = vector.broadcast %shift_right_arithmetic3A : i32 to vector<16xi32>
      %shift_right_arithmetic3A_134 = arith.shrsi %bitcast3A, %shift_right_arithmetic3A_133 : vector<16xi32>
      %sub3A = arith.constant 1597463007 : i32
      %sub3A_135 = vector.broadcast %sub3A : i32 to vector<16xi32>
      %sub3A_136 = arith.subi %sub3A_135, %shift_right_arithmetic3A_134 : vector<16xi32>
      %bitcast3A_137 = vector.bitcast %sub3A_136 : vector<16xi32> to vector<16xf32>
      %mul3A_138 = arith.constant 5.000000e-01 : f32
      %mul3A_139 = vector.broadcast %mul3A_138 : f32 to vector<16xf32>
      %mul3A_140 = arith.mulf %scan3A_131, %mul3A_139 : vector<16xf32>
      %mul3A_141 = arith.mulf %mul3A_140, %bitcast3A_137 : vector<16xf32>
      %mul3A_142 = arith.mulf %mul3A_141, %bitcast3A_137 : vector<16xf32>
      %sub3A_143 = arith.constant 1.500000e+00 : f32
      %sub3A_144 = vector.broadcast %sub3A_143 : f32 to vector<16xf32>
      %sub3A_145 = arith.subf %sub3A_144, %mul3A_142 : vector<16xf32>
      %mul3A_146 = arith.mulf %bitcast3A_137, %sub3A_145 : vector<16xf32>
      %mul3A_147 = arith.mulf %mul3A_140, %mul3A_146 : vector<16xf32>
      %mul3A_148 = arith.mulf %mul3A_147, %mul3A_146 : vector<16xf32>
      %sub3A_149 = arith.constant 1.500000e+00 : f32
      %sub3A_150 = vector.broadcast %sub3A_149 : f32 to vector<16xf32>
      %sub3A_151 = arith.subf %sub3A_150, %mul3A_148 : vector<16xf32>
      %mul3A_152 = arith.mulf %mul3A_146, %sub3A_151 : vector<16xf32>
      %mul3A_153 = arith.mulf %mul3A_140, %mul3A_152 : vector<16xf32>
      %mul3A_154 = arith.mulf %mul3A_153, %mul3A_152 : vector<16xf32>
      %sub3A_155 = arith.constant 1.500000e+00 : f32
      %sub3A_156 = vector.broadcast %sub3A_155 : f32 to vector<16xf32>
      %sub3A_157 = arith.subf %sub3A_156, %mul3A_154 : vector<16xf32>
      %mul3A_158 = arith.mulf %mul3A_152, %sub3A_157 : vector<16xf32>
      %mul3A_159 = arith.mulf %scan3A_131, %mul3A_158 : vector<16xf32>
      %neg3A = arith.constant 0.000000e+00 : f32
      %neg3A_160 = vector.broadcast %neg3A : f32 to vector<16xf32>
      %neg3A_161 = arith.subf %neg3A_160, %mul3A_159 : vector<16xf32>
      %mul3A_162 = arith.constant 16 : i32
      %mul3A_163 = arith.muli %scan3A_120, %mul3A_162 : i32
      %add3A_164 = arith.constant 128 : i32
      %add3A_165 = arith.addi %add3A_164, %mul3A_163 : i32
      %swap3A = arith.index_cast %add3A_165 : i32 to index
      %swap3A_166 = tpu.vector_load %arg14[%swap3A] {strides = array<i32>} : memref<512xf32, #tpu.memory_space<vmem>>, vector<16xf32>,
      tpu.vector_store %arg14[%swap3A], %neg3A_161 {strides = array<i32>} : memref<512xf32, #tpu.memory_space<vmem>>, vector<16xf32>,
      %scan3A_167 = arith.constant 0 : i32
      scf.yield %scan3A_167 : i32
    }
    %scan3A_74 = arith.constant 8 : i32
    %dma_wait3A_75 = arith.constant 0 : i32
    %dma_wait3A_76 = arith.constant 0 : i32
    %dma_wait3A_77 = tpu.memref_slice %arg5[%dma_wait3A_75, %dma_wait3A_76] : memref<1000000x64xf32, #tpu.memory_space<hbm>> -> memref<128x64xf32, #tpu.memory_space<hbm>>
    %dma_wait3A_78 = arith.constant 0 : i32
    %dma_wait3A_79 = arith.constant 0 : i32
    %dma_wait3A_80 = tpu.memref_slice %arg5[%dma_wait3A_78, %dma_wait3A_79] : memref<1000000x64xf32, #tpu.memory_space<hbm>> -> memref<128x64xf32, #tpu.memory_space<hbm>>
    tpu.wait_dma2 semaphore(%arg15 : memref<!tpu.dma_semaphore, #tpu.memory_space<semaphore_mem>>) src(%dma_wait3A_80 : memref<128x64xf32, #tpu.memory_space<hbm>>) dst(%arg10 : memref<128x64xf32, #tpu.memory_space<vmem>>)
    %dma_wait3A_81 = arith.constant 0 : i32
    %dma_wait3A_82 = arith.constant 0 : i32
    %dma_wait3A_83 = tpu.memref_slice %arg5[%dma_wait3A_81, %dma_wait3A_82] : memref<1000000x64xf32, #tpu.memory_space<hbm>> -> memref<128x64xf32, #tpu.memory_space<hbm>>
    %dma_wait3A_84 = arith.constant 0 : i32
    %dma_wait3A_85 = arith.constant 0 : i32
    %dma_wait3A_86 = tpu.memref_slice %arg5[%dma_wait3A_84, %dma_wait3A_85] : memref<1000000x64xf32, #tpu.memory_space<hbm>> -> memref<128x64xf32, #tpu.memory_space<hbm>>
    tpu.wait_dma2 semaphore(%arg15 : memref<!tpu.dma_semaphore, #tpu.memory_space<semaphore_mem>>) src(%dma_wait3A_86 : memref<128x64xf32, #tpu.memory_space<hbm>>) dst(%arg11 : memref<128x64xf32, #tpu.memory_space<vmem>>)
    %scan3A_87 = arith.constant 0 : i32
    %scan3A_88 = arith.constant 0 : i32
    %scan3A_89 = arith.constant 8 : i32
    %scan3A_90 = arith.addi %scan3A_88, %scan3A_89 : i32
    %scan3A_91 = arith.constant 1 : i32
    %scan3A_92 = scf.for %scan3A_120 = %scan3A_88 to %scan3A_90 step %scan3A_91 iter_args(%scan3A_121 = %scan3A_87) -> (i32)  : i32 {
      %mul3A_122 = arith.constant 16 : i32
      %mul3A_123 = arith.muli %scan3A_120, %mul3A_122 : i32
      %add3A_124 = arith.constant 384 : i32
      %add3A_125 = arith.addi %add3A_124, %mul3A_123 : i32
      %get3A = arith.index_cast %add3A_125 : i32 to index
      %get3A_126 = tpu.vector_load %arg7[%get3A] {strides = array<i32>} : memref<512xi32, #tpu.memory_space<vmem>>, vector<16xi32>,
      %mul3A_127 = arith.constant 16 : i32
      %mul3A_128 = arith.muli %scan3A_120, %mul3A_127 : i32
      %add3A_129 = arith.constant 384 : i32
      %add3A_130 = arith.addi %add3A_129, %mul3A_128 : i32
      %get3A_131 = arith.index_cast %add3A_130 : i32 to index
      %get3A_132 = tpu.vector_load %arg8[%get3A_131] {strides = array<i32>} : memref<512xi32, #tpu.memory_space<vmem>>, vector<16xi32>,
      %mul3A_133 = arith.constant 16 : i32
      %mul3A_134 = arith.muli %scan3A_120, %mul3A_133 : i32
      %slice3A = vector.extract_strided_slice %get3A_126 {offsets = [0], sizes = [1], strides = [1]} : vector<16xi32> to vector<1xi32>
      %squeeze3A = vector.extract %slice3A[0] : i32 from vector<1xi32>
      %slice3A_135 = vector.extract_strided_slice %get3A_132 {offsets = [0], sizes = [1], strides = [1]} : vector<16xi32> to vector<1xi32>
      %squeeze3A_136 = vector.extract %slice3A_135[0] : i32 from vector<1xi32>
      %add3A_137 = arith.constant 0 : i32
      %add3A_138 = arith.addi %mul3A_134, %add3A_137 : i32
      %dma_start3A_139 = arith.constant 0 : i32
      %dma_start3A_140 = tpu.memref_slice %arg12[%add3A_138, %dma_start3A_139] : memref<128x64xf32, #tpu.memory_space<vmem>> -> memref<1x64xf32, #tpu.memory_space<vmem>>
      %dma_start3A_141 = arith.constant 0 : i32
      %dma_start3A_142 = tpu.memref_slice %arg5[%squeeze3A, %dma_start3A_141] : memref<1000000x64xf32, #tpu.memory_space<hbm>> -> memref<1x64xf32, #tpu.memory_space<hbm>>
      %dma_start3A_143 = arith.constant 0 : i32
      %dma_start3A_144 = tpu.memref_slice %arg12[%add3A_138, %dma_start3A_143] : memref<128x64xf32, #tpu.memory_space<vmem>> -> memref<1x64xf32, #tpu.memory_space<vmem>>
      %dma_start3A_145 = arith.constant 0 : i32
      %dma_start3A_146 = tpu.memref_slice %arg5[%squeeze3A, %dma_start3A_145] : memref<1000000x64xf32, #tpu.memory_space<hbm>> -> memref<1x64xf32, #tpu.memory_space<hbm>>
      tpu.enqueue_dma source(%dma_start3A_146 : memref<1x64xf32, #tpu.memory_space<hbm>>) target(%dma_start3A_144 : memref<1x64xf32, #tpu.memory_space<vmem>>) target_semaphore(%arg16 : memref<!tpu.dma_semaphore, #tpu.memory_space<semaphore_mem>>)
      %add3A_147 = arith.constant 0 : i32
      %add3A_148 = arith.addi %mul3A_134, %add3A_147 : i32
      %dma_start3A_149 = arith.constant 0 : i32
      %dma_start3A_150 = tpu.memref_slice %arg13[%add3A_148, %dma_start3A_149] : memref<128x64xf32, #tpu.memory_space<vmem>> -> memref<1x64xf32, #tpu.memory_space<vmem>>
      %dma_start3A_151 = arith.constant 0 : i32
      %dma_start3A_152 = tpu.memref_slice %arg5[%squeeze3A_136, %dma_start3A_151] : memref<1000000x64xf32, #tpu.memory_space<hbm>> -> memref<1x64xf32, #tpu.memory_space<hbm>>
      %dma_start3A_153 = arith.constant 0 : i32
      %dma_start3A_154 = tpu.memref_slice %arg13[%add3A_148, %dma_start3A_153] : memref<128x64xf32, #tpu.memory_space<vmem>> -> memref<1x64xf32, #tpu.memory_space<vmem>>
      %dma_start3A_155 = arith.constant 0 : i32
      %dma_start3A_156 = tpu.memref_slice %arg5[%squeeze3A_136, %dma_start3A_155] : memref<1000000x64xf32, #tpu.memory_space<hbm>> -> memref<1x64xf32, #tpu.memory_space<hbm>>
      tpu.enqueue_dma source(%dma_start3A_156 : memref<1x64xf32, #tpu.memory_space<hbm>>) target(%dma_start3A_154 : memref<1x64xf32, #tpu.memory_space<vmem>>) target_semaphore(%arg16 : memref<!tpu.dma_semaphore, #tpu.memory_space<semaphore_mem>>)
      %slice3A_157 = vector.extract_strided_slice %get3A_126 {offsets = [1], sizes = [1], strides = [1]} : vector<16xi32> to vector<1xi32>
      %squeeze3A_158 = vector.extract %slice3A_157[0] : i32 from vector<1xi32>
      %slice3A_159 = vector.extract_strided_slice %get3A_132 {offsets = [1], sizes = [1], strides = [1]} : vector<16xi32> to vector<1xi32>
      %squeeze3A_160 = vector.extract %slice3A_159[0] : i32 from vector<1xi32>
      %add3A_161 = arith.constant 1 : i32
      %add3A_162 = arith.addi %mul3A_134, %add3A_161 : i32
      %dma_start3A_163 = arith.constant 0 : i32
      %dma_start3A_164 = tpu.memref_slice %arg12[%add3A_162, %dma_start3A_163] : memref<128x64xf32, #tpu.memory_space<vmem>> -> memref<1x64xf32, #tpu.memory_space<vmem>>
      %dma_start3A_165 = arith.constant 0 : i32
      %dma_start3A_166 = tpu.memref_slice %arg5[%squeeze3A_158, %dma_start3A_165] : memref<1000000x64xf32, #tpu.memory_space<hbm>> -> memref<1x64xf32, #tpu.memory_space<hbm>>
      %dma_start3A_167 = arith.constant 0 : i32
      %dma_start3A_168 = tpu.memref_slice %arg12[%add3A_162, %dma_start3A_167] : memref<128x64xf32, #tpu.memory_space<vmem>> -> memref<1x64xf32, #tpu.memory_space<vmem>>
      %dma_start3A_169 = arith.constant 0 : i32
      %dma_start3A_170 = tpu.memref_slice %arg5[%squeeze3A_158, %dma_start3A_169] : memref<1000000x64xf32, #tpu.memory_space<hbm>> -> memref<1x64xf32, #tpu.memory_space<hbm>>
      tpu.enqueue_dma source(%dma_start3A_170 : memref<1x64xf32, #tpu.memory_space<hbm>>) target(%dma_start3A_168 : memref<1x64xf32, #tpu.memory_space<vmem>>) target_semaphore(%arg16 : memref<!tpu.dma_semaphore, #tpu.memory_space<semaphore_mem>>)
      %add3A_171 = arith.constant 1 : i32
      %add3A_172 = arith.addi %mul3A_134, %add3A_171 : i32
      %dma_start3A_173 = arith.constant 0 : i32
      %dma_start3A_174 = tpu.memref_slice %arg13[%add3A_172, %dma_start3A_173] : memref<128x64xf32, #tpu.memory_space<vmem>> -> memref<1x64xf32, #tpu.memory_space<vmem>>
      %dma_start3A_175 = arith.constant 0 : i32
      %dma_start3A_176 = tpu.memref_slice %arg5[%squeeze3A_160, %dma_start3A_175] : memref<1000000x64xf32, #tpu.memory_space<hbm>> -> memref<1x64xf32, #tpu.memory_space<hbm>>
      %dma_start3A_177 = arith.constant 0 : i32
      %dma_start3A_178 = tpu.memref_slice %arg13[%add3A_172, %dma_start3A_177] : memref<128x64xf32, #tpu.memory_space<vmem>> -> memref<1x64xf32, #tpu.memory_space<vmem>>
      %dma_start3A_179 = arith.constant 0 : i32
      %dma_start3A_180 = tpu.memref_slice %arg5[%squeeze3A_160, %dma_start3A_179] : memref<1000000x64xf32, #tpu.memory_space<hbm>> -> memref<1x64xf32, #tpu.memory_space<hbm>>
      tpu.enqueue_dma source(%dma_start3A_180 : memref<1x64xf32, #tpu.memory_space<hbm>>) target(%dma_start3A_178 : memref<1x64xf32, #tpu.memory_space<vmem>>) target_semaphore(%arg16 : memref<!tpu.dma_semaphore, #tpu.memory_space<semaphore_mem>>)
      %slice3A_181 = vector.extract_strided_slice %get3A_126 {offsets = [2], sizes = [1], strides = [1]} : vector<16xi32> to vector<1xi32>
      %squeeze3A_182 = vector.extract %slice3A_181[0] : i32 from vector<1xi32>
      %slice3A_183 = vector.extract_strided_slice %get3A_132 {offsets = [2], sizes = [1], strides = [1]} : vector<16xi32> to vector<1xi32>
      %squeeze3A_184 = vector.extract %slice3A_183[0] : i32 from vector<1xi32>
      %add3A_185 = arith.constant 2 : i32
      %add3A_186 = arith.addi %mul3A_134, %add3A_185 : i32
      %dma_start3A_187 = arith.constant 0 : i32
      %dma_start3A_188 = tpu.memref_slice %arg12[%add3A_186, %dma_start3A_187] : memref<128x64xf32, #tpu.memory_space<vmem>> -> memref<1x64xf32, #tpu.memory_space<vmem>>
      %dma_start3A_189 = arith.constant 0 : i32
      %dma_start3A_190 = tpu.memref_slice %arg5[%squeeze3A_182, %dma_start3A_189] : memref<1000000x64xf32, #tpu.memory_space<hbm>> -> memref<1x64xf32, #tpu.memory_space<hbm>>
      %dma_start3A_191 = arith.constant 0 : i32
      %dma_start3A_192 = tpu.memref_slice %arg12[%add3A_186, %dma_start3A_191] : memref<128x64xf32, #tpu.memory_space<vmem>> -> memref<1x64xf32, #tpu.memory_space<vmem>>
      %dma_start3A_193 = arith.constant 0 : i32
      %dma_start3A_194 = tpu.memref_slice %arg5[%squeeze3A_182, %dma_start3A_193] : memref<1000000x64xf32, #tpu.memory_space<hbm>> -> memref<1x64xf32, #tpu.memory_space<hbm>>
      tpu.enqueue_dma source(%dma_start3A_194 : memref<1x64xf32, #tpu.memory_space<hbm>>) target(%dma_start3A_192 : memref<1x64xf32, #tpu.memory_space<vmem>>) target_semaphore(%arg16 : memref<!tpu.dma_semaphore, #tpu.memory_space<semaphore_mem>>)
      %add3A_195 = arith.constant 2 : i32
      %add3A_196 = arith.addi %mul3A_134, %add3A_195 : i32
      %dma_start3A_197 = arith.constant 0 : i32
      %dma_start3A_198 = tpu.memref_slice %arg13[%add3A_196, %dma_start3A_197] : memref<128x64xf32, #tpu.memory_space<vmem>> -> memref<1x64xf32, #tpu.memory_space<vmem>>
      %dma_start3A_199 = arith.constant 0 : i32
      %dma_start3A_200 = tpu.memref_slice %arg5[%squeeze3A_184, %dma_start3A_199] : memref<1000000x64xf32, #tpu.memory_space<hbm>> -> memref<1x64xf32, #tpu.memory_space<hbm>>
      %dma_start3A_201 = arith.constant 0 : i32
      %dma_start3A_202 = tpu.memref_slice %arg13[%add3A_196, %dma_start3A_201] : memref<128x64xf32, #tpu.memory_space<vmem>> -> memref<1x64xf32, #tpu.memory_space<vmem>>
      %dma_start3A_203 = arith.constant 0 : i32
      %dma_start3A_204 = tpu.memref_slice %arg5[%squeeze3A_184, %dma_start3A_203] : memref<1000000x64xf32, #tpu.memory_space<hbm>> -> memref<1x64xf32, #tpu.memory_space<hbm>>
      tpu.enqueue_dma source(%dma_start3A_204 : memref<1x64xf32, #tpu.memory_space<hbm>>) target(%dma_start3A_202 : memref<1x64xf32, #tpu.memory_space<vmem>>) target_semaphore(%arg16 : memref<!tpu.dma_semaphore, #tpu.memory_space<semaphore_mem>>)
      %slice3A_205 = vector.extract_strided_slice %get3A_126 {offsets = [3], sizes = [1], strides = [1]} : vector<16xi32> to vector<1xi32>
      %squeeze3A_206 = vector.extract %slice3A_205[0] : i32 from vector<1xi32>
      %slice3A_207 = vector.extract_strided_slice %get3A_132 {offsets = [3], sizes = [1], strides = [1]} : vector<16xi32> to vector<1xi32>
      %squeeze3A_208 = vector.extract %slice3A_207[0] : i32 from vector<1xi32>
      %add3A_209 = arith.constant 3 : i32
      %add3A_210 = arith.addi %mul3A_134, %add3A_209 : i32
      %dma_start3A_211 = arith.constant 0 : i32
      %dma_start3A_212 = tpu.memref_slice %arg12[%add3A_210, %dma_start3A_211] : memref<128x64xf32, #tpu.memory_space<vmem>> -> memref<1x64xf32, #tpu.memory_space<vmem>>
      %dma_start3A_213 = arith.constant 0 : i32
      %dma_start3A_214 = tpu.memref_slice %arg5[%squeeze3A_206, %dma_start3A_213] : memref<1000000x64xf32, #tpu.memory_space<hbm>> -> memref<1x64xf32, #tpu.memory_space<hbm>>
      %dma_start3A_215 = arith.constant 0 : i32
      %dma_start3A_216 = tpu.memref_slice %arg12[%add3A_210, %dma_start3A_215] : memref<128x64xf32, #tpu.memory_space<vmem>> -> memref<1x64xf32, #tpu.memory_space<vmem>>
      %dma_start3A_217 = arith.constant 0 : i32
      %dma_start3A_218 = tpu.memref_slice %arg5[%squeeze3A_206, %dma_start3A_217] : memref<1000000x64xf32, #tpu.memory_space<hbm>> -> memref<1x64xf32, #tpu.memory_space<hbm>>
      tpu.enqueue_dma source(%dma_start3A_218 : memref<1x64xf32, #tpu.memory_space<hbm>>) target(%dma_start3A_216 : memref<1x64xf32, #tpu.memory_space<vmem>>) target_semaphore(%arg16 : memref<!tpu.dma_semaphore, #tpu.memory_space<semaphore_mem>>)
      %add3A_219 = arith.constant 3 : i32
      %add3A_220 = arith.addi %mul3A_134, %add3A_219 : i32
      %dma_start3A_221 = arith.constant 0 : i32
      %dma_start3A_222 = tpu.memref_slice %arg13[%add3A_220, %dma_start3A_221] : memref<128x64xf32, #tpu.memory_space<vmem>> -> memref<1x64xf32, #tpu.memory_space<vmem>>
      %dma_start3A_223 = arith.constant 0 : i32
      %dma_start3A_224 = tpu.memref_slice %arg5[%squeeze3A_208, %dma_start3A_223] : memref<1000000x64xf32, #tpu.memory_space<hbm>> -> memref<1x64xf32, #tpu.memory_space<hbm>>
      %dma_start3A_225 = arith.constant 0 : i32
      %dma_start3A_226 = tpu.memref_slice %arg13[%add3A_220, %dma_start3A_225] : memref<128x64xf32, #tpu.memory_space<vmem>> -> memref<1x64xf32, #tpu.memory_space<vmem>>
      %dma_start3A_227 = arith.constant 0 : i32
      %dma_start3A_228 = tpu.memref_slice %arg5[%squeeze3A_208, %dma_start3A_227] : memref<1000000x64xf32, #tpu.memory_space<hbm>> -> memref<1x64xf32, #tpu.memory_space<hbm>>
      tpu.enqueue_dma source(%dma_start3A_228 : memref<1x64xf32, #tpu.memory_space<hbm>>) target(%dma_start3A_226 : memref<1x64xf32, #tpu.memory_space<vmem>>) target_semaphore(%arg16 : memref<!tpu.dma_semaphore, #tpu.memory_space<semaphore_mem>>)
      %slice3A_229 = vector.extract_strided_slice %get3A_126 {offsets = [4], sizes = [1], strides = [1]} : vector<16xi32> to vector<1xi32>
      %squeeze3A_230 = vector.extract %slice3A_229[0] : i32 from vector<1xi32>
      %slice3A_231 = vector.extract_strided_slice %get3A_132 {offsets = [4], sizes = [1], strides = [1]} : vector<16xi32> to vector<1xi32>
      %squeeze3A_232 = vector.extract %slice3A_231[0] : i32 from vector<1xi32>
      %add3A_233 = arith.constant 4 : i32
      %add3A_234 = arith.addi %mul3A_134, %add3A_233 : i32
      %dma_start3A_235 = arith.constant 0 : i32
      %dma_start3A_236 = tpu.memref_slice %arg12[%add3A_234, %dma_start3A_235] : memref<128x64xf32, #tpu.memory_space<vmem>> -> memref<1x64xf32, #tpu.memory_space<vmem>>
      %dma_start3A_237 = arith.constant 0 : i32
      %dma_start3A_238 = tpu.memref_slice %arg5[%squeeze3A_230, %dma_start3A_237] : memref<1000000x64xf32, #tpu.memory_space<hbm>> -> memref<1x64xf32, #tpu.memory_space<hbm>>
      %dma_start3A_239 = arith.constant 0 : i32
      %dma_start3A_240 = tpu.memref_slice %arg12[%add3A_234, %dma_start3A_239] : memref<128x64xf32, #tpu.memory_space<vmem>> -> memref<1x64xf32, #tpu.memory_space<vmem>>
      %dma_start3A_241 = arith.constant 0 : i32
      %dma_start3A_242 = tpu.memref_slice %arg5[%squeeze3A_230, %dma_start3A_241] : memref<1000000x64xf32, #tpu.memory_space<hbm>> -> memref<1x64xf32, #tpu.memory_space<hbm>>
      tpu.enqueue_dma source(%dma_start3A_242 : memref<1x64xf32, #tpu.memory_space<hbm>>) target(%dma_start3A_240 : memref<1x64xf32, #tpu.memory_space<vmem>>) target_semaphore(%arg16 : memref<!tpu.dma_semaphore, #tpu.memory_space<semaphore_mem>>)
      %add3A_243 = arith.constant 4 : i32
      %add3A_244 = arith.addi %mul3A_134, %add3A_243 : i32
      %dma_start3A_245 = arith.constant 0 : i32
      %dma_start3A_246 = tpu.memref_slice %arg13[%add3A_244, %dma_start3A_245] : memref<128x64xf32, #tpu.memory_space<vmem>> -> memref<1x64xf32, #tpu.memory_space<vmem>>
      %dma_start3A_247 = arith.constant 0 : i32
      %dma_start3A_248 = tpu.memref_slice %arg5[%squeeze3A_232, %dma_start3A_247] : memref<1000000x64xf32, #tpu.memory_space<hbm>> -> memref<1x64xf32, #tpu.memory_space<hbm>>
      %dma_start3A_249 = arith.constant 0 : i32
      %dma_start3A_250 = tpu.memref_slice %arg13[%add3A_244, %dma_start3A_249] : memref<128x64xf32, #tpu.memory_space<vmem>> -> memref<1x64xf32, #tpu.memory_space<vmem>>
      %dma_start3A_251 = arith.constant 0 : i32
      %dma_start3A_252 = tpu.memref_slice %arg5[%squeeze3A_232, %dma_start3A_251] : memref<1000000x64xf32, #tpu.memory_space<hbm>> -> memref<1x64xf32, #tpu.memory_space<hbm>>
      tpu.enqueue_dma source(%dma_start3A_252 : memref<1x64xf32, #tpu.memory_space<hbm>>) target(%dma_start3A_250 : memref<1x64xf32, #tpu.memory_space<vmem>>) target_semaphore(%arg16 : memref<!tpu.dma_semaphore, #tpu.memory_space<semaphore_mem>>)
      %slice3A_253 = vector.extract_strided_slice %get3A_126 {offsets = [5], sizes = [1], strides = [1]} : vector<16xi32> to vector<1xi32>
      %squeeze3A_254 = vector.extract %slice3A_253[0] : i32 from vector<1xi32>
      %slice3A_255 = vector.extract_strided_slice %get3A_132 {offsets = [5], sizes = [1], strides = [1]} : vector<16xi32> to vector<1xi32>
      %squeeze3A_256 = vector.extract %slice3A_255[0] : i32 from vector<1xi32>
      %add3A_257 = arith.constant 5 : i32
      %add3A_258 = arith.addi %mul3A_134, %add3A_257 : i32
      %dma_start3A_259 = arith.constant 0 : i32
      %dma_start3A_260 = tpu.memref_slice %arg12[%add3A_258, %dma_start3A_259] : memref<128x64xf32, #tpu.memory_space<vmem>> -> memref<1x64xf32, #tpu.memory_space<vmem>>
      %dma_start3A_261 = arith.constant 0 : i32
      %dma_start3A_262 = tpu.memref_slice %arg5[%squeeze3A_254, %dma_start3A_261] : memref<1000000x64xf32, #tpu.memory_space<hbm>> -> memref<1x64xf32, #tpu.memory_space<hbm>>
      %dma_start3A_263 = arith.constant 0 : i32
      %dma_start3A_264 = tpu.memref_slice %arg12[%add3A_258, %dma_start3A_263] : memref<128x64xf32, #tpu.memory_space<vmem>> -> memref<1x64xf32, #tpu.memory_space<vmem>>
      %dma_start3A_265 = arith.constant 0 : i32
      %dma_start3A_266 = tpu.memref_slice %arg5[%squeeze3A_254, %dma_start3A_265] : memref<1000000x64xf32, #tpu.memory_space<hbm>> -> memref<1x64xf32, #tpu.memory_space<hbm>>
      tpu.enqueue_dma source(%dma_start3A_266 : memref<1x64xf32, #tpu.memory_space<hbm>>) target(%dma_start3A_264 : memref<1x64xf32, #tpu.memory_space<vmem>>) target_semaphore(%arg16 : memref<!tpu.dma_semaphore, #tpu.memory_space<semaphore_mem>>)
      %add3A_267 = arith.constant 5 : i32
      %add3A_268 = arith.addi %mul3A_134, %add3A_267 : i32
      %dma_start3A_269 = arith.constant 0 : i32
      %dma_start3A_270 = tpu.memref_slice %arg13[%add3A_268, %dma_start3A_269] : memref<128x64xf32, #tpu.memory_space<vmem>> -> memref<1x64xf32, #tpu.memory_space<vmem>>
      %dma_start3A_271 = arith.constant 0 : i32
      %dma_start3A_272 = tpu.memref_slice %arg5[%squeeze3A_256, %dma_start3A_271] : memref<1000000x64xf32, #tpu.memory_space<hbm>> -> memref<1x64xf32, #tpu.memory_space<hbm>>
      %dma_start3A_273 = arith.constant 0 : i32
      %dma_start3A_274 = tpu.memref_slice %arg13[%add3A_268, %dma_start3A_273] : memref<128x64xf32, #tpu.memory_space<vmem>> -> memref<1x64xf32, #tpu.memory_space<vmem>>
      %dma_start3A_275 = arith.constant 0 : i32
      %dma_start3A_276 = tpu.memref_slice %arg5[%squeeze3A_256, %dma_start3A_275] : memref<1000000x64xf32, #tpu.memory_space<hbm>> -> memref<1x64xf32, #tpu.memory_space<hbm>>
      tpu.enqueue_dma source(%dma_start3A_276 : memref<1x64xf32, #tpu.memory_space<hbm>>) target(%dma_start3A_274 : memref<1x64xf32, #tpu.memory_space<vmem>>) target_semaphore(%arg16 : memref<!tpu.dma_semaphore, #tpu.memory_space<semaphore_mem>>)
      %slice3A_277 = vector.extract_strided_slice %get3A_126 {offsets = [6], sizes = [1], strides = [1]} : vector<16xi32> to vector<1xi32>
      %squeeze3A_278 = vector.extract %slice3A_277[0] : i32 from vector<1xi32>
      %slice3A_279 = vector.extract_strided_slice %get3A_132 {offsets = [6], sizes = [1], strides = [1]} : vector<16xi32> to vector<1xi32>
      %squeeze3A_280 = vector.extract %slice3A_279[0] : i32 from vector<1xi32>
      %add3A_281 = arith.constant 6 : i32
      %add3A_282 = arith.addi %mul3A_134, %add3A_281 : i32
      %dma_start3A_283 = arith.constant 0 : i32
      %dma_start3A_284 = tpu.memref_slice %arg12[%add3A_282, %dma_start3A_283] : memref<128x64xf32, #tpu.memory_space<vmem>> -> memref<1x64xf32, #tpu.memory_space<vmem>>
      %dma_start3A_285 = arith.constant 0 : i32
      %dma_start3A_286 = tpu.memref_slice %arg5[%squeeze3A_278, %dma_start3A_285] : memref<1000000x64xf32, #tpu.memory_space<hbm>> -> memref<1x64xf32, #tpu.memory_space<hbm>>
      %dma_start3A_287 = arith.constant 0 : i32
      %dma_start3A_288 = tpu.memref_slice %arg12[%add3A_282, %dma_start3A_287] : memref<128x64xf32, #tpu.memory_space<vmem>> -> memref<1x64xf32, #tpu.memory_space<vmem>>
      %dma_start3A_289 = arith.constant 0 : i32
      %dma_start3A_290 = tpu.memref_slice %arg5[%squeeze3A_278, %dma_start3A_289] : memref<1000000x64xf32, #tpu.memory_space<hbm>> -> memref<1x64xf32, #tpu.memory_space<hbm>>
      tpu.enqueue_dma source(%dma_start3A_290 : memref<1x64xf32, #tpu.memory_space<hbm>>) target(%dma_start3A_288 : memref<1x64xf32, #tpu.memory_space<vmem>>) target_semaphore(%arg16 : memref<!tpu.dma_semaphore, #tpu.memory_space<semaphore_mem>>)
      %add3A_291 = arith.constant 6 : i32
      %add3A_292 = arith.addi %mul3A_134, %add3A_291 : i32
      %dma_start3A_293 = arith.constant 0 : i32
      %dma_start3A_294 = tpu.memref_slice %arg13[%add3A_292, %dma_start3A_293] : memref<128x64xf32, #tpu.memory_space<vmem>> -> memref<1x64xf32, #tpu.memory_space<vmem>>
      %dma_start3A_295 = arith.constant 0 : i32
      %dma_start3A_296 = tpu.memref_slice %arg5[%squeeze3A_280, %dma_start3A_295] : memref<1000000x64xf32, #tpu.memory_space<hbm>> -> memref<1x64xf32, #tpu.memory_space<hbm>>
      %dma_start3A_297 = arith.constant 0 : i32
      %dma_start3A_298 = tpu.memref_slice %arg13[%add3A_292, %dma_start3A_297] : memref<128x64xf32, #tpu.memory_space<vmem>> -> memref<1x64xf32, #tpu.memory_space<vmem>>
      %dma_start3A_299 = arith.constant 0 : i32
      %dma_start3A_300 = tpu.memref_slice %arg5[%squeeze3A_280, %dma_start3A_299] : memref<1000000x64xf32, #tpu.memory_space<hbm>> -> memref<1x64xf32, #tpu.memory_space<hbm>>
      tpu.enqueue_dma source(%dma_start3A_300 : memref<1x64xf32, #tpu.memory_space<hbm>>) target(%dma_start3A_298 : memref<1x64xf32, #tpu.memory_space<vmem>>) target_semaphore(%arg16 : memref<!tpu.dma_semaphore, #tpu.memory_space<semaphore_mem>>)
      %slice3A_301 = vector.extract_strided_slice %get3A_126 {offsets = [7], sizes = [1], strides = [1]} : vector<16xi32> to vector<1xi32>
      %squeeze3A_302 = vector.extract %slice3A_301[0] : i32 from vector<1xi32>
      %slice3A_303 = vector.extract_strided_slice %get3A_132 {offsets = [7], sizes = [1], strides = [1]} : vector<16xi32> to vector<1xi32>
      %squeeze3A_304 = vector.extract %slice3A_303[0] : i32 from vector<1xi32>
      %add3A_305 = arith.constant 7 : i32
      %add3A_306 = arith.addi %mul3A_134, %add3A_305 : i32
      %dma_start3A_307 = arith.constant 0 : i32
      %dma_start3A_308 = tpu.memref_slice %arg12[%add3A_306, %dma_start3A_307] : memref<128x64xf32, #tpu.memory_space<vmem>> -> memref<1x64xf32, #tpu.memory_space<vmem>>
      %dma_start3A_309 = arith.constant 0 : i32
      %dma_start3A_310 = tpu.memref_slice %arg5[%squeeze3A_302, %dma_start3A_309] : memref<1000000x64xf32, #tpu.memory_space<hbm>> -> memref<1x64xf32, #tpu.memory_space<hbm>>
      %dma_start3A_311 = arith.constant 0 : i32
      %dma_start3A_312 = tpu.memref_slice %arg12[%add3A_306, %dma_start3A_311] : memref<128x64xf32, #tpu.memory_space<vmem>> -> memref<1x64xf32, #tpu.memory_space<vmem>>
      %dma_start3A_313 = arith.constant 0 : i32
      %dma_start3A_314 = tpu.memref_slice %arg5[%squeeze3A_302, %dma_start3A_313] : memref<1000000x64xf32, #tpu.memory_space<hbm>> -> memref<1x64xf32, #tpu.memory_space<hbm>>
      tpu.enqueue_dma source(%dma_start3A_314 : memref<1x64xf32, #tpu.memory_space<hbm>>) target(%dma_start3A_312 : memref<1x64xf32, #tpu.memory_space<vmem>>) target_semaphore(%arg16 : memref<!tpu.dma_semaphore, #tpu.memory_space<semaphore_mem>>)
      %add3A_315 = arith.constant 7 : i32
      %add3A_316 = arith.addi %mul3A_134, %add3A_315 : i32
      %dma_start3A_317 = arith.constant 0 : i32
      %dma_start3A_318 = tpu.memref_slice %arg13[%add3A_316, %dma_start3A_317] : memref<128x64xf32, #tpu.memory_space<vmem>> -> memref<1x64xf32, #tpu.memory_space<vmem>>
      %dma_start3A_319 = arith.constant 0 : i32
      %dma_start3A_320 = tpu.memref_slice %arg5[%squeeze3A_304, %dma_start3A_319] : memref<1000000x64xf32, #tpu.memory_space<hbm>> -> memref<1x64xf32, #tpu.memory_space<hbm>>
      %dma_start3A_321 = arith.constant 0 : i32
      %dma_start3A_322 = tpu.memref_slice %arg13[%add3A_316, %dma_start3A_321] : memref<128x64xf32, #tpu.memory_space<vmem>> -> memref<1x64xf32, #tpu.memory_space<vmem>>
      %dma_start3A_323 = arith.constant 0 : i32
      %dma_start3A_324 = tpu.memref_slice %arg5[%squeeze3A_304, %dma_start3A_323] : memref<1000000x64xf32, #tpu.memory_space<hbm>> -> memref<1x64xf32, #tpu.memory_space<hbm>>
      tpu.enqueue_dma source(%dma_start3A_324 : memref<1x64xf32, #tpu.memory_space<hbm>>) target(%dma_start3A_322 : memref<1x64xf32, #tpu.memory_space<vmem>>) target_semaphore(%arg16 : memref<!tpu.dma_semaphore, #tpu.memory_space<semaphore_mem>>)
      %slice3A_325 = vector.extract_strided_slice %get3A_126 {offsets = [8], sizes = [1], strides = [1]} : vector<16xi32> to vector<1xi32>
      %squeeze3A_326 = vector.extract %slice3A_325[0] : i32 from vector<1xi32>
      %slice3A_327 = vector.extract_strided_slice %get3A_132 {offsets = [8], sizes = [1], strides = [1]} : vector<16xi32> to vector<1xi32>
      %squeeze3A_328 = vector.extract %slice3A_327[0] : i32 from vector<1xi32>
      %add3A_329 = arith.constant 8 : i32
      %add3A_330 = arith.addi %mul3A_134, %add3A_329 : i32
      %dma_start3A_331 = arith.constant 0 : i32
      %dma_start3A_332 = tpu.memref_slice %arg12[%add3A_330, %dma_start3A_331] : memref<128x64xf32, #tpu.memory_space<vmem>> -> memref<1x64xf32, #tpu.memory_space<vmem>>
      %dma_start3A_333 = arith.constant 0 : i32
      %dma_start3A_334 = tpu.memref_slice %arg5[%squeeze3A_326, %dma_start3A_333] : memref<1000000x64xf32, #tpu.memory_space<hbm>> -> memref<1x64xf32, #tpu.memory_space<hbm>>
      %dma_start3A_335 = arith.constant 0 : i32
      %dma_start3A_336 = tpu.memref_slice %arg12[%add3A_330, %dma_start3A_335] : memref<128x64xf32, #tpu.memory_space<vmem>> -> memref<1x64xf32, #tpu.memory_space<vmem>>
      %dma_start3A_337 = arith.constant 0 : i32
      %dma_start3A_338 = tpu.memref_slice %arg5[%squeeze3A_326, %dma_start3A_337] : memref<1000000x64xf32, #tpu.memory_space<hbm>> -> memref<1x64xf32, #tpu.memory_space<hbm>>
      tpu.enqueue_dma source(%dma_start3A_338 : memref<1x64xf32, #tpu.memory_space<hbm>>) target(%dma_start3A_336 : memref<1x64xf32, #tpu.memory_space<vmem>>) target_semaphore(%arg16 : memref<!tpu.dma_semaphore, #tpu.memory_space<semaphore_mem>>)
      %add3A_339 = arith.constant 8 : i32
      %add3A_340 = arith.addi %mul3A_134, %add3A_339 : i32
      %dma_start3A_341 = arith.constant 0 : i32
      %dma_start3A_342 = tpu.memref_slice %arg13[%add3A_340, %dma_start3A_341] : memref<128x64xf32, #tpu.memory_space<vmem>> -> memref<1x64xf32, #tpu.memory_space<vmem>>
      %dma_start3A_343 = arith.constant 0 : i32
      %dma_start3A_344 = tpu.memref_slice %arg5[%squeeze3A_328, %dma_start3A_343] : memref<1000000x64xf32, #tpu.memory_space<hbm>> -> memref<1x64xf32, #tpu.memory_space<hbm>>
      %dma_start3A_345 = arith.constant 0 : i32
      %dma_start3A_346 = tpu.memref_slice %arg13[%add3A_340, %dma_start3A_345] : memref<128x64xf32, #tpu.memory_space<vmem>> -> memref<1x64xf32, #tpu.memory_space<vmem>>
      %dma_start3A_347 = arith.constant 0 : i32
      %dma_start3A_348 = tpu.memref_slice %arg5[%squeeze3A_328, %dma_start3A_347] : memref<1000000x64xf32, #tpu.memory_space<hbm>> -> memref<1x64xf32, #tpu.memory_space<hbm>>
      tpu.enqueue_dma source(%dma_start3A_348 : memref<1x64xf32, #tpu.memory_space<hbm>>) target(%dma_start3A_346 : memref<1x64xf32, #tpu.memory_space<vmem>>) target_semaphore(%arg16 : memref<!tpu.dma_semaphore, #tpu.memory_space<semaphore_mem>>)
      %slice3A_349 = vector.extract_strided_slice %get3A_126 {offsets = [9], sizes = [1], strides = [1]} : vector<16xi32> to vector<1xi32>
      %squeeze3A_350 = vector.extract %slice3A_349[0] : i32 from vector<1xi32>
      %slice3A_351 = vector.extract_strided_slice %get3A_132 {offsets = [9], sizes = [1], strides = [1]} : vector<16xi32> to vector<1xi32>
      %squeeze3A_352 = vector.extract %slice3A_351[0] : i32 from vector<1xi32>
      %add3A_353 = arith.constant 9 : i32
      %add3A_354 = arith.addi %mul3A_134, %add3A_353 : i32
      %dma_start3A_355 = arith.constant 0 : i32
      %dma_start3A_356 = tpu.memref_slice %arg12[%add3A_354, %dma_start3A_355] : memref<128x64xf32, #tpu.memory_space<vmem>> -> memref<1x64xf32, #tpu.memory_space<vmem>>
      %dma_start3A_357 = arith.constant 0 : i32
      %dma_start3A_358 = tpu.memref_slice %arg5[%squeeze3A_350, %dma_start3A_357] : memref<1000000x64xf32, #tpu.memory_space<hbm>> -> memref<1x64xf32, #tpu.memory_space<hbm>>
      %dma_start3A_359 = arith.constant 0 : i32
      %dma_start3A_360 = tpu.memref_slice %arg12[%add3A_354, %dma_start3A_359] : memref<128x64xf32, #tpu.memory_space<vmem>> -> memref<1x64xf32, #tpu.memory_space<vmem>>
      %dma_start3A_361 = arith.constant 0 : i32
      %dma_start3A_362 = tpu.memref_slice %arg5[%squeeze3A_350, %dma_start3A_361] : memref<1000000x64xf32, #tpu.memory_space<hbm>> -> memref<1x64xf32, #tpu.memory_space<hbm>>
      tpu.enqueue_dma source(%dma_start3A_362 : memref<1x64xf32, #tpu.memory_space<hbm>>) target(%dma_start3A_360 : memref<1x64xf32, #tpu.memory_space<vmem>>) target_semaphore(%arg16 : memref<!tpu.dma_semaphore, #tpu.memory_space<semaphore_mem>>)
      %add3A_363 = arith.constant 9 : i32
      %add3A_364 = arith.addi %mul3A_134, %add3A_363 : i32
      %dma_start3A_365 = arith.constant 0 : i32
      %dma_start3A_366 = tpu.memref_slice %arg13[%add3A_364, %dma_start3A_365] : memref<128x64xf32, #tpu.memory_space<vmem>> -> memref<1x64xf32, #tpu.memory_space<vmem>>
      %dma_start3A_367 = arith.constant 0 : i32
      %dma_start3A_368 = tpu.memref_slice %arg5[%squeeze3A_352, %dma_start3A_367] : memref<1000000x64xf32, #tpu.memory_space<hbm>> -> memref<1x64xf32, #tpu.memory_space<hbm>>
      %dma_start3A_369 = arith.constant 0 : i32
      %dma_start3A_370 = tpu.memref_slice %arg13[%add3A_364, %dma_start3A_369] : memref<128x64xf32, #tpu.memory_space<vmem>> -> memref<1x64xf32, #tpu.memory_space<vmem>>
      %dma_start3A_371 = arith.constant 0 : i32
      %dma_start3A_372 = tpu.memref_slice %arg5[%squeeze3A_352, %dma_start3A_371] : memref<1000000x64xf32, #tpu.memory_space<hbm>> -> memref<1x64xf32, #tpu.memory_space<hbm>>
      tpu.enqueue_dma source(%dma_start3A_372 : memref<1x64xf32, #tpu.memory_space<hbm>>) target(%dma_start3A_370 : memref<1x64xf32, #tpu.memory_space<vmem>>) target_semaphore(%arg16 : memref<!tpu.dma_semaphore, #tpu.memory_space<semaphore_mem>>)
      %slice3A_373 = vector.extract_strided_slice %get3A_126 {offsets = [10], sizes = [1], strides = [1]} : vector<16xi32> to vector<1xi32>
      %squeeze3A_374 = vector.extract %slice3A_373[0] : i32 from vector<1xi32>
      %slice3A_375 = vector.extract_strided_slice %get3A_132 {offsets = [10], sizes = [1], strides = [1]} : vector<16xi32> to vector<1xi32>
      %squeeze3A_376 = vector.extract %slice3A_375[0] : i32 from vector<1xi32>
      %add3A_377 = arith.constant 10 : i32
      %add3A_378 = arith.addi %mul3A_134, %add3A_377 : i32
      %dma_start3A_379 = arith.constant 0 : i32
      %dma_start3A_380 = tpu.memref_slice %arg12[%add3A_378, %dma_start3A_379] : memref<128x64xf32, #tpu.memory_space<vmem>> -> memref<1x64xf32, #tpu.memory_space<vmem>>
      %dma_start3A_381 = arith.constant 0 : i32
      %dma_start3A_382 = tpu.memref_slice %arg5[%squeeze3A_374, %dma_start3A_381] : memref<1000000x64xf32, #tpu.memory_space<hbm>> -> memref<1x64xf32, #tpu.memory_space<hbm>>
      %dma_start3A_383 = arith.constant 0 : i32
      %dma_start3A_384 = tpu.memref_slice %arg12[%add3A_378, %dma_start3A_383] : memref<128x64xf32, #tpu.memory_space<vmem>> -> memref<1x64xf32, #tpu.memory_space<vmem>>
      %dma_start3A_385 = arith.constant 0 : i32
      %dma_start3A_386 = tpu.memref_slice %arg5[%squeeze3A_374, %dma_start3A_385] : memref<1000000x64xf32, #tpu.memory_space<hbm>> -> memref<1x64xf32, #tpu.memory_space<hbm>>
      tpu.enqueue_dma source(%dma_start3A_386 : memref<1x64xf32, #tpu.memory_space<hbm>>) target(%dma_start3A_384 : memref<1x64xf32, #tpu.memory_space<vmem>>) target_semaphore(%arg16 : memref<!tpu.dma_semaphore, #tpu.memory_space<semaphore_mem>>)
      %add3A_387 = arith.constant 10 : i32
      %add3A_388 = arith.addi %mul3A_134, %add3A_387 : i32
      %dma_start3A_389 = arith.constant 0 : i32
      %dma_start3A_390 = tpu.memref_slice %arg13[%add3A_388, %dma_start3A_389] : memref<128x64xf32, #tpu.memory_space<vmem>> -> memref<1x64xf32, #tpu.memory_space<vmem>>
      %dma_start3A_391 = arith.constant 0 : i32
      %dma_start3A_392 = tpu.memref_slice %arg5[%squeeze3A_376, %dma_start3A_391] : memref<1000000x64xf32, #tpu.memory_space<hbm>> -> memref<1x64xf32, #tpu.memory_space<hbm>>
      %dma_start3A_393 = arith.constant 0 : i32
      %dma_start3A_394 = tpu.memref_slice %arg13[%add3A_388, %dma_start3A_393] : memref<128x64xf32, #tpu.memory_space<vmem>> -> memref<1x64xf32, #tpu.memory_space<vmem>>
      %dma_start3A_395 = arith.constant 0 : i32
      %dma_start3A_396 = tpu.memref_slice %arg5[%squeeze3A_376, %dma_start3A_395] : memref<1000000x64xf32, #tpu.memory_space<hbm>> -> memref<1x64xf32, #tpu.memory_space<hbm>>
      tpu.enqueue_dma source(%dma_start3A_396 : memref<1x64xf32, #tpu.memory_space<hbm>>) target(%dma_start3A_394 : memref<1x64xf32, #tpu.memory_space<vmem>>) target_semaphore(%arg16 : memref<!tpu.dma_semaphore, #tpu.memory_space<semaphore_mem>>)
      %slice3A_397 = vector.extract_strided_slice %get3A_126 {offsets = [11], sizes = [1], strides = [1]} : vector<16xi32> to vector<1xi32>
      %squeeze3A_398 = vector.extract %slice3A_397[0] : i32 from vector<1xi32>
      %slice3A_399 = vector.extract_strided_slice %get3A_132 {offsets = [11], sizes = [1], strides = [1]} : vector<16xi32> to vector<1xi32>
      %squeeze3A_400 = vector.extract %slice3A_399[0] : i32 from vector<1xi32>
      %add3A_401 = arith.constant 11 : i32
      %add3A_402 = arith.addi %mul3A_134, %add3A_401 : i32
      %dma_start3A_403 = arith.constant 0 : i32
      %dma_start3A_404 = tpu.memref_slice %arg12[%add3A_402, %dma_start3A_403] : memref<128x64xf32, #tpu.memory_space<vmem>> -> memref<1x64xf32, #tpu.memory_space<vmem>>
      %dma_start3A_405 = arith.constant 0 : i32
      %dma_start3A_406 = tpu.memref_slice %arg5[%squeeze3A_398, %dma_start3A_405] : memref<1000000x64xf32, #tpu.memory_space<hbm>> -> memref<1x64xf32, #tpu.memory_space<hbm>>
      %dma_start3A_407 = arith.constant 0 : i32
      %dma_start3A_408 = tpu.memref_slice %arg12[%add3A_402, %dma_start3A_407] : memref<128x64xf32, #tpu.memory_space<vmem>> -> memref<1x64xf32, #tpu.memory_space<vmem>>
      %dma_start3A_409 = arith.constant 0 : i32
      %dma_start3A_410 = tpu.memref_slice %arg5[%squeeze3A_398, %dma_start3A_409] : memref<1000000x64xf32, #tpu.memory_space<hbm>> -> memref<1x64xf32, #tpu.memory_space<hbm>>
      tpu.enqueue_dma source(%dma_start3A_410 : memref<1x64xf32, #tpu.memory_space<hbm>>) target(%dma_start3A_408 : memref<1x64xf32, #tpu.memory_space<vmem>>) target_semaphore(%arg16 : memref<!tpu.dma_semaphore, #tpu.memory_space<semaphore_mem>>)
      %add3A_411 = arith.constant 11 : i32
      %add3A_412 = arith.addi %mul3A_134, %add3A_411 : i32
      %dma_start3A_413 = arith.constant 0 : i32
      %dma_start3A_414 = tpu.memref_slice %arg13[%add3A_412, %dma_start3A_413] : memref<128x64xf32, #tpu.memory_space<vmem>> -> memref<1x64xf32, #tpu.memory_space<vmem>>
      %dma_start3A_415 = arith.constant 0 : i32
      %dma_start3A_416 = tpu.memref_slice %arg5[%squeeze3A_400, %dma_start3A_415] : memref<1000000x64xf32, #tpu.memory_space<hbm>> -> memref<1x64xf32, #tpu.memory_space<hbm>>
      %dma_start3A_417 = arith.constant 0 : i32
      %dma_start3A_418 = tpu.memref_slice %arg13[%add3A_412, %dma_start3A_417] : memref<128x64xf32, #tpu.memory_space<vmem>> -> memref<1x64xf32, #tpu.memory_space<vmem>>
      %dma_start3A_419 = arith.constant 0 : i32
      %dma_start3A_420 = tpu.memref_slice %arg5[%squeeze3A_400, %dma_start3A_419] : memref<1000000x64xf32, #tpu.memory_space<hbm>> -> memref<1x64xf32, #tpu.memory_space<hbm>>
      tpu.enqueue_dma source(%dma_start3A_420 : memref<1x64xf32, #tpu.memory_space<hbm>>) target(%dma_start3A_418 : memref<1x64xf32, #tpu.memory_space<vmem>>) target_semaphore(%arg16 : memref<!tpu.dma_semaphore, #tpu.memory_space<semaphore_mem>>)
      %slice3A_421 = vector.extract_strided_slice %get3A_126 {offsets = [12], sizes = [1], strides = [1]} : vector<16xi32> to vector<1xi32>
      %squeeze3A_422 = vector.extract %slice3A_421[0] : i32 from vector<1xi32>
      %slice3A_423 = vector.extract_strided_slice %get3A_132 {offsets = [12], sizes = [1], strides = [1]} : vector<16xi32> to vector<1xi32>
      %squeeze3A_424 = vector.extract %slice3A_423[0] : i32 from vector<1xi32>
      %add3A_425 = arith.constant 12 : i32
      %add3A_426 = arith.addi %mul3A_134, %add3A_425 : i32
      %dma_start3A_427 = arith.constant 0 : i32
      %dma_start3A_428 = tpu.memref_slice %arg12[%add3A_426, %dma_start3A_427] : memref<128x64xf32, #tpu.memory_space<vmem>> -> memref<1x64xf32, #tpu.memory_space<vmem>>
      %dma_start3A_429 = arith.constant 0 : i32
      %dma_start3A_430 = tpu.memref_slice %arg5[%squeeze3A_422, %dma_start3A_429] : memref<1000000x64xf32, #tpu.memory_space<hbm>> -> memref<1x64xf32, #tpu.memory_space<hbm>>
      %dma_start3A_431 = arith.constant 0 : i32
      %dma_start3A_432 = tpu.memref_slice %arg12[%add3A_426, %dma_start3A_431] : memref<128x64xf32, #tpu.memory_space<vmem>> -> memref<1x64xf32, #tpu.memory_space<vmem>>
      %dma_start3A_433 = arith.constant 0 : i32
      %dma_start3A_434 = tpu.memref_slice %arg5[%squeeze3A_422, %dma_start3A_433] : memref<1000000x64xf32, #tpu.memory_space<hbm>> -> memref<1x64xf32, #tpu.memory_space<hbm>>
      tpu.enqueue_dma source(%dma_start3A_434 : memref<1x64xf32, #tpu.memory_space<hbm>>) target(%dma_start3A_432 : memref<1x64xf32, #tpu.memory_space<vmem>>) target_semaphore(%arg16 : memref<!tpu.dma_semaphore, #tpu.memory_space<semaphore_mem>>)
      %add3A_435 = arith.constant 12 : i32
      %add3A_436 = arith.addi %mul3A_134, %add3A_435 : i32
      %dma_start3A_437 = arith.constant 0 : i32
      %dma_start3A_438 = tpu.memref_slice %arg13[%add3A_436, %dma_start3A_437] : memref<128x64xf32, #tpu.memory_space<vmem>> -> memref<1x64xf32, #tpu.memory_space<vmem>>
      %dma_start3A_439 = arith.constant 0 : i32
      %dma_start3A_440 = tpu.memref_slice %arg5[%squeeze3A_424, %dma_start3A_439] : memref<1000000x64xf32, #tpu.memory_space<hbm>> -> memref<1x64xf32, #tpu.memory_space<hbm>>
      %dma_start3A_441 = arith.constant 0 : i32
      %dma_start3A_442 = tpu.memref_slice %arg13[%add3A_436, %dma_start3A_441] : memref<128x64xf32, #tpu.memory_space<vmem>> -> memref<1x64xf32, #tpu.memory_space<vmem>>
      %dma_start3A_443 = arith.constant 0 : i32
      %dma_start3A_444 = tpu.memref_slice %arg5[%squeeze3A_424, %dma_start3A_443] : memref<1000000x64xf32, #tpu.memory_space<hbm>> -> memref<1x64xf32, #tpu.memory_space<hbm>>
      tpu.enqueue_dma source(%dma_start3A_444 : memref<1x64xf32, #tpu.memory_space<hbm>>) target(%dma_start3A_442 : memref<1x64xf32, #tpu.memory_space<vmem>>) target_semaphore(%arg16 : memref<!tpu.dma_semaphore, #tpu.memory_space<semaphore_mem>>)
      %slice3A_445 = vector.extract_strided_slice %get3A_126 {offsets = [13], sizes = [1], strides = [1]} : vector<16xi32> to vector<1xi32>
      %squeeze3A_446 = vector.extract %slice3A_445[0] : i32 from vector<1xi32>
      %slice3A_447 = vector.extract_strided_slice %get3A_132 {offsets = [13], sizes = [1], strides = [1]} : vector<16xi32> to vector<1xi32>
      %squeeze3A_448 = vector.extract %slice3A_447[0] : i32 from vector<1xi32>
      %add3A_449 = arith.constant 13 : i32
      %add3A_450 = arith.addi %mul3A_134, %add3A_449 : i32
      %dma_start3A_451 = arith.constant 0 : i32
      %dma_start3A_452 = tpu.memref_slice %arg12[%add3A_450, %dma_start3A_451] : memref<128x64xf32, #tpu.memory_space<vmem>> -> memref<1x64xf32, #tpu.memory_space<vmem>>
      %dma_start3A_453 = arith.constant 0 : i32
      %dma_start3A_454 = tpu.memref_slice %arg5[%squeeze3A_446, %dma_start3A_453] : memref<1000000x64xf32, #tpu.memory_space<hbm>> -> memref<1x64xf32, #tpu.memory_space<hbm>>
      %dma_start3A_455 = arith.constant 0 : i32
      %dma_start3A_456 = tpu.memref_slice %arg12[%add3A_450, %dma_start3A_455] : memref<128x64xf32, #tpu.memory_space<vmem>> -> memref<1x64xf32, #tpu.memory_space<vmem>>
      %dma_start3A_457 = arith.constant 0 : i32
      %dma_start3A_458 = tpu.memref_slice %arg5[%squeeze3A_446, %dma_start3A_457] : memref<1000000x64xf32, #tpu.memory_space<hbm>> -> memref<1x64xf32, #tpu.memory_space<hbm>>
      tpu.enqueue_dma source(%dma_start3A_458 : memref<1x64xf32, #tpu.memory_space<hbm>>) target(%dma_start3A_456 : memref<1x64xf32, #tpu.memory_space<vmem>>) target_semaphore(%arg16 : memref<!tpu.dma_semaphore, #tpu.memory_space<semaphore_mem>>)
      %add3A_459 = arith.constant 13 : i32
      %add3A_460 = arith.addi %mul3A_134, %add3A_459 : i32
      %dma_start3A_461 = arith.constant 0 : i32
      %dma_start3A_462 = tpu.memref_slice %arg13[%add3A_460, %dma_start3A_461] : memref<128x64xf32, #tpu.memory_space<vmem>> -> memref<1x64xf32, #tpu.memory_space<vmem>>
      %dma_start3A_463 = arith.constant 0 : i32
      %dma_start3A_464 = tpu.memref_slice %arg5[%squeeze3A_448, %dma_start3A_463] : memref<1000000x64xf32, #tpu.memory_space<hbm>> -> memref<1x64xf32, #tpu.memory_space<hbm>>
      %dma_start3A_465 = arith.constant 0 : i32
      %dma_start3A_466 = tpu.memref_slice %arg13[%add3A_460, %dma_start3A_465] : memref<128x64xf32, #tpu.memory_space<vmem>> -> memref<1x64xf32, #tpu.memory_space<vmem>>
      %dma_start3A_467 = arith.constant 0 : i32
      %dma_start3A_468 = tpu.memref_slice %arg5[%squeeze3A_448, %dma_start3A_467] : memref<1000000x64xf32, #tpu.memory_space<hbm>> -> memref<1x64xf32, #tpu.memory_space<hbm>>
      tpu.enqueue_dma source(%dma_start3A_468 : memref<1x64xf32, #tpu.memory_space<hbm>>) target(%dma_start3A_466 : memref<1x64xf32, #tpu.memory_space<vmem>>) target_semaphore(%arg16 : memref<!tpu.dma_semaphore, #tpu.memory_space<semaphore_mem>>)
      %slice3A_469 = vector.extract_strided_slice %get3A_126 {offsets = [14], sizes = [1], strides = [1]} : vector<16xi32> to vector<1xi32>
      %squeeze3A_470 = vector.extract %slice3A_469[0] : i32 from vector<1xi32>
      %slice3A_471 = vector.extract_strided_slice %get3A_132 {offsets = [14], sizes = [1], strides = [1]} : vector<16xi32> to vector<1xi32>
      %squeeze3A_472 = vector.extract %slice3A_471[0] : i32 from vector<1xi32>
      %add3A_473 = arith.constant 14 : i32
      %add3A_474 = arith.addi %mul3A_134, %add3A_473 : i32
      %dma_start3A_475 = arith.constant 0 : i32
      %dma_start3A_476 = tpu.memref_slice %arg12[%add3A_474, %dma_start3A_475] : memref<128x64xf32, #tpu.memory_space<vmem>> -> memref<1x64xf32, #tpu.memory_space<vmem>>
      %dma_start3A_477 = arith.constant 0 : i32
      %dma_start3A_478 = tpu.memref_slice %arg5[%squeeze3A_470, %dma_start3A_477] : memref<1000000x64xf32, #tpu.memory_space<hbm>> -> memref<1x64xf32, #tpu.memory_space<hbm>>
      %dma_start3A_479 = arith.constant 0 : i32
      %dma_start3A_480 = tpu.memref_slice %arg12[%add3A_474, %dma_start3A_479] : memref<128x64xf32, #tpu.memory_space<vmem>> -> memref<1x64xf32, #tpu.memory_space<vmem>>
      %dma_start3A_481 = arith.constant 0 : i32
      %dma_start3A_482 = tpu.memref_slice %arg5[%squeeze3A_470, %dma_start3A_481] : memref<1000000x64xf32, #tpu.memory_space<hbm>> -> memref<1x64xf32, #tpu.memory_space<hbm>>
      tpu.enqueue_dma source(%dma_start3A_482 : memref<1x64xf32, #tpu.memory_space<hbm>>) target(%dma_start3A_480 : memref<1x64xf32, #tpu.memory_space<vmem>>) target_semaphore(%arg16 : memref<!tpu.dma_semaphore, #tpu.memory_space<semaphore_mem>>)
      %add3A_483 = arith.constant 14 : i32
      %add3A_484 = arith.addi %mul3A_134, %add3A_483 : i32
      %dma_start3A_485 = arith.constant 0 : i32
      %dma_start3A_486 = tpu.memref_slice %arg13[%add3A_484, %dma_start3A_485] : memref<128x64xf32, #tpu.memory_space<vmem>> -> memref<1x64xf32, #tpu.memory_space<vmem>>
      %dma_start3A_487 = arith.constant 0 : i32
      %dma_start3A_488 = tpu.memref_slice %arg5[%squeeze3A_472, %dma_start3A_487] : memref<1000000x64xf32, #tpu.memory_space<hbm>> -> memref<1x64xf32, #tpu.memory_space<hbm>>
      %dma_start3A_489 = arith.constant 0 : i32
      %dma_start3A_490 = tpu.memref_slice %arg13[%add3A_484, %dma_start3A_489] : memref<128x64xf32, #tpu.memory_space<vmem>> -> memref<1x64xf32, #tpu.memory_space<vmem>>
      %dma_start3A_491 = arith.constant 0 : i32
      %dma_start3A_492 = tpu.memref_slice %arg5[%squeeze3A_472, %dma_start3A_491] : memref<1000000x64xf32, #tpu.memory_space<hbm>> -> memref<1x64xf32, #tpu.memory_space<hbm>>
      tpu.enqueue_dma source(%dma_start3A_492 : memref<1x64xf32, #tpu.memory_space<hbm>>) target(%dma_start3A_490 : memref<1x64xf32, #tpu.memory_space<vmem>>) target_semaphore(%arg16 : memref<!tpu.dma_semaphore, #tpu.memory_space<semaphore_mem>>)
      %slice3A_493 = vector.extract_strided_slice %get3A_126 {offsets = [15], sizes = [1], strides = [1]} : vector<16xi32> to vector<1xi32>
      %squeeze3A_494 = vector.extract %slice3A_493[0] : i32 from vector<1xi32>
      %slice3A_495 = vector.extract_strided_slice %get3A_132 {offsets = [15], sizes = [1], strides = [1]} : vector<16xi32> to vector<1xi32>
      %squeeze3A_496 = vector.extract %slice3A_495[0] : i32 from vector<1xi32>
      %add3A_497 = arith.constant 15 : i32
      %add3A_498 = arith.addi %mul3A_134, %add3A_497 : i32
      %dma_start3A_499 = arith.constant 0 : i32
      %dma_start3A_500 = tpu.memref_slice %arg12[%add3A_498, %dma_start3A_499] : memref<128x64xf32, #tpu.memory_space<vmem>> -> memref<1x64xf32, #tpu.memory_space<vmem>>
      %dma_start3A_501 = arith.constant 0 : i32
      %dma_start3A_502 = tpu.memref_slice %arg5[%squeeze3A_494, %dma_start3A_501] : memref<1000000x64xf32, #tpu.memory_space<hbm>> -> memref<1x64xf32, #tpu.memory_space<hbm>>
      %dma_start3A_503 = arith.constant 0 : i32
      %dma_start3A_504 = tpu.memref_slice %arg12[%add3A_498, %dma_start3A_503] : memref<128x64xf32, #tpu.memory_space<vmem>> -> memref<1x64xf32, #tpu.memory_space<vmem>>
      %dma_start3A_505 = arith.constant 0 : i32
      %dma_start3A_506 = tpu.memref_slice %arg5[%squeeze3A_494, %dma_start3A_505] : memref<1000000x64xf32, #tpu.memory_space<hbm>> -> memref<1x64xf32, #tpu.memory_space<hbm>>
      tpu.enqueue_dma source(%dma_start3A_506 : memref<1x64xf32, #tpu.memory_space<hbm>>) target(%dma_start3A_504 : memref<1x64xf32, #tpu.memory_space<vmem>>) target_semaphore(%arg16 : memref<!tpu.dma_semaphore, #tpu.memory_space<semaphore_mem>>)
      %add3A_507 = arith.constant 15 : i32
      %add3A_508 = arith.addi %mul3A_134, %add3A_507 : i32
      %dma_start3A_509 = arith.constant 0 : i32
      %dma_start3A_510 = tpu.memref_slice %arg13[%add3A_508, %dma_start3A_509] : memref<128x64xf32, #tpu.memory_space<vmem>> -> memref<1x64xf32, #tpu.memory_space<vmem>>
      %dma_start3A_511 = arith.constant 0 : i32
      %dma_start3A_512 = tpu.memref_slice %arg5[%squeeze3A_496, %dma_start3A_511] : memref<1000000x64xf32, #tpu.memory_space<hbm>> -> memref<1x64xf32, #tpu.memory_space<hbm>>
      %dma_start3A_513 = arith.constant 0 : i32
      %dma_start3A_514 = tpu.memref_slice %arg13[%add3A_508, %dma_start3A_513] : memref<128x64xf32, #tpu.memory_space<vmem>> -> memref<1x64xf32, #tpu.memory_space<vmem>>
      %dma_start3A_515 = arith.constant 0 : i32
      %dma_start3A_516 = tpu.memref_slice %arg5[%squeeze3A_496, %dma_start3A_515] : memref<1000000x64xf32, #tpu.memory_space<hbm>> -> memref<1x64xf32, #tpu.memory_space<hbm>>
      tpu.enqueue_dma source(%dma_start3A_516 : memref<1x64xf32, #tpu.memory_space<hbm>>) target(%dma_start3A_514 : memref<1x64xf32, #tpu.memory_space<vmem>>) target_semaphore(%arg16 : memref<!tpu.dma_semaphore, #tpu.memory_space<semaphore_mem>>)
      %scan3A_517 = arith.constant 0 : i32
      scf.yield %scan3A_517 : i32
    }
    %scan3A_93 = arith.constant 8 : i32
    %scan3A_94 = arith.constant 0 : i32
    %scan3A_95 = arith.constant 0 : i32
    %scan3A_96 = arith.constant 8 : i32
    %scan3A_97 = arith.addi %scan3A_95, %scan3A_96 : i32
    %scan3A_98 = arith.constant 1 : i32
    %scan3A_99 = scf.for %scan3A_120 = %scan3A_95 to %scan3A_97 step %scan3A_98 iter_args(%scan3A_121 = %scan3A_94) -> (i32)  : i32 {
      %mul3A_122 = arith.constant 16 : i32
      %mul3A_123 = arith.muli %scan3A_120, %mul3A_122 : i32
      %add3A_124 = vector.broadcast %mul3A_123 : i32 to vector<16xi32>
      %add3A_125 = arith.addi %iota3A, %add3A_124 : vector<16xi32>
      %broadcast_in_dim3A = arith.constant 0.000000e+00 : f32
      %broadcast_in_dim3A_126 = vector.broadcast %broadcast_in_dim3A : f32 to vector<16xf32>
      %scan3A_127 = arith.constant 0 : i32
      %scan3A_128 = arith.constant 16 : i32
      %scan3A_129 = arith.addi %scan3A_127, %scan3A_128 : i32
      %scan3A_130 = arith.constant 1 : i32
      %scan3A_131 = scf.for %scan3A_168 = %scan3A_127 to %scan3A_129 step %scan3A_130 iter_args(%scan3A_169 = %broadcast_in_dim3A_126) -> (vector<16xf32>)  : i32 {
        %mul3A_170 = arith.constant 4 : i32
        %mul3A_171 = arith.muli %scan3A_168, %mul3A_170 : i32
        %add3A_172 = arith.constant 0 : i32
        %add3A_173 = arith.addi %mul3A_171, %add3A_172 : i32
        %broadcast_in_dim3A_174 = arith.constant 0 : i32
        %broadcast_in_dim3A_175 = vector.broadcast %broadcast_in_dim3A_174 : i32 to vector<16xi32>
        %add3A_176 = vector.broadcast %add3A_173 : i32 to vector<16xi32>
        %add3A_177 = arith.addi %broadcast_in_dim3A_175, %add3A_176 : vector<16xi32>
        %gather3A = tpu.vector_load_idx %arg10[%add3A_125, %add3A_177] : memref<128x64xf32, #tpu.memory_space<vmem>>[vector<16xi32>, vector<16xi32>], vector<16xf32>,
        %gather3A_178 = tpu.vector_load_idx %arg11[%add3A_125, %add3A_177] : memref<128x64xf32, #tpu.memory_space<vmem>>[vector<16xi32>, vector<16xi32>], vector<16xf32>,
        %mul3A_179 = arith.constant 16 : i32
        %mul3A_180 = arith.muli %scan3A_120, %mul3A_179 : i32
        %add3A_181 = arith.constant 256 : i32
        %add3A_182 = arith.addi %add3A_181, %mul3A_180 : i32
        %get3A = arith.index_cast %add3A_173 : i32 to index
        %get3A_183 = arith.index_cast %add3A_182 : i32 to index
        %get3A_184 = tpu.vector_load %arg9[%get3A, %get3A_183] {strides = array<i32>} : memref<64x512xf32, #tpu.memory_space<vmem>>, vector<16xf32>,
        %add3A_185 = arith.addf %gather3A, %get3A_184 : vector<16xf32>
        %sub3A_186 = arith.subf %add3A_185, %gather3A_178 : vector<16xf32>
        %mul3A_187 = arith.mulf %sub3A_186, %sub3A_186 : vector<16xf32>
        %add3A_188 = arith.addf %scan3A_169, %mul3A_187 : vector<16xf32>
        %mul3A_189 = arith.constant 4 : i32
        %mul3A_190 = arith.muli %scan3A_168, %mul3A_189 : i32
        %add3A_191 = arith.constant 1 : i32
        %add3A_192 = arith.addi %mul3A_190, %add3A_191 : i32
        %broadcast_in_dim3A_193 = arith.constant 0 : i32
        %broadcast_in_dim3A_194 = vector.broadcast %broadcast_in_dim3A_193 : i32 to vector<16xi32>
        %add3A_195 = vector.broadcast %add3A_192 : i32 to vector<16xi32>
        %add3A_196 = arith.addi %broadcast_in_dim3A_194, %add3A_195 : vector<16xi32>
        %gather3A_197 = tpu.vector_load_idx %arg10[%add3A_125, %add3A_196] : memref<128x64xf32, #tpu.memory_space<vmem>>[vector<16xi32>, vector<16xi32>], vector<16xf32>,
        %gather3A_198 = tpu.vector_load_idx %arg11[%add3A_125, %add3A_196] : memref<128x64xf32, #tpu.memory_space<vmem>>[vector<16xi32>, vector<16xi32>], vector<16xf32>,
        %mul3A_199 = arith.constant 16 : i32
        %mul3A_200 = arith.muli %scan3A_120, %mul3A_199 : i32
        %add3A_201 = arith.constant 256 : i32
        %add3A_202 = arith.addi %add3A_201, %mul3A_200 : i32
        %get3A_203 = arith.index_cast %add3A_192 : i32 to index
        %get3A_204 = arith.index_cast %add3A_202 : i32 to index
        %get3A_205 = tpu.vector_load %arg9[%get3A_203, %get3A_204] {strides = array<i32>} : memref<64x512xf32, #tpu.memory_space<vmem>>, vector<16xf32>,
        %add3A_206 = arith.addf %gather3A_197, %get3A_205 : vector<16xf32>
        %sub3A_207 = arith.subf %add3A_206, %gather3A_198 : vector<16xf32>
        %mul3A_208 = arith.mulf %sub3A_207, %sub3A_207 : vector<16xf32>
        %add3A_209 = arith.addf %add3A_188, %mul3A_208 : vector<16xf32>
        %mul3A_210 = arith.constant 4 : i32
        %mul3A_211 = arith.muli %scan3A_168, %mul3A_210 : i32
        %add3A_212 = arith.constant 2 : i32
        %add3A_213 = arith.addi %mul3A_211, %add3A_212 : i32
        %broadcast_in_dim3A_214 = arith.constant 0 : i32
        %broadcast_in_dim3A_215 = vector.broadcast %broadcast_in_dim3A_214 : i32 to vector<16xi32>
        %add3A_216 = vector.broadcast %add3A_213 : i32 to vector<16xi32>
        %add3A_217 = arith.addi %broadcast_in_dim3A_215, %add3A_216 : vector<16xi32>
        %gather3A_218 = tpu.vector_load_idx %arg10[%add3A_125, %add3A_217] : memref<128x64xf32, #tpu.memory_space<vmem>>[vector<16xi32>, vector<16xi32>], vector<16xf32>,
        %gather3A_219 = tpu.vector_load_idx %arg11[%add3A_125, %add3A_217] : memref<128x64xf32, #tpu.memory_space<vmem>>[vector<16xi32>, vector<16xi32>], vector<16xf32>,
        %mul3A_220 = arith.constant 16 : i32
        %mul3A_221 = arith.muli %scan3A_120, %mul3A_220 : i32
        %add3A_222 = arith.constant 256 : i32
        %add3A_223 = arith.addi %add3A_222, %mul3A_221 : i32
        %get3A_224 = arith.index_cast %add3A_213 : i32 to index
        %get3A_225 = arith.index_cast %add3A_223 : i32 to index
        %get3A_226 = tpu.vector_load %arg9[%get3A_224, %get3A_225] {strides = array<i32>} : memref<64x512xf32, #tpu.memory_space<vmem>>, vector<16xf32>,
        %add3A_227 = arith.addf %gather3A_218, %get3A_226 : vector<16xf32>
        %sub3A_228 = arith.subf %add3A_227, %gather3A_219 : vector<16xf32>
        %mul3A_229 = arith.mulf %sub3A_228, %sub3A_228 : vector<16xf32>
        %add3A_230 = arith.addf %add3A_209, %mul3A_229 : vector<16xf32>
        %mul3A_231 = arith.constant 4 : i32
        %mul3A_232 = arith.muli %scan3A_168, %mul3A_231 : i32
        %add3A_233 = arith.constant 3 : i32
        %add3A_234 = arith.addi %mul3A_232, %add3A_233 : i32
        %broadcast_in_dim3A_235 = arith.constant 0 : i32
        %broadcast_in_dim3A_236 = vector.broadcast %broadcast_in_dim3A_235 : i32 to vector<16xi32>
        %add3A_237 = vector.broadcast %add3A_234 : i32 to vector<16xi32>
        %add3A_238 = arith.addi %broadcast_in_dim3A_236, %add3A_237 : vector<16xi32>
        %gather3A_239 = tpu.vector_load_idx %arg10[%add3A_125, %add3A_238] : memref<128x64xf32, #tpu.memory_space<vmem>>[vector<16xi32>, vector<16xi32>], vector<16xf32>,
        %gather3A_240 = tpu.vector_load_idx %arg11[%add3A_125, %add3A_238] : memref<128x64xf32, #tpu.memory_space<vmem>>[vector<16xi32>, vector<16xi32>], vector<16xf32>,
        %mul3A_241 = arith.constant 16 : i32
        %mul3A_242 = arith.muli %scan3A_120, %mul3A_241 : i32
        %add3A_243 = arith.constant 256 : i32
        %add3A_244 = arith.addi %add3A_243, %mul3A_242 : i32
        %get3A_245 = arith.index_cast %add3A_234 : i32 to index
        %get3A_246 = arith.index_cast %add3A_244 : i32 to index
        %get3A_247 = tpu.vector_load %arg9[%get3A_245, %get3A_246] {strides = array<i32>} : memref<64x512xf32, #tpu.memory_space<vmem>>, vector<16xf32>,
        %add3A_248 = arith.addf %gather3A_239, %get3A_247 : vector<16xf32>
        %sub3A_249 = arith.subf %add3A_248, %gather3A_240 : vector<16xf32>
        %mul3A_250 = arith.mulf %sub3A_249, %sub3A_249 : vector<16xf32>
        %add3A_251 = arith.addf %add3A_230, %mul3A_250 : vector<16xf32>
        scf.yield %add3A_251 : vector<16xf32>
      }
      %scan3A_132 = arith.constant 16 : i32
      %bitcast3A = vector.bitcast %scan3A_131 : vector<16xf32> to vector<16xi32>
      %shift_right_arithmetic3A = arith.constant 1 : i32
      %shift_right_arithmetic3A_133 = vector.broadcast %shift_right_arithmetic3A : i32 to vector<16xi32>
      %shift_right_arithmetic3A_134 = arith.shrsi %bitcast3A, %shift_right_arithmetic3A_133 : vector<16xi32>
      %sub3A = arith.constant 1597463007 : i32
      %sub3A_135 = vector.broadcast %sub3A : i32 to vector<16xi32>
      %sub3A_136 = arith.subi %sub3A_135, %shift_right_arithmetic3A_134 : vector<16xi32>
      %bitcast3A_137 = vector.bitcast %sub3A_136 : vector<16xi32> to vector<16xf32>
      %mul3A_138 = arith.constant 5.000000e-01 : f32
      %mul3A_139 = vector.broadcast %mul3A_138 : f32 to vector<16xf32>
      %mul3A_140 = arith.mulf %scan3A_131, %mul3A_139 : vector<16xf32>
      %mul3A_141 = arith.mulf %mul3A_140, %bitcast3A_137 : vector<16xf32>
      %mul3A_142 = arith.mulf %mul3A_141, %bitcast3A_137 : vector<16xf32>
      %sub3A_143 = arith.constant 1.500000e+00 : f32
      %sub3A_144 = vector.broadcast %sub3A_143 : f32 to vector<16xf32>
      %sub3A_145 = arith.subf %sub3A_144, %mul3A_142 : vector<16xf32>
      %mul3A_146 = arith.mulf %bitcast3A_137, %sub3A_145 : vector<16xf32>
      %mul3A_147 = arith.mulf %mul3A_140, %mul3A_146 : vector<16xf32>
      %mul3A_148 = arith.mulf %mul3A_147, %mul3A_146 : vector<16xf32>
      %sub3A_149 = arith.constant 1.500000e+00 : f32
      %sub3A_150 = vector.broadcast %sub3A_149 : f32 to vector<16xf32>
      %sub3A_151 = arith.subf %sub3A_150, %mul3A_148 : vector<16xf32>
      %mul3A_152 = arith.mulf %mul3A_146, %sub3A_151 : vector<16xf32>
      %mul3A_153 = arith.mulf %mul3A_140, %mul3A_152 : vector<16xf32>
      %mul3A_154 = arith.mulf %mul3A_153, %mul3A_152 : vector<16xf32>
      %sub3A_155 = arith.constant 1.500000e+00 : f32
      %sub3A_156 = vector.broadcast %sub3A_155 : f32 to vector<16xf32>
      %sub3A_157 = arith.subf %sub3A_156, %mul3A_154 : vector<16xf32>
      %mul3A_158 = arith.mulf %mul3A_152, %sub3A_157 : vector<16xf32>
      %mul3A_159 = arith.mulf %scan3A_131, %mul3A_158 : vector<16xf32>
      %neg3A = arith.constant 0.000000e+00 : f32
      %neg3A_160 = vector.broadcast %neg3A : f32 to vector<16xf32>
      %neg3A_161 = arith.subf %neg3A_160, %mul3A_159 : vector<16xf32>
      %mul3A_162 = arith.constant 16 : i32
      %mul3A_163 = arith.muli %scan3A_120, %mul3A_162 : i32
      %add3A_164 = arith.constant 256 : i32
      %add3A_165 = arith.addi %add3A_164, %mul3A_163 : i32
      %swap3A = arith.index_cast %add3A_165 : i32 to index
      %swap3A_166 = tpu.vector_load %arg14[%swap3A] {strides = array<i32>} : memref<512xf32, #tpu.memory_space<vmem>>, vector<16xf32>,
      tpu.vector_store %arg14[%swap3A], %neg3A_161 {strides = array<i32>} : memref<512xf32, #tpu.memory_space<vmem>>, vector<16xf32>,
      %scan3A_167 = arith.constant 0 : i32
      scf.yield %scan3A_167 : i32
    }
    %scan3A_100 = arith.constant 8 : i32
    %dma_wait3A_101 = arith.constant 0 : i32
    %dma_wait3A_102 = arith.constant 0 : i32
    %dma_wait3A_103 = tpu.memref_slice %arg5[%dma_wait3A_101, %dma_wait3A_102] : memref<1000000x64xf32, #tpu.memory_space<hbm>> -> memref<128x64xf32, #tpu.memory_space<hbm>>
    %dma_wait3A_104 = arith.constant 0 : i32
    %dma_wait3A_105 = arith.constant 0 : i32
    %dma_wait3A_106 = tpu.memref_slice %arg5[%dma_wait3A_104, %dma_wait3A_105] : memref<1000000x64xf32, #tpu.memory_space<hbm>> -> memref<128x64xf32, #tpu.memory_space<hbm>>
    tpu.wait_dma2 semaphore(%arg16 : memref<!tpu.dma_semaphore, #tpu.memory_space<semaphore_mem>>) src(%dma_wait3A_106 : memref<128x64xf32, #tpu.memory_space<hbm>>) dst(%arg12 : memref<128x64xf32, #tpu.memory_space<vmem>>)
    %dma_wait3A_107 = arith.constant 0 : i32
    %dma_wait3A_108 = arith.constant 0 : i32
    %dma_wait3A_109 = tpu.memref_slice %arg5[%dma_wait3A_107, %dma_wait3A_108] : memref<1000000x64xf32, #tpu.memory_space<hbm>> -> memref<128x64xf32, #tpu.memory_space<hbm>>
    %dma_wait3A_110 = arith.constant 0 : i32
    %dma_wait3A_111 = arith.constant 0 : i32
    %dma_wait3A_112 = tpu.memref_slice %arg5[%dma_wait3A_110, %dma_wait3A_111] : memref<1000000x64xf32, #tpu.memory_space<hbm>> -> memref<128x64xf32, #tpu.memory_space<hbm>>
    tpu.wait_dma2 semaphore(%arg16 : memref<!tpu.dma_semaphore, #tpu.memory_space<semaphore_mem>>) src(%dma_wait3A_112 : memref<128x64xf32, #tpu.memory_space<hbm>>) dst(%arg13 : memref<128x64xf32, #tpu.memory_space<vmem>>)
    %scan3A_113 = arith.constant 0 : i32
    %scan3A_114 = arith.constant 0 : i32
    %scan3A_115 = arith.constant 8 : i32
    %scan3A_116 = arith.addi %scan3A_114, %scan3A_115 : i32
    %scan3A_117 = arith.constant 1 : i32
    %scan3A_118 = scf.for %scan3A_120 = %scan3A_114 to %scan3A_116 step %scan3A_117 iter_args(%scan3A_121 = %scan3A_113) -> (i32)  : i32 {
      %mul3A_122 = arith.constant 16 : i32
      %mul3A_123 = arith.muli %scan3A_120, %mul3A_122 : i32
      %add3A_124 = vector.broadcast %mul3A_123 : i32 to vector<16xi32>
      %add3A_125 = arith.addi %iota3A, %add3A_124 : vector<16xi32>
      %broadcast_in_dim3A = arith.constant 0.000000e+00 : f32
      %broadcast_in_dim3A_126 = vector.broadcast %broadcast_in_dim3A : f32 to vector<16xf32>
      %scan3A_127 = arith.constant 0 : i32
      %scan3A_128 = arith.constant 16 : i32
      %scan3A_129 = arith.addi %scan3A_127, %scan3A_128 : i32
      %scan3A_130 = arith.constant 1 : i32
      %scan3A_131 = scf.for %scan3A_168 = %scan3A_127 to %scan3A_129 step %scan3A_130 iter_args(%scan3A_169 = %broadcast_in_dim3A_126) -> (vector<16xf32>)  : i32 {
        %mul3A_170 = arith.constant 4 : i32
        %mul3A_171 = arith.muli %scan3A_168, %mul3A_170 : i32
        %add3A_172 = arith.constant 0 : i32
        %add3A_173 = arith.addi %mul3A_171, %add3A_172 : i32
        %broadcast_in_dim3A_174 = arith.constant 0 : i32
        %broadcast_in_dim3A_175 = vector.broadcast %broadcast_in_dim3A_174 : i32 to vector<16xi32>
        %add3A_176 = vector.broadcast %add3A_173 : i32 to vector<16xi32>
        %add3A_177 = arith.addi %broadcast_in_dim3A_175, %add3A_176 : vector<16xi32>
        %gather3A = tpu.vector_load_idx %arg12[%add3A_125, %add3A_177] : memref<128x64xf32, #tpu.memory_space<vmem>>[vector<16xi32>, vector<16xi32>], vector<16xf32>,
        %gather3A_178 = tpu.vector_load_idx %arg13[%add3A_125, %add3A_177] : memref<128x64xf32, #tpu.memory_space<vmem>>[vector<16xi32>, vector<16xi32>], vector<16xf32>,
        %mul3A_179 = arith.constant 16 : i32
        %mul3A_180 = arith.muli %scan3A_120, %mul3A_179 : i32
        %add3A_181 = arith.constant 384 : i32
        %add3A_182 = arith.addi %add3A_181, %mul3A_180 : i32
        %get3A = arith.index_cast %add3A_173 : i32 to index
        %get3A_183 = arith.index_cast %add3A_182 : i32 to index
        %get3A_184 = tpu.vector_load %arg9[%get3A, %get3A_183] {strides = array<i32>} : memref<64x512xf32, #tpu.memory_space<vmem>>, vector<16xf32>,
        %add3A_185 = arith.addf %gather3A, %get3A_184 : vector<16xf32>
        %sub3A_186 = arith.subf %add3A_185, %gather3A_178 : vector<16xf32>
        %mul3A_187 = arith.mulf %sub3A_186, %sub3A_186 : vector<16xf32>
        %add3A_188 = arith.addf %scan3A_169, %mul3A_187 : vector<16xf32>
        %mul3A_189 = arith.constant 4 : i32
        %mul3A_190 = arith.muli %scan3A_168, %mul3A_189 : i32
        %add3A_191 = arith.constant 1 : i32
        %add3A_192 = arith.addi %mul3A_190, %add3A_191 : i32
        %broadcast_in_dim3A_193 = arith.constant 0 : i32
        %broadcast_in_dim3A_194 = vector.broadcast %broadcast_in_dim3A_193 : i32 to vector<16xi32>
        %add3A_195 = vector.broadcast %add3A_192 : i32 to vector<16xi32>
        %add3A_196 = arith.addi %broadcast_in_dim3A_194, %add3A_195 : vector<16xi32>
        %gather3A_197 = tpu.vector_load_idx %arg12[%add3A_125, %add3A_196] : memref<128x64xf32, #tpu.memory_space<vmem>>[vector<16xi32>, vector<16xi32>], vector<16xf32>,
        %gather3A_198 = tpu.vector_load_idx %arg13[%add3A_125, %add3A_196] : memref<128x64xf32, #tpu.memory_space<vmem>>[vector<16xi32>, vector<16xi32>], vector<16xf32>,
        %mul3A_199 = arith.constant 16 : i32
        %mul3A_200 = arith.muli %scan3A_120, %mul3A_199 : i32
        %add3A_201 = arith.constant 384 : i32
        %add3A_202 = arith.addi %add3A_201, %mul3A_200 : i32
        %get3A_203 = arith.index_cast %add3A_192 : i32 to index
        %get3A_204 = arith.index_cast %add3A_202 : i32 to index
        %get3A_205 = tpu.vector_load %arg9[%get3A_203, %get3A_204] {strides = array<i32>} : memref<64x512xf32, #tpu.memory_space<vmem>>, vector<16xf32>,
        %add3A_206 = arith.addf %gather3A_197, %get3A_205 : vector<16xf32>
        %sub3A_207 = arith.subf %add3A_206, %gather3A_198 : vector<16xf32>
        %mul3A_208 = arith.mulf %sub3A_207, %sub3A_207 : vector<16xf32>
        %add3A_209 = arith.addf %add3A_188, %mul3A_208 : vector<16xf32>
        %mul3A_210 = arith.constant 4 : i32
        %mul3A_211 = arith.muli %scan3A_168, %mul3A_210 : i32
        %add3A_212 = arith.constant 2 : i32
        %add3A_213 = arith.addi %mul3A_211, %add3A_212 : i32
        %broadcast_in_dim3A_214 = arith.constant 0 : i32
        %broadcast_in_dim3A_215 = vector.broadcast %broadcast_in_dim3A_214 : i32 to vector<16xi32>
        %add3A_216 = vector.broadcast %add3A_213 : i32 to vector<16xi32>
        %add3A_217 = arith.addi %broadcast_in_dim3A_215, %add3A_216 : vector<16xi32>
        %gather3A_218 = tpu.vector_load_idx %arg12[%add3A_125, %add3A_217] : memref<128x64xf32, #tpu.memory_space<vmem>>[vector<16xi32>, vector<16xi32>], vector<16xf32>,
        %gather3A_219 = tpu.vector_load_idx %arg13[%add3A_125, %add3A_217] : memref<128x64xf32, #tpu.memory_space<vmem>>[vector<16xi32>, vector<16xi32>], vector<16xf32>,
        %mul3A_220 = arith.constant 16 : i32
        %mul3A_221 = arith.muli %scan3A_120, %mul3A_220 : i32
        %add3A_222 = arith.constant 384 : i32
        %add3A_223 = arith.addi %add3A_222, %mul3A_221 : i32
        %get3A_224 = arith.index_cast %add3A_213 : i32 to index
        %get3A_225 = arith.index_cast %add3A_223 : i32 to index
        %get3A_226 = tpu.vector_load %arg9[%get3A_224, %get3A_225] {strides = array<i32>} : memref<64x512xf32, #tpu.memory_space<vmem>>, vector<16xf32>,
        %add3A_227 = arith.addf %gather3A_218, %get3A_226 : vector<16xf32>
        %sub3A_228 = arith.subf %add3A_227, %gather3A_219 : vector<16xf32>
        %mul3A_229 = arith.mulf %sub3A_228, %sub3A_228 : vector<16xf32>
        %add3A_230 = arith.addf %add3A_209, %mul3A_229 : vector<16xf32>
        %mul3A_231 = arith.constant 4 : i32
        %mul3A_232 = arith.muli %scan3A_168, %mul3A_231 : i32
        %add3A_233 = arith.constant 3 : i32
        %add3A_234 = arith.addi %mul3A_232, %add3A_233 : i32
        %broadcast_in_dim3A_235 = arith.constant 0 : i32
        %broadcast_in_dim3A_236 = vector.broadcast %broadcast_in_dim3A_235 : i32 to vector<16xi32>
        %add3A_237 = vector.broadcast %add3A_234 : i32 to vector<16xi32>
        %add3A_238 = arith.addi %broadcast_in_dim3A_236, %add3A_237 : vector<16xi32>
        %gather3A_239 = tpu.vector_load_idx %arg12[%add3A_125, %add3A_238] : memref<128x64xf32, #tpu.memory_space<vmem>>[vector<16xi32>, vector<16xi32>], vector<16xf32>,
        %gather3A_240 = tpu.vector_load_idx %arg13[%add3A_125, %add3A_238] : memref<128x64xf32, #tpu.memory_space<vmem>>[vector<16xi32>, vector<16xi32>], vector<16xf32>,
        %mul3A_241 = arith.constant 16 : i32
        %mul3A_242 = arith.muli %scan3A_120, %mul3A_241 : i32
        %add3A_243 = arith.constant 384 : i32
        %add3A_244 = arith.addi %add3A_243, %mul3A_242 : i32
        %get3A_245 = arith.index_cast %add3A_234 : i32 to index
        %get3A_246 = arith.index_cast %add3A_244 : i32 to index
        %get3A_247 = tpu.vector_load %arg9[%get3A_245, %get3A_246] {strides = array<i32>} : memref<64x512xf32, #tpu.memory_space<vmem>>, vector<16xf32>,
        %add3A_248 = arith.addf %gather3A_239, %get3A_247 : vector<16xf32>
        %sub3A_249 = arith.subf %add3A_248, %gather3A_240 : vector<16xf32>
        %mul3A_250 = arith.mulf %sub3A_249, %sub3A_249 : vector<16xf32>
        %add3A_251 = arith.addf %add3A_230, %mul3A_250 : vector<16xf32>
        scf.yield %add3A_251 : vector<16xf32>
      }
      %scan3A_132 = arith.constant 16 : i32
      %bitcast3A = vector.bitcast %scan3A_131 : vector<16xf32> to vector<16xi32>
      %shift_right_arithmetic3A = arith.constant 1 : i32
      %shift_right_arithmetic3A_133 = vector.broadcast %shift_right_arithmetic3A : i32 to vector<16xi32>
      %shift_right_arithmetic3A_134 = arith.shrsi %bitcast3A, %shift_right_arithmetic3A_133 : vector<16xi32>
      %sub3A = arith.constant 1597463007 : i32
      %sub3A_135 = vector.broadcast %sub3A : i32 to vector<16xi32>
      %sub3A_136 = arith.subi %sub3A_135, %shift_right_arithmetic3A_134 : vector<16xi32>
      %bitcast3A_137 = vector.bitcast %sub3A_136 : vector<16xi32> to vector<16xf32>
      %mul3A_138 = arith.constant 5.000000e-01 : f32
      %mul3A_139 = vector.broadcast %mul3A_138 : f32 to vector<16xf32>
      %mul3A_140 = arith.mulf %scan3A_131, %mul3A_139 : vector<16xf32>
      %mul3A_141 = arith.mulf %mul3A_140, %bitcast3A_137 : vector<16xf32>
      %mul3A_142 = arith.mulf %mul3A_141, %bitcast3A_137 : vector<16xf32>
      %sub3A_143 = arith.constant 1.500000e+00 : f32
      %sub3A_144 = vector.broadcast %sub3A_143 : f32 to vector<16xf32>
      %sub3A_145 = arith.subf %sub3A_144, %mul3A_142 : vector<16xf32>
      %mul3A_146 = arith.mulf %bitcast3A_137, %sub3A_145 : vector<16xf32>
      %mul3A_147 = arith.mulf %mul3A_140, %mul3A_146 : vector<16xf32>
      %mul3A_148 = arith.mulf %mul3A_147, %mul3A_146 : vector<16xf32>
      %sub3A_149 = arith.constant 1.500000e+00 : f32
      %sub3A_150 = vector.broadcast %sub3A_149 : f32 to vector<16xf32>
      %sub3A_151 = arith.subf %sub3A_150, %mul3A_148 : vector<16xf32>
      %mul3A_152 = arith.mulf %mul3A_146, %sub3A_151 : vector<16xf32>
      %mul3A_153 = arith.mulf %mul3A_140, %mul3A_152 : vector<16xf32>
      %mul3A_154 = arith.mulf %mul3A_153, %mul3A_152 : vector<16xf32>
      %sub3A_155 = arith.constant 1.500000e+00 : f32
      %sub3A_156 = vector.broadcast %sub3A_155 : f32 to vector<16xf32>
      %sub3A_157 = arith.subf %sub3A_156, %mul3A_154 : vector<16xf32>
      %mul3A_158 = arith.mulf %mul3A_152, %sub3A_157 : vector<16xf32>
      %mul3A_159 = arith.mulf %scan3A_131, %mul3A_158 : vector<16xf32>
      %neg3A = arith.constant 0.000000e+00 : f32
      %neg3A_160 = vector.broadcast %neg3A : f32 to vector<16xf32>
      %neg3A_161 = arith.subf %neg3A_160, %mul3A_159 : vector<16xf32>
      %mul3A_162 = arith.constant 16 : i32
      %mul3A_163 = arith.muli %scan3A_120, %mul3A_162 : i32
      %add3A_164 = arith.constant 384 : i32
      %add3A_165 = arith.addi %add3A_164, %mul3A_163 : i32
      %swap3A = arith.index_cast %add3A_165 : i32 to index
      %swap3A_166 = tpu.vector_load %arg14[%swap3A] {strides = array<i32>} : memref<512xf32, #tpu.memory_space<vmem>>, vector<16xf32>,
      tpu.vector_store %arg14[%swap3A], %neg3A_161 {strides = array<i32>} : memref<512xf32, #tpu.memory_space<vmem>>, vector<16xf32>,
      %scan3A_167 = arith.constant 0 : i32
      scf.yield %scan3A_167 : i32
    }
    %scan3A_119 = arith.constant 8 : i32
    "tpu.region"() ({
      %run_scoped3A = tpu.sem_alloc : memref<!tpu.dma_semaphore, #tpu.memory_space<semaphore_mem>>
      %dma_start3A_120 = tpu.memref_slice %arg6[%mul3A_2] : memref<16384xf32, #tpu.memory_space<hbm>> -> memref<512xf32, #tpu.memory_space<hbm>>
      %dma_start3A_121 = tpu.memref_slice %arg6[%mul3A_2] : memref<16384xf32, #tpu.memory_space<hbm>> -> memref<512xf32, #tpu.memory_space<hbm>>
      tpu.enqueue_dma source(%arg14 : memref<512xf32, #tpu.memory_space<vmem>>) target(%dma_start3A_121 : memref<512xf32, #tpu.memory_space<hbm>>) target_semaphore(%run_scoped3A : memref<!tpu.dma_semaphore, #tpu.memory_space<semaphore_mem>>)
      %dma_wait3A_122 = tpu.memref_slice %arg6[%mul3A_2] : memref<16384xf32, #tpu.memory_space<hbm>> -> memref<512xf32, #tpu.memory_space<hbm>>
      %dma_wait3A_123 = tpu.memref_slice %arg6[%mul3A_2] : memref<16384xf32, #tpu.memory_space<hbm>> -> memref<512xf32, #tpu.memory_space<hbm>>
      tpu.wait_dma2 semaphore(%run_scoped3A : memref<!tpu.dma_semaphore, #tpu.memory_space<semaphore_mem>>) src(%arg14 : memref<512xf32, #tpu.memory_space<vmem>>) dst(%dma_wait3A_123 : memref<512xf32, #tpu.memory_space<hbm>>)
      tpu.yield
    }) : () -> ()
    return
  }
}

</mosaic_0001>

<sc_bundles>
// kernel: kernel.4.cloned.1.call-start
scs
__scs_entry_jumppad:
0x0: {  	(pc) =	sbr.rel $0x88, $3  }
0x1: {  	(tag) =	ssettag $0x0;
	lr =	simm.s32 $0x1  }
0x2: {  	[smem:$0x3F9A] =	sst lr;
	_ =	strace $0xD0000000  }
0x3: {  	_ = 	snop  }
0x4: {  	_ = 	snop  }
0x5: {  	_ = 	snop  }
0x6: {  	_ = 	snop  }
0x7: {  	_ = 	snop  }
__scs_overlays_trampoline_lowered:
0x8: {  	[smem:$0x3FA9] =	sst s0  }
0x9: {  	[smem:$0x3FAA] =	sst s1  }
0xa: {  	[smem:$0x3FAB] =	sst s2  }
0xb: {  	[smem:$0x3FAC] =	sst s3  }
0xc: {  	[smem:$0x3FAD] =	sst s4  }
0xd: {  	[smem:$0x3FAE] =	sst s5  }
0xe: {  	[smem:$0x3FAF] =	sst s6  }
0xf: {  	[smem:$0x3FB0] =	sst s7  }
0x10: {  	[smem:$0x3FB1] =	sst s8  }
0x11: {  	[smem:$0x3FB2] =	sst s9;
	s0 =	simm.s32 @!p0 $0x0  }
0x12: {  	s1 =	sld [smem:$0x3F98];
	s0 =	simm.s32 @p0 $0x1  }
0x13: {  	[smem:$0x3FB3] =	sst s0;
	s0 =	simm.s32 @!p1 $0x0  }
0x14: {  	s2 =	sld [smem:$0x3F97];
	s0 =	simm.s32 @p1 $0x1  }
0x15: {  	[smem:$0x3FB4] =	sst s0;
	s0 =	simm.s32 @!p2 $0x0  }
0x16: {  	s3 =	sld [smem:$0x3FDB];
	s0 =	simm.s32 @p2 $0x1  }
0x17: {  	s4 =	simm.s32 $0x1BF5;
	[smem:$0x3FB6] =	sst s0  }
0x18: {  	s0 =	sld [smem:$0x3F99];
	_ =	swait.ge [sflag:s4], $0x0  }
0x19: {  	s7 =	sld [smem:$0x3F9A]  }
0x1a: {  	s8 =	sadd.s32 $0xFFFFE003, lr  }
0x1b: {  	s9 =	sadd.s32 $0xFFFFFEF7, lr;
	s5 =	simm.s32 $0xFFFFFFFF;
	p2 =	slt.u32 s8, $0xFFFFF086  }
0x1c: {  	p1 =	slt.u32 s9, $0xF7A;
	s5 =	simm.s32 @!p2 $0x0  }
0x1d: {  	s5 =	simm.s32 @p1 $0x1;
	p0 =	seq.s32 s7, s2  }
0x1e: {  	s7 =	smul.u32 @!p0 $0xF7A, s2;
	p2 =	seq.s32 @!p0 s5, $0x0  }
0x1f: {  	s9 =	smul.u32 $0xF7A, s1;
	s8 =	simm.s32 @!p0 $0x1BF5;
	p2 =	por !p2, p0  }
0x20: {  	[sflag:s8] =	ssyncset.s32 @!p0 $0xFFFFF086;
	s6 =	sadd.s32 @!p0 s3, s7;
	s7 =	simm.s32 @!p0 $0x108  }
0x21: {  	s3 =	sadd.s32 s3, s9;
	s6 =	sadd.s32 @!p0 $0x88, s6;
	s7 =	simm.s32 @p2 $0x1082  }
0x22: {  	[simem:s7], [sflag:s8] =	dma.local @!p0 [hbm:s6], $0xF7A  }
0x23: {  	s9 =	sor.u32 $0xD0000000, s2;
	s6 =	simm.s32 $0x108;
	_ =	swait.ge @!p0 [sflag:s8], $0x0  }
0x24: {  	s3 =	sadd.s32 $0x88, s3;
	s6 =	simm.s32 @!p1 $0x1082;
	[sflag:s4] =	ssyncset.s32 $0xFFFFF086  }
0x25: {  	[simem:s6], [sflag:s4] =	dma.local [hbm:s3], $0xF7A  }
0x26: {  	[smem:$0x3F9A] =	sst s1;
	(tag) =	ssettag s2;
	_ =	strace s9  }
0x27: {  	s1 =	sld [smem:$0x3FAA]  }
0x28: {  	s2 =	sld [smem:$0x3FAB]  }
0x29: {  	s4 =	sld [smem:$0x3FAD]  }
0x2a: {  	p0 =	seq.s32 s5, $0x0;
	s5 =	sld [smem:$0x3FAE]  }
0x2b: {  	s6 =	sld [smem:$0x3FAF]  }
0x2c: {  	s7 =	sld [smem:$0x3FB0]  }
0x2d: {  	s3 =	simm.s32 $0x108;
	s8 =	sld [smem:$0x3FB1]  }
0x2e: {  	s3 =	simm.s32 @!p0 $0x1082;
	s9 =	sld [smem:$0x3FB2]  }
0x2f: {  	lr =	sadd.s32 s0, s3;
	s0 =	sld [smem:$0x3FA9]  }
0x30: {  	s3 =	sld [smem:$0x3FAC]  }
0x31: {  	[smem:$0x3FB5] =	sst s10  }
0x32: {  	s10 =	sld [smem:$0x3FB3];
	_ =	sdelay $0x3  }
0x33: {  	p0 =	seq.s32 s10, $0x1;
	s10 =	sld [smem:$0x3FB5];
	_ =	sdelay $0x3  }
0x34: {  	[smem:$0x3FB5] =	sst s10  }
0x35: {  	s10 =	sld [smem:$0x3FB4];
	_ =	sdelay $0x3  }
0x36: {  	p1 =	seq.s32 s10, $0x1;
	s10 =	sld [smem:$0x3FB5];
	_ =	sdelay $0x3  }
0x37: {  	[smem:$0x3FB5] =	sst s10  }
0x38: {  	s10 =	sld [smem:$0x3FB6]  }
0x39: {  	_ = 	snop;
	(pc) =	sbr.ind lr, $3  }
0x3a: {  	_ = 	snop  }
0x3b: {  	_ = 	snop  }
0x3c: {  	p2 =	seq.s32 s10, $0x1;
	s10 =	sld [smem:$0x3FB5]  }
0x3d: {  	_ =	shalt  }
0x3e: {  	_ =	shalt  }
0x3f: {  	_ =	shalt  }
0x40: {  	_ =	shalt  }
0x41: {  	_ =	shalt  }
0x42: {  	_ =	shalt  }
0x43: {  	_ =	shalt  }
0x44: {  	_ =	shalt  }
0x45: {  	_ =	shalt  }
0x46: {  	_ =	shalt  }
0x47: {  	_ =	shalt  }
0x48: {  	_ =	shalt  }
0x49: {  	_ =	shalt  }
0x4a: {  	_ =	shalt  }
0x4b: {  	_ =	shalt  }
0x4c: {  	_ =	shalt  }
0x4d: {  	_ =	shalt  }
0x4e: {  	_ =	shalt  }
0x4f: {  	_ =	shalt  }
0x50: {  	_ =	shalt  }
0x51: {  	_ =	shalt  }
0x52: {  	_ =	shalt  }
0x53: {  	_ =	shalt  }
0x54: {  	_ =	shalt  }
0x55: {  	_ =	shalt  }
0x56: {  	_ =	shalt  }
0x57: {  	_ =	shalt  }
0x58: {  	_ =	shalt  }
0x59: {  	_ =	shalt  }
0x5a: {  	_ =	shalt  }
0x5b: {  	_ =	shalt  }
0x5c: {  	_ =	shalt  }
0x5d: {  	_ =	shalt  }
0x5e: {  	_ =	shalt  }
0x5f: {  	_ =	shalt  }
0x60: {  	_ =	shalt  }
0x61: {  	_ =	shalt  }
0x62: {  	_ =	shalt  }
0x63: {  	_ =	shalt  }
0x64: {  	_ =	shalt  }
0x65: {  	_ =	shalt  }
0x66: {  	_ =	shalt  }
0x67: {  	_ =	shalt  }
0x68: {  	_ =	shalt  }
0x69: {  	_ =	shalt  }
0x6a: {  	_ =	shalt  }
0x6b: {  	_ =	shalt  }
0x6c: {  	_ =	shalt  }
0x6d: {  	_ =	shalt  }
0x6e: {  	_ =	shalt  }
0x6f: {  	_ =	shalt  }
0x70: {  	_ =	shalt  }
0x71: {  	_ =	shalt  }
0x72: {  	_ =	shalt  }
0x73: {  	_ =	shalt  }
0x74: {  	_ =	shalt  }
0x75: {  	_ =	shalt  }
0x76: {  	_ =	shalt  }
0x77: {  	_ =	shalt  }
0x78: {  	_ =	shalt  }
0x79: {  	_ =	shalt  }
0x7a: {  	_ =	shalt  }
0x7b: {  	_ =	shalt  }
0x7c: {  	_ =	shalt  }
0x7d: {  	_ =	shalt  }
0x7e: {  	_ =	shalt  }
0x7f: {  	_ =	shalt  }
0x80: {  	_ =	shalt  }
0x81: {  	_ =	shalt  }
0x82: {  	_ =	shalt  }
0x83: {  	_ =	shalt  }
0x84: {  	_ =	shalt  }
0x85: {  	_ =	shalt  }
0x86: {  	_ =	shalt  }
0x87: {  	_ =	shalt  }
.Lfunc_end0:
.L_simem_size_0:
called_computation_lowered:
.L_overlay_start_0:
0x88: {  	s2 =	sld [smem:$0x3FD9]  }
0x89: {  	s3 =	sld [smem:$0x3FFE];
	_ =	sdelay $0x1  }
0x8a: {  	s1 =	srdreg.scid  }
0x8b: {  	s0 =	sand.u32 $0x1, s1  }
0x8c: {  	s17 =	sshll.u32 s0, $0xA;
	s2 =	sadd.s32 s3, s2  }
0x8d: {  	s2 =	sadd.s32 s2, s17  }
0x8e: {  	[smem:$0x3FC1] =	sst s2  }
0x8f: {  	_ = 	snop  }
0x90: {  	s2 =	sld [smem:$0x3FC8]  }
0x91: {  	s18 =	sld [smem:$0x3FC6];
	(tm) =	ssettm $0x1  }
0x92: {  	s4 =	sld [smem:$0x3FFB];
	_ =	sdelay $0x3  }
0x93: {  	_ =	strace s4  }
0x94: {  	s4 =	sld [smem:$0x3FFC];
	_ =	sdelay $0x3  }
0x95: {  	_ =	strace s4  }
0x96: {  	s4 =	sld [smem:$0x3FFD];
	_ =	sdelay $0x3  }
0x97: {  	_ =	strace s4  }
0x98: {  	_ =	strace $0x8FFFFFFF  }
0x99: {  	s19 =	sld [smem:$0x3FDB];
	_ =	sdelay $0x1  }
0x9a: {  	s5 =	simm.s32 $_scs_section_size  }
0x9b: {  	s6 =	simm.s32 $_size__tile_overlayer_lowered;
	s7 =	simm.s32 $_tile_overlayer_lowered  }
0x9c: {  	s22 =	simm.s32 $0x1BFF;
	s21 =	sshll.u32 s7, $0x1;
	s4 =	sadd.s32 s5, s19  }
0x9d: {  	s8 =	simm.s32 $0x0;
	s20 =	sshll.u32 s6, $0x1;
	s6 =	sadd.s32 s21, s4  }
0x9e: {  	[timem:s8], [sflag:s22] =	dma.local [hbm:s6], s20  }
0x9f: {  	_ =	swait.ge [sflag:s22], s20  }
0xa0: {  	s5 =	ssub.s32 $0x0, s20;
	[sflag:s22] =	ssyncset.done $0x0  }
0xa1: {  	[sflag:s22] =	ssyncadd.s32 s5;
	_ =	sdelay $0x1  }
0xa2: {  	s23 =	simm.s32 $0x1B8B  }
0xa3: {  	_ =	swait.ge [sflag:s23], $0x1  }
0xa4: {  	[sflag:s23] =	ssyncset.done $0x0  }
0xa5: {  	s25 =	simm.s32 $0x1B8E;
	s24 =	sld [smem:$0x3FFE];
	[sflag:s23] =	ssyncadd.s32 $0xFFFFFFFF  }
0xa6: {  	s26 =	simm.s32 $execute0_lowered;
	[smem:$0x3FD2] =	sst s25  }
0xa7: {  	s6 =	sshll.u32 s26, $0x1;
	_ =	strace $0x80000046;
	[dreg:$0x1] =	wrdreg $0xFFFFFFFF  }
0xa8: {  	s28 =	simm.s32 $_size_execute0_lowered;
	s4 =	sadd.s32 s4, s6;
	[dreg:$0x0] =	wrdreg $0x0  }
0xa9: {  	s6 =	sshll.u32 s28, $0x1;
	[dreg:$0x2] =	wrdreg s4  }
0xaa: {  	[dreg:$0x3] =	wrdreg s6  }
0xab: {  	[dreg:$0x4] =	wrdreg $0xC0  }
0xac: {  	_ =	task [dreg:s8], $0x5FFFF  }
0xad: {  	[dreg:$0x1] =	wrdreg $0xFFFFFFFF  }
0xae: {  	[dreg:$0x0] =	wrdreg $0x60  }
0xaf: {  	[dreg:$0x2] =	wrdreg s2  }
0xb0: {  	[dreg:$0x3] =	wrdreg s18  }
0xb1: {  	[dreg:$0x4] =	wrdreg s24  }
0xb2: {  	[dreg:$0x5] =	wrdreg $0x9  }
0xb3: {  	_ =	task.clear_ibuf [dreg:s8], $0x6FFFF;
	_ =	strace $0x90000046  }
0xb4: {  	s29 =	simm.s32 $0x9;
	_ =	strace $0x80000048  }
0xb5: {  	_ =	swait.ge [sflag:s29], $0x1  }
0xb6: {  	[sflag:s29] =	ssyncadd.s32 $0xFFFFFFFF  }
0xb7: {  	_ =	strace $0x90000048  }
0xb8: {  	_ =	sfence  }
0xb9: {  	s30 =	sld [smem:$0x0];
	_ =	sdelay $0x2  }
0xba: {  	s31 =	sshll.u32 s1, $0xD;
	s1 =	sshrl.u32 s1, $0x2  }
0xbb: {  	s3 =	sand.u32 $0x4000, s31;
	s1 =	sadd.s32 s1, s30  }
0xbc: {  	s0 =	sor.u32 s3, s0;
	s1 =	sshll.u32 s1, $0x11  }
0xbd: {  	s0 =	sor.u32 s1, s0  }
0xbe: {  	s0 =	sadd.s32 $0x8F2B, s0  }
0xbf: {  	[sflag:s0] =	ssyncadd.remote.s32 $0x1  }
0xc0: {  	_ =	sfence.sel $0xFFFF  }
0xc1: {  	[dreg:$0x0] =	wrdreg $0xFFFFFFFF;
	(pc) =	sbr.abs _section_cstart, $3  }
0xc2: {  	[dreg:$0x1] =	wrdreg $0xFFFFFFFF  }
0xc3: {  	_ =	task.clear_ibuf [dreg:s8], $0x2FFFF;
	_ =	strace $0x9FFFFFFF  }
0xc4: {  	(tm) =	ssettm $0x7FFFFFFF  }
0xc5: {  	_ =	shalt  }
tec
execute0_lowered:
.L_overlay_start_1:
0x0: {  	(tag) =	ssettag $0x1  }
0x1: {  	s5 =	rddreg [dreg:$0x0]  }
0x2: {  	s6 =	rddreg [dreg:$0x1]  }
0x3: {  	s7 =	rddreg [dreg:$0x2]  }
0x4: {  	s0 =	rddreg [dreg:$0x3];
	s2 =	simm.s32 $0x0;
	s4 =	srdreg.scid  }
0x5: {  	s1 =	stileid.u32;
	s12 =	simm.s32 $0x1;
	s13 =	simm.s32 $0xFE00  }
0x6: {  	s14 =	simm.s32 $0x0;
	[smem:$0x7FF] =	sst s2;
	s3 =	sadd.s32 $0x800, s7  }
0x7: {  	s8 =	sand.u32 $0x1, s4;
	s9 =	sshll.u32 s1, $0x1;
	s4 =	sadd.s32 $0x2800, s7  }
0x8: {  	_ =	strace $0x80000047;
	s9 =	sor.u32 s8, s9;
	s8 =	ssub.s32 $0x2, s8  }
0x9: {  	s10 =	sshll.u32 s9, $0xC;
	s11 =	sshrl.u32 s8, $0x1;
	s9 =	sshll.u32 s9, $0x6  }
0xa: {  	s7 =	sadd.s32 s10, s7;
	s8 =	ssub.s32 s8, s11;
	s5 =	sadd.s32 s5, s9  }
0xb: {  	s6 =	sadd.s32 s6, s9;
	s9 =	simm.s32 $0x400;
	s10 =	simm.s32 $0x2  }
0xc: {  	s11 =	simm.s32 $0x200;
	s7 =	sadd.s32 $0x4800, s7;
	s8 =	smax.u32 s8, $0x1  }
.LBB2_1:
0xd: {  	[tilespmem:s9], [sflag:$0x1] =	stream.linear.gather [hbm4b:s3+s2], $0xFA00, $0x38;
	[tilespmem:$0x17E00] =	vst v63  }
0xe: {  	_ = 	snop  }
0xf: {  	[tilespmem:s2], [sflag:$0x2] =	stream.linear.gather [hbm4b:s5+s2], $0x200, $0x38;
	[tilespmem:$0x17E00] =	vst v63  }
0x10: {  	_ =	swait.ge [sflag:s10], $0x200  }
0x11: {  	[sflag:s10] =	ssyncset.done $0x0  }
0x12: {  	[sflag:s10] =	ssyncadd.s32 $0xFFFFFE00  }
0x13: {  	[tilespmem:s11], [sflag:$0x2] =	stream.linear.gather [hbm4b:s6+s2], $0x200, $0x38;
	[tilespmem:$0x17E00] =	vst v63  }
0x14: {  	_ =	swait.ge [sflag:s10], $0x200  }
0x15: {  	[sflag:s10] =	ssyncset.done $0x0  }
0x16: {  	[sflag:s10] =	ssyncadd.s32 $0xFFFFFE00  }
0x17: {  	_ =	swait.ge [sflag:s12], $0xFA00  }
0x18: {  	[sflag:s12] =	ssyncset.done $0x0  }
0x19: {  	s15 =	simm.s32 $0x0;
	[sflag:s12] =	ssyncadd.s32 $0xFFFF0600  }
.LBB2_2:
0x1a: {  	s16 =	sshll.u32 s15, $0x4  }
0x1b: {  	v0 =	vld [tilespmem:s16+$0x0];
	_ =	sdelay $0x4  }
0x1c: {  	v2 =	vshll.u32 v0, $0x6;
	_ =	sdelay $0x3  }
0x1d: {  	s17 =	sand.u32 $0x70, s16  }
0x1e: {  	s18 =	sshll.u32 s15, $0x7;
	s16 =	simm.s32 $0x0;
	v0 =	vmov s17;
	v1 =	vor.u32 $0x1, v2;
	v2 =	vld.idx.msk [tilespmem:v2+s9+$0x0], $0xffff  }
0x1f: {  	s30 =	sand.u32 $0xC00, s18;
	v3 =	vadd.s32 s16, v1  }
0x20: {  	s31 =	sand.u32 $0x7000, s16;
	s17 =	sadd.s32 $0xFE00, s30  }
0x21: {  	s19 =	sand.u32 $0x380, s16;
	s18 =	sadd.s32 s31, s17  }
0x22: {  	s18 =	sadd.s32 s19, s18  }
0x23: {  	[tilespmem:v0+s18+$0x0 ss:$0x1] =	vst.idx.msk $0xffff, v2  }
0x24: {  	s20 =	simm.s32 $0x2;
	s19 =	simm.s32 $0x1;
	s18 =	simm.s32 $0x0;
	v2 =	vld.idx.msk [tilespmem:v3+s9+$0x0], $0xffff  }
.LBB2_3:
0x25: {  	p0 =	sne.s32 s20, $0x3F  }
0x26: {  	v3 =	vadd.s32 s19, v1;
	s16 =	sadd.s32 $0x200, s16;
	s19 =	smov.u32 s20  }
.Ltmp0:
0x27: {  	s18 =	sadd.s32 $0x80, s18;
	s21 =	sand.u32 $0x7000, s16;
	(pc) =	sbr.rel @p0 .LBB2_3-.Ltmp0, $4  }
0x28: {  	s22 =	sand.u32 $0x380, s18;
	s21 =	sadd.s32 s21, s17  }
0x29: {  	s21 =	sadd.s32 s22, s21  }
0x2a: {  	[tilespmem:v0+s21+$0x0 ss:$0x1] =	vst.idx.msk $0xffff, v2  }
0x2b: {  	s20 =	sadd.s32 $0x1, s20;
	v2 =	vld.idx.msk [tilespmem:v3+s9+$0x0], $0xffff  }
0x2c: {  	s15 =	sadd.s32 $0x1, s15  }
0x2d: {  	p0 =	sne.s32 s15, $0x20  }
.Ltmp1:
0x2e: {  	s16 =	sadd.s32 $0x200, s16;
	(pc) =	sbr.rel @p0 .LBB2_2-.Ltmp1, $4  }
0x2f: {  	s18 =	sadd.s32 $0x80, s18;
	s16 =	sand.u32 $0x7000, s16  }
0x30: {  	s18 =	sand.u32 $0x380, s18;
	s16 =	sadd.s32 s16, s17  }
0x31: {  	s16 =	sadd.s32 s18, s16  }
0x32: {  	[tilespmem:v0+s16+$0x0 ss:$0x1] =	vst.idx.msk $0xffff, v2  }
0x33: {  	s15 =	simm.s32 $0x0  }
0x34: {  	[tilespmem:s9], [sflag:$0x2] =	stream.linear.gather [hbm4b:s4+s15], $0xFA00, $0x38;
	[tilespmem:$0x17E00] =	vst v63  }
0x35: {  	_ =	swait.ge [sflag:s10], $0xFA00  }
0x36: {  	[sflag:s10] =	ssyncset.done $0x0  }
0x37: {  	s16 =	simm.s32 $0x0;
	[sflag:s10] =	ssyncadd.s32 $0xFFFF0600  }
.LBB2_6:
0x38: {  	s17 =	sshll.u32 s16, $0x4  }
0x39: {  	v0 =	vld [tilespmem:s17+$0x200];
	_ =	sdelay $0x4  }
0x3a: {  	s17 =	sand.u32 $0x70, s17;
	v1 =	vshll.u32 v0, $0x6  }
0x3b: {  	s18 =	sshll.u32 s16, $0x7;
	v0 =	vmov s17  }
0x3c: {  	s30 =	sand.u32 $0xC00, s18  }
0x3d: {  	s31 =	sand.u32 $0x7000, s15;
	s17 =	sadd.s32 $0xFE00, s30  }
0x3e: {  	s19 =	sand.u32 $0x380, s15;
	s18 =	sadd.s32 s31, s17  }
0x3f: {  	s18 =	sadd.s32 s19, s18;
	v3 =	vld.idx.msk [tilespmem:v1+s9+$0x0], $0xffff  }
0x40: {  	v4 =	vld.idx.msk [tilespmem:v0+s18+$0x0 ss:$0x1], $0xffff;
	_ =	sdelay $0x1  }
0x41: {  	v1 =	vor.u32 $0x1, v1  }
0x42: {  	v2 =	vadd.s32 s15, v1;
	_ =	sdelay $0x1  }
0x43: {  	s20 =	simm.s32 $0x200;
	s22 =	simm.s32 $0x2;
	v3 =	vadd.f32 v3, v4  }
0x44: {  	s21 =	simm.s32 $0x80;
	s23 =	sand.u32 $0x7000, s20;
	s19 =	simm.s32 $0x1  }
.LBB2_7:
0x45: {  	p0 =	sne.s32 s22, $0x3F;
	s24 =	sand.u32 $0x380, s21;
	s23 =	sadd.s32 s23, s17;
	[tilespmem:v0+s18+$0x0 ss:$0x1] =	vst.idx.msk $0xffff, v3  }
0x46: {  	s18 =	sadd.s32 s24, s23;
	v3 =	vld.idx.msk [tilespmem:v2+s9+$0x0], $0xffff  }
0x47: {  	v4 =	vld.idx.msk [tilespmem:v0+s18+$0x0 ss:$0x1], $0xffff;
	_ =	sdelay $0x2  }
.Ltmp2:
0x48: {  	(pc) =	sbr.rel @p0 .LBB2_7-.Ltmp2, $3  }
0x49: {  	v2 =	vadd.s32 s19, v1;
	s19 =	smov.u32 s22;
	_ =	sdelay $0x1  }
0x4a: {  	s20 =	sadd.s32 $0x200, s20;
	v3 =	vadd.f32 v3, v4  }
0x4b: {  	s21 =	sadd.s32 $0x80, s21;
	s23 =	sand.u32 $0x7000, s20;
	s22 =	sadd.s32 $0x1, s22  }
0x4c: {  	_ =	sdelay $0x3  }
0x4d: {  	s19 =	sand.u32 $0x380, s21;
	s17 =	sadd.s32 s23, s17;
	[tilespmem:v0+s18+$0x0 ss:$0x1] =	vst.idx.msk $0xffff, v3  }
0x4e: {  	s17 =	sadd.s32 s19, s17;
	v1 =	vld.idx.msk [tilespmem:v2+s9+$0x0], $0xffff  }
0x4f: {  	v63 =	vld.idx.msk [tilespmem:v0+s17+$0x0 ss:$0x1], $0xffff  }
0x50: {  	s16 =	sadd.s32 $0x1, s16  }
0x51: {  	p0 =	sne.s32 s16, $0x20  }
.Ltmp3:
0x52: {  	_ = 	snop;
	(pc) =	sbr.rel @p0 .LBB2_6-.Ltmp3, $3  }
0x53: {  	_ = 	snop  }
0x54: {  	v1 =	vadd.f32 v1, v63;
	_ =	sdelay $0x1  }
0x55: {  	[tilespmem:v0+s17+$0x0 ss:$0x1] =	vst.idx.msk $0xffff, v1  }
0x56: {  	s14 =	sadd.s32 $0x1, s14  }
0x57: {  	p0 =	sne.s32 s14, s8  }
.Ltmp4:
0x58: {  	_ = 	snop;
	(pc) =	sbr.rel @p0 .LBB2_1-.Ltmp4, $4  }
0x59: {  	[hbm4b:s7+s2] =	stream.linear.scatter [tilespmem:s13], [sflag:$0x2], $0x8000, $0x38;
	[tilespmem:$0x17E00] =	vst v63  }
0x5a: {  	_ =	swait.ge [sflag:s10], $0x8000  }
0x5b: {  	[sflag:s10] =	ssyncset.done $0x0  }
0x5c: {  	[sflag:s10] =	ssyncadd.s32 $0xFFFF8000  }
0x5d: {  	_ =	sfence.sel $0x180000  }
0x5e: {  	[bflag:$0x0] =	sbarrier.arrive $0xFFFF  }
0x5f: {  	p0 =	sne.s32 s1, $0x0;
	_ =	strace $0x90000047  }
0x60: {  	s0 =	sadd.s32 @!p0 $0x100000, s0;
	[bflag:$0x2] =	sbarrier.arrive $0xFFFF  }
0x61: {  	[sflag:s0] =	ssyncadd.tile.s32 @!p0 $0x1;
	_ =	shalt  }
.Lfunc_end2:
_tile_overlayer_lowered:
.L_overlay_start_2:
0x62: {  	(tag) =	ssettag $0x2  }
0x63: {  	s0 =	rddreg [dreg:$0x0];
	s2 =	stileid.u32  }
0x64: {  	s1 =	rddreg [dreg:$0x1];
	p0 =	sne.s32 s2, $0x0  }
0x65: {  	s3 =	rddreg [dreg:$0x2];
	[bflag:$0x3] =	sbarrier.arrive $0xFFFF;
	s2 =	simm.s32 @!p0 $0x1C02  }
0x66: {  	[timem:s3], [sflag:s2] =	dma.local @!p0 [hbm:s0], s1  }
0x67: {  	s0 =	simm.s32 @!p0 $0x2  }
0x68: {  	_ =	swait.ge @!p0 [sflag:s0], s1  }
0x69: {  	s1 =	ssub.s32 @!p0 $0x0, s1;
	[sflag:s0] =	ssyncset.done @!p0 $0x0  }
0x6a: {  	[sflag:s0] =	ssyncadd.s32 @!p0 s1  }
0x6b: {  	[bflag:$0x3] =	sbarrier.arrive $0xFFFF  }
0x6c: {  	_ =	shalt  }

// kernel: kernel.7.cloned.1.call-start
scs
__scs_entry_jumppad:
0x0: {  	(pc) =	sbr.rel $0x88, $3  }
0x1: {  	(tag) =	ssettag $0x0;
	lr =	simm.s32 $0x1  }
0x2: {  	[smem:$0x3F9A] =	sst lr;
	_ =	strace $0xD0000000  }
0x3: {  	_ = 	snop  }
0x4: {  	_ = 	snop  }
0x5: {  	_ = 	snop  }
0x6: {  	_ = 	snop  }
0x7: {  	_ = 	snop  }
__scs_overlays_trampoline_lowered:
0x8: {  	[smem:$0x3FA9] =	sst s0  }
0x9: {  	[smem:$0x3FAA] =	sst s1  }
0xa: {  	[smem:$0x3FAB] =	sst s2  }
0xb: {  	[smem:$0x3FAC] =	sst s3  }
0xc: {  	[smem:$0x3FAD] =	sst s4  }
0xd: {  	[smem:$0x3FAE] =	sst s5  }
0xe: {  	[smem:$0x3FAF] =	sst s6  }
0xf: {  	[smem:$0x3FB0] =	sst s7  }
0x10: {  	[smem:$0x3FB1] =	sst s8  }
0x11: {  	[smem:$0x3FB2] =	sst s9;
	s0 =	simm.s32 @!p0 $0x0  }
0x12: {  	s1 =	sld [smem:$0x3F98];
	s0 =	simm.s32 @p0 $0x1  }
0x13: {  	[smem:$0x3FB3] =	sst s0;
	s0 =	simm.s32 @!p1 $0x0  }
0x14: {  	s2 =	sld [smem:$0x3F97];
	s0 =	simm.s32 @p1 $0x1  }
0x15: {  	[smem:$0x3FB4] =	sst s0;
	s0 =	simm.s32 @!p2 $0x0  }
0x16: {  	s3 =	sld [smem:$0x3FDB];
	s0 =	simm.s32 @p2 $0x1  }
0x17: {  	s4 =	simm.s32 $0x1BF5;
	[smem:$0x3FB6] =	sst s0  }
0x18: {  	s0 =	sld [smem:$0x3F99];
	_ =	swait.ge [sflag:s4], $0x0  }
0x19: {  	s7 =	sld [smem:$0x3F9A]  }
0x1a: {  	s8 =	sadd.s32 $0xFFFFE003, lr  }
0x1b: {  	s9 =	sadd.s32 $0xFFFFFEF7, lr;
	s5 =	simm.s32 $0xFFFFFFFF;
	p2 =	slt.u32 s8, $0xFFFFF086  }
0x1c: {  	p1 =	slt.u32 s9, $0xF7A;
	s5 =	simm.s32 @!p2 $0x0  }
0x1d: {  	s5 =	simm.s32 @p1 $0x1;
	p0 =	seq.s32 s7, s2  }
0x1e: {  	s7 =	smul.u32 @!p0 $0xF7A, s2;
	p2 =	seq.s32 @!p0 s5, $0x0  }
0x1f: {  	s9 =	smul.u32 $0xF7A, s1;
	s8 =	simm.s32 @!p0 $0x1BF5;
	p2 =	por !p2, p0  }
0x20: {  	[sflag:s8] =	ssyncset.s32 @!p0 $0xFFFFF086;
	s6 =	sadd.s32 @!p0 s3, s7;
	s7 =	simm.s32 @!p0 $0x108  }
0x21: {  	s3 =	sadd.s32 s3, s9;
	s6 =	sadd.s32 @!p0 $0x88, s6;
	s7 =	simm.s32 @p2 $0x1082  }
0x22: {  	[simem:s7], [sflag:s8] =	dma.local @!p0 [hbm:s6], $0xF7A  }
0x23: {  	s9 =	sor.u32 $0xD0000000, s2;
	s6 =	simm.s32 $0x108;
	_ =	swait.ge @!p0 [sflag:s8], $0x0  }
0x24: {  	s3 =	sadd.s32 $0x88, s3;
	s6 =	simm.s32 @!p1 $0x1082;
	[sflag:s4] =	ssyncset.s32 $0xFFFFF086  }
0x25: {  	[simem:s6], [sflag:s4] =	dma.local [hbm:s3], $0xF7A  }
0x26: {  	[smem:$0x3F9A] =	sst s1;
	(tag) =	ssettag s2;
	_ =	strace s9  }
0x27: {  	s1 =	sld [smem:$0x3FAA]  }
0x28: {  	s2 =	sld [smem:$0x3FAB]  }
0x29: {  	s4 =	sld [smem:$0x3FAD]  }
0x2a: {  	p0 =	seq.s32 s5, $0x0;
	s5 =	sld [smem:$0x3FAE]  }
0x2b: {  	s6 =	sld [smem:$0x3FAF]  }
0x2c: {  	s7 =	sld [smem:$0x3FB0]  }
0x2d: {  	s3 =	simm.s32 $0x108;
	s8 =	sld [smem:$0x3FB1]  }
0x2e: {  	s3 =	simm.s32 @!p0 $0x1082;
	s9 =	sld [smem:$0x3FB2]  }
0x2f: {  	lr =	sadd.s32 s0, s3;
	s0 =	sld [smem:$0x3FA9]  }
0x30: {  	s3 =	sld [smem:$0x3FAC]  }
0x31: {  	[smem:$0x3FB5] =	sst s10  }
0x32: {  	s10 =	sld [smem:$0x3FB3];
	_ =	sdelay $0x3  }
0x33: {  	p0 =	seq.s32 s10, $0x1;
	s10 =	sld [smem:$0x3FB5];
	_ =	sdelay $0x3  }
0x34: {  	[smem:$0x3FB5] =	sst s10  }
0x35: {  	s10 =	sld [smem:$0x3FB4];
	_ =	sdelay $0x3  }
0x36: {  	p1 =	seq.s32 s10, $0x1;
	s10 =	sld [smem:$0x3FB5];
	_ =	sdelay $0x3  }
0x37: {  	[smem:$0x3FB5] =	sst s10  }
0x38: {  	s10 =	sld [smem:$0x3FB6]  }
0x39: {  	_ = 	snop;
	(pc) =	sbr.ind lr, $3  }
0x3a: {  	_ = 	snop  }
0x3b: {  	_ = 	snop  }
0x3c: {  	p2 =	seq.s32 s10, $0x1;
	s10 =	sld [smem:$0x3FB5]  }
0x3d: {  	_ =	shalt  }
0x3e: {  	_ =	shalt  }
0x3f: {  	_ =	shalt  }
0x40: {  	_ =	shalt  }
0x41: {  	_ =	shalt  }
0x42: {  	_ =	shalt  }
0x43: {  	_ =	shalt  }
0x44: {  	_ =	shalt  }
0x45: {  	_ =	shalt  }
0x46: {  	_ =	shalt  }
0x47: {  	_ =	shalt  }
0x48: {  	_ =	shalt  }
0x49: {  	_ =	shalt  }
0x4a: {  	_ =	shalt  }
0x4b: {  	_ =	shalt  }
0x4c: {  	_ =	shalt  }
0x4d: {  	_ =	shalt  }
0x4e: {  	_ =	shalt  }
0x4f: {  	_ =	shalt  }
0x50: {  	_ =	shalt  }
0x51: {  	_ =	shalt  }
0x52: {  	_ =	shalt  }
0x53: {  	_ =	shalt  }
0x54: {  	_ =	shalt  }
0x55: {  	_ =	shalt  }
0x56: {  	_ =	shalt  }
0x57: {  	_ =	shalt  }
0x58: {  	_ =	shalt  }
0x59: {  	_ =	shalt  }
0x5a: {  	_ =	shalt  }
0x5b: {  	_ =	shalt  }
0x5c: {  	_ =	shalt  }
0x5d: {  	_ =	shalt  }
0x5e: {  	_ =	shalt  }
0x5f: {  	_ =	shalt  }
0x60: {  	_ =	shalt  }
0x61: {  	_ =	shalt  }
0x62: {  	_ =	shalt  }
0x63: {  	_ =	shalt  }
0x64: {  	_ =	shalt  }
0x65: {  	_ =	shalt  }
0x66: {  	_ =	shalt  }
0x67: {  	_ =	shalt  }
0x68: {  	_ =	shalt  }
0x69: {  	_ =	shalt  }
0x6a: {  	_ =	shalt  }
0x6b: {  	_ =	shalt  }
0x6c: {  	_ =	shalt  }
0x6d: {  	_ =	shalt  }
0x6e: {  	_ =	shalt  }
0x6f: {  	_ =	shalt  }
0x70: {  	_ =	shalt  }
0x71: {  	_ =	shalt  }
0x72: {  	_ =	shalt  }
0x73: {  	_ =	shalt  }
0x74: {  	_ =	shalt  }
0x75: {  	_ =	shalt  }
0x76: {  	_ =	shalt  }
0x77: {  	_ =	shalt  }
0x78: {  	_ =	shalt  }
0x79: {  	_ =	shalt  }
0x7a: {  	_ =	shalt  }
0x7b: {  	_ =	shalt  }
0x7c: {  	_ =	shalt  }
0x7d: {  	_ =	shalt  }
0x7e: {  	_ =	shalt  }
0x7f: {  	_ =	shalt  }
0x80: {  	_ =	shalt  }
0x81: {  	_ =	shalt  }
0x82: {  	_ =	shalt  }
0x83: {  	_ =	shalt  }
0x84: {  	_ =	shalt  }
0x85: {  	_ =	shalt  }
0x86: {  	_ =	shalt  }
0x87: {  	_ =	shalt  }
.Lfunc_end0:
.L_simem_size_0:
called_computation.1_lowered:
.L_overlay_start_0:
0x88: {  	s2 =	sld [smem:$0x3FD9]  }
0x89: {  	s3 =	sld [smem:$0x3FFE];
	_ =	sdelay $0x1  }
0x8a: {  	s1 =	srdreg.scid  }
0x8b: {  	s0 =	sand.u32 $0x1, s1  }
0x8c: {  	s17 =	sshll.u32 s0, $0xA;
	s2 =	sadd.s32 s3, s2  }
0x8d: {  	s2 =	sadd.s32 s2, s17  }
0x8e: {  	[smem:$0x3FC1] =	sst s2  }
0x8f: {  	_ = 	snop  }
0x90: {  	s2 =	sld [smem:$0x3FC9]  }
0x91: {  	s18 =	sld [smem:$0x3FC7]  }
0x92: {  	s4 =	sld [smem:$0x3FD0];
	(tm) =	ssettm $0x1  }
0x93: {  	s5 =	sld [smem:$0x3FFB];
	_ =	sdelay $0x3  }
0x94: {  	_ =	strace s5  }
0x95: {  	s5 =	sld [smem:$0x3FFC];
	_ =	sdelay $0x3  }
0x96: {  	_ =	strace s5  }
0x97: {  	s5 =	sld [smem:$0x3FFD];
	_ =	sdelay $0x3  }
0x98: {  	_ =	strace s5  }
0x99: {  	_ =	strace $0x8FFFFFFF  }
0x9a: {  	s19 =	sld [smem:$0x3FDB];
	_ =	sdelay $0x1  }
0x9b: {  	s6 =	simm.s32 $_scs_section_size  }
0x9c: {  	s7 =	simm.s32 $_size__tile_overlayer_lowered;
	s8 =	simm.s32 $_tile_overlayer_lowered  }
0x9d: {  	s22 =	simm.s32 $0x1BFF;
	s21 =	sshll.u32 s8, $0x1;
	s5 =	sadd.s32 s6, s19  }
0x9e: {  	s9 =	simm.s32 $0x0;
	s20 =	sshll.u32 s7, $0x1;
	s7 =	sadd.s32 s21, s5  }
0x9f: {  	[timem:s9], [sflag:s22] =	dma.local [hbm:s7], s20  }
0xa0: {  	_ =	swait.ge [sflag:s22], s20  }
0xa1: {  	s6 =	ssub.s32 $0x0, s20;
	[sflag:s22] =	ssyncset.done $0x0  }
0xa2: {  	[sflag:s22] =	ssyncadd.s32 s6;
	_ =	sdelay $0x1  }
0xa3: {  	s23 =	simm.s32 $0x1B8B  }
0xa4: {  	_ =	swait.ge [sflag:s23], $0x1  }
0xa5: {  	[sflag:s23] =	ssyncset.done $0x0  }
0xa6: {  	s25 =	simm.s32 $0x1B8E;
	s24 =	sld [smem:$0x3FFE];
	[sflag:s23] =	ssyncadd.s32 $0xFFFFFFFF  }
0xa7: {  	s26 =	simm.s32 $execute0_lowered;
	[smem:$0x3FD2] =	sst s25  }
0xa8: {  	s7 =	sshll.u32 s26, $0x1;
	_ =	strace $0x80000049;
	[dreg:$0x1] =	wrdreg $0xFFFFFFFF  }
0xa9: {  	s28 =	simm.s32 $_size_execute0_lowered;
	s5 =	sadd.s32 s5, s7;
	[dreg:$0x0] =	wrdreg $0x0  }
0xaa: {  	s7 =	sshll.u32 s28, $0x1;
	[dreg:$0x2] =	wrdreg s5  }
0xab: {  	[dreg:$0x3] =	wrdreg s7  }
0xac: {  	[dreg:$0x4] =	wrdreg $0xC0  }
0xad: {  	_ =	task [dreg:s9], $0x5FFFF  }
0xae: {  	[dreg:$0x1] =	wrdreg $0xFFFFFFFF  }
0xaf: {  	[dreg:$0x0] =	wrdreg $0x60  }
0xb0: {  	[dreg:$0x2] =	wrdreg s2  }
0xb1: {  	[dreg:$0x3] =	wrdreg s18  }
0xb2: {  	[dreg:$0x4] =	wrdreg s24  }
0xb3: {  	[dreg:$0x5] =	wrdreg s4  }
0xb4: {  	[dreg:$0x6] =	wrdreg $0x9  }
0xb5: {  	_ =	task.clear_ibuf [dreg:s9], $0x7FFFF;
	_ =	strace $0x90000049  }
0xb6: {  	s29 =	simm.s32 $0x9;
	_ =	strace $0x8000004B  }
0xb7: {  	_ =	swait.ge [sflag:s29], $0x1  }
0xb8: {  	[sflag:s29] =	ssyncadd.s32 $0xFFFFFFFF  }
0xb9: {  	_ =	strace $0x9000004B  }
0xba: {  	_ =	sfence  }
0xbb: {  	s30 =	sld [smem:$0x0];
	_ =	sdelay $0x2  }
0xbc: {  	s31 =	sshll.u32 s1, $0xD;
	s1 =	sshrl.u32 s1, $0x2  }
0xbd: {  	s3 =	sand.u32 $0x4000, s31;
	s1 =	sadd.s32 s1, s30  }
0xbe: {  	s0 =	sor.u32 s3, s0;
	s1 =	sshll.u32 s1, $0x11  }
0xbf: {  	s0 =	sor.u32 s1, s0  }
0xc0: {  	s0 =	sadd.s32 $0x8F2B, s0  }
0xc1: {  	[sflag:s0] =	ssyncadd.remote.s32 $0x1  }
0xc2: {  	_ =	sfence.sel $0xFFFF  }
0xc3: {  	[dreg:$0x0] =	wrdreg $0xFFFFFFFF;
	(pc) =	sbr.abs _section_cstart, $3  }
0xc4: {  	[dreg:$0x1] =	wrdreg $0xFFFFFFFF  }
0xc5: {  	_ =	task.clear_ibuf [dreg:s9], $0x2FFFF;
	_ =	strace $0x9FFFFFFF  }
0xc6: {  	(tm) =	ssettm $0x7FFFFFFF  }
0xc7: {  	_ =	shalt  }
tec
execute0_lowered:
.L_overlay_start_1:
0x0: {  	(tag) =	ssettag $0x1  }
0x1: {  	s0 =	rddreg [dreg:$0x0]  }
0x2: {  	s1 =	rddreg [dreg:$0x1]  }
0x3: {  	s2 =	rddreg [dreg:$0x2]  }
0x4: {  	s3 =	srdreg.scid;
	s5 =	stileid.u32  }
0x5: {  	s4 =	rddreg [dreg:$0x3];
	s11 =	simm.s32 $0x0;
	s13 =	simm.s32 $0x8400  }
0x6: {  	s14 =	simm.s32 $0xC400;
	s3 =	sand.u32 $0x1, s3;
	s5 =	sshll.u32 s5, $0x1  }
0x7: {  	s15 =	simm.s32 $0x10400;
	s16 =	simm.s32 $0x14400;
	s5 =	sor.u32 s3, s5  }
0x8: {  	[smem:$0x7FF] =	sst s11;
	s6 =	sshll.u32 s5, $0xC;
	s5 =	sshll.u32 s5, $0x6  }
0x9: {  	s7 =	ssub.s32 $0x2, s3;
	_ =	strace $0x8000004A;
	s0 =	sadd.s32 s0, s5  }
0xa: {  	s8 =	sshrl.u32 s7, $0x1;
	s29 =	sadd.s32 s1, s5;
	[smem:$0x7FA] =	sst s0  }
0xb: {  	s6 =	sadd.s32 s6, s2;
	s30 =	sadd.s32 s4, s5;
	[smem:$0x7FB] =	sst s29  }
0xc: {  	s28 =	ssub.s32 s7, s8;
	s6 =	sadd.s32 $0x4800, s6;
	[smem:$0x7FC] =	sst s30  }
0xd: {  	v0 =	vlaneseq.u32;
	s3 =	sadd.s32 $0x24800, s2;
	s31 =	smax.u32 s28, $0x1;
	[smem:$0x7F9] =	sst s6  }
0xe: {  	v0 =	vmul.u32 $0x80, v0;
	s2 =	simm.s32 $0x3;
	s1 =	simm.s32 $0x0;
	[smem:$0x7FD] =	sst s31  }
.LBB2_1:
0xf: {  	s0 =	sld [smem:$0x7F9];
	_ =	sdelay $0x1  }
0x10: {  	s21 =	simm.s32 $0x400;
	s22 =	sld [smem:$0x7FA]  }
0x11: {  	[tilespmem:s21], [sflag:$0x2] =	stream.linear.gather [hbm4b:s0+s11], $0x8000, $0x38;
	[tilespmem:$0x18600] =	vst v63  }
0x12: {  	[smem:$0x7F8] =	sst s1  }
0x13: {  	[tilespmem:s11], [sflag:$0x3] =	stream.linear.gather [hbm4b:s22+s11], $0x200, $0x38;
	[tilespmem:$0x18600] =	vst v63  }
0x14: {  	_ =	swait.ge [sflag:s2], $0x200  }
0x15: {  	s24 =	sld [smem:$0x7FB]  }
0x16: {  	[sflag:s2] =	ssyncset.done $0x0  }
0x17: {  	s23 =	simm.s32 $0x200;
	[sflag:s2] =	ssyncadd.s32 $0xFFFFFE00  }
0x18: {  	[tilespmem:s23], [sflag:$0x3] =	stream.linear.gather [hbm4b:s24+s11], $0x200, $0x38;
	[tilespmem:$0x18600] =	vst v63  }
0x19: {  	_ =	swait.ge [sflag:s2], $0x200  }
0x1a: {  	[sflag:s2] =	ssyncset.done $0x0  }
0x1b: {  	s25 =	simm.s32 $0x2;
	[sflag:s2] =	ssyncadd.s32 $0xFFFFFE00  }
0x1c: {  	_ =	swait.ge [sflag:s25], $0x8000  }
0x1d: {  	[sflag:s25] =	ssyncset.done $0x0  }
0x1e: {  	[sflag:s25] =	ssyncadd.s32 $0xFFFF8000  }
0x1f: {  	v1 =	vld [tilespmem:s11+$0x0]  }
0x20: {  	v3 =	vld [tilespmem:s23+$0x0];
	_ =	sdelay $0x3  }
0x21: {  	v2 =	vshll.u32 v1, $0x4  }
0x22: {  	v1 =	vshll.u32 v3, $0x4;
	(v2sf) =	vpush v2, $0x0  }
0x23: {  	(v2sf) =	vpush v1, $0x0  }
0x24: {  	(v2sf) =	vpush v2, $0x1;
	_ =	sdelay $0x1  }
0x25: {  	(v2sf) =	vpush v1, $0x1  }
0x26: {  	(v2sf) =	vpush v2, $0x2;
	_ =	sdelay $0x1  }
0x27: {  	(v2sf) =	vpush v1, $0x2  }
0x28: {  	(v2sf) =	vpush v2, $0x3;
	_ =	sdelay $0x2  }
0x29: {  	s20 =	simm.s32 $0x2000  }
0x2a: {  	s19 =	simm.s32 $0x0;
	s26 =	simm.s32 $0xC400;
	s4 =	simm.s32 $0x8680  }
0x2b: {  	s5 =	simm.s32 $0x8400;
	s7 =	simm.s32 $0x8600;
	s8 =	simm.s32 $0x8580  }
0x2c: {  	s12 =	simm.s32 $0xC480;
	s18 =	simm.s32 $0x8500;
	s29 =	simm.s32 $0x8A00  }
0x2d: {  	s28 =	simm.s32 $0x8B00;
	s0 =	simm.s32 $0xC900;
	s6 =	spop (v2sf)  }
0x2e: {  	s2 =	simm.s32 $0x8880;
	(v2sf) =	vpush v1, $0x3;
	s6 =	sand.u32 $0x1FFFFFF0, s6;
	s9 =	spop (v2sf)  }
0x2f: {  	s23 =	simm.s32 $0xC500;
	s6 =	sadd.s32 s3, s6;
	s31 =	spop (v2sf)  }
0x30: {  	(v2sf) =	vpush v2, $0x4;
	[tilespmem:s5], [sflag:$0x1] =	stream.linear.gather [hbm4b:s6+s11], $0x80, $0x38;
	[tilespmem:$0x18600] =	vst v63  }
0x31: {  	(v2sf) =	vpush v1, $0x4;
	s30 =	sand.u32 $0x1FFFFFF0, s9;
	s5 =	simm.s32 $0xC580;
	s10 =	spop (v2sf)  }
0x32: {  	s6 =	sadd.s32 s3, s30;
	s9 =	sand.u32 $0x1FFFFFF0, s31;
	s17 =	spop (v2sf)  }
0x33: {  	(v2sf) =	vpush v2, $0x5;
	[tilespmem:s26], [sflag:$0x1] =	stream.linear.gather [hbm4b:s6+s11], $0x80, $0x38;
	[tilespmem:$0x18600] =	vst v63  }
0x34: {  	s31 =	simm.s32 $0xC600;
	s9 =	sadd.s32 s3, s9;
	(v2sf) =	vpush v1, $0x5;
	s21 =	spop (v2sf)  }
0x35: {  	s10 =	sand.u32 $0x1FFFFFF0, s10;
	s6 =	simm.s32 $0x8480;
	s22 =	spop (v2sf)  }
0x36: {  	[tilespmem:s6], [sflag:$0x1] =	stream.linear.gather [hbm4b:s9+s11], $0x80, $0x38;
	[tilespmem:$0x18600] =	vst v63  }
0x37: {  	s9 =	sadd.s32 s3, s10;
	s6 =	sand.u32 $0x1FFFFFF0, s17;
	s25 =	sand.u32 $0x1FFFFFF0, s22  }
0x38: {  	(v2sf) =	vpush v2, $0x6;
	[tilespmem:s12], [sflag:$0x1] =	stream.linear.gather [hbm4b:s9+s11], $0x80, $0x38;
	[tilespmem:$0x18600] =	vst v63  }
0x39: {  	s10 =	simm.s32 $0xCA00;
	s6 =	sadd.s32 s3, s6;
	s9 =	sand.u32 $0x1FFFFFF0, s21  }
0x3a: {  	(v2sf) =	vpush v1, $0x6;
	[tilespmem:s18], [sflag:$0x1] =	stream.linear.gather [hbm4b:s6+s11], $0x80, $0x38;
	[tilespmem:$0x18600] =	vst v63  }
0x3b: {  	s30 =	sadd.s32 s3, s25;
	s25 =	simm.s32 $0x8700;
	s24 =	sadd.s32 s3, s9  }
0x3c: {  	[tilespmem:s23], [sflag:$0x1] =	stream.linear.gather [hbm4b:s24+s11], $0x80, $0x38;
	[tilespmem:$0x18600] =	vst v63  }
0x3d: {  	s12 =	simm.s32 $0x8A80;
	s9 =	simm.s32 $0xC980;
	s26 =	spop (v2sf)  }
0x3e: {  	(v2sf) =	vpush v2, $0x7;
	[tilespmem:s8], [sflag:$0x1] =	stream.linear.gather [hbm4b:s30+s11], $0x80, $0x38;
	[tilespmem:$0x18600] =	vst v63  }
0x3f: {  	s23 =	simm.s32 $0xC680;
	s1 =	sand.u32 $0x1FFFFFF0, s26;
	s17 =	spop (v2sf)  }
0x40: {  	(v2sf) =	vpush v1, $0x7;
	s1 =	sadd.s32 s3, s1;
	s8 =	sand.u32 $0x1FFFFFF0, s17;
	s18 =	spop (v2sf)  }
0x41: {  	(v2sf) =	vpush v2, $0x8;
	[tilespmem:s5], [sflag:$0x1] =	stream.linear.gather [hbm4b:s1+s11], $0x80, $0x38;
	[tilespmem:$0x18600] =	vst v63  }
0x42: {  	s21 =	sadd.s32 s3, s8;
	s22 =	sand.u32 $0x1FFFFFF0, s18;
	s24 =	spop (v2sf)  }
0x43: {  	(v2sf) =	vpush v1, $0x8;
	s8 =	simm.s32 $0x8800;
	s26 =	sand.u32 $0x1FFFFFF0, s24;
	s30 =	spop (v2sf)  }
0x44: {  	[tilespmem:s7], [sflag:$0x1] =	stream.linear.gather [hbm4b:s21+s11], $0x80, $0x38;
	[tilespmem:$0x18600] =	vst v63  }
0x45: {  	s5 =	sadd.s32 s3, s22;
	(v2sf) =	vpush v2, $0x9;
	s6 =	sadd.s32 s3, s26;
	s7 =	sand.u32 $0x1FFFFFF0, s30  }
0x46: {  	(v2sf) =	vpush v1, $0x9;
	[tilespmem:s31], [sflag:$0x1] =	stream.linear.gather [hbm4b:s5+s11], $0x80, $0x38;
	[tilespmem:$0x18600] =	vst v63  }
0x47: {  	s26 =	simm.s32 $0x8780;
	s17 =	sadd.s32 s3, s7;
	s31 =	spop (v2sf)  }
0x48: {  	(v2sf) =	vpush v2, $0xA;
	[tilespmem:s4], [sflag:$0x1] =	stream.linear.gather [hbm4b:s6+s11], $0x80, $0x38;
	[tilespmem:$0x18600] =	vst v63  }
0x49: {  	s5 =	simm.s32 $0xC780;
	s18 =	sand.u32 $0x1FFFFFF0, s31;
	s21 =	spop (v2sf)  }
0x4a: {  	(v2sf) =	vpush v1, $0xA;
	[tilespmem:s23], [sflag:$0x1] =	stream.linear.gather [hbm4b:s17+s11], $0x80, $0x38;
	[tilespmem:$0x18600] =	vst v63  }
0x4b: {  	s4 =	simm.s32 $0xCA80;
	s22 =	sadd.s32 s3, s18;
	s1 =	sand.u32 $0x1FFFFFF0, s21  }
0x4c: {  	[tilespmem:s25], [sflag:$0x1] =	stream.linear.gather [hbm4b:s22+s11], $0x80, $0x38;
	[tilespmem:$0x18600] =	vst v63  }
0x4d: {  	s1 =	sadd.s32 s3, s1;
	s23 =	simm.s32 $0xC700;
	s24 =	spop (v2sf)  }
0x4e: {  	(v2sf) =	vpush v2, $0xB;
	[tilespmem:s23], [sflag:$0x1] =	stream.linear.gather [hbm4b:s1+s11], $0x80, $0x38;
	[tilespmem:$0x18600] =	vst v63  }
0x4f: {  	s21 =	simm.s32 $0xC800;
	s6 =	sand.u32 $0x1FFFFFF0, s24;
	s25 =	spop (v2sf)  }
0x50: {  	(v2sf) =	vpush v1, $0xB;
	s30 =	sadd.s32 s3, s6;
	s31 =	sand.u32 $0x1FFFFFF0, s25;
	s7 =	spop (v2sf)  }
0x51: {  	[tilespmem:s26], [sflag:$0x1] =	stream.linear.gather [hbm4b:s30+s11], $0x80, $0x38;
	[tilespmem:$0x18600] =	vst v63  }
0x52: {  	s24 =	simm.s32 $0xC880;
	s6 =	sadd.s32 s3, s31;
	s17 =	spop (v2sf)  }
0x53: {  	[tilespmem:s5], [sflag:$0x1] =	stream.linear.gather [hbm4b:s6+s11], $0x80, $0x38;
	[tilespmem:$0x18600] =	vst v63  }
0x54: {  	(v2sf) =	vpush v2, $0xC;
	s26 =	simm.s32 $0x8900;
	s18 =	spop (v2sf);
	s5 =	sand.u32 $0x1FFFFFF0, s7  }
0x55: {  	(v2sf) =	vpush v1, $0xC;
	s6 =	sand.u32 $0x1FFFFFF0, s17;
	s25 =	spop (v2sf);
	s5 =	sadd.s32 s3, s5  }
0x56: {  	[tilespmem:s8], [sflag:$0x1] =	stream.linear.gather [hbm4b:s5+s11], $0x80, $0x38;
	[tilespmem:$0x18600] =	vst v63  }
0x57: {  	s23 =	sand.u32 $0x1FFFFFF0, s18;
	s22 =	sadd.s32 s3, s6;
	s30 =	spop (v2sf)  }
0x58: {  	[tilespmem:s21], [sflag:$0x1] =	stream.linear.gather [hbm4b:s22+s11], $0x80, $0x38;
	[tilespmem:$0x18600] =	vst v63  }
0x59: {  	s6 =	sadd.s32 s3, s23;
	s5 =	sand.u32 $0x1FFFFFF0, s25;
	s31 =	spop (v2sf)  }
0x5a: {  	[tilespmem:s2], [sflag:$0x1] =	stream.linear.gather [hbm4b:s6+s11], $0x80, $0x38;
	[tilespmem:$0x18600] =	vst v63  }
0x5b: {  	s5 =	sadd.s32 s3, s5;
	s17 =	sand.u32 $0x1FFFFFF0, s31;
	s6 =	sand.u32 $0x1FFFFFF0, s30  }
0x5c: {  	[tilespmem:s24], [sflag:$0x1] =	stream.linear.gather [hbm4b:s5+s11], $0x80, $0x38;
	[tilespmem:$0x18600] =	vst v63  }
0x5d: {  	s21 =	sadd.s32 s3, s17;
	s8 =	sadd.s32 s3, s6;
	s18 =	spop (v2sf)  }
0x5e: {  	[tilespmem:s26], [sflag:$0x1] =	stream.linear.gather [hbm4b:s8+s11], $0x80, $0x38;
	[tilespmem:$0x18600] =	vst v63  }
0x5f: {  	s24 =	simm.s32 $0x8980;
	s22 =	sand.u32 $0x1FFFFFF0, s18;
	s23 =	spop (v2sf)  }
0x60: {  	(v2sf) =	vpush v2, $0xD;
	[tilespmem:s0], [sflag:$0x1] =	stream.linear.gather [hbm4b:s21+s11], $0x80, $0x38;
	[tilespmem:$0x18600] =	vst v63  }
0x61: {  	s5 =	simm.s32 $0xCB00;
	(v2sf) =	vpush v1, $0xD;
	s25 =	sadd.s32 s3, s22;
	s26 =	sand.u32 $0x1FFFFFF0, s23  }
0x62: {  	(v2sf) =	vpush v2, $0xE;
	[tilespmem:s24], [sflag:$0x1] =	stream.linear.gather [hbm4b:s25+s11], $0x80, $0x38;
	[tilespmem:$0x18600] =	vst v63  }
0x63: {  	s30 =	sadd.s32 s3, s26;
	(v2sf) =	vpush v1, $0xE;
	s31 =	spop (v2sf);
	s24 =	simm.s32 $0x10  }
0x64: {  	s25 =	simm.s32 $0x210;
	(v2sf) =	vpush v2, $0xF;
	s0 =	sand.u32 $0x1FFFFFF0, s31;
	s1 =	spop (v2sf)  }
0x65: {  	(v2sf) =	vpush v1, $0xF;
	[tilespmem:s9], [sflag:$0x1] =	stream.linear.gather [hbm4b:s30+s11], $0x80, $0x38;
	[tilespmem:$0x18600] =	vst v63  }
.LBB2_2:
0x66: {  	_ =	sdelay $0x4  }
0x67: {  	s0 =	sadd.s32 s3, s0;
	s1 =	sand.u32 $0x1FFFFFF0, s1  }
0x68: {  	[tilespmem:s29], [sflag:$0x1] =	stream.linear.gather [hbm4b:s0+s11], $0x80, $0x38;
	[tilespmem:$0x18600] =	vst v63  }
0x69: {  	s1 =	sadd.s32 s3, s1  }
0x6a: {  	[tilespmem:s10], [sflag:$0x1] =	stream.linear.gather [hbm4b:s1+s11], $0x80, $0x38;
	[tilespmem:$0x18600] =	vst v63  }
0x6b: {  	s2 =	spop (v2sf)  }
0x6c: {  	s2 =	sand.u32 $0x1FFFFFF0, s2;
	s6 =	spop (v2sf)  }
0x6d: {  	s7 =	sadd.s32 s3, s2;
	s8 =	sand.u32 $0x1FFFFFF0, s6;
	s9 =	spop (v2sf)  }
0x6e: {  	[tilespmem:s12], [sflag:$0x1] =	stream.linear.gather [hbm4b:s7+s11], $0x80, $0x38;
	[tilespmem:$0x18600] =	vst v63  }
0x6f: {  	s10 =	sadd.s32 s3, s8;
	s12 =	sand.u32 $0x1FFFFFF0, s9;
	s17 =	spop (v2sf)  }
0x70: {  	[tilespmem:s4], [sflag:$0x1] =	stream.linear.gather [hbm4b:s10+s11], $0x80, $0x38;
	[tilespmem:$0x18600] =	vst v63  }
0x71: {  	s18 =	sadd.s32 s3, s12;
	s21 =	sand.u32 $0x1FFFFFF0, s17;
	s22 =	spop (v2sf)  }
0x72: {  	[tilespmem:s28], [sflag:$0x1] =	stream.linear.gather [hbm4b:s18+s11], $0x80, $0x38;
	[tilespmem:$0x18600] =	vst v63  }
0x73: {  	s23 =	sadd.s32 s3, s21;
	s26 =	sand.u32 $0x1FFFFFF0, s22;
	s30 =	spop (v2sf)  }
0x74: {  	[tilespmem:s5], [sflag:$0x1] =	stream.linear.gather [hbm4b:s23+s11], $0x80, $0x38;
	[tilespmem:$0x18600] =	vst v63  }
0x75: {  	s31 =	sadd.s32 $0x8B80, s19;
	s1 =	sadd.s32 s3, s26;
	s2 =	sand.u32 $0x1FFFFFF0, s30  }
0x76: {  	[tilespmem:s31], [sflag:$0x1] =	stream.linear.gather [hbm4b:s1+s11], $0x80, $0x38;
	[tilespmem:$0x18600] =	vst v63  }
0x77: {  	s2 =	sadd.s32 s3, s2;
	s1 =	sadd.s32 $0xCB80, s19  }
0x78: {  	[tilespmem:s1], [sflag:$0x1] =	stream.linear.gather [hbm4b:s2+s11], $0x80, $0x38;
	[tilespmem:$0x18600] =	vst v63  }
0x79: {  	v1 =	vld [tilespmem:s24+$0x0]  }
0x7a: {  	v3 =	vld [tilespmem:s25+$0x0];
	_ =	sdelay $0x3  }
0x7b: {  	s4 =	smov.u32 s20;
	v2 =	vshll.u32 v1, $0x4  }
0x7c: {  	p0 =	sne.s32 s20, $0xE000;
	s20 =	sadd.s32 $0x2000, s20;
	s19 =	sshra.s32 s4, $0x2;
	v1 =	vshll.u32 v3, $0x4;
	(v2sf) =	vpush v2, $0x0  }
0x7d: {  	s0 =	sadd.s32 $0x8680, s19;
	s5 =	sadd.s32 $0x8880, s19;
	s17 =	sadd.s32 $0x8400, s19;
	(v2sf) =	vpush v1, $0x0  }
0x7e: {  	s6 =	sadd.s32 $0xC900, s19;
	s21 =	sadd.s32 $0x8580, s19;
	s7 =	sadd.s32 $0xCA00, s19;
	(v2sf) =	vpush v2, $0x1  }
0x7f: {  	s30 =	sadd.s32 $0x8500, s19;
	s9 =	sadd.s32 $0xC480, s19;
	s31 =	sadd.s32 $0xC500, s19  }
0x80: {  	s18 =	sadd.s32 $0xC680, s19;
	s12 =	sadd.s32 $0x8700, s19;
	[smem:$0x7F3] =	sst s0;
	(v2sf) =	vpush v1, $0x1  }
0x81: {  	s8 =	sadd.s32 $0xC980, s19;
	s10 =	sadd.s32 $0xCA80, s19;
	[dreg:$0xe] =	wrdreg s5  }
0x82: {  	s22 =	sadd.s32 $0xC880, s19;
	s23 =	sadd.s32 $0x8900, s19;
	[dreg:$0x5] =	wrdreg s6;
	(v2sf) =	vpush v2, $0x2  }
0x83: {  	s26 =	sadd.s32 $0xC800, s19;
	s29 =	sadd.s32 $0x8A00, s19;
	[smem:$0x7F4] =	sst s7  }
0x84: {  	s28 =	sadd.s32 $0x8B00, s19;
	s1 =	sadd.s32 $0xC400, s19;
	[dreg:$0x9] =	wrdreg s8;
	(v2sf) =	vpush v1, $0x2  }
0x85: {  	s2 =	simm.s32 $0x0;
	s11 =	sadd.s32 $0x8600, s19;
	[dreg:$0xd] =	wrdreg s10  }
0x86: {  	s0 =	sadd.s32 $0xC580, s19;
	s6 =	sadd.s32 $0xC600, s19;
	[dreg:$0x16] =	wrdreg s22;
	(v2sf) =	vpush v2, $0x3  }
0x87: {  	s7 =	sadd.s32 $0x8A80, s19;
	s10 =	sadd.s32 $0xC700, s19;
	[dreg:$0x12] =	wrdreg s23  }
0x88: {  	s8 =	sadd.s32 $0x8780, s19;
	[smem:$0x7F7] =	sst s26;
	s5 =	sadd.s32 $0xC780, s19;
	(v2sf) =	vpush v1, $0x3  }
0x89: {  	s22 =	sadd.s32 $0x8480, s19;
	s23 =	sadd.s32 $0x8800, s19;
	[smem:$0x7F5] =	sst s5  }
0x8a: {  	s26 =	sadd.s32 $0x8980, s19;
	[smem:$0x7F6] =	sst s23;
	s24 =	sadd.s32 $0x10, s24;
	(v2sf) =	vpush v2, $0x4  }
0x8b: {  	s25 =	sadd.s32 $0x10, s25;
	s5 =	sadd.s32 $0xCB00, s19;
	s23 =	spop (v2sf)  }
0x8c: {  	[dreg:$0x1a] =	wrdreg s26;
	s23 =	sand.u32 $0x1FFFFFF0, s23;
	s26 =	spop (v2sf);
	(v2sf) =	vpush v1, $0x4  }
0x8d: {  	s23 =	sadd.s32 s3, s23;
	s4 =	sand.u32 $0x1FFFFFF0, s26;
	s26 =	spop (v2sf)  }
0x8e: {  	(v2sf) =	vpush v2, $0x5;
	[tilespmem:s17], [sflag:$0x1] =	stream.linear.gather [hbm4b:s23+s2], $0x80, $0x38;
	[tilespmem:$0x18600] =	vst v63  }
0x8f: {  	s4 =	sadd.s32 s3, s4;
	s23 =	sand.u32 $0x1FFFFFF0, s26;
	s26 =	spop (v2sf);
	(v2sf) =	vpush v1, $0x5  }
0x90: {  	[tilespmem:s1], [sflag:$0x1] =	stream.linear.gather [hbm4b:s4+s2], $0x80, $0x38;
	[tilespmem:$0x18600] =	vst v63  }
0x91: {  	s17 =	sadd.s32 s3, s23;
	s23 =	sand.u32 $0x1FFFFFF0, s26;
	s26 =	spop (v2sf);
	(v2sf) =	vpush v2, $0x6  }
0x92: {  	[tilespmem:s22], [sflag:$0x1] =	stream.linear.gather [hbm4b:s17+s2], $0x80, $0x38;
	[tilespmem:$0x18600] =	vst v63  }
0x93: {  	s22 =	sadd.s32 s3, s23;
	s23 =	sand.u32 $0x1FFFFFF0, s26;
	s26 =	spop (v2sf)  }
0x94: {  	(v2sf) =	vpush v1, $0x6;
	[tilespmem:s9], [sflag:$0x1] =	stream.linear.gather [hbm4b:s22+s2], $0x80, $0x38;
	[tilespmem:$0x18600] =	vst v63  }
0x95: {  	s22 =	sadd.s32 s3, s23;
	s23 =	sand.u32 $0x1FFFFFF0, s26;
	s26 =	spop (v2sf)  }
0x96: {  	(v2sf) =	vpush v2, $0x7;
	[tilespmem:s30], [sflag:$0x1] =	stream.linear.gather [hbm4b:s22+s2], $0x80, $0x38;
	[tilespmem:$0x18600] =	vst v63  }
0x97: {  	s17 =	sadd.s32 s3, s23;
	s23 =	spop (v2sf);
	s22 =	sand.u32 $0x1FFFFFF0, s26  }
0x98: {  	(v2sf) =	vpush v1, $0x7;
	[tilespmem:s31], [sflag:$0x1] =	stream.linear.gather [hbm4b:s17+s2], $0x80, $0x38;
	[tilespmem:$0x18600] =	vst v63  }
0x99: {  	s30 =	sand.u32 $0x1FFFFFF0, s23;
	s26 =	sadd.s32 s3, s22;
	s31 =	spop (v2sf)  }
0x9a: {  	[tilespmem:s21], [sflag:$0x1] =	stream.linear.gather [hbm4b:s26+s2], $0x80, $0x38;
	[tilespmem:$0x18600] =	vst v63  }
0x9b: {  	s4 =	sadd.s32 s3, s30;
	s9 =	sand.u32 $0x1FFFFFF0, s31;
	s17 =	spop (v2sf)  }
0x9c: {  	(v2sf) =	vpush v2, $0x8;
	[tilespmem:s0], [sflag:$0x1] =	stream.linear.gather [hbm4b:s4+s2], $0x80, $0x38;
	[tilespmem:$0x18600] =	vst v63  }
0x9d: {  	s21 =	sadd.s32 s3, s9;
	s22 =	sand.u32 $0x1FFFFFF0, s17;
	s23 =	spop (v2sf)  }
0x9e: {  	(v2sf) =	vpush v1, $0x8;
	s17 =	sld [smem:$0x7F3];
	s26 =	sadd.s32 s3, s22;
	s31 =	spop (v2sf)  }
0x9f: {  	[tilespmem:s11], [sflag:$0x1] =	stream.linear.gather [hbm4b:s21+s2], $0x80, $0x38;
	[tilespmem:$0x18600] =	vst v63  }
0xa0: {  	s30 =	sand.u32 $0x1FFFFFF0, s23;
	s11 =	simm.s32 $0x0;
	s9 =	spop (v2sf)  }
0xa1: {  	(v2sf) =	vpush v2, $0x9;
	[tilespmem:s6], [sflag:$0x1] =	stream.linear.gather [hbm4b:s26+s11], $0x80, $0x38;
	[tilespmem:$0x18600] =	vst v63  }
0xa2: {  	(v2sf) =	vpush v1, $0x9;
	s2 =	sadd.s32 s3, s30;
	s22 =	sand.u32 $0x1FFFFFF0, s9;
	s6 =	sand.u32 $0x1FFFFFF0, s31  }
0xa3: {  	s26 =	sadd.s32 s3, s22;
	s22 =	sld [smem:$0x7F5];
	s23 =	spop (v2sf)  }
0xa4: {  	[tilespmem:s17], [sflag:$0x1] =	stream.linear.gather [hbm4b:s2+s11], $0x80, $0x38;
	[tilespmem:$0x18600] =	vst v63  }
0xa5: {  	s21 =	sadd.s32 s3, s6;
	s30 =	sand.u32 $0x1FFFFFF0, s23;
	s31 =	spop (v2sf)  }
0xa6: {  	(v2sf) =	vpush v2, $0xA;
	[tilespmem:s18], [sflag:$0x1] =	stream.linear.gather [hbm4b:s21+s11], $0x80, $0x38;
	[tilespmem:$0x18600] =	vst v63  }
0xa7: {  	s1 =	sadd.s32 s3, s30;
	s2 =	sand.u32 $0x1FFFFFF0, s31;
	s4 =	spop (v2sf)  }
0xa8: {  	(v2sf) =	vpush v1, $0xA;
	[tilespmem:s12], [sflag:$0x1] =	stream.linear.gather [hbm4b:s26+s11], $0x80, $0x38;
	[tilespmem:$0x18600] =	vst v63  }
0xa9: {  	s31 =	sld [smem:$0x7F6];
	s6 =	sadd.s32 s3, s2;
	s12 =	smov.u32 s7  }
0xaa: {  	(v2sf) =	vpush v2, $0xB;
	[tilespmem:s10], [sflag:$0x1] =	stream.linear.gather [hbm4b:s1+s11], $0x80, $0x38;
	[tilespmem:$0x18600] =	vst v63  }
0xab: {  	s7 =	sand.u32 $0x1FFFFFF0, s4;
	s4 =	rddreg [dreg:$0xd];
	s9 =	spop (v2sf)  }
0xac: {  	[tilespmem:s8], [sflag:$0x1] =	stream.linear.gather [hbm4b:s6+s11], $0x80, $0x38;
	[tilespmem:$0x18600] =	vst v63  }
0xad: {  	s17 =	sadd.s32 s3, s7;
	s10 =	sld [smem:$0x7F4];
	s21 =	spop (v2sf)  }
0xae: {  	(v2sf) =	vpush v1, $0xB;
	s18 =	sand.u32 $0x1FFFFFF0, s9;
	s9 =	sld [smem:$0x7F7];
	s26 =	sand.u32 $0x1FFFFFF0, s21  }
0xaf: {  	(v2sf) =	vpush v2, $0xC;
	[tilespmem:s22], [sflag:$0x1] =	stream.linear.gather [hbm4b:s17+s11], $0x80, $0x38;
	[tilespmem:$0x18600] =	vst v63  }
0xb0: {  	s23 =	sadd.s32 s3, s18;
	s30 =	spop (v2sf);
	s6 =	sadd.s32 s3, s26  }
0xb1: {  	(v2sf) =	vpush v1, $0xC;
	s7 =	sand.u32 $0x1FFFFFF0, s30;
	s8 =	spop (v2sf);
	s22 =	rddreg [dreg:$0xe]  }
0xb2: {  	[tilespmem:s31], [sflag:$0x1] =	stream.linear.gather [hbm4b:s23+s11], $0x80, $0x38;
	[tilespmem:$0x18600] =	vst v63  }
0xb3: {  	s17 =	sadd.s32 s3, s7;
	s18 =	sand.u32 $0x1FFFFFF0, s8;
	s7 =	rddreg [dreg:$0x12]  }
0xb4: {  	[tilespmem:s9], [sflag:$0x1] =	stream.linear.gather [hbm4b:s6+s11], $0x80, $0x38;
	[tilespmem:$0x18600] =	vst v63  }
0xb5: {  	s21 =	spop (v2sf);
	s23 =	sadd.s32 s3, s18;
	s31 =	rddreg [dreg:$0x16]  }
0xb6: {  	[tilespmem:s22], [sflag:$0x1] =	stream.linear.gather [hbm4b:s17+s11], $0x80, $0x38;
	[tilespmem:$0x18600] =	vst v63  }
0xb7: {  	s26 =	sand.u32 $0x1FFFFFF0, s21;
	s18 =	rddreg [dreg:$0x5];
	s30 =	spop (v2sf)  }
0xb8: {  	[tilespmem:s31], [sflag:$0x1] =	stream.linear.gather [hbm4b:s23+s11], $0x80, $0x38;
	[tilespmem:$0x18600] =	vst v63  }
0xb9: {  	s1 =	sadd.s32 s3, s26;
	s2 =	sand.u32 $0x1FFFFFF0, s30;
	s6 =	spop (v2sf)  }
0xba: {  	[tilespmem:s7], [sflag:$0x1] =	stream.linear.gather [hbm4b:s1+s11], $0x80, $0x38;
	[tilespmem:$0x18600] =	vst v63  }
0xbb: {  	s26 =	rddreg [dreg:$0x1a];
	s8 =	sadd.s32 s3, s2;
	s9 =	sand.u32 $0x1FFFFFF0, s6  }
0xbc: {  	(v2sf) =	vpush v2, $0xD;
	[tilespmem:s18], [sflag:$0x1] =	stream.linear.gather [hbm4b:s8+s11], $0x80, $0x38;
	[tilespmem:$0x18600] =	vst v63  }
.Ltmp0:
0xbd: {  	(v2sf) =	vpush v1, $0xD;
	s17 =	spop (v2sf);
	s21 =	sadd.s32 s3, s9;
	(pc) =	sbr.rel @p0 .LBB2_2-.Ltmp0, $4  }
0xbe: {  	(v2sf) =	vpush v2, $0xE;
	s22 =	sand.u32 $0x1FFFFFF0, s17;
	s31 =	rddreg [dreg:$0x9];
	s23 =	spop (v2sf)  }
0xbf: {  	(v2sf) =	vpush v1, $0xE;
	[tilespmem:s26], [sflag:$0x1] =	stream.linear.gather [hbm4b:s21+s11], $0x80, $0x38;
	[tilespmem:$0x18600] =	vst v63  }
0xc0: {  	(v2sf) =	vpush v2, $0xF;
	s30 =	sadd.s32 s3, s22;
	s0 =	sand.u32 $0x1FFFFFF0, s23;
	s1 =	spop (v2sf)  }
0xc1: {  	(v2sf) =	vpush v1, $0xF;
	[tilespmem:s31], [sflag:$0x1] =	stream.linear.gather [hbm4b:s30+s11], $0x80, $0x38;
	[tilespmem:$0x18600] =	vst v63  }
0xc2: {  	_ =	sdelay $0x4  }
0xc3: {  	s0 =	sadd.s32 s3, s0;
	s1 =	sand.u32 $0x1FFFFFF0, s1  }
0xc4: {  	[tilespmem:s29], [sflag:$0x1] =	stream.linear.gather [hbm4b:s0+s11], $0x80, $0x38;
	[tilespmem:$0x18600] =	vst v63  }
0xc5: {  	s25 =	sadd.s32 s3, s1  }
0xc6: {  	[tilespmem:s10], [sflag:$0x1] =	stream.linear.gather [hbm4b:s25+s11], $0x80, $0x38;
	[tilespmem:$0x18600] =	vst v63  }
0xc7: {  	s2 =	spop (v2sf)  }
0xc8: {  	s26 =	sand.u32 $0x1FFFFFF0, s2;
	s31 =	spop (v2sf)  }
0xc9: {  	s1 =	sadd.s32 s3, s26;
	s2 =	sand.u32 $0x1FFFFFF0, s31;
	s6 =	spop (v2sf)  }
0xca: {  	[tilespmem:s12], [sflag:$0x1] =	stream.linear.gather [hbm4b:s1+s11], $0x80, $0x38;
	[tilespmem:$0x18600] =	vst v63  }
0xcb: {  	s7 =	sadd.s32 s3, s2;
	s8 =	sand.u32 $0x1FFFFFF0, s6;
	s9 =	spop (v2sf)  }
0xcc: {  	[tilespmem:s4], [sflag:$0x1] =	stream.linear.gather [hbm4b:s7+s11], $0x80, $0x38;
	[tilespmem:$0x18600] =	vst v63  }
0xcd: {  	s10 =	sadd.s32 s3, s8;
	s12 =	sand.u32 $0x1FFFFFF0, s9;
	s17 =	spop (v2sf)  }
0xce: {  	[tilespmem:s28], [sflag:$0x1] =	stream.linear.gather [hbm4b:s10+s11], $0x80, $0x38;
	[tilespmem:$0x18600] =	vst v63  }
0xcf: {  	s18 =	sadd.s32 s3, s12;
	s20 =	sand.u32 $0x1FFFFFF0, s17;
	s21 =	spop (v2sf)  }
0xd0: {  	[tilespmem:s5], [sflag:$0x1] =	stream.linear.gather [hbm4b:s18+s11], $0x80, $0x38;
	[tilespmem:$0x18600] =	vst v63  }
0xd1: {  	s22 =	sadd.s32 $0x8B80, s19;
	s1 =	sadd.s32 s3, s20;
	s2 =	sand.u32 $0x1FFFFFF0, s21  }
0xd2: {  	[tilespmem:s22], [sflag:$0x1] =	stream.linear.gather [hbm4b:s1+s11], $0x80, $0x38;
	[tilespmem:$0x18600] =	vst v63  }
0xd3: {  	s23 =	sadd.s32 $0xCB80, s19;
	s25 =	simm.s32 $0x1;
	s24 =	sadd.s32 s3, s2  }
0xd4: {  	[tilespmem:s23], [sflag:$0x1] =	stream.linear.gather [hbm4b:s24+s11], $0x80, $0x38;
	[tilespmem:$0x18600] =	vst v63  }
0xd5: {  	_ =	swait.ge [sflag:s25], $0x4000  }
0xd6: {  	[sflag:s25] =	ssyncset.done $0x0  }
0xd7: {  	[sflag:s25] =	ssyncadd.s32 $0xFFFFC000  }
0xd8: {  	_ =	swait.ge [sflag:s25], $0x4000  }
0xd9: {  	[sflag:s25] =	ssyncset.done $0x0  }
0xda: {  	s26 =	simm.s32 $0x80;
	[sflag:s25] =	ssyncadd.s32 $0xFFFFC000  }
0xdb: {  	s28 =	simm.s32 $0x280;
	v1 =	vld [tilespmem:s26+$0x0]  }
0xdc: {  	v3 =	vld [tilespmem:s28+$0x0];
	_ =	sdelay $0x3  }
0xdd: {  	v2 =	vshll.u32 v1, $0x4  }
0xde: {  	v1 =	vshll.u32 v3, $0x4;
	(v2sf) =	vpush v2, $0x0  }
0xdf: {  	(v2sf) =	vpush v1, $0x0  }
0xe0: {  	(v2sf) =	vpush v2, $0x1;
	_ =	sdelay $0x1  }
0xe1: {  	(v2sf) =	vpush v1, $0x1  }
0xe2: {  	(v2sf) =	vpush v2, $0x2;
	_ =	sdelay $0x1  }
0xe3: {  	(v2sf) =	vpush v1, $0x2;
	_ =	sdelay $0x1  }
0xe4: {  	(v2sf) =	vpush v2, $0x3;
	_ =	sdelay $0x1  }
0xe5: {  	s19 =	simm.s32 $0x0;
	s30 =	simm.s32 $0x10A00  }
0xe6: {  	s0 =	simm.s32 $0x14900;
	s29 =	simm.s32 $0x10B00;
	s31 =	simm.s32 $0x14400  }
0xe7: {  	s8 =	simm.s32 $0x10580;
	s7 =	simm.s32 $0x10600;
	s21 =	simm.s32 $0x2000;
	(v2sf) =	vpush v1, $0x3  }
0xe8: {  	s20 =	simm.s32 $0x0;
	s2 =	simm.s32 $0x10880;
	s10 =	simm.s32 $0x10400  }
0xe9: {  	s5 =	simm.s32 $0x14580;
	s18 =	simm.s32 $0x10480;
	s6 =	spop (v2sf)  }
0xea: {  	s1 =	simm.s32 $0x10680;
	s6 =	sand.u32 $0x1FFFFFF0, s6;
	s9 =	spop (v2sf)  }
0xeb: {  	s24 =	simm.s32 $0x14480;
	(v2sf) =	vpush v2, $0x4;
	s6 =	sadd.s32 s3, s6;
	s12 =	spop (v2sf)  }
0xec: {  	[tilespmem:s10], [sflag:$0x2] =	stream.linear.gather [hbm4b:s6+s19], $0x80, $0x38;
	[tilespmem:$0x18600] =	vst v63  }
0xed: {  	s26 =	simm.s32 $0x10500;
	s11 =	sand.u32 $0x1FFFFFF0, s9;
	s17 =	spop (v2sf)  }
0xee: {  	(v2sf) =	vpush v1, $0x4;
	s6 =	sadd.s32 s3, s11;
	s9 =	sand.u32 $0x1FFFFFF0, s12;
	s25 =	spop (v2sf)  }
0xef: {  	(v2sf) =	vpush v2, $0x5;
	[tilespmem:s31], [sflag:$0x2] =	stream.linear.gather [hbm4b:s6+s19], $0x80, $0x38;
	[tilespmem:$0x18600] =	vst v63  }
0xf0: {  	s22 =	sadd.s32 s3, s9;
	s23 =	sand.u32 $0x1FFFFFF0, s17;
	s28 =	spop (v2sf)  }
0xf1: {  	(v2sf) =	vpush v1, $0x5;
	[tilespmem:s18], [sflag:$0x2] =	stream.linear.gather [hbm4b:s22+s19], $0x80, $0x38;
	[tilespmem:$0x18600] =	vst v63  }
0xf2: {  	s9 =	sadd.s32 s3, s23;
	(v2sf) =	vpush v2, $0x6;
	s6 =	sand.u32 $0x1FFFFFF0, s25;
	s31 =	spop (v2sf)  }
0xf3: {  	[tilespmem:s24], [sflag:$0x2] =	stream.linear.gather [hbm4b:s9+s19], $0x80, $0x38;
	[tilespmem:$0x18600] =	vst v63  }
0xf4: {  	s6 =	sadd.s32 s3, s6;
	s11 =	sand.u32 $0x1FFFFFF0, s31;
	s9 =	sand.u32 $0x1FFFFFF0, s28  }
0xf5: {  	(v2sf) =	vpush v1, $0x6;
	[tilespmem:s26], [sflag:$0x2] =	stream.linear.gather [hbm4b:s6+s19], $0x80, $0x38;
	[tilespmem:$0x18600] =	vst v63  }
0xf6: {  	s12 =	spop (v2sf);
	s9 =	sadd.s32 s3, s9;
	s6 =	simm.s32 $0x14500  }
0xf7: {  	(v2sf) =	vpush v2, $0x7;
	[tilespmem:s6], [sflag:$0x2] =	stream.linear.gather [hbm4b:s9+s19], $0x80, $0x38;
	[tilespmem:$0x18600] =	vst v63  }
0xf8: {  	s10 =	simm.s32 $0x14A00;
	s18 =	simm.s32 $0x14600;
	s17 =	sadd.s32 s3, s11  }
0xf9: {  	[tilespmem:s8], [sflag:$0x2] =	stream.linear.gather [hbm4b:s17+s19], $0x80, $0x38;
	[tilespmem:$0x18600] =	vst v63  }
0xfa: {  	s31 =	simm.s32 $0x10700;
	s4 =	sand.u32 $0x1FFFFFF0, s12;
	s22 =	spop (v2sf)  }
0xfb: {  	(v2sf) =	vpush v1, $0x7;
	s11 =	simm.s32 $0x10A80;
	s4 =	sadd.s32 s3, s4;
	s8 =	sand.u32 $0x1FFFFFF0, s22  }
0xfc: {  	[tilespmem:s5], [sflag:$0x2] =	stream.linear.gather [hbm4b:s4+s19], $0x80, $0x38;
	[tilespmem:$0x18600] =	vst v63  }
0xfd: {  	s26 =	simm.s32 $0x14680;
	(v2sf) =	vpush v2, $0x8;
	s23 =	spop (v2sf);
	s24 =	sadd.s32 s3, s8  }
0xfe: {  	s25 =	sand.u32 $0x1FFFFFF0, s23;
	s23 =	simm.s32 $0x14700;
	s28 =	spop (v2sf)  }
0xff: {  	(v2sf) =	vpush v1, $0x8;
	[tilespmem:s7], [sflag:$0x2] =	stream.linear.gather [hbm4b:s24+s19], $0x80, $0x38;
	[tilespmem:$0x18600] =	vst v63  }
0x100: {  	s5 =	sadd.s32 s3, s25;
	s7 =	sand.u32 $0x1FFFFFF0, s28;
	s8 =	spop (v2sf)  }
0x101: {  	s6 =	sadd.s32 s3, s7;
	s7 =	sand.u32 $0x1FFFFFF0, s8;
	s9 =	spop (v2sf)  }
0x102: {  	(v2sf) =	vpush v2, $0x9;
	[tilespmem:s18], [sflag:$0x2] =	stream.linear.gather [hbm4b:s5+s19], $0x80, $0x38;
	[tilespmem:$0x18600] =	vst v63  }
0x103: {  	s8 =	simm.s32 $0x14A80;
	s12 =	sadd.s32 s3, s7;
	s17 =	sand.u32 $0x1FFFFFF0, s9  }
0x104: {  	(v2sf) =	vpush v1, $0x9;
	s18 =	spop (v2sf);
	s5 =	simm.s32 $0x14780;
	s9 =	simm.s32 $0x10800  }
0x105: {  	[tilespmem:s1], [sflag:$0x2] =	stream.linear.gather [hbm4b:s6+s19], $0x80, $0x38;
	[tilespmem:$0x18600] =	vst v63  }
0x106: {  	(v2sf) =	vpush v2, $0xA;
	s22 =	sadd.s32 s3, s17;
	s4 =	sand.u32 $0x1FFFFFF0, s18;
	s24 =	spop (v2sf)  }
0x107: {  	[tilespmem:s26], [sflag:$0x2] =	stream.linear.gather [hbm4b:s12+s19], $0x80, $0x38;
	[tilespmem:$0x18600] =	vst v63  }
0x108: {  	(v2sf) =	vpush v1, $0xA;
	s18 =	simm.s32 $0x14800;
	s1 =	simm.s32 $0x14980;
	s6 =	sand.u32 $0x1FFFFFF0, s24  }
0x109: {  	[tilespmem:s31], [sflag:$0x2] =	stream.linear.gather [hbm4b:s22+s19], $0x80, $0x38;
	[tilespmem:$0x18600] =	vst v63  }
0x10a: {  	(v2sf) =	vpush v2, $0xB;
	s4 =	sadd.s32 s3, s4;
	s25 =	spop (v2sf);
	s28 =	sadd.s32 s3, s6  }
0x10b: {  	[tilespmem:s23], [sflag:$0x2] =	stream.linear.gather [hbm4b:s4+s19], $0x80, $0x38;
	[tilespmem:$0x18600] =	vst v63  }
0x10c: {  	(v2sf) =	vpush v1, $0xB;
	s26 =	simm.s32 $0x10780;
	s31 =	sand.u32 $0x1FFFFFF0, s25;
	s7 =	spop (v2sf)  }
0x10d: {  	[tilespmem:s26], [sflag:$0x2] =	stream.linear.gather [hbm4b:s28+s19], $0x80, $0x38;
	[tilespmem:$0x18600] =	vst v63  }
0x10e: {  	s24 =	simm.s32 $0x14880;
	s6 =	sadd.s32 s3, s31;
	s12 =	spop (v2sf)  }
0x10f: {  	[tilespmem:s5], [sflag:$0x2] =	stream.linear.gather [hbm4b:s6+s19], $0x80, $0x38;
	[tilespmem:$0x18600] =	vst v63  }
0x110: {  	(v2sf) =	vpush v2, $0xC;
	s26 =	simm.s32 $0x10900;
	s5 =	sand.u32 $0x1FFFFFF0, s7;
	s6 =	sand.u32 $0x1FFFFFF0, s12  }
0x111: {  	s17 =	spop (v2sf);
	s7 =	simm.s32 $0x14B00;
	s5 =	sadd.s32 s3, s5  }
0x112: {  	(v2sf) =	vpush v1, $0xC;
	[tilespmem:s9], [sflag:$0x2] =	stream.linear.gather [hbm4b:s5+s19], $0x80, $0x38;
	[tilespmem:$0x18600] =	vst v63  }
0x113: {  	s22 =	sadd.s32 s3, s6;
	s23 =	sand.u32 $0x1FFFFFF0, s17;
	s25 =	spop (v2sf)  }
0x114: {  	[tilespmem:s18], [sflag:$0x2] =	stream.linear.gather [hbm4b:s22+s19], $0x80, $0x38;
	[tilespmem:$0x18600] =	vst v63  }
0x115: {  	s6 =	sadd.s32 s3, s23;
	s5 =	sand.u32 $0x1FFFFFF0, s25;
	s28 =	spop (v2sf)  }
0x116: {  	[tilespmem:s2], [sflag:$0x2] =	stream.linear.gather [hbm4b:s6+s19], $0x80, $0x38;
	[tilespmem:$0x18600] =	vst v63  }
0x117: {  	s5 =	sadd.s32 s3, s5;
	s31 =	spop (v2sf);
	s6 =	sand.u32 $0x1FFFFFF0, s28  }
0x118: {  	[tilespmem:s24], [sflag:$0x2] =	stream.linear.gather [hbm4b:s5+s19], $0x80, $0x38;
	[tilespmem:$0x18600] =	vst v63  }
0x119: {  	s12 =	sand.u32 $0x1FFFFFF0, s31;
	s17 =	spop (v2sf);
	s9 =	sadd.s32 s3, s6  }
0x11a: {  	[tilespmem:s26], [sflag:$0x2] =	stream.linear.gather [hbm4b:s9+s19], $0x80, $0x38;
	[tilespmem:$0x18600] =	vst v63  }
0x11b: {  	s18 =	sadd.s32 s3, s12;
	s22 =	sand.u32 $0x1FFFFFF0, s17;
	s23 =	spop (v2sf)  }
0x11c: {  	(v2sf) =	vpush v2, $0xD;
	[tilespmem:s0], [sflag:$0x2] =	stream.linear.gather [hbm4b:s18+s19], $0x80, $0x38;
	[tilespmem:$0x18600] =	vst v63  }
0x11d: {  	(v2sf) =	vpush v1, $0xD;
	s25 =	sadd.s32 s3, s22;
	s24 =	simm.s32 $0x10980;
	s26 =	sand.u32 $0x1FFFFFF0, s23  }
0x11e: {  	(v2sf) =	vpush v2, $0xE;
	[tilespmem:s24], [sflag:$0x2] =	stream.linear.gather [hbm4b:s25+s19], $0x80, $0x38;
	[tilespmem:$0x18600] =	vst v63  }
0x11f: {  	(v2sf) =	vpush v1, $0xE;
	s28 =	sadd.s32 s3, s26;
	s26 =	simm.s32 $0x90;
	s31 =	spop (v2sf)  }
0x120: {  	(v2sf) =	vpush v2, $0xF;
	[tilespmem:s1], [sflag:$0x2] =	stream.linear.gather [hbm4b:s28+s19], $0x80, $0x38;
	[tilespmem:$0x18600] =	vst v63  }
0x121: {  	(v2sf) =	vpush v1, $0xF;
	s25 =	simm.s32 $0x290;
	s0 =	sand.u32 $0x1FFFFFF0, s31;
	s1 =	spop (v2sf)  }
.LBB2_4:
0x122: {  	_ =	sdelay $0x4  }
0x123: {  	s0 =	sadd.s32 s3, s0;
	s1 =	sand.u32 $0x1FFFFFF0, s1  }
0x124: {  	[tilespmem:s30], [sflag:$0x2] =	stream.linear.gather [hbm4b:s0+s19], $0x80, $0x38;
	[tilespmem:$0x18600] =	vst v63  }
0x125: {  	s24 =	sadd.s32 s3, s1  }
0x126: {  	[tilespmem:s10], [sflag:$0x2] =	stream.linear.gather [hbm4b:s24+s19], $0x80, $0x38;
	[tilespmem:$0x18600] =	vst v63  }
0x127: {  	s2 =	spop (v2sf)  }
0x128: {  	s28 =	sand.u32 $0x1FFFFFF0, s2;
	s31 =	spop (v2sf)  }
0x129: {  	s1 =	sadd.s32 s3, s28;
	s2 =	sand.u32 $0x1FFFFFF0, s31;
	s4 =	spop (v2sf)  }
0x12a: {  	[tilespmem:s11], [sflag:$0x2] =	stream.linear.gather [hbm4b:s1+s19], $0x80, $0x38;
	[tilespmem:$0x18600] =	vst v63  }
0x12b: {  	s5 =	sadd.s32 s3, s2;
	s6 =	sand.u32 $0x1FFFFFF0, s4;
	s9 =	spop (v2sf)  }
0x12c: {  	[tilespmem:s8], [sflag:$0x2] =	stream.linear.gather [hbm4b:s5+s19], $0x80, $0x38;
	[tilespmem:$0x18600] =	vst v63  }
0x12d: {  	s10 =	sadd.s32 s3, s6;
	s11 =	sand.u32 $0x1FFFFFF0, s9;
	s12 =	spop (v2sf)  }
0x12e: {  	[tilespmem:s29], [sflag:$0x2] =	stream.linear.gather [hbm4b:s10+s19], $0x80, $0x38;
	[tilespmem:$0x18600] =	vst v63  }
0x12f: {  	s17 =	sadd.s32 s3, s11;
	s18 =	sand.u32 $0x1FFFFFF0, s12;
	s22 =	spop (v2sf)  }
0x130: {  	[tilespmem:s7], [sflag:$0x2] =	stream.linear.gather [hbm4b:s17+s19], $0x80, $0x38;
	[tilespmem:$0x18600] =	vst v63  }
0x131: {  	s23 =	sadd.s32 $0x10B80, s20;
	s1 =	sadd.s32 s3, s18;
	s2 =	sand.u32 $0x1FFFFFF0, s22  }
0x132: {  	[tilespmem:s23], [sflag:$0x2] =	stream.linear.gather [hbm4b:s1+s19], $0x80, $0x38;
	[tilespmem:$0x18600] =	vst v63  }
0x133: {  	s24 =	sadd.s32 $0x14B80, s20;
	s28 =	sadd.s32 s3, s2  }
0x134: {  	[tilespmem:s24], [sflag:$0x2] =	stream.linear.gather [hbm4b:s28+s19], $0x80, $0x38;
	[tilespmem:$0x18600] =	vst v63  }
0x135: {  	v1 =	vld [tilespmem:s26+$0x0];
	_ =	sdelay $0x1  }
0x136: {  	v3 =	vld [tilespmem:s25+$0x0];
	_ =	sdelay $0x2  }
0x137: {  	v2 =	vshll.u32 v1, $0x4  }
0x138: {  	s31 =	smov.u32 s21;
	(v2sf) =	vpush v2, $0x0  }
0x139: {  	s20 =	sshra.s32 s31, $0x2;
	v1 =	vshll.u32 v3, $0x4  }
0x13a: {  	p0 =	sne.s32 s21, $0xE000;
	s21 =	sadd.s32 $0x2000, s21;
	s0 =	sadd.s32 $0x10680, s20;
	(v2sf) =	vpush v1, $0x0  }
0x13b: {  	s31 =	sadd.s32 $0x10580, s20;
	s4 =	sadd.s32 $0x14A00, s20;
	s9 =	sadd.s32 $0x10500, s20;
	(v2sf) =	vpush v2, $0x1  }
0x13c: {  	s6 =	sadd.s32 $0x14980, s20;
	s30 =	sadd.s32 $0x10A00, s20;
	[smem:$0x7EE] =	sst s0  }
0x13d: {  	s5 =	sadd.s32 $0x10600, s20;
	[dreg:$0x1e] =	wrdreg s4;
	s4 =	sadd.s32 $0x14480, s20;
	(v2sf) =	vpush v1, $0x1  }
0x13e: {  	s11 =	sadd.s32 $0x14680, s20;
	[dreg:$0xa] =	wrdreg s6;
	s8 =	sadd.s32 $0x14A80, s20  }
0x13f: {  	s12 =	sadd.s32 $0x14700, s20;
	s6 =	sadd.s32 $0x14800, s20;
	s22 =	sadd.s32 $0x14580, s20;
	(v2sf) =	vpush v2, $0x2  }
0x140: {  	s18 =	sadd.s32 $0x10700, s20;
	[smem:$0x7F2] =	sst s6;
	s2 =	sadd.s32 $0x14900, s20  }
0x141: {  	s10 =	sadd.s32 $0x10A80, s20;
	[dreg:$0x6] =	wrdreg s2;
	s7 =	sadd.s32 $0x14880, s20;
	(v2sf) =	vpush v1, $0x2  }
0x142: {  	s29 =	sadd.s32 $0x10B00, s20;
	[dreg:$0x17] =	wrdreg s7;
	s7 =	sadd.s32 $0x14780, s20  }
0x143: {  	s2 =	sadd.s32 $0x14600, s20;
	s1 =	sadd.s32 $0x10880, s20;
	[smem:$0x7F0] =	sst s7;
	(v2sf) =	vpush v2, $0x3  }
0x144: {  	s17 =	sadd.s32 $0x14400, s20;
	[dreg:$0xf] =	wrdreg s1;
	s24 =	sadd.s32 $0x10900, s20  }
0x145: {  	s23 =	sadd.s32 $0x10400, s20;
	s28 =	sadd.s32 $0x10780, s20;
	[dreg:$0x13] =	wrdreg s24;
	(v2sf) =	vpush v1, $0x3  }
0x146: {  	s7 =	sadd.s32 $0x14B00, s20;
	s1 =	sadd.s32 $0x14500, s20;
	[smem:$0x7EF] =	sst s28  }
0x147: {  	s24 =	sadd.s32 $0x10480, s20;
	s28 =	sadd.s32 $0x10800, s20;
	(v2sf) =	vpush v2, $0x4;
	s6 =	spop (v2sf)  }
0x148: {  	[smem:$0x7F1] =	sst s28;
	s0 =	sand.u32 $0x1FFFFFF0, s6;
	s6 =	sadd.s32 $0x10980, s20  }
0x149: {  	s25 =	sadd.s32 $0x10, s25;
	s28 =	spop (v2sf);
	(v2sf) =	vpush v1, $0x4;
	[dreg:$0x1b] =	wrdreg s6  }
0x14a: {  	s0 =	sadd.s32 s3, s0;
	s28 =	sand.u32 $0x1FFFFFF0, s28;
	s6 =	spop (v2sf)  }
0x14b: {  	(v2sf) =	vpush v2, $0x5;
	[tilespmem:s23], [sflag:$0x2] =	stream.linear.gather [hbm4b:s0+s19], $0x80, $0x38;
	[tilespmem:$0x18600] =	vst v63  }
0x14c: {  	s23 =	sadd.s32 s3, s28;
	s6 =	sand.u32 $0x1FFFFFF0, s6;
	s28 =	spop (v2sf);
	(v2sf) =	vpush v1, $0x5  }
0x14d: {  	[tilespmem:s17], [sflag:$0x2] =	stream.linear.gather [hbm4b:s23+s19], $0x80, $0x38;
	[tilespmem:$0x18600] =	vst v63  }
0x14e: {  	s17 =	sadd.s32 s3, s6;
	s23 =	sand.u32 $0x1FFFFFF0, s28;
	s28 =	spop (v2sf);
	(v2sf) =	vpush v2, $0x6  }
0x14f: {  	[tilespmem:s24], [sflag:$0x2] =	stream.linear.gather [hbm4b:s17+s19], $0x80, $0x38;
	[tilespmem:$0x18600] =	vst v63  }
0x150: {  	s23 =	sadd.s32 s3, s23;
	s24 =	sand.u32 $0x1FFFFFF0, s28;
	s28 =	spop (v2sf)  }
0x151: {  	[tilespmem:s4], [sflag:$0x2] =	stream.linear.gather [hbm4b:s23+s19], $0x80, $0x38;
	[tilespmem:$0x18600] =	vst v63  }
0x152: {  	(v2sf) =	vpush v1, $0x6;
	s6 =	sand.u32 $0x1FFFFFF0, s28;
	s17 =	spop (v2sf);
	s4 =	sadd.s32 s3, s24  }
0x153: {  	[tilespmem:s9], [sflag:$0x2] =	stream.linear.gather [hbm4b:s4+s19], $0x80, $0x38;
	[tilespmem:$0x18600] =	vst v63  }
0x154: {  	(v2sf) =	vpush v2, $0x7;
	s23 =	sadd.s32 s3, s6;
	s24 =	sand.u32 $0x1FFFFFF0, s17;
	s28 =	spop (v2sf)  }
0x155: {  	(v2sf) =	vpush v1, $0x7;
	[tilespmem:s1], [sflag:$0x2] =	stream.linear.gather [hbm4b:s23+s19], $0x80, $0x38;
	[tilespmem:$0x18600] =	vst v63  }
0x156: {  	s17 =	sand.u32 $0x1FFFFFF0, s28;
	s9 =	sadd.s32 s3, s24;
	s23 =	spop (v2sf)  }
0x157: {  	[tilespmem:s31], [sflag:$0x2] =	stream.linear.gather [hbm4b:s9+s19], $0x80, $0x38;
	[tilespmem:$0x18600] =	vst v63  }
0x158: {  	s24 =	sadd.s32 s3, s17;
	s28 =	sand.u32 $0x1FFFFFF0, s23;
	s31 =	spop (v2sf)  }
0x159: {  	(v2sf) =	vpush v2, $0x8;
	[tilespmem:s22], [sflag:$0x2] =	stream.linear.gather [hbm4b:s24+s19], $0x80, $0x38;
	[tilespmem:$0x18600] =	vst v63  }
0x15a: {  	s26 =	sadd.s32 $0x10, s26;
	s1 =	sadd.s32 s3, s28;
	s6 =	spop (v2sf)  }
0x15b: {  	(v2sf) =	vpush v1, $0x8;
	s4 =	sand.u32 $0x1FFFFFF0, s31;
	s31 =	sld [smem:$0x7EE];
	s22 =	spop (v2sf)  }
0x15c: {  	(v2sf) =	vpush v2, $0x9;
	[tilespmem:s5], [sflag:$0x2] =	stream.linear.gather [hbm4b:s1+s19], $0x80, $0x38;
	[tilespmem:$0x18600] =	vst v63  }
0x15d: {  	s9 =	sadd.s32 s3, s4;
	s17 =	sand.u32 $0x1FFFFFF0, s6;
	s28 =	spop (v2sf)  }
0x15e: {  	[tilespmem:s2], [sflag:$0x2] =	stream.linear.gather [hbm4b:s9+s19], $0x80, $0x38;
	[tilespmem:$0x18600] =	vst v63  }
0x15f: {  	(v2sf) =	vpush v1, $0x9;
	s23 =	sadd.s32 s3, s17;
	s24 =	sand.u32 $0x1FFFFFF0, s22;
	s4 =	sand.u32 $0x1FFFFFF0, s28  }
0x160: {  	[tilespmem:s31], [sflag:$0x2] =	stream.linear.gather [hbm4b:s23+s19], $0x80, $0x38;
	[tilespmem:$0x18600] =	vst v63  }
0x161: {  	(v2sf) =	vpush v2, $0xA;
	s1 =	sadd.s32 s3, s24;
	s5 =	spop (v2sf);
	s6 =	sadd.s32 s3, s4  }
0x162: {  	[tilespmem:s11], [sflag:$0x2] =	stream.linear.gather [hbm4b:s1+s19], $0x80, $0x38;
	[tilespmem:$0x18600] =	vst v63  }
0x163: {  	(v2sf) =	vpush v1, $0xA;
	s9 =	sand.u32 $0x1FFFFFF0, s5;
	s11 =	smov.u32 s10;
	s10 =	spop (v2sf)  }
0x164: {  	s31 =	sld [smem:$0x7EF];
	s17 =	sadd.s32 s3, s9;
	s22 =	spop (v2sf)  }
0x165: {  	[tilespmem:s18], [sflag:$0x2] =	stream.linear.gather [hbm4b:s6+s19], $0x80, $0x38;
	[tilespmem:$0x18600] =	vst v63  }
0x166: {  	s9 =	sld [smem:$0x7F0];
	s18 =	sand.u32 $0x1FFFFFF0, s10;
	s24 =	sand.u32 $0x1FFFFFF0, s22  }
0x167: {  	(v2sf) =	vpush v2, $0xB;
	[tilespmem:s12], [sflag:$0x2] =	stream.linear.gather [hbm4b:s17+s19], $0x80, $0x38;
	[tilespmem:$0x18600] =	vst v63  }
0x168: {  	s10 =	rddreg [dreg:$0x1e];
	s23 =	sadd.s32 s3, s18;
	s28 =	spop (v2sf)  }
0x169: {  	(v2sf) =	vpush v1, $0xB;
	[tilespmem:s31], [sflag:$0x2] =	stream.linear.gather [hbm4b:s23+s19], $0x80, $0x38;
	[tilespmem:$0x18600] =	vst v63  }
0x16a: {  	s22 =	sld [smem:$0x7F1];
	s5 =	sand.u32 $0x1FFFFFF0, s28;
	s6 =	spop (v2sf)  }
0x16b: {  	s4 =	sadd.s32 s3, s24;
	s12 =	sadd.s32 s3, s5;
	s18 =	spop (v2sf)  }
0x16c: {  	(v2sf) =	vpush v2, $0xC;
	[tilespmem:s9], [sflag:$0x2] =	stream.linear.gather [hbm4b:s4+s19], $0x80, $0x38;
	[tilespmem:$0x18600] =	vst v63  }
0x16d: {  	s31 =	sld [smem:$0x7F2];
	s17 =	sand.u32 $0x1FFFFFF0, s6;
	s24 =	sand.u32 $0x1FFFFFF0, s18  }
0x16e: {  	(v2sf) =	vpush v1, $0xC;
	s23 =	sadd.s32 s3, s17;
	s28 =	spop (v2sf);
	s5 =	sadd.s32 s3, s24  }
0x16f: {  	[tilespmem:s22], [sflag:$0x2] =	stream.linear.gather [hbm4b:s12+s19], $0x80, $0x38;
	[tilespmem:$0x18600] =	vst v63  }
0x170: {  	s6 =	sand.u32 $0x1FFFFFF0, s28;
	s9 =	spop (v2sf);
	s12 =	rddreg [dreg:$0xf]  }
0x171: {  	[tilespmem:s31], [sflag:$0x2] =	stream.linear.gather [hbm4b:s23+s19], $0x80, $0x38;
	[tilespmem:$0x18600] =	vst v63  }
0x172: {  	s17 =	sadd.s32 s3, s6;
	s18 =	sand.u32 $0x1FFFFFF0, s9;
	s22 =	spop (v2sf)  }
0x173: {  	[tilespmem:s12], [sflag:$0x2] =	stream.linear.gather [hbm4b:s5+s19], $0x80, $0x38;
	[tilespmem:$0x18600] =	vst v63  }
0x174: {  	s23 =	rddreg [dreg:$0x17];
	s24 =	sadd.s32 s3, s18;
	s28 =	sand.u32 $0x1FFFFFF0, s22  }
0x175: {  	[tilespmem:s23], [sflag:$0x2] =	stream.linear.gather [hbm4b:s17+s19], $0x80, $0x38;
	[tilespmem:$0x18600] =	vst v63  }
0x176: {  	s5 =	rddreg [dreg:$0x13];
	s6 =	sadd.s32 s3, s28;
	s31 =	spop (v2sf)  }
0x177: {  	[tilespmem:s5], [sflag:$0x2] =	stream.linear.gather [hbm4b:s24+s19], $0x80, $0x38;
	[tilespmem:$0x18600] =	vst v63  }
0x178: {  	s9 =	sand.u32 $0x1FFFFFF0, s31;
	s12 =	spop (v2sf);
	s17 =	rddreg [dreg:$0x6]  }
0x179: {  	(v2sf) =	vpush v2, $0xD;
	[tilespmem:s17], [sflag:$0x2] =	stream.linear.gather [hbm4b:s6+s19], $0x80, $0x38;
	[tilespmem:$0x18600] =	vst v63  }
.Ltmp1:
0x17a: {  	(v2sf) =	vpush v1, $0xD;
	s31 =	rddreg [dreg:$0xa];
	s18 =	sadd.s32 s3, s9;
	(pc) =	sbr.rel @p0 .LBB2_4-.Ltmp1, $4  }
0x17b: {  	(v2sf) =	vpush v2, $0xE;
	s22 =	sand.u32 $0x1FFFFFF0, s12;
	s23 =	spop (v2sf);
	s24 =	rddreg [dreg:$0x1b]  }
0x17c: {  	(v2sf) =	vpush v1, $0xE;
	[tilespmem:s24], [sflag:$0x2] =	stream.linear.gather [hbm4b:s18+s19], $0x80, $0x38;
	[tilespmem:$0x18600] =	vst v63  }
0x17d: {  	(v2sf) =	vpush v2, $0xF;
	s28 =	sadd.s32 s3, s22;
	s0 =	sand.u32 $0x1FFFFFF0, s23;
	s1 =	spop (v2sf)  }
0x17e: {  	(v2sf) =	vpush v1, $0xF;
	[tilespmem:s31], [sflag:$0x2] =	stream.linear.gather [hbm4b:s28+s19], $0x80, $0x38;
	[tilespmem:$0x18600] =	vst v63  }
0x17f: {  	_ =	sdelay $0x4  }
0x180: {  	s0 =	sadd.s32 s3, s0;
	s1 =	sand.u32 $0x1FFFFFF0, s1  }
0x181: {  	[tilespmem:s30], [sflag:$0x2] =	stream.linear.gather [hbm4b:s0+s19], $0x80, $0x38;
	[tilespmem:$0x18600] =	vst v63  }
0x182: {  	s4 =	sadd.s32 s3, s1  }
0x183: {  	[tilespmem:s10], [sflag:$0x2] =	stream.linear.gather [hbm4b:s4+s19], $0x80, $0x38;
	[tilespmem:$0x18600] =	vst v63  }
0x184: {  	s2 =	spop (v2sf)  }
0x185: {  	s5 =	sand.u32 $0x1FFFFFF0, s2;
	s6 =	spop (v2sf)  }
0x186: {  	s9 =	sadd.s32 s3, s5;
	s10 =	sand.u32 $0x1FFFFFF0, s6;
	s12 =	spop (v2sf)  }
0x187: {  	[tilespmem:s11], [sflag:$0x2] =	stream.linear.gather [hbm4b:s9+s19], $0x80, $0x38;
	[tilespmem:$0x18600] =	vst v63  }
0x188: {  	s17 =	sadd.s32 s3, s10;
	s18 =	sand.u32 $0x1FFFFFF0, s12;
	s21 =	spop (v2sf)  }
0x189: {  	[tilespmem:s8], [sflag:$0x2] =	stream.linear.gather [hbm4b:s17+s19], $0x80, $0x38;
	[tilespmem:$0x18600] =	vst v63  }
0x18a: {  	s22 =	sadd.s32 s3, s18;
	s23 =	sand.u32 $0x1FFFFFF0, s21;
	s24 =	spop (v2sf)  }
0x18b: {  	[tilespmem:s29], [sflag:$0x2] =	stream.linear.gather [hbm4b:s22+s19], $0x80, $0x38;
	[tilespmem:$0x18600] =	vst v63  }
0x18c: {  	s25 =	sadd.s32 s3, s23;
	s26 =	sand.u32 $0x1FFFFFF0, s24;
	s28 =	spop (v2sf)  }
0x18d: {  	[tilespmem:s7], [sflag:$0x2] =	stream.linear.gather [hbm4b:s25+s19], $0x80, $0x38;
	[tilespmem:$0x18600] =	vst v63  }
0x18e: {  	s1 =	sadd.s32 s3, s26;
	s2 =	sand.u32 $0x1FFFFFF0, s28;
	s29 =	sadd.s32 $0x10B80, s20  }
0x18f: {  	[tilespmem:s29], [sflag:$0x2] =	stream.linear.gather [hbm4b:s1+s19], $0x80, $0x38;
	[tilespmem:$0x18600] =	vst v63  }
0x190: {  	s30 =	sadd.s32 $0x14B80, s20;
	s31 =	sadd.s32 s3, s2  }
0x191: {  	[tilespmem:s30], [sflag:$0x2] =	stream.linear.gather [hbm4b:s31+s19], $0x80, $0x38;
	[tilespmem:$0x18600] =	vst v63  }
.LBB2_6:
0x192: {  	s20 =	sshll.u32 s19, $0x4;
	s0 =	simm.s32 $0x0  }
0x193: {  	v1 =	vmov s20;
	v2 =	vmov s0  }
0x194: {  	s1 =	simm.s32 $0x0;
	s2 =	simm.s32 $0x1;
	s4 =	simm.s32 $0x3;
	v2 =	vand.u32 $0x7C, v2  }
0x195: {  	s5 =	simm.s32 $0x180;
	s10 =	simm.s32 $0x2;
	s8 =	sand.u32 $0x7000, s1;
	v6 =	vmov s4;
	v3 =	vshll.u32 v1, $0x7;
	v4 =	vbroadcast v2, $0x0  }
0x196: {  	s6 =	simm.s32 $0x100;
	v5 =	vmov s2;
	s9 =	sand.u32 $0x380, s5;
	s0 =	sor.u32 $0x400, s8;
	v6 =	vand.u32 $0x7F, v6;
	v2 =	vor.u32 v0, v3  }
0x197: {  	s7 =	simm.s32 $0x80;
	s11 =	sand.u32 $0x300, s6;
	v3 =	vand.u32 $0x7D, v5;
	s2 =	sor.u32 s9, s0;
	v6 =	vbroadcast v6, $0x0;
	v4 =	vor.u32 v2, v4  }
0x198: {  	s12 =	sand.u32 $0x280, s7;
	v5 =	vmov s10;
	s17 =	sor.u32 s11, s0;
	v3 =	vbroadcast v3, $0x0;
	v7 =	vld.idx.msk [tilespmem:v1+s2+$0x0 ss:$0x1], $0xffff  }
0x199: {  	s1 =	sand.u32 $0x200, s1;
	v5 =	vand.u32 $0x7E, v5;
	v6 =	vor.u32 v2, v6;
	s2 =	sor.u32 s12, s0;
	v8 =	vld.idx.msk [tilespmem:v1+s17+$0x0 ss:$0x1], $0xffff  }
0x19a: {  	v5 =	vbroadcast v5, $0x0;
	v3 =	vor.u32 v2, v3;
	s0 =	sor.u32 s1, s0;
	v9 =	vld.idx.msk [tilespmem:v1+s2+$0x0 ss:$0x1], $0xffff  }
0x19b: {  	v10 =	vld.idx.msk [tilespmem:v1+s0+$0x0 ss:$0x1], $0xffff  }
0x19c: {  	v5 =	vor.u32 v2, v5;
	v11 =	vld.idx.msk [tilespmem:v4+s13+$0x0], $0xffff  }
0x19d: {  	v4 =	vld.idx.msk [tilespmem:v4+s14+$0x0], $0xffff  }
0x19e: {  	v16 =	vld.idx.msk [tilespmem:v6+s13+$0x0], $0xffff  }
0x19f: {  	s18 =	simm.s32 $0x4;
	s22 =	simm.s32 $0x5;
	v12 =	vld.idx.msk [tilespmem:v3+s13+$0x0], $0xffff  }
0x1a0: {  	v13 =	vmov s18;
	v15 =	vmov s22;
	v14 =	vld.idx.msk [tilespmem:v3+s14+$0x0], $0xffff  }
0x1a1: {  	s25 =	simm.s32 $0x7;
	v15 =	vand.u32 $0x7D, v15;
	s0 =	simm.s32 $0x800;
	v3 =	vand.u32 $0x7C, v13;
	v13 =	vld.idx.msk [tilespmem:v5+s13+$0x0], $0xffff  }
0x1a2: {  	s23 =	simm.s32 $0x380;
	s26 =	simm.s32 $0x300;
	s21 =	sand.u32 $0x7000, s0;
	v3 =	vbroadcast v3, $0x0;
	v18 =	vld.idx.msk [tilespmem:v5+s14+$0x0], $0xffff;
	v5 =	vmov s25;
	v10 =	vadd.f32 v10, v11  }
0x1a3: {  	s28 =	simm.s32 $0x6;
	s5 =	sand.u32 $0x300, s26;
	s1 =	sor.u32 $0x400, s21;
	v20 =	vld.idx.msk [tilespmem:v6+s14+$0x0], $0xffff;
	v6 =	vand.u32 $0x7F, v5;
	v11 =	vbroadcast v15, $0x0  }
0x1a4: {  	s29 =	simm.s32 $0x280;
	s24 =	sand.u32 $0x380, s23;
	s5 =	sor.u32 s5, s1;
	v19 =	vor.u32 v2, v3;
	v15 =	vmov s28;
	v10 =	vsub.f32 v10, v4  }
0x1a5: {  	s30 =	simm.s32 $0x200;
	s31 =	sand.u32 $0x280, s29;
	s2 =	sor.u32 s24, s1;
	v5 =	vld.idx.msk [tilespmem:v1+s5+$0x0 ss:$0x1], $0xffff;
	v9 =	vadd.f32 v9, v12;
	v15 =	vand.u32 $0x7E, v15;
	v12 =	vor.u32 v2, v11  }
0x1a6: {  	s4 =	sor.u32 s31, s1;
	v3 =	vld.idx.msk [tilespmem:v1+s2+$0x0 ss:$0x1], $0xffff;
	s2 =	sand.u32 $0x200, s30;
	v8 =	vadd.f32 v8, v13;
	v13 =	vbroadcast v15, $0x0;
	v10 =	vmul.f32 v10, v10  }
0x1a7: {  	v17 =	vimm.f32 $0.0e+00;
	v6 =	vbroadcast v6, $0x0;
	s1 =	sor.u32 s2, s1;
	v4 =	vld.idx.msk [tilespmem:v1+s4+$0x0 ss:$0x1], $0xffff;
	v14 =	vsub.f32 v9, v14  }
0x1a8: {  	v16 =	vadd.f32 v7, v16;
	v9 =	vld.idx.msk [tilespmem:v1+s1+$0x0 ss:$0x1], $0xffff;
	v15 =	vadd.f32 v10, v17;
	v10 =	vor.u32 v2, v13  }
0x1a9: {  	v6 =	vor.u32 v2, v6;
	v11 =	vld.idx.msk [tilespmem:v19+s13+$0x0], $0xffff;
	v14 =	vmul.f32 v14, v14;
	v17 =	vsub.f32 v8, v18  }
0x1aa: {  	s5 =	simm.s32 $0x8;
	v7 =	vld.idx.msk [tilespmem:v19+s14+$0x0], $0xffff  }
0x1ab: {  	s2 =	simm.s32 $0xB;
	s4 =	simm.s32 $0x600;
	s1 =	simm.s32 $0x400;
	v13 =	vsub.f32 v16, v20;
	v8 =	vld.idx.msk [tilespmem:v12+s13+$0x0], $0xffff;
	v14 =	vadd.f32 v14, v15;
	v15 =	vmul.f32 v17, v17  }
.LBB2_7:
0x1ac: {  	p0 =	sne.s32 s4, $0x1E00;
	v16 =	vmov s5;
	v17 =	vmov s2;
	v18 =	vld.idx.msk [tilespmem:v12+s14+$0x0], $0xffff;
	s0 =	sadd.s32 $0x800, s0;
	v19 =	vmov v5  }
0x1ad: {  	s6 =	sadd.s32 $0xFFFFFFFE, s2;
	s7 =	sadd.s32 $0x180, s1;
	v5 =	vand.u32 $0x7C, v16;
	s5 =	sand.u32 $0x7000, s0;
	v16 =	vld.idx.msk [tilespmem:v10+s13+$0x0], $0xffff;
	v12 =	vadd.f32 v15, v14;
	v13 =	vmul.f32 v13, v13  }
0x1ae: {  	v14 =	vmov s6;
	v15 =	vand.u32 $0x7F, v17;
	s6 =	sand.u32 $0x380, s7;
	v5 =	vbroadcast v5, $0x0;
	s5 =	sor.u32 $0x400, s5;
	v17 =	vld.idx.msk [tilespmem:v6+s13+$0x0], $0xffff  }
0x1af: {  	s8 =	sadd.s32 $0x100, s1;
	s7 =	sadd.s32 $0xFFFFFFFF, s2;
	v14 =	vand.u32 $0x7D, v14;
	v9 =	vadd.f32 v9, v11;
	s6 =	sor.u32 s6, s5;
	v20 =	vld.idx.msk [tilespmem:v10+s14+$0x0], $0xffff;
	v13 =	vadd.f32 v13, v12  }
0x1b0: {  	s9 =	sadd.s32 $0x80, s1;
	v10 =	vmov s7;
	s7 =	sand.u32 $0x300, s8;
	v21 =	vor.u32 v2, v5;
	v5 =	vbroadcast v14, $0x0;
	v14 =	vld.idx.msk [tilespmem:v1+s6+$0x0 ss:$0x1], $0xffff  }
0x1b1: {  	s6 =	sand.u32 $0x280, s9;
	v10 =	vand.u32 $0x7E, v10;
	s7 =	sor.u32 s7, s5;
	v7 =	vsub.f32 v9, v7;
	v8 =	vadd.f32 v4, v8;
	v22 =	vld.idx.msk [tilespmem:v6+s14+$0x0], $0xffff  }
0x1b2: {  	v11 =	vbroadcast v15, $0x0;
	s8 =	sand.u32 $0x200, s1;
	s1 =	smov.u32 s4;
	s6 =	sor.u32 s6, s5;
	v6 =	vbroadcast v10, $0x0;
	v12 =	vor.u32 v2, v5;
	v5 =	vld.idx.msk [tilespmem:v1+s7+$0x0 ss:$0x1], $0xffff  }
.Ltmp2:
0x1b3: {  	s5 =	sor.u32 s8, s5;
	v7 =	vmul.f32 v7, v7;
	v8 =	vsub.f32 v8, v18;
	v15 =	vadd.f32 v19, v16;
	v4 =	vld.idx.msk [tilespmem:v1+s6+$0x0 ss:$0x1], $0xffff;
	(pc) =	sbr.rel @p0 .LBB2_7-.Ltmp2, $4  }
0x1b4: {  	v10 =	vor.u32 v2, v6;
	v6 =	vor.u32 v2, v11;
	v16 =	vadd.f32 v3, v17;
	v9 =	vld.idx.msk [tilespmem:v1+s5+$0x0 ss:$0x1], $0xffff  }
0x1b5: {  	v13 =	vadd.f32 v7, v13;
	v17 =	vmul.f32 v8, v8;
	v15 =	vsub.f32 v15, v20;
	v11 =	vld.idx.msk [tilespmem:v21+s13+$0x0], $0xffff  }
0x1b6: {  	s2 =	sadd.s32 $0x4, s2;
	v3 =	vmov v14;
	v7 =	vld.idx.msk [tilespmem:v21+s14+$0x0], $0xffff  }
0x1b7: {  	s4 =	sadd.s32 $0x200, s4;
	s5 =	sadd.s32 $0xFFFFFFFD, s2;
	v14 =	vadd.f32 v17, v13;
	v15 =	vmul.f32 v15, v15;
	v13 =	vsub.f32 v16, v22;
	v8 =	vld.idx.msk [tilespmem:v12+s13+$0x0], $0xffff  }
0x1b8: {  	_ =	sdelay $0x3  }
0x1b9: {  	v16 =	vmov s5;
	v12 =	vld.idx.msk [tilespmem:v12+s14+$0x0], $0xffff  }
0x1ba: {  	s0 =	sadd.s32 $0x800, s0;
	s4 =	sadd.s32 $0xFFFFFFFE, s2;
	v17 =	vld.idx.msk [tilespmem:v10+s13+$0x0], $0xffff;
	v16 =	vand.u32 $0x7C, v16  }
0x1bb: {  	s24 =	sadd.s32 $0x180, s1;
	v20 =	vld.idx.msk [tilespmem:v6+s13+$0x0], $0xffff;
	s26 =	sadd.s32 $0xFFFFFFFF, s2;
	s0 =	sand.u32 $0x7000, s0;
	v19 =	vmov s4;
	v16 =	vbroadcast v16, $0x0  }
0x1bc: {  	v18 =	vmov s2;
	s28 =	sadd.s32 $0x100, s1;
	v44 =	vld.idx.msk [tilespmem:v10+s14+$0x0], $0xffff;
	s25 =	sand.u32 $0x380, s24;
	v14 =	vadd.f32 v15, v14;
	s0 =	sor.u32 $0x400, s0;
	v43 =	vand.u32 $0x7D, v19  }
0x1bd: {  	s6 =	sadd.s32 $0x80, s1;
	v48 =	vld.idx.msk [tilespmem:v6+s14+$0x0], $0xffff;
	v46 =	vmov s26;
	s29 =	sand.u32 $0x300, s28;
	s4 =	sor.u32 s25, s0;
	v15 =	vbroadcast v43, $0x0;
	v45 =	vor.u32 v2, v16  }
0x1be: {  	v13 =	vmul.f32 v13, v13;
	s30 =	sand.u32 $0x280, s6;
	v9 =	vadd.f32 v9, v11;
	s2 =	sor.u32 s29, s0;
	v47 =	vld.idx.msk [tilespmem:v1+s4+$0x0 ss:$0x1], $0xffff;
	v16 =	vand.u32 $0x7E, v46  }
0x1bf: {  	s31 =	sand.u32 $0x200, s1;
	v18 =	vand.u32 $0x7F, v18;
	s4 =	sor.u32 s30, s0;
	v51 =	vld.idx.msk [tilespmem:v1+s2+$0x0 ss:$0x1], $0xffff;
	v49 =	vor.u32 v2, v15;
	v50 =	vbroadcast v16, $0x0  }
0x1c0: {  	v52 =	vbroadcast v18, $0x0;
	v7 =	vsub.f32 v9, v7;
	v4 =	vadd.f32 v4, v8;
	s0 =	sor.u32 s31, s0;
	v53 =	vld.idx.msk [tilespmem:v1+s4+$0x0 ss:$0x1], $0xffff  }
0x1c1: {  	v13 =	vadd.f32 v13, v14;
	v1 =	vld.idx.msk [tilespmem:v1+s0+$0x0 ss:$0x1], $0xffff;
	v5 =	vadd.f32 v5, v17;
	v54 =	vor.u32 v2, v50  }
0x1c2: {  	v7 =	vmul.f32 v7, v7;
	v4 =	vsub.f32 v4, v12;
	v2 =	vor.u32 v2, v52;
	v55 =	vld.idx.msk [tilespmem:v45+s13+$0x0], $0xffff  }
0x1c3: {  	v3 =	vadd.f32 v3, v20;
	v11 =	vld.idx.msk [tilespmem:v45+s14+$0x0], $0xffff  }
0x1c4: {  	v5 =	vsub.f32 v5, v44;
	v7 =	vadd.f32 v7, v13;
	v4 =	vmul.f32 v4, v4;
	v56 =	vld.idx.msk [tilespmem:v49+s13+$0x0], $0xffff  }
0x1c5: {  	v9 =	vld.idx.msk [tilespmem:v49+s14+$0x0], $0xffff  }
0x1c6: {  	v3 =	vsub.f32 v3, v48;
	v5 =	vmul.f32 v5, v5;
	v4 =	vadd.f32 v4, v7;
	v57 =	vld.idx.msk [tilespmem:v54+s13+$0x0], $0xffff  }
0x1c7: {  	v58 =	vld.idx.msk [tilespmem:v2+s13+$0x0], $0xffff;
	v1 =	vadd.f32 v1, v55  }
0x1c8: {  	v3 =	vmul.f32 v3, v3;
	v4 =	vadd.f32 v5, v4;
	v59 =	vld.idx.msk [tilespmem:v54+s14+$0x0], $0xffff  }
0x1c9: {  	v60 =	vadd.f32 v53, v56;
	v1 =	vsub.f32 v1, v11  }
0x1ca: {  	v2 =	vld.idx.msk [tilespmem:v2+s14+$0x0], $0xffff;
	v3 =	vadd.f32 v3, v4  }
0x1cb: {  	v61 =	vsub.f32 v60, v9;
	v6 =	vadd.f32 v51, v57;
	v1 =	vmul.f32 v1, v1  }
0x1cc: {  	v7 =	vadd.f32 v47, v58  }
0x1cd: {  	v62 =	vsub.f32 v6, v59;
	v1 =	vadd.f32 v1, v3;
	v3 =	vmul.f32 v61, v61;
	_ =	sdelay $0x1  }
0x1ce: {  	v2 =	vsub.f32 v7, v2;
	v1 =	vadd.f32 v3, v1;
	v3 =	vmul.f32 v62, v62;
	_ =	sdelay $0x1  }
0x1cf: {  	v2 =	vmul.f32 v2, v2;
	v1 =	vadd.f32 v3, v1;
	_ =	sdelay $0x1  }
0x1d0: {  	v1 =	vadd.f32 v2, v1;
	_ =	sdelay $0x1  }
0x1d1: {  	v2 =	vshra.s32 v1, $0x1;
	v3 =	vmul.f32 $5.000000000e-01, v1  }
0x1d2: {  	v2 =	vsub.s32 $0x5F3759DF, v2  }
0x1d3: {  	v63 =	vmul.f32 v2, v3;
	_ =	sdelay $0x1  }
0x1d4: {  	v4 =	vmul.f32 v2, v63;
	_ =	sdelay $0x1  }
0x1d5: {  	v4 =	vsub.f32 $1.500000000e+00, v4;
	_ =	sdelay $0x1  }
0x1d6: {  	v2 =	vmul.f32 v2, v4;
	_ =	sdelay $0x1  }
0x1d7: {  	v4 =	vmul.f32 v2, v3;
	_ =	sdelay $0x1  }
0x1d8: {  	v4 =	vmul.f32 v4, v2;
	_ =	sdelay $0x1  }
0x1d9: {  	v4 =	vsub.f32 $1.500000000e+00, v4;
	_ =	sdelay $0x1  }
0x1da: {  	v2 =	vmul.f32 v4, v2;
	_ =	sdelay $0x1  }
0x1db: {  	v3 =	vmul.f32 v2, v3;
	_ =	sdelay $0x1  }
0x1dc: {  	v3 =	vmul.f32 v3, v2;
	_ =	sdelay $0x1  }
0x1dd: {  	v3 =	vsub.f32 $1.500000000e+00, v3;
	_ =	sdelay $0x1  }
0x1de: {  	s19 =	sadd.s32 $0x1, s19;
	v2 =	vmul.f32 v3, v2  }
0x1df: {  	p0 =	sne.s32 s19, $0x8  }
.Ltmp3:
0x1e0: {  	v1 =	vmul.f32 v2, v1;
	(pc) =	sbr.rel @p0 .LBB2_6-.Ltmp3, $3  }
0x1e1: {  	_ = 	snop  }
0x1e2: {  	v1 =	vsub.f32 $0.0e+00, v1;
	_ =	sdelay $0x1  }
0x1e3: {  	[tilespmem:s20+$0x18400] =	vst v1  }
0x1e4: {  	s0 =	simm.s32 $0x2  }
0x1e5: {  	_ =	swait.ge [sflag:s0], $0x4000  }
0x1e6: {  	[sflag:s0] =	ssyncset.done $0x0  }
0x1e7: {  	[sflag:s0] =	ssyncadd.s32 $0xFFFFC000  }
0x1e8: {  	_ =	swait.ge [sflag:s0], $0x4000  }
0x1e9: {  	[sflag:s0] =	ssyncset.done $0x0  }
0x1ea: {  	s10 =	simm.s32 $0x100;
	[sflag:s0] =	ssyncadd.s32 $0xFFFFC000  }
0x1eb: {  	s11 =	simm.s32 $0x300;
	v1 =	vld [tilespmem:s10+$0x0]  }
0x1ec: {  	v3 =	vld [tilespmem:s11+$0x0];
	_ =	sdelay $0x3  }
0x1ed: {  	v2 =	vshll.u32 v1, $0x4  }
0x1ee: {  	v1 =	vshll.u32 v3, $0x4;
	(v2sf) =	vpush v2, $0x0  }
0x1ef: {  	(v2sf) =	vpush v1, $0x0  }
0x1f0: {  	(v2sf) =	vpush v2, $0x1;
	_ =	sdelay $0x2  }
0x1f1: {  	(v2sf) =	vpush v1, $0x1;
	_ =	sdelay $0x1  }
0x1f2: {  	(v2sf) =	vpush v2, $0x2;
	_ =	sdelay $0x1  }
0x1f3: {  	(v2sf) =	vpush v1, $0x2;
	_ =	sdelay $0x1  }
0x1f4: {  	s19 =	simm.s32 $0x0;
	s21 =	simm.s32 $0x2000;
	(v2sf) =	vpush v2, $0x3  }
0x1f5: {  	s20 =	simm.s32 $0x0;
	s4 =	simm.s32 $0xC400;
	s1 =	simm.s32 $0x8680  }
0x1f6: {  	s2 =	simm.s32 $0x8880;
	s5 =	simm.s32 $0x8400;
	s7 =	simm.s32 $0x8600  }
0x1f7: {  	s8 =	simm.s32 $0x8580;
	s18 =	simm.s32 $0x8480;
	s24 =	simm.s32 $0xC480  }
0x1f8: {  	s26 =	simm.s32 $0x8500;
	s30 =	simm.s32 $0x8A00;
	s6 =	spop (v2sf);
	(v2sf) =	vpush v1, $0x3  }
0x1f9: {  	s29 =	simm.s32 $0x8B00;
	s6 =	sand.u32 $0x1FFFFFF0, s6;
	s9 =	spop (v2sf)  }
0x1fa: {  	s0 =	simm.s32 $0xC900;
	(v2sf) =	vpush v2, $0x4;
	s6 =	sadd.s32 s3, s6;
	s17 =	spop (v2sf)  }
0x1fb: {  	[tilespmem:s5], [sflag:$0x1] =	stream.linear.gather [hbm4b:s6+s19], $0x80, $0x38;
	[tilespmem:$0x18600] =	vst v63  }
0x1fc: {  	s12 =	sand.u32 $0x1FFFFFF0, s9;
	s5 =	simm.s32 $0xC580;
	s9 =	sand.u32 $0x1FFFFFF0, s17  }
0x1fd: {  	(v2sf) =	vpush v1, $0x4;
	s6 =	sadd.s32 s3, s12;
	s10 =	spop (v2sf);
	s22 =	sadd.s32 s3, s9  }
0x1fe: {  	(v2sf) =	vpush v2, $0x5;
	[tilespmem:s4], [sflag:$0x1] =	stream.linear.gather [hbm4b:s6+s19], $0x80, $0x38;
	[tilespmem:$0x18600] =	vst v63  }
0x1ff: {  	s23 =	sand.u32 $0x1FFFFFF0, s10;
	s25 =	spop (v2sf);
	s10 =	simm.s32 $0xCA00  }
0x200: {  	(v2sf) =	vpush v1, $0x5;
	[tilespmem:s18], [sflag:$0x1] =	stream.linear.gather [hbm4b:s22+s19], $0x80, $0x38;
	[tilespmem:$0x18600] =	vst v63  }
0x201: {  	s9 =	sadd.s32 s3, s23;
	(v2sf) =	vpush v2, $0x6;
	s6 =	sand.u32 $0x1FFFFFF0, s25;
	s28 =	spop (v2sf)  }
0x202: {  	[tilespmem:s24], [sflag:$0x1] =	stream.linear.gather [hbm4b:s9+s19], $0x80, $0x38;
	[tilespmem:$0x18600] =	vst v63  }
0x203: {  	s6 =	sadd.s32 s3, s6;
	s31 =	spop (v2sf);
	s9 =	sand.u32 $0x1FFFFFF0, s28  }
0x204: {  	[tilespmem:s26], [sflag:$0x1] =	stream.linear.gather [hbm4b:s6+s19], $0x80, $0x38;
	[tilespmem:$0x18600] =	vst v63  }
0x205: {  	(v2sf) =	vpush v1, $0x6;
	s11 =	sand.u32 $0x1FFFFFF0, s31;
	s9 =	sadd.s32 s3, s9;
	s6 =	simm.s32 $0xC500  }
0x206: {  	[tilespmem:s6], [sflag:$0x1] =	stream.linear.gather [hbm4b:s9+s19], $0x80, $0x38;
	[tilespmem:$0x18600] =	vst v63  }
0x207: {  	s18 =	simm.s32 $0xC600;
	s17 =	sadd.s32 s3, s11;
	s12 =	spop (v2sf)  }
0x208: {  	[tilespmem:s8], [sflag:$0x1] =	stream.linear.gather [hbm4b:s17+s19], $0x80, $0x38;
	[tilespmem:$0x18600] =	vst v63  }
0x209: {  	s31 =	simm.s32 $0x8700;
	(v2sf) =	vpush v2, $0x7;
	s4 =	sand.u32 $0x1FFFFFF0, s12;
	s22 =	spop (v2sf)  }
0x20a: {  	s11 =	simm.s32 $0x8A80;
	s4 =	sadd.s32 s3, s4;
	s8 =	sand.u32 $0x1FFFFFF0, s22  }
0x20b: {  	(v2sf) =	vpush v1, $0x7;
	[tilespmem:s5], [sflag:$0x1] =	stream.linear.gather [hbm4b:s4+s19], $0x80, $0x38;
	[tilespmem:$0x18600] =	vst v63  }
0x20c: {  	s26 =	simm.s32 $0xC680;
	s23 =	spop (v2sf);
	(v2sf) =	vpush v2, $0x8;
	s24 =	sadd.s32 s3, s8  }
0x20d: {  	s25 =	sand.u32 $0x1FFFFFF0, s23;
	s28 =	spop (v2sf);
	s23 =	simm.s32 $0xC700  }
0x20e: {  	(v2sf) =	vpush v1, $0x8;
	[tilespmem:s7], [sflag:$0x1] =	stream.linear.gather [hbm4b:s24+s19], $0x80, $0x38;
	[tilespmem:$0x18600] =	vst v63  }
0x20f: {  	s5 =	sadd.s32 s3, s25;
	s8 =	spop (v2sf);
	s7 =	sand.u32 $0x1FFFFFF0, s28  }
0x210: {  	(v2sf) =	vpush v2, $0x9;
	s9 =	spop (v2sf);
	s6 =	sadd.s32 s3, s7;
	s7 =	sand.u32 $0x1FFFFFF0, s8  }
0x211: {  	[tilespmem:s18], [sflag:$0x1] =	stream.linear.gather [hbm4b:s5+s19], $0x80, $0x38;
	[tilespmem:$0x18600] =	vst v63  }
0x212: {  	s17 =	sand.u32 $0x1FFFFFF0, s9;
	s8 =	simm.s32 $0xCA80;
	s9 =	simm.s32 $0x8800  }
0x213: {  	(v2sf) =	vpush v1, $0x9;
	[tilespmem:s1], [sflag:$0x1] =	stream.linear.gather [hbm4b:s6+s19], $0x80, $0x38;
	[tilespmem:$0x18600] =	vst v63  }
0x214: {  	s12 =	sadd.s32 s3, s7;
	s18 =	spop (v2sf);
	s22 =	sadd.s32 s3, s17  }
0x215: {  	(v2sf) =	vpush v2, $0xA;
	[tilespmem:s26], [sflag:$0x1] =	stream.linear.gather [hbm4b:s12+s19], $0x80, $0x38;
	[tilespmem:$0x18600] =	vst v63  }
0x216: {  	s5 =	simm.s32 $0xC780;
	s4 =	sand.u32 $0x1FFFFFF0, s18;
	s18 =	simm.s32 $0xC800  }
0x217: {  	(v2sf) =	vpush v1, $0xA;
	[tilespmem:s31], [sflag:$0x1] =	stream.linear.gather [hbm4b:s22+s19], $0x80, $0x38;
	[tilespmem:$0x18600] =	vst v63  }
0x218: {  	s1 =	simm.s32 $0xC980;
	s4 =	sadd.s32 s3, s4;
	s24 =	spop (v2sf)  }
0x219: {  	(v2sf) =	vpush v2, $0xB;
	[tilespmem:s23], [sflag:$0x1] =	stream.linear.gather [hbm4b:s4+s19], $0x80, $0x38;
	[tilespmem:$0x18600] =	vst v63  }
0x21a: {  	s26 =	simm.s32 $0x8780;
	s6 =	sand.u32 $0x1FFFFFF0, s24;
	s25 =	spop (v2sf)  }
0x21b: {  	(v2sf) =	vpush v1, $0xB;
	s28 =	sadd.s32 s3, s6;
	s31 =	sand.u32 $0x1FFFFFF0, s25;
	s7 =	spop (v2sf)  }
0x21c: {  	[tilespmem:s26], [sflag:$0x1] =	stream.linear.gather [hbm4b:s28+s19], $0x80, $0x38;
	[tilespmem:$0x18600] =	vst v63  }
0x21d: {  	s24 =	simm.s32 $0xC880;
	s6 =	sadd.s32 s3, s31;
	s12 =	spop (v2sf)  }
0x21e: {  	[tilespmem:s5], [sflag:$0x1] =	stream.linear.gather [hbm4b:s6+s19], $0x80, $0x38;
	[tilespmem:$0x18600] =	vst v63  }
0x21f: {  	(v2sf) =	vpush v2, $0xC;
	s26 =	simm.s32 $0x8900;
	s17 =	spop (v2sf);
	s5 =	sand.u32 $0x1FFFFFF0, s7  }
0x220: {  	s6 =	sand.u32 $0x1FFFFFF0, s12;
	s23 =	sand.u32 $0x1FFFFFF0, s17;
	s5 =	sadd.s32 s3, s5  }
0x221: {  	(v2sf) =	vpush v1, $0xC;
	[tilespmem:s9], [sflag:$0x1] =	stream.linear.gather [hbm4b:s5+s19], $0x80, $0x38;
	[tilespmem:$0x18600] =	vst v63  }
0x222: {  	s25 =	spop (v2sf);
	s7 =	simm.s32 $0xCB00;
	s22 =	sadd.s32 s3, s6  }
0x223: {  	[tilespmem:s18], [sflag:$0x1] =	stream.linear.gather [hbm4b:s22+s19], $0x80, $0x38;
	[tilespmem:$0x18600] =	vst v63  }
0x224: {  	s6 =	sadd.s32 s3, s23;
	s28 =	spop (v2sf);
	s5 =	sand.u32 $0x1FFFFFF0, s25  }
0x225: {  	[tilespmem:s2], [sflag:$0x1] =	stream.linear.gather [hbm4b:s6+s19], $0x80, $0x38;
	[tilespmem:$0x18600] =	vst v63  }
0x226: {  	s31 =	spop (v2sf);
	s5 =	sadd.s32 s3, s5;
	s6 =	sand.u32 $0x1FFFFFF0, s28  }
0x227: {  	[tilespmem:s24], [sflag:$0x1] =	stream.linear.gather [hbm4b:s5+s19], $0x80, $0x38;
	[tilespmem:$0x18600] =	vst v63  }
0x228: {  	s12 =	sand.u32 $0x1FFFFFF0, s31;
	s9 =	sadd.s32 s3, s6;
	s17 =	spop (v2sf)  }
0x229: {  	[tilespmem:s26], [sflag:$0x1] =	stream.linear.gather [hbm4b:s9+s19], $0x80, $0x38;
	[tilespmem:$0x18600] =	vst v63  }
0x22a: {  	s18 =	sadd.s32 s3, s12;
	s22 =	sand.u32 $0x1FFFFFF0, s17;
	s23 =	spop (v2sf)  }
0x22b: {  	(v2sf) =	vpush v2, $0xD;
	[tilespmem:s0], [sflag:$0x1] =	stream.linear.gather [hbm4b:s18+s19], $0x80, $0x38;
	[tilespmem:$0x18600] =	vst v63  }
0x22c: {  	s24 =	simm.s32 $0x8980;
	(v2sf) =	vpush v1, $0xD;
	s25 =	sadd.s32 s3, s22;
	s26 =	sand.u32 $0x1FFFFFF0, s23  }
0x22d: {  	(v2sf) =	vpush v2, $0xE;
	[tilespmem:s24], [sflag:$0x1] =	stream.linear.gather [hbm4b:s25+s19], $0x80, $0x38;
	[tilespmem:$0x18600] =	vst v63  }
0x22e: {  	s28 =	sadd.s32 s3, s26;
	(v2sf) =	vpush v1, $0xE;
	s26 =	simm.s32 $0x110;
	s31 =	spop (v2sf)  }
0x22f: {  	(v2sf) =	vpush v2, $0xF;
	[tilespmem:s1], [sflag:$0x1] =	stream.linear.gather [hbm4b:s28+s19], $0x80, $0x38;
	[tilespmem:$0x18600] =	vst v63  }
0x230: {  	s25 =	simm.s32 $0x310;
	s0 =	sand.u32 $0x1FFFFFF0, s31;
	(v2sf) =	vpush v1, $0xF;
	s1 =	spop (v2sf)  }
.LBB2_10:
0x231: {  	_ =	sdelay $0x4  }
0x232: {  	s0 =	sadd.s32 s3, s0;
	s1 =	sand.u32 $0x1FFFFFF0, s1  }
0x233: {  	[tilespmem:s30], [sflag:$0x1] =	stream.linear.gather [hbm4b:s0+s19], $0x80, $0x38;
	[tilespmem:$0x18600] =	vst v63  }
0x234: {  	s24 =	sadd.s32 s3, s1  }
0x235: {  	[tilespmem:s10], [sflag:$0x1] =	stream.linear.gather [hbm4b:s24+s19], $0x80, $0x38;
	[tilespmem:$0x18600] =	vst v63  }
0x236: {  	s2 =	spop (v2sf)  }
0x237: {  	s28 =	sand.u32 $0x1FFFFFF0, s2;
	s31 =	spop (v2sf)  }
0x238: {  	s1 =	sadd.s32 s3, s28;
	s2 =	sand.u32 $0x1FFFFFF0, s31;
	s4 =	spop (v2sf)  }
0x239: {  	[tilespmem:s11], [sflag:$0x1] =	stream.linear.gather [hbm4b:s1+s19], $0x80, $0x38;
	[tilespmem:$0x18600] =	vst v63  }
0x23a: {  	s5 =	sadd.s32 s3, s2;
	s6 =	sand.u32 $0x1FFFFFF0, s4;
	s9 =	spop (v2sf)  }
0x23b: {  	[tilespmem:s8], [sflag:$0x1] =	stream.linear.gather [hbm4b:s5+s19], $0x80, $0x38;
	[tilespmem:$0x18600] =	vst v63  }
0x23c: {  	s10 =	sadd.s32 s3, s6;
	s11 =	sand.u32 $0x1FFFFFF0, s9;
	s12 =	spop (v2sf)  }
0x23d: {  	[tilespmem:s29], [sflag:$0x1] =	stream.linear.gather [hbm4b:s10+s19], $0x80, $0x38;
	[tilespmem:$0x18600] =	vst v63  }
0x23e: {  	s17 =	sadd.s32 s3, s11;
	s18 =	sand.u32 $0x1FFFFFF0, s12;
	s22 =	spop (v2sf)  }
0x23f: {  	[tilespmem:s7], [sflag:$0x1] =	stream.linear.gather [hbm4b:s17+s19], $0x80, $0x38;
	[tilespmem:$0x18600] =	vst v63  }
0x240: {  	s23 =	sadd.s32 $0x8B80, s20;
	s1 =	sadd.s32 s3, s18;
	s2 =	sand.u32 $0x1FFFFFF0, s22  }
0x241: {  	[tilespmem:s23], [sflag:$0x1] =	stream.linear.gather [hbm4b:s1+s19], $0x80, $0x38;
	[tilespmem:$0x18600] =	vst v63  }
0x242: {  	s24 =	sadd.s32 $0xCB80, s20;
	s28 =	sadd.s32 s3, s2  }
0x243: {  	[tilespmem:s24], [sflag:$0x1] =	stream.linear.gather [hbm4b:s28+s19], $0x80, $0x38;
	[tilespmem:$0x18600] =	vst v63  }
0x244: {  	v1 =	vld [tilespmem:s26+$0x0];
	_ =	sdelay $0x1  }
0x245: {  	v3 =	vld [tilespmem:s25+$0x0];
	_ =	sdelay $0x2  }
0x246: {  	v2 =	vshll.u32 v1, $0x4  }
0x247: {  	s31 =	smov.u32 s21;
	(v2sf) =	vpush v2, $0x0  }
0x248: {  	s20 =	sshra.s32 s31, $0x2;
	v1 =	vshll.u32 v3, $0x4  }
0x249: {  	p0 =	sne.s32 s21, $0xE000;
	s21 =	sadd.s32 $0x2000, s21;
	s0 =	sadd.s32 $0x8680, s20;
	(v2sf) =	vpush v1, $0x0  }
0x24a: {  	s31 =	sadd.s32 $0x8580, s20;
	s4 =	sadd.s32 $0xCA00, s20;
	s9 =	sadd.s32 $0x8500, s20;
	(v2sf) =	vpush v2, $0x1  }
0x24b: {  	s6 =	sadd.s32 $0xC980, s20;
	s30 =	sadd.s32 $0x8A00, s20;
	[smem:$0x7E9] =	sst s0  }
0x24c: {  	s5 =	sadd.s32 $0x8600, s20;
	[dreg:$0x1f] =	wrdreg s4;
	s4 =	sadd.s32 $0xC480, s20;
	(v2sf) =	vpush v1, $0x1  }
0x24d: {  	s11 =	sadd.s32 $0xC680, s20;
	[dreg:$0xb] =	wrdreg s6;
	s8 =	sadd.s32 $0xCA80, s20  }
0x24e: {  	s12 =	sadd.s32 $0xC700, s20;
	s6 =	sadd.s32 $0xC800, s20;
	s22 =	sadd.s32 $0xC580, s20;
	(v2sf) =	vpush v2, $0x2  }
0x24f: {  	s18 =	sadd.s32 $0x8700, s20;
	[smem:$0x7ED] =	sst s6;
	s2 =	sadd.s32 $0xC900, s20  }
0x250: {  	s10 =	sadd.s32 $0x8A80, s20;
	[dreg:$0x7] =	wrdreg s2;
	s7 =	sadd.s32 $0xC880, s20;
	(v2sf) =	vpush v1, $0x2  }
0x251: {  	s29 =	sadd.s32 $0x8B00, s20;
	[dreg:$0x18] =	wrdreg s7;
	s7 =	sadd.s32 $0xC780, s20  }
0x252: {  	s2 =	sadd.s32 $0xC600, s20;
	s1 =	sadd.s32 $0x8880, s20;
	[smem:$0x7EB] =	sst s7;
	(v2sf) =	vpush v2, $0x3  }
0x253: {  	s17 =	sadd.s32 $0xC400, s20;
	[dreg:$0x10] =	wrdreg s1;
	s24 =	sadd.s32 $0x8900, s20  }
0x254: {  	s23 =	sadd.s32 $0x8400, s20;
	s28 =	sadd.s32 $0x8780, s20;
	[dreg:$0x14] =	wrdreg s24;
	(v2sf) =	vpush v1, $0x3  }
0x255: {  	s7 =	sadd.s32 $0xCB00, s20;
	s1 =	sadd.s32 $0xC500, s20;
	[smem:$0x7EA] =	sst s28  }
0x256: {  	s24 =	sadd.s32 $0x8480, s20;
	s28 =	sadd.s32 $0x8800, s20;
	(v2sf) =	vpush v2, $0x4;
	s6 =	spop (v2sf)  }
0x257: {  	[smem:$0x7EC] =	sst s28;
	s0 =	sand.u32 $0x1FFFFFF0, s6;
	s6 =	sadd.s32 $0x8980, s20  }
0x258: {  	s25 =	sadd.s32 $0x10, s25;
	s28 =	spop (v2sf);
	(v2sf) =	vpush v1, $0x4;
	[dreg:$0x1c] =	wrdreg s6  }
0x259: {  	s0 =	sadd.s32 s3, s0;
	s28 =	sand.u32 $0x1FFFFFF0, s28;
	s6 =	spop (v2sf)  }
0x25a: {  	(v2sf) =	vpush v2, $0x5;
	[tilespmem:s23], [sflag:$0x1] =	stream.linear.gather [hbm4b:s0+s19], $0x80, $0x38;
	[tilespmem:$0x18600] =	vst v63  }
0x25b: {  	s23 =	sadd.s32 s3, s28;
	s6 =	sand.u32 $0x1FFFFFF0, s6;
	s28 =	spop (v2sf);
	(v2sf) =	vpush v1, $0x5  }
0x25c: {  	[tilespmem:s17], [sflag:$0x1] =	stream.linear.gather [hbm4b:s23+s19], $0x80, $0x38;
	[tilespmem:$0x18600] =	vst v63  }
0x25d: {  	s17 =	sadd.s32 s3, s6;
	s23 =	sand.u32 $0x1FFFFFF0, s28;
	s28 =	spop (v2sf);
	(v2sf) =	vpush v2, $0x6  }
0x25e: {  	[tilespmem:s24], [sflag:$0x1] =	stream.linear.gather [hbm4b:s17+s19], $0x80, $0x38;
	[tilespmem:$0x18600] =	vst v63  }
0x25f: {  	s23 =	sadd.s32 s3, s23;
	s24 =	sand.u32 $0x1FFFFFF0, s28;
	s28 =	spop (v2sf)  }
0x260: {  	[tilespmem:s4], [sflag:$0x1] =	stream.linear.gather [hbm4b:s23+s19], $0x80, $0x38;
	[tilespmem:$0x18600] =	vst v63  }
0x261: {  	(v2sf) =	vpush v1, $0x6;
	s6 =	sand.u32 $0x1FFFFFF0, s28;
	s17 =	spop (v2sf);
	s4 =	sadd.s32 s3, s24  }
0x262: {  	[tilespmem:s9], [sflag:$0x1] =	stream.linear.gather [hbm4b:s4+s19], $0x80, $0x38;
	[tilespmem:$0x18600] =	vst v63  }
0x263: {  	(v2sf) =	vpush v2, $0x7;
	s23 =	sadd.s32 s3, s6;
	s24 =	sand.u32 $0x1FFFFFF0, s17;
	s28 =	spop (v2sf)  }
0x264: {  	(v2sf) =	vpush v1, $0x7;
	[tilespmem:s1], [sflag:$0x1] =	stream.linear.gather [hbm4b:s23+s19], $0x80, $0x38;
	[tilespmem:$0x18600] =	vst v63  }
0x265: {  	s17 =	sand.u32 $0x1FFFFFF0, s28;
	s9 =	sadd.s32 s3, s24;
	s23 =	spop (v2sf)  }
0x266: {  	[tilespmem:s31], [sflag:$0x1] =	stream.linear.gather [hbm4b:s9+s19], $0x80, $0x38;
	[tilespmem:$0x18600] =	vst v63  }
0x267: {  	s24 =	sadd.s32 s3, s17;
	s28 =	sand.u32 $0x1FFFFFF0, s23;
	s31 =	spop (v2sf)  }
0x268: {  	(v2sf) =	vpush v2, $0x8;
	[tilespmem:s22], [sflag:$0x1] =	stream.linear.gather [hbm4b:s24+s19], $0x80, $0x38;
	[tilespmem:$0x18600] =	vst v63  }
0x269: {  	s26 =	sadd.s32 $0x10, s26;
	s1 =	sadd.s32 s3, s28;
	s6 =	spop (v2sf)  }
0x26a: {  	(v2sf) =	vpush v1, $0x8;
	s4 =	sand.u32 $0x1FFFFFF0, s31;
	s31 =	sld [smem:$0x7E9];
	s22 =	spop (v2sf)  }
0x26b: {  	(v2sf) =	vpush v2, $0x9;
	[tilespmem:s5], [sflag:$0x1] =	stream.linear.gather [hbm4b:s1+s19], $0x80, $0x38;
	[tilespmem:$0x18600] =	vst v63  }
0x26c: {  	s9 =	sadd.s32 s3, s4;
	s17 =	sand.u32 $0x1FFFFFF0, s6;
	s28 =	spop (v2sf)  }
0x26d: {  	[tilespmem:s2], [sflag:$0x1] =	stream.linear.gather [hbm4b:s9+s19], $0x80, $0x38;
	[tilespmem:$0x18600] =	vst v63  }
0x26e: {  	(v2sf) =	vpush v1, $0x9;
	s23 =	sadd.s32 s3, s17;
	s24 =	sand.u32 $0x1FFFFFF0, s22;
	s4 =	sand.u32 $0x1FFFFFF0, s28  }
0x26f: {  	[tilespmem:s31], [sflag:$0x1] =	stream.linear.gather [hbm4b:s23+s19], $0x80, $0x38;
	[tilespmem:$0x18600] =	vst v63  }
0x270: {  	(v2sf) =	vpush v2, $0xA;
	s1 =	sadd.s32 s3, s24;
	s5 =	spop (v2sf);
	s6 =	sadd.s32 s3, s4  }
0x271: {  	[tilespmem:s11], [sflag:$0x1] =	stream.linear.gather [hbm4b:s1+s19], $0x80, $0x38;
	[tilespmem:$0x18600] =	vst v63  }
0x272: {  	(v2sf) =	vpush v1, $0xA;
	s9 =	sand.u32 $0x1FFFFFF0, s5;
	s11 =	smov.u32 s10;
	s10 =	spop (v2sf)  }
0x273: {  	s31 =	sld [smem:$0x7EA];
	s17 =	sadd.s32 s3, s9;
	s22 =	spop (v2sf)  }
0x274: {  	[tilespmem:s18], [sflag:$0x1] =	stream.linear.gather [hbm4b:s6+s19], $0x80, $0x38;
	[tilespmem:$0x18600] =	vst v63  }
0x275: {  	s9 =	sld [smem:$0x7EB];
	s18 =	sand.u32 $0x1FFFFFF0, s10;
	s24 =	sand.u32 $0x1FFFFFF0, s22  }
0x276: {  	(v2sf) =	vpush v2, $0xB;
	[tilespmem:s12], [sflag:$0x1] =	stream.linear.gather [hbm4b:s17+s19], $0x80, $0x38;
	[tilespmem:$0x18600] =	vst v63  }
0x277: {  	s10 =	rddreg [dreg:$0x1f];
	s23 =	sadd.s32 s3, s18;
	s28 =	spop (v2sf)  }
0x278: {  	(v2sf) =	vpush v1, $0xB;
	[tilespmem:s31], [sflag:$0x1] =	stream.linear.gather [hbm4b:s23+s19], $0x80, $0x38;
	[tilespmem:$0x18600] =	vst v63  }
0x279: {  	s22 =	sld [smem:$0x7EC];
	s5 =	sand.u32 $0x1FFFFFF0, s28;
	s6 =	spop (v2sf)  }
0x27a: {  	s4 =	sadd.s32 s3, s24;
	s12 =	sadd.s32 s3, s5;
	s18 =	spop (v2sf)  }
0x27b: {  	(v2sf) =	vpush v2, $0xC;
	[tilespmem:s9], [sflag:$0x1] =	stream.linear.gather [hbm4b:s4+s19], $0x80, $0x38;
	[tilespmem:$0x18600] =	vst v63  }
0x27c: {  	s31 =	sld [smem:$0x7ED];
	s17 =	sand.u32 $0x1FFFFFF0, s6;
	s24 =	sand.u32 $0x1FFFFFF0, s18  }
0x27d: {  	(v2sf) =	vpush v1, $0xC;
	s23 =	sadd.s32 s3, s17;
	s28 =	spop (v2sf);
	s5 =	sadd.s32 s3, s24  }
0x27e: {  	[tilespmem:s22], [sflag:$0x1] =	stream.linear.gather [hbm4b:s12+s19], $0x80, $0x38;
	[tilespmem:$0x18600] =	vst v63  }
0x27f: {  	s6 =	sand.u32 $0x1FFFFFF0, s28;
	s9 =	spop (v2sf);
	s12 =	rddreg [dreg:$0x10]  }
0x280: {  	[tilespmem:s31], [sflag:$0x1] =	stream.linear.gather [hbm4b:s23+s19], $0x80, $0x38;
	[tilespmem:$0x18600] =	vst v63  }
0x281: {  	s17 =	sadd.s32 s3, s6;
	s18 =	sand.u32 $0x1FFFFFF0, s9;
	s22 =	spop (v2sf)  }
0x282: {  	[tilespmem:s12], [sflag:$0x1] =	stream.linear.gather [hbm4b:s5+s19], $0x80, $0x38;
	[tilespmem:$0x18600] =	vst v63  }
0x283: {  	s23 =	rddreg [dreg:$0x18];
	s24 =	sadd.s32 s3, s18;
	s28 =	sand.u32 $0x1FFFFFF0, s22  }
0x284: {  	[tilespmem:s23], [sflag:$0x1] =	stream.linear.gather [hbm4b:s17+s19], $0x80, $0x38;
	[tilespmem:$0x18600] =	vst v63  }
0x285: {  	s5 =	rddreg [dreg:$0x14];
	s6 =	sadd.s32 s3, s28;
	s31 =	spop (v2sf)  }
0x286: {  	[tilespmem:s5], [sflag:$0x1] =	stream.linear.gather [hbm4b:s24+s19], $0x80, $0x38;
	[tilespmem:$0x18600] =	vst v63  }
0x287: {  	s9 =	sand.u32 $0x1FFFFFF0, s31;
	s12 =	spop (v2sf);
	s17 =	rddreg [dreg:$0x7]  }
0x288: {  	(v2sf) =	vpush v2, $0xD;
	[tilespmem:s17], [sflag:$0x1] =	stream.linear.gather [hbm4b:s6+s19], $0x80, $0x38;
	[tilespmem:$0x18600] =	vst v63  }
.Ltmp4:
0x289: {  	(v2sf) =	vpush v1, $0xD;
	s31 =	rddreg [dreg:$0xb];
	s18 =	sadd.s32 s3, s9;
	(pc) =	sbr.rel @p0 .LBB2_10-.Ltmp4, $4  }
0x28a: {  	(v2sf) =	vpush v2, $0xE;
	s22 =	sand.u32 $0x1FFFFFF0, s12;
	s23 =	spop (v2sf);
	s24 =	rddreg [dreg:$0x1c]  }
0x28b: {  	(v2sf) =	vpush v1, $0xE;
	[tilespmem:s24], [sflag:$0x1] =	stream.linear.gather [hbm4b:s18+s19], $0x80, $0x38;
	[tilespmem:$0x18600] =	vst v63  }
0x28c: {  	(v2sf) =	vpush v2, $0xF;
	s28 =	sadd.s32 s3, s22;
	s0 =	sand.u32 $0x1FFFFFF0, s23;
	s1 =	spop (v2sf)  }
0x28d: {  	(v2sf) =	vpush v1, $0xF;
	[tilespmem:s31], [sflag:$0x1] =	stream.linear.gather [hbm4b:s28+s19], $0x80, $0x38;
	[tilespmem:$0x18600] =	vst v63  }
0x28e: {  	_ =	sdelay $0x4  }
0x28f: {  	s0 =	sadd.s32 s3, s0;
	s1 =	sand.u32 $0x1FFFFFF0, s1  }
0x290: {  	[tilespmem:s30], [sflag:$0x1] =	stream.linear.gather [hbm4b:s0+s19], $0x80, $0x38;
	[tilespmem:$0x18600] =	vst v63  }
0x291: {  	s4 =	sadd.s32 s3, s1  }
0x292: {  	[tilespmem:s10], [sflag:$0x1] =	stream.linear.gather [hbm4b:s4+s19], $0x80, $0x38;
	[tilespmem:$0x18600] =	vst v63  }
0x293: {  	s2 =	spop (v2sf)  }
0x294: {  	s5 =	sand.u32 $0x1FFFFFF0, s2;
	s6 =	spop (v2sf)  }
0x295: {  	s9 =	sadd.s32 s3, s5;
	s10 =	sand.u32 $0x1FFFFFF0, s6;
	s12 =	spop (v2sf)  }
0x296: {  	[tilespmem:s11], [sflag:$0x1] =	stream.linear.gather [hbm4b:s9+s19], $0x80, $0x38;
	[tilespmem:$0x18600] =	vst v63  }
0x297: {  	s17 =	sadd.s32 s3, s10;
	s18 =	sand.u32 $0x1FFFFFF0, s12;
	s21 =	spop (v2sf)  }
0x298: {  	[tilespmem:s8], [sflag:$0x1] =	stream.linear.gather [hbm4b:s17+s19], $0x80, $0x38;
	[tilespmem:$0x18600] =	vst v63  }
0x299: {  	s22 =	sadd.s32 s3, s18;
	s23 =	sand.u32 $0x1FFFFFF0, s21;
	s24 =	spop (v2sf)  }
0x29a: {  	[tilespmem:s29], [sflag:$0x1] =	stream.linear.gather [hbm4b:s22+s19], $0x80, $0x38;
	[tilespmem:$0x18600] =	vst v63  }
0x29b: {  	s25 =	sadd.s32 s3, s23;
	s26 =	sand.u32 $0x1FFFFFF0, s24;
	s28 =	spop (v2sf)  }
0x29c: {  	[tilespmem:s7], [sflag:$0x1] =	stream.linear.gather [hbm4b:s25+s19], $0x80, $0x38;
	[tilespmem:$0x18600] =	vst v63  }
0x29d: {  	s1 =	sadd.s32 s3, s26;
	s2 =	sand.u32 $0x1FFFFFF0, s28;
	s29 =	sadd.s32 $0x8B80, s20  }
0x29e: {  	[tilespmem:s29], [sflag:$0x1] =	stream.linear.gather [hbm4b:s1+s19], $0x80, $0x38;
	[tilespmem:$0x18600] =	vst v63  }
0x29f: {  	s30 =	sadd.s32 $0xCB80, s20;
	s31 =	sadd.s32 s3, s2  }
0x2a0: {  	[tilespmem:s30], [sflag:$0x1] =	stream.linear.gather [hbm4b:s31+s19], $0x80, $0x38;
	[tilespmem:$0x18600] =	vst v63  }
.LBB2_12:
0x2a1: {  	s20 =	sshll.u32 s19, $0x4;
	s0 =	simm.s32 $0x0  }
0x2a2: {  	v1 =	vmov s20;
	v2 =	vmov s0  }
0x2a3: {  	s1 =	simm.s32 $0x0;
	s2 =	simm.s32 $0x1;
	s4 =	simm.s32 $0x3;
	v2 =	vand.u32 $0x7C, v2  }
0x2a4: {  	s5 =	simm.s32 $0x180;
	s10 =	simm.s32 $0x2;
	s8 =	sand.u32 $0x7000, s1;
	v6 =	vmov s4;
	v3 =	vshll.u32 v1, $0x7;
	v4 =	vbroadcast v2, $0x0  }
0x2a5: {  	s6 =	simm.s32 $0x100;
	v5 =	vmov s2;
	s9 =	sand.u32 $0x380, s5;
	s0 =	sor.u32 $0x800, s8;
	v6 =	vand.u32 $0x7F, v6;
	v2 =	vor.u32 v0, v3  }
0x2a6: {  	s7 =	simm.s32 $0x80;
	s11 =	sand.u32 $0x300, s6;
	v3 =	vand.u32 $0x7D, v5;
	s2 =	sor.u32 s9, s0;
	v6 =	vbroadcast v6, $0x0;
	v4 =	vor.u32 v2, v4  }
0x2a7: {  	s12 =	sand.u32 $0x280, s7;
	v5 =	vmov s10;
	s17 =	sor.u32 s11, s0;
	v3 =	vbroadcast v3, $0x0;
	v7 =	vld.idx.msk [tilespmem:v1+s2+$0x0 ss:$0x1], $0xffff  }
0x2a8: {  	s1 =	sand.u32 $0x200, s1;
	v5 =	vand.u32 $0x7E, v5;
	v6 =	vor.u32 v2, v6;
	s2 =	sor.u32 s12, s0;
	v8 =	vld.idx.msk [tilespmem:v1+s17+$0x0 ss:$0x1], $0xffff  }
0x2a9: {  	v5 =	vbroadcast v5, $0x0;
	v3 =	vor.u32 v2, v3;
	s0 =	sor.u32 s1, s0;
	v9 =	vld.idx.msk [tilespmem:v1+s2+$0x0 ss:$0x1], $0xffff  }
0x2aa: {  	v10 =	vld.idx.msk [tilespmem:v1+s0+$0x0 ss:$0x1], $0xffff  }
0x2ab: {  	v5 =	vor.u32 v2, v5;
	v11 =	vld.idx.msk [tilespmem:v4+s15+$0x0], $0xffff  }
0x2ac: {  	v4 =	vld.idx.msk [tilespmem:v4+s16+$0x0], $0xffff  }
0x2ad: {  	v16 =	vld.idx.msk [tilespmem:v6+s15+$0x0], $0xffff  }
0x2ae: {  	s18 =	simm.s32 $0x4;
	s22 =	simm.s32 $0x5;
	v12 =	vld.idx.msk [tilespmem:v3+s15+$0x0], $0xffff  }
0x2af: {  	v13 =	vmov s18;
	v15 =	vmov s22;
	v14 =	vld.idx.msk [tilespmem:v3+s16+$0x0], $0xffff  }
0x2b0: {  	s25 =	simm.s32 $0x7;
	v15 =	vand.u32 $0x7D, v15;
	s0 =	simm.s32 $0x800;
	v3 =	vand.u32 $0x7C, v13;
	v13 =	vld.idx.msk [tilespmem:v5+s15+$0x0], $0xffff  }
0x2b1: {  	s23 =	simm.s32 $0x380;
	s26 =	simm.s32 $0x300;
	s21 =	sand.u32 $0x7000, s0;
	v3 =	vbroadcast v3, $0x0;
	v18 =	vld.idx.msk [tilespmem:v5+s16+$0x0], $0xffff;
	v5 =	vmov s25;
	v10 =	vadd.f32 v10, v11  }
0x2b2: {  	s28 =	simm.s32 $0x6;
	s5 =	sand.u32 $0x300, s26;
	s1 =	sor.u32 $0x800, s21;
	v20 =	vld.idx.msk [tilespmem:v6+s16+$0x0], $0xffff;
	v6 =	vand.u32 $0x7F, v5;
	v11 =	vbroadcast v15, $0x0  }
0x2b3: {  	s29 =	simm.s32 $0x280;
	s24 =	sand.u32 $0x380, s23;
	s5 =	sor.u32 s5, s1;
	v19 =	vor.u32 v2, v3;
	v15 =	vmov s28;
	v10 =	vsub.f32 v10, v4  }
0x2b4: {  	s30 =	simm.s32 $0x200;
	s31 =	sand.u32 $0x280, s29;
	s2 =	sor.u32 s24, s1;
	v5 =	vld.idx.msk [tilespmem:v1+s5+$0x0 ss:$0x1], $0xffff;
	v9 =	vadd.f32 v9, v12;
	v15 =	vand.u32 $0x7E, v15;
	v12 =	vor.u32 v2, v11  }
0x2b5: {  	s4 =	sor.u32 s31, s1;
	v3 =	vld.idx.msk [tilespmem:v1+s2+$0x0 ss:$0x1], $0xffff;
	s2 =	sand.u32 $0x200, s30;
	v8 =	vadd.f32 v8, v13;
	v13 =	vbroadcast v15, $0x0;
	v10 =	vmul.f32 v10, v10  }
0x2b6: {  	v17 =	vimm.f32 $0.0e+00;
	v6 =	vbroadcast v6, $0x0;
	s1 =	sor.u32 s2, s1;
	v4 =	vld.idx.msk [tilespmem:v1+s4+$0x0 ss:$0x1], $0xffff;
	v14 =	vsub.f32 v9, v14  }
0x2b7: {  	v16 =	vadd.f32 v7, v16;
	v9 =	vld.idx.msk [tilespmem:v1+s1+$0x0 ss:$0x1], $0xffff;
	v15 =	vadd.f32 v10, v17;
	v10 =	vor.u32 v2, v13  }
0x2b8: {  	v6 =	vor.u32 v2, v6;
	v11 =	vld.idx.msk [tilespmem:v19+s15+$0x0], $0xffff;
	v14 =	vmul.f32 v14, v14;
	v17 =	vsub.f32 v8, v18  }
0x2b9: {  	s5 =	simm.s32 $0x8;
	v7 =	vld.idx.msk [tilespmem:v19+s16+$0x0], $0xffff  }
0x2ba: {  	s2 =	simm.s32 $0xB;
	s4 =	simm.s32 $0x600;
	s1 =	simm.s32 $0x400;
	v13 =	vsub.f32 v16, v20;
	v8 =	vld.idx.msk [tilespmem:v12+s15+$0x0], $0xffff;
	v14 =	vadd.f32 v14, v15;
	v15 =	vmul.f32 v17, v17  }
.LBB2_13:
0x2bb: {  	p0 =	sne.s32 s4, $0x1E00;
	v16 =	vmov s5;
	v17 =	vmov s2;
	v18 =	vld.idx.msk [tilespmem:v12+s16+$0x0], $0xffff;
	s0 =	sadd.s32 $0x800, s0;
	v19 =	vmov v5  }
0x2bc: {  	s6 =	sadd.s32 $0xFFFFFFFE, s2;
	s7 =	sadd.s32 $0x180, s1;
	v5 =	vand.u32 $0x7C, v16;
	s5 =	sand.u32 $0x7000, s0;
	v16 =	vld.idx.msk [tilespmem:v10+s15+$0x0], $0xffff;
	v12 =	vadd.f32 v15, v14;
	v13 =	vmul.f32 v13, v13  }
0x2bd: {  	v14 =	vmov s6;
	v15 =	vand.u32 $0x7F, v17;
	s6 =	sand.u32 $0x380, s7;
	v5 =	vbroadcast v5, $0x0;
	s5 =	sor.u32 $0x800, s5;
	v17 =	vld.idx.msk [tilespmem:v6+s15+$0x0], $0xffff  }
0x2be: {  	s8 =	sadd.s32 $0x100, s1;
	s7 =	sadd.s32 $0xFFFFFFFF, s2;
	v14 =	vand.u32 $0x7D, v14;
	v9 =	vadd.f32 v9, v11;
	s6 =	sor.u32 s6, s5;
	v20 =	vld.idx.msk [tilespmem:v10+s16+$0x0], $0xffff;
	v13 =	vadd.f32 v13, v12  }
0x2bf: {  	s9 =	sadd.s32 $0x80, s1;
	v10 =	vmov s7;
	s7 =	sand.u32 $0x300, s8;
	v21 =	vor.u32 v2, v5;
	v5 =	vbroadcast v14, $0x0;
	v14 =	vld.idx.msk [tilespmem:v1+s6+$0x0 ss:$0x1], $0xffff  }
0x2c0: {  	s6 =	sand.u32 $0x280, s9;
	v10 =	vand.u32 $0x7E, v10;
	s7 =	sor.u32 s7, s5;
	v7 =	vsub.f32 v9, v7;
	v8 =	vadd.f32 v4, v8;
	v22 =	vld.idx.msk [tilespmem:v6+s16+$0x0], $0xffff  }
0x2c1: {  	v11 =	vbroadcast v15, $0x0;
	s8 =	sand.u32 $0x200, s1;
	s1 =	smov.u32 s4;
	s6 =	sor.u32 s6, s5;
	v6 =	vbroadcast v10, $0x0;
	v12 =	vor.u32 v2, v5;
	v5 =	vld.idx.msk [tilespmem:v1+s7+$0x0 ss:$0x1], $0xffff  }
.Ltmp5:
0x2c2: {  	s5 =	sor.u32 s8, s5;
	v7 =	vmul.f32 v7, v7;
	v8 =	vsub.f32 v8, v18;
	v15 =	vadd.f32 v19, v16;
	v4 =	vld.idx.msk [tilespmem:v1+s6+$0x0 ss:$0x1], $0xffff;
	(pc) =	sbr.rel @p0 .LBB2_13-.Ltmp5, $4  }
0x2c3: {  	v10 =	vor.u32 v2, v6;
	v6 =	vor.u32 v2, v11;
	v16 =	vadd.f32 v3, v17;
	v9 =	vld.idx.msk [tilespmem:v1+s5+$0x0 ss:$0x1], $0xffff  }
0x2c4: {  	v13 =	vadd.f32 v7, v13;
	v17 =	vmul.f32 v8, v8;
	v15 =	vsub.f32 v15, v20;
	v11 =	vld.idx.msk [tilespmem:v21+s15+$0x0], $0xffff  }
0x2c5: {  	s2 =	sadd.s32 $0x4, s2;
	v3 =	vmov v14;
	v7 =	vld.idx.msk [tilespmem:v21+s16+$0x0], $0xffff  }
0x2c6: {  	s4 =	sadd.s32 $0x200, s4;
	s5 =	sadd.s32 $0xFFFFFFFD, s2;
	v14 =	vadd.f32 v17, v13;
	v15 =	vmul.f32 v15, v15;
	v13 =	vsub.f32 v16, v22;
	v8 =	vld.idx.msk [tilespmem:v12+s15+$0x0], $0xffff  }
0x2c7: {  	_ =	sdelay $0x3  }
0x2c8: {  	v16 =	vmov s5;
	v12 =	vld.idx.msk [tilespmem:v12+s16+$0x0], $0xffff  }
0x2c9: {  	s0 =	sadd.s32 $0x800, s0;
	s4 =	sadd.s32 $0xFFFFFFFE, s2;
	v17 =	vld.idx.msk [tilespmem:v10+s15+$0x0], $0xffff;
	v16 =	vand.u32 $0x7C, v16  }
0x2ca: {  	s24 =	sadd.s32 $0x180, s1;
	v20 =	vld.idx.msk [tilespmem:v6+s15+$0x0], $0xffff;
	s26 =	sadd.s32 $0xFFFFFFFF, s2;
	s0 =	sand.u32 $0x7000, s0;
	v19 =	vmov s4;
	v16 =	vbroadcast v16, $0x0  }
0x2cb: {  	v18 =	vmov s2;
	s28 =	sadd.s32 $0x100, s1;
	v44 =	vld.idx.msk [tilespmem:v10+s16+$0x0], $0xffff;
	s25 =	sand.u32 $0x380, s24;
	v14 =	vadd.f32 v15, v14;
	s0 =	sor.u32 $0x800, s0;
	v43 =	vand.u32 $0x7D, v19  }
0x2cc: {  	s6 =	sadd.s32 $0x80, s1;
	v48 =	vld.idx.msk [tilespmem:v6+s16+$0x0], $0xffff;
	v46 =	vmov s26;
	s29 =	sand.u32 $0x300, s28;
	s4 =	sor.u32 s25, s0;
	v15 =	vbroadcast v43, $0x0;
	v45 =	vor.u32 v2, v16  }
0x2cd: {  	v13 =	vmul.f32 v13, v13;
	s30 =	sand.u32 $0x280, s6;
	v9 =	vadd.f32 v9, v11;
	s2 =	sor.u32 s29, s0;
	v47 =	vld.idx.msk [tilespmem:v1+s4+$0x0 ss:$0x1], $0xffff;
	v16 =	vand.u32 $0x7E, v46  }
0x2ce: {  	s31 =	sand.u32 $0x200, s1;
	v18 =	vand.u32 $0x7F, v18;
	s4 =	sor.u32 s30, s0;
	v51 =	vld.idx.msk [tilespmem:v1+s2+$0x0 ss:$0x1], $0xffff;
	v49 =	vor.u32 v2, v15;
	v50 =	vbroadcast v16, $0x0  }
0x2cf: {  	v52 =	vbroadcast v18, $0x0;
	v7 =	vsub.f32 v9, v7;
	v4 =	vadd.f32 v4, v8;
	s0 =	sor.u32 s31, s0;
	v53 =	vld.idx.msk [tilespmem:v1+s4+$0x0 ss:$0x1], $0xffff  }
0x2d0: {  	v13 =	vadd.f32 v13, v14;
	v1 =	vld.idx.msk [tilespmem:v1+s0+$0x0 ss:$0x1], $0xffff;
	v5 =	vadd.f32 v5, v17;
	v54 =	vor.u32 v2, v50  }
0x2d1: {  	v7 =	vmul.f32 v7, v7;
	v4 =	vsub.f32 v4, v12;
	v2 =	vor.u32 v2, v52;
	v55 =	vld.idx.msk [tilespmem:v45+s15+$0x0], $0xffff  }
0x2d2: {  	v3 =	vadd.f32 v3, v20;
	v11 =	vld.idx.msk [tilespmem:v45+s16+$0x0], $0xffff  }
0x2d3: {  	v5 =	vsub.f32 v5, v44;
	v7 =	vadd.f32 v7, v13;
	v4 =	vmul.f32 v4, v4;
	v56 =	vld.idx.msk [tilespmem:v49+s15+$0x0], $0xffff  }
0x2d4: {  	v9 =	vld.idx.msk [tilespmem:v49+s16+$0x0], $0xffff  }
0x2d5: {  	v3 =	vsub.f32 v3, v48;
	v5 =	vmul.f32 v5, v5;
	v4 =	vadd.f32 v4, v7;
	v57 =	vld.idx.msk [tilespmem:v54+s15+$0x0], $0xffff  }
0x2d6: {  	v58 =	vld.idx.msk [tilespmem:v2+s15+$0x0], $0xffff;
	v1 =	vadd.f32 v1, v55  }
0x2d7: {  	v3 =	vmul.f32 v3, v3;
	v4 =	vadd.f32 v5, v4;
	v59 =	vld.idx.msk [tilespmem:v54+s16+$0x0], $0xffff  }
0x2d8: {  	v60 =	vadd.f32 v53, v56;
	v1 =	vsub.f32 v1, v11  }
0x2d9: {  	v2 =	vld.idx.msk [tilespmem:v2+s16+$0x0], $0xffff;
	v3 =	vadd.f32 v3, v4  }
0x2da: {  	v61 =	vsub.f32 v60, v9;
	v6 =	vadd.f32 v51, v57;
	v1 =	vmul.f32 v1, v1  }
0x2db: {  	v7 =	vadd.f32 v47, v58  }
0x2dc: {  	v62 =	vsub.f32 v6, v59;
	v1 =	vadd.f32 v1, v3;
	v3 =	vmul.f32 v61, v61;
	_ =	sdelay $0x1  }
0x2dd: {  	v2 =	vsub.f32 v7, v2;
	v1 =	vadd.f32 v3, v1;
	v3 =	vmul.f32 v62, v62;
	_ =	sdelay $0x1  }
0x2de: {  	v2 =	vmul.f32 v2, v2;
	v1 =	vadd.f32 v3, v1;
	_ =	sdelay $0x1  }
0x2df: {  	v1 =	vadd.f32 v2, v1;
	_ =	sdelay $0x1  }
0x2e0: {  	v2 =	vshra.s32 v1, $0x1;
	v3 =	vmul.f32 $5.000000000e-01, v1  }
0x2e1: {  	v2 =	vsub.s32 $0x5F3759DF, v2  }
0x2e2: {  	v63 =	vmul.f32 v2, v3;
	_ =	sdelay $0x1  }
0x2e3: {  	v4 =	vmul.f32 v2, v63;
	_ =	sdelay $0x1  }
0x2e4: {  	v4 =	vsub.f32 $1.500000000e+00, v4;
	_ =	sdelay $0x1  }
0x2e5: {  	v2 =	vmul.f32 v2, v4;
	_ =	sdelay $0x1  }
0x2e6: {  	v4 =	vmul.f32 v2, v3;
	_ =	sdelay $0x1  }
0x2e7: {  	v4 =	vmul.f32 v4, v2;
	_ =	sdelay $0x1  }
0x2e8: {  	v4 =	vsub.f32 $1.500000000e+00, v4;
	_ =	sdelay $0x1  }
0x2e9: {  	v2 =	vmul.f32 v4, v2;
	_ =	sdelay $0x1  }
0x2ea: {  	v3 =	vmul.f32 v2, v3;
	_ =	sdelay $0x1  }
0x2eb: {  	v3 =	vmul.f32 v3, v2;
	_ =	sdelay $0x1  }
0x2ec: {  	v3 =	vsub.f32 $1.500000000e+00, v3;
	_ =	sdelay $0x1  }
0x2ed: {  	s19 =	sadd.s32 $0x1, s19;
	v2 =	vmul.f32 v3, v2  }
0x2ee: {  	p0 =	sne.s32 s19, $0x8  }
.Ltmp6:
0x2ef: {  	v1 =	vmul.f32 v2, v1;
	(pc) =	sbr.rel @p0 .LBB2_12-.Ltmp6, $3  }
0x2f0: {  	_ = 	snop  }
0x2f1: {  	v1 =	vsub.f32 $0.0e+00, v1;
	_ =	sdelay $0x1  }
0x2f2: {  	[tilespmem:s20+$0x18480] =	vst v1  }
0x2f3: {  	s0 =	simm.s32 $0x1  }
0x2f4: {  	_ =	swait.ge [sflag:s0], $0x4000  }
0x2f5: {  	[sflag:s0] =	ssyncset.done $0x0  }
0x2f6: {  	[sflag:s0] =	ssyncadd.s32 $0xFFFFC000  }
0x2f7: {  	_ =	swait.ge [sflag:s0], $0x4000  }
0x2f8: {  	[sflag:s0] =	ssyncset.done $0x0  }
0x2f9: {  	s10 =	simm.s32 $0x180;
	[sflag:s0] =	ssyncadd.s32 $0xFFFFC000  }
0x2fa: {  	s11 =	simm.s32 $0x380;
	v1 =	vld [tilespmem:s10+$0x0]  }
0x2fb: {  	v3 =	vld [tilespmem:s11+$0x0];
	_ =	sdelay $0x3  }
0x2fc: {  	v2 =	vshll.u32 v1, $0x4  }
0x2fd: {  	v1 =	vshll.u32 v3, $0x4;
	(v2sf) =	vpush v2, $0x0  }
0x2fe: {  	(v2sf) =	vpush v1, $0x0  }
0x2ff: {  	(v2sf) =	vpush v2, $0x1;
	_ =	sdelay $0x2  }
0x300: {  	(v2sf) =	vpush v1, $0x1;
	_ =	sdelay $0x1  }
0x301: {  	(v2sf) =	vpush v2, $0x2;
	_ =	sdelay $0x1  }
0x302: {  	(v2sf) =	vpush v1, $0x2;
	_ =	sdelay $0x1  }
0x303: {  	s19 =	simm.s32 $0x0;
	s21 =	simm.s32 $0x2000;
	(v2sf) =	vpush v2, $0x3  }
0x304: {  	s20 =	simm.s32 $0x0;
	s4 =	simm.s32 $0x14400;
	s1 =	simm.s32 $0x10680  }
0x305: {  	s2 =	simm.s32 $0x10880;
	s5 =	simm.s32 $0x10400;
	s7 =	simm.s32 $0x10600  }
0x306: {  	s8 =	simm.s32 $0x10580;
	s18 =	simm.s32 $0x10480;
	s24 =	simm.s32 $0x14480  }
0x307: {  	s26 =	simm.s32 $0x10500;
	s30 =	simm.s32 $0x10A00;
	s6 =	spop (v2sf);
	(v2sf) =	vpush v1, $0x3  }
0x308: {  	s29 =	simm.s32 $0x10B00;
	s6 =	sand.u32 $0x1FFFFFF0, s6;
	s9 =	spop (v2sf)  }
0x309: {  	s0 =	simm.s32 $0x14900;
	(v2sf) =	vpush v2, $0x4;
	s6 =	sadd.s32 s3, s6;
	s17 =	spop (v2sf)  }
0x30a: {  	[tilespmem:s5], [sflag:$0x2] =	stream.linear.gather [hbm4b:s6+s19], $0x80, $0x38;
	[tilespmem:$0x18600] =	vst v63  }
0x30b: {  	s12 =	sand.u32 $0x1FFFFFF0, s9;
	s5 =	simm.s32 $0x14580;
	s9 =	sand.u32 $0x1FFFFFF0, s17  }
0x30c: {  	(v2sf) =	vpush v1, $0x4;
	s6 =	sadd.s32 s3, s12;
	s10 =	spop (v2sf);
	s22 =	sadd.s32 s3, s9  }
0x30d: {  	(v2sf) =	vpush v2, $0x5;
	[tilespmem:s4], [sflag:$0x2] =	stream.linear.gather [hbm4b:s6+s19], $0x80, $0x38;
	[tilespmem:$0x18600] =	vst v63  }
0x30e: {  	s23 =	sand.u32 $0x1FFFFFF0, s10;
	s25 =	spop (v2sf);
	s10 =	simm.s32 $0x14A00  }
0x30f: {  	(v2sf) =	vpush v1, $0x5;
	[tilespmem:s18], [sflag:$0x2] =	stream.linear.gather [hbm4b:s22+s19], $0x80, $0x38;
	[tilespmem:$0x18600] =	vst v63  }
0x310: {  	s9 =	sadd.s32 s3, s23;
	(v2sf) =	vpush v2, $0x6;
	s6 =	sand.u32 $0x1FFFFFF0, s25;
	s28 =	spop (v2sf)  }
0x311: {  	[tilespmem:s24], [sflag:$0x2] =	stream.linear.gather [hbm4b:s9+s19], $0x80, $0x38;
	[tilespmem:$0x18600] =	vst v63  }
0x312: {  	s6 =	sadd.s32 s3, s6;
	s31 =	spop (v2sf);
	s9 =	sand.u32 $0x1FFFFFF0, s28  }
0x313: {  	[tilespmem:s26], [sflag:$0x2] =	stream.linear.gather [hbm4b:s6+s19], $0x80, $0x38;
	[tilespmem:$0x18600] =	vst v63  }
0x314: {  	(v2sf) =	vpush v1, $0x6;
	s11 =	sand.u32 $0x1FFFFFF0, s31;
	s9 =	sadd.s32 s3, s9;
	s6 =	simm.s32 $0x14500  }
0x315: {  	[tilespmem:s6], [sflag:$0x2] =	stream.linear.gather [hbm4b:s9+s19], $0x80, $0x38;
	[tilespmem:$0x18600] =	vst v63  }
0x316: {  	s18 =	simm.s32 $0x14600;
	s17 =	sadd.s32 s3, s11;
	s12 =	spop (v2sf)  }
0x317: {  	[tilespmem:s8], [sflag:$0x2] =	stream.linear.gather [hbm4b:s17+s19], $0x80, $0x38;
	[tilespmem:$0x18600] =	vst v63  }
0x318: {  	s31 =	simm.s32 $0x10700;
	(v2sf) =	vpush v2, $0x7;
	s4 =	sand.u32 $0x1FFFFFF0, s12;
	s22 =	spop (v2sf)  }
0x319: {  	s11 =	simm.s32 $0x10A80;
	s4 =	sadd.s32 s3, s4;
	s8 =	sand.u32 $0x1FFFFFF0, s22  }
0x31a: {  	(v2sf) =	vpush v1, $0x7;
	[tilespmem:s5], [sflag:$0x2] =	stream.linear.gather [hbm4b:s4+s19], $0x80, $0x38;
	[tilespmem:$0x18600] =	vst v63  }
0x31b: {  	s26 =	simm.s32 $0x14680;
	s23 =	spop (v2sf);
	(v2sf) =	vpush v2, $0x8;
	s24 =	sadd.s32 s3, s8  }
0x31c: {  	s25 =	sand.u32 $0x1FFFFFF0, s23;
	s28 =	spop (v2sf);
	s23 =	simm.s32 $0x14700  }
0x31d: {  	(v2sf) =	vpush v1, $0x8;
	[tilespmem:s7], [sflag:$0x2] =	stream.linear.gather [hbm4b:s24+s19], $0x80, $0x38;
	[tilespmem:$0x18600] =	vst v63  }
0x31e: {  	s5 =	sadd.s32 s3, s25;
	s8 =	spop (v2sf);
	s7 =	sand.u32 $0x1FFFFFF0, s28  }
0x31f: {  	(v2sf) =	vpush v2, $0x9;
	s9 =	spop (v2sf);
	s6 =	sadd.s32 s3, s7;
	s7 =	sand.u32 $0x1FFFFFF0, s8  }
0x320: {  	[tilespmem:s18], [sflag:$0x2] =	stream.linear.gather [hbm4b:s5+s19], $0x80, $0x38;
	[tilespmem:$0x18600] =	vst v63  }
0x321: {  	s17 =	sand.u32 $0x1FFFFFF0, s9;
	s8 =	simm.s32 $0x14A80;
	s9 =	simm.s32 $0x10800  }
0x322: {  	(v2sf) =	vpush v1, $0x9;
	[tilespmem:s1], [sflag:$0x2] =	stream.linear.gather [hbm4b:s6+s19], $0x80, $0x38;
	[tilespmem:$0x18600] =	vst v63  }
0x323: {  	s12 =	sadd.s32 s3, s7;
	s18 =	spop (v2sf);
	s22 =	sadd.s32 s3, s17  }
0x324: {  	(v2sf) =	vpush v2, $0xA;
	[tilespmem:s26], [sflag:$0x2] =	stream.linear.gather [hbm4b:s12+s19], $0x80, $0x38;
	[tilespmem:$0x18600] =	vst v63  }
0x325: {  	s5 =	simm.s32 $0x14780;
	s4 =	sand.u32 $0x1FFFFFF0, s18;
	s18 =	simm.s32 $0x14800  }
0x326: {  	(v2sf) =	vpush v1, $0xA;
	[tilespmem:s31], [sflag:$0x2] =	stream.linear.gather [hbm4b:s22+s19], $0x80, $0x38;
	[tilespmem:$0x18600] =	vst v63  }
0x327: {  	s1 =	simm.s32 $0x14980;
	s4 =	sadd.s32 s3, s4;
	s24 =	spop (v2sf)  }
0x328: {  	(v2sf) =	vpush v2, $0xB;
	[tilespmem:s23], [sflag:$0x2] =	stream.linear.gather [hbm4b:s4+s19], $0x80, $0x38;
	[tilespmem:$0x18600] =	vst v63  }
0x329: {  	s26 =	simm.s32 $0x10780;
	s6 =	sand.u32 $0x1FFFFFF0, s24;
	s25 =	spop (v2sf)  }
0x32a: {  	(v2sf) =	vpush v1, $0xB;
	s28 =	sadd.s32 s3, s6;
	s31 =	sand.u32 $0x1FFFFFF0, s25;
	s7 =	spop (v2sf)  }
0x32b: {  	[tilespmem:s26], [sflag:$0x2] =	stream.linear.gather [hbm4b:s28+s19], $0x80, $0x38;
	[tilespmem:$0x18600] =	vst v63  }
0x32c: {  	s24 =	simm.s32 $0x14880;
	s6 =	sadd.s32 s3, s31;
	s12 =	spop (v2sf)  }
0x32d: {  	[tilespmem:s5], [sflag:$0x2] =	stream.linear.gather [hbm4b:s6+s19], $0x80, $0x38;
	[tilespmem:$0x18600] =	vst v63  }
0x32e: {  	(v2sf) =	vpush v2, $0xC;
	s26 =	simm.s32 $0x10900;
	s17 =	spop (v2sf);
	s5 =	sand.u32 $0x1FFFFFF0, s7  }
0x32f: {  	s6 =	sand.u32 $0x1FFFFFF0, s12;
	s23 =	sand.u32 $0x1FFFFFF0, s17;
	s5 =	sadd.s32 s3, s5  }
0x330: {  	(v2sf) =	vpush v1, $0xC;
	[tilespmem:s9], [sflag:$0x2] =	stream.linear.gather [hbm4b:s5+s19], $0x80, $0x38;
	[tilespmem:$0x18600] =	vst v63  }
0x331: {  	s25 =	spop (v2sf);
	s7 =	simm.s32 $0x14B00;
	s22 =	sadd.s32 s3, s6  }
0x332: {  	[tilespmem:s18], [sflag:$0x2] =	stream.linear.gather [hbm4b:s22+s19], $0x80, $0x38;
	[tilespmem:$0x18600] =	vst v63  }
0x333: {  	s6 =	sadd.s32 s3, s23;
	s28 =	spop (v2sf);
	s5 =	sand.u32 $0x1FFFFFF0, s25  }
0x334: {  	[tilespmem:s2], [sflag:$0x2] =	stream.linear.gather [hbm4b:s6+s19], $0x80, $0x38;
	[tilespmem:$0x18600] =	vst v63  }
0x335: {  	s31 =	spop (v2sf);
	s5 =	sadd.s32 s3, s5;
	s6 =	sand.u32 $0x1FFFFFF0, s28  }
0x336: {  	[tilespmem:s24], [sflag:$0x2] =	stream.linear.gather [hbm4b:s5+s19], $0x80, $0x38;
	[tilespmem:$0x18600] =	vst v63  }
0x337: {  	s12 =	sand.u32 $0x1FFFFFF0, s31;
	s9 =	sadd.s32 s3, s6;
	s17 =	spop (v2sf)  }
0x338: {  	[tilespmem:s26], [sflag:$0x2] =	stream.linear.gather [hbm4b:s9+s19], $0x80, $0x38;
	[tilespmem:$0x18600] =	vst v63  }
0x339: {  	s18 =	sadd.s32 s3, s12;
	s22 =	sand.u32 $0x1FFFFFF0, s17;
	s23 =	spop (v2sf)  }
0x33a: {  	(v2sf) =	vpush v2, $0xD;
	[tilespmem:s0], [sflag:$0x2] =	stream.linear.gather [hbm4b:s18+s19], $0x80, $0x38;
	[tilespmem:$0x18600] =	vst v63  }
0x33b: {  	s24 =	simm.s32 $0x10980;
	(v2sf) =	vpush v1, $0xD;
	s25 =	sadd.s32 s3, s22;
	s26 =	sand.u32 $0x1FFFFFF0, s23  }
0x33c: {  	(v2sf) =	vpush v2, $0xE;
	[tilespmem:s24], [sflag:$0x2] =	stream.linear.gather [hbm4b:s25+s19], $0x80, $0x38;
	[tilespmem:$0x18600] =	vst v63  }
0x33d: {  	s28 =	sadd.s32 s3, s26;
	(v2sf) =	vpush v1, $0xE;
	s26 =	simm.s32 $0x190;
	s31 =	spop (v2sf)  }
0x33e: {  	(v2sf) =	vpush v2, $0xF;
	[tilespmem:s1], [sflag:$0x2] =	stream.linear.gather [hbm4b:s28+s19], $0x80, $0x38;
	[tilespmem:$0x18600] =	vst v63  }
0x33f: {  	s25 =	simm.s32 $0x390;
	s0 =	sand.u32 $0x1FFFFFF0, s31;
	(v2sf) =	vpush v1, $0xF;
	s1 =	spop (v2sf)  }
.LBB2_16:
0x340: {  	_ =	sdelay $0x4  }
0x341: {  	s0 =	sadd.s32 s3, s0;
	s1 =	sand.u32 $0x1FFFFFF0, s1  }
0x342: {  	[tilespmem:s30], [sflag:$0x2] =	stream.linear.gather [hbm4b:s0+s19], $0x80, $0x38;
	[tilespmem:$0x18600] =	vst v63  }
0x343: {  	s24 =	sadd.s32 s3, s1  }
0x344: {  	[tilespmem:s10], [sflag:$0x2] =	stream.linear.gather [hbm4b:s24+s19], $0x80, $0x38;
	[tilespmem:$0x18600] =	vst v63  }
0x345: {  	s2 =	spop (v2sf)  }
0x346: {  	s28 =	sand.u32 $0x1FFFFFF0, s2;
	s31 =	spop (v2sf)  }
0x347: {  	s1 =	sadd.s32 s3, s28;
	s2 =	sand.u32 $0x1FFFFFF0, s31;
	s4 =	spop (v2sf)  }
0x348: {  	[tilespmem:s11], [sflag:$0x2] =	stream.linear.gather [hbm4b:s1+s19], $0x80, $0x38;
	[tilespmem:$0x18600] =	vst v63  }
0x349: {  	s5 =	sadd.s32 s3, s2;
	s6 =	sand.u32 $0x1FFFFFF0, s4;
	s9 =	spop (v2sf)  }
0x34a: {  	[tilespmem:s8], [sflag:$0x2] =	stream.linear.gather [hbm4b:s5+s19], $0x80, $0x38;
	[tilespmem:$0x18600] =	vst v63  }
0x34b: {  	s10 =	sadd.s32 s3, s6;
	s11 =	sand.u32 $0x1FFFFFF0, s9;
	s12 =	spop (v2sf)  }
0x34c: {  	[tilespmem:s29], [sflag:$0x2] =	stream.linear.gather [hbm4b:s10+s19], $0x80, $0x38;
	[tilespmem:$0x18600] =	vst v63  }
0x34d: {  	s17 =	sadd.s32 s3, s11;
	s18 =	sand.u32 $0x1FFFFFF0, s12;
	s22 =	spop (v2sf)  }
0x34e: {  	[tilespmem:s7], [sflag:$0x2] =	stream.linear.gather [hbm4b:s17+s19], $0x80, $0x38;
	[tilespmem:$0x18600] =	vst v63  }
0x34f: {  	s23 =	sadd.s32 $0x10B80, s20;
	s1 =	sadd.s32 s3, s18;
	s2 =	sand.u32 $0x1FFFFFF0, s22  }
0x350: {  	[tilespmem:s23], [sflag:$0x2] =	stream.linear.gather [hbm4b:s1+s19], $0x80, $0x38;
	[tilespmem:$0x18600] =	vst v63  }
0x351: {  	s24 =	sadd.s32 $0x14B80, s20;
	s28 =	sadd.s32 s3, s2  }
0x352: {  	[tilespmem:s24], [sflag:$0x2] =	stream.linear.gather [hbm4b:s28+s19], $0x80, $0x38;
	[tilespmem:$0x18600] =	vst v63  }
0x353: {  	v1 =	vld [tilespmem:s26+$0x0];
	_ =	sdelay $0x1  }
0x354: {  	v3 =	vld [tilespmem:s25+$0x0];
	_ =	sdelay $0x2  }
0x355: {  	v2 =	vshll.u32 v1, $0x4  }
0x356: {  	s31 =	smov.u32 s21;
	(v2sf) =	vpush v2, $0x0  }
0x357: {  	s20 =	sshra.s32 s31, $0x2;
	v1 =	vshll.u32 v3, $0x4  }
0x358: {  	p0 =	sne.s32 s21, $0xE000;
	s21 =	sadd.s32 $0x2000, s21;
	s0 =	sadd.s32 $0x10680, s20;
	(v2sf) =	vpush v1, $0x0  }
0x359: {  	s31 =	sadd.s32 $0x10580, s20;
	s4 =	sadd.s32 $0x14A00, s20;
	s9 =	sadd.s32 $0x10500, s20;
	(v2sf) =	vpush v2, $0x1  }
0x35a: {  	s6 =	sadd.s32 $0x14980, s20;
	s30 =	sadd.s32 $0x10A00, s20;
	[smem:$0x7E3] =	sst s0  }
0x35b: {  	s5 =	sadd.s32 $0x10600, s20;
	[smem:$0x7E5] =	sst s4;
	s4 =	sadd.s32 $0x14480, s20;
	(v2sf) =	vpush v1, $0x1  }
0x35c: {  	s11 =	sadd.s32 $0x14680, s20;
	[dreg:$0xc] =	wrdreg s6;
	s8 =	sadd.s32 $0x14A80, s20  }
0x35d: {  	s12 =	sadd.s32 $0x14700, s20;
	s6 =	sadd.s32 $0x14800, s20;
	s22 =	sadd.s32 $0x14580, s20;
	(v2sf) =	vpush v2, $0x2  }
0x35e: {  	s18 =	sadd.s32 $0x10700, s20;
	[smem:$0x7E8] =	sst s6;
	s2 =	sadd.s32 $0x14900, s20  }
0x35f: {  	s10 =	sadd.s32 $0x10A80, s20;
	[dreg:$0x8] =	wrdreg s2;
	s7 =	sadd.s32 $0x14880, s20;
	(v2sf) =	vpush v1, $0x2  }
0x360: {  	s29 =	sadd.s32 $0x10B00, s20;
	[dreg:$0x19] =	wrdreg s7;
	s7 =	sadd.s32 $0x14780, s20  }
0x361: {  	s2 =	sadd.s32 $0x14600, s20;
	s1 =	sadd.s32 $0x10880, s20;
	[smem:$0x7E6] =	sst s7;
	(v2sf) =	vpush v2, $0x3  }
0x362: {  	s17 =	sadd.s32 $0x14400, s20;
	[dreg:$0x11] =	wrdreg s1;
	s24 =	sadd.s32 $0x10900, s20  }
0x363: {  	s23 =	sadd.s32 $0x10400, s20;
	s28 =	sadd.s32 $0x10780, s20;
	[dreg:$0x15] =	wrdreg s24;
	(v2sf) =	vpush v1, $0x3  }
0x364: {  	s7 =	sadd.s32 $0x14B00, s20;
	s1 =	sadd.s32 $0x14500, s20;
	[smem:$0x7E4] =	sst s28  }
0x365: {  	s24 =	sadd.s32 $0x10480, s20;
	s28 =	sadd.s32 $0x10800, s20;
	(v2sf) =	vpush v2, $0x4;
	s6 =	spop (v2sf)  }
0x366: {  	[smem:$0x7E7] =	sst s28;
	s0 =	sand.u32 $0x1FFFFFF0, s6;
	s6 =	sadd.s32 $0x10980, s20  }
0x367: {  	s25 =	sadd.s32 $0x10, s25;
	s28 =	spop (v2sf);
	(v2sf) =	vpush v1, $0x4;
	[dreg:$0x1d] =	wrdreg s6  }
0x368: {  	s0 =	sadd.s32 s3, s0;
	s28 =	sand.u32 $0x1FFFFFF0, s28;
	s6 =	spop (v2sf)  }
0x369: {  	(v2sf) =	vpush v2, $0x5;
	[tilespmem:s23], [sflag:$0x2] =	stream.linear.gather [hbm4b:s0+s19], $0x80, $0x38;
	[tilespmem:$0x18600] =	vst v63  }
0x36a: {  	s23 =	sadd.s32 s3, s28;
	s6 =	sand.u32 $0x1FFFFFF0, s6;
	s28 =	spop (v2sf);
	(v2sf) =	vpush v1, $0x5  }
0x36b: {  	[tilespmem:s17], [sflag:$0x2] =	stream.linear.gather [hbm4b:s23+s19], $0x80, $0x38;
	[tilespmem:$0x18600] =	vst v63  }
0x36c: {  	s17 =	sadd.s32 s3, s6;
	s23 =	sand.u32 $0x1FFFFFF0, s28;
	s28 =	spop (v2sf);
	(v2sf) =	vpush v2, $0x6  }
0x36d: {  	[tilespmem:s24], [sflag:$0x2] =	stream.linear.gather [hbm4b:s17+s19], $0x80, $0x38;
	[tilespmem:$0x18600] =	vst v63  }
0x36e: {  	s23 =	sadd.s32 s3, s23;
	s24 =	sand.u32 $0x1FFFFFF0, s28;
	s28 =	spop (v2sf)  }
0x36f: {  	[tilespmem:s4], [sflag:$0x2] =	stream.linear.gather [hbm4b:s23+s19], $0x80, $0x38;
	[tilespmem:$0x18600] =	vst v63  }
0x370: {  	(v2sf) =	vpush v1, $0x6;
	s6 =	sand.u32 $0x1FFFFFF0, s28;
	s17 =	spop (v2sf);
	s4 =	sadd.s32 s3, s24  }
0x371: {  	[tilespmem:s9], [sflag:$0x2] =	stream.linear.gather [hbm4b:s4+s19], $0x80, $0x38;
	[tilespmem:$0x18600] =	vst v63  }
0x372: {  	(v2sf) =	vpush v2, $0x7;
	s23 =	sadd.s32 s3, s6;
	s24 =	sand.u32 $0x1FFFFFF0, s17;
	s28 =	spop (v2sf)  }
0x373: {  	(v2sf) =	vpush v1, $0x7;
	[tilespmem:s1], [sflag:$0x2] =	stream.linear.gather [hbm4b:s23+s19], $0x80, $0x38;
	[tilespmem:$0x18600] =	vst v63  }
0x374: {  	s17 =	sand.u32 $0x1FFFFFF0, s28;
	s9 =	sadd.s32 s3, s24;
	s23 =	spop (v2sf)  }
0x375: {  	[tilespmem:s31], [sflag:$0x2] =	stream.linear.gather [hbm4b:s9+s19], $0x80, $0x38;
	[tilespmem:$0x18600] =	vst v63  }
0x376: {  	s24 =	sadd.s32 s3, s17;
	s28 =	sand.u32 $0x1FFFFFF0, s23;
	s31 =	spop (v2sf)  }
0x377: {  	(v2sf) =	vpush v2, $0x8;
	[tilespmem:s22], [sflag:$0x2] =	stream.linear.gather [hbm4b:s24+s19], $0x80, $0x38;
	[tilespmem:$0x18600] =	vst v63  }
0x378: {  	s26 =	sadd.s32 $0x10, s26;
	s1 =	sadd.s32 s3, s28;
	s6 =	spop (v2sf)  }
0x379: {  	(v2sf) =	vpush v1, $0x8;
	s4 =	sand.u32 $0x1FFFFFF0, s31;
	s31 =	sld [smem:$0x7E3];
	s22 =	spop (v2sf)  }
0x37a: {  	(v2sf) =	vpush v2, $0x9;
	[tilespmem:s5], [sflag:$0x2] =	stream.linear.gather [hbm4b:s1+s19], $0x80, $0x38;
	[tilespmem:$0x18600] =	vst v63  }
0x37b: {  	s9 =	sadd.s32 s3, s4;
	s17 =	sand.u32 $0x1FFFFFF0, s6;
	s28 =	spop (v2sf)  }
0x37c: {  	[tilespmem:s2], [sflag:$0x2] =	stream.linear.gather [hbm4b:s9+s19], $0x80, $0x38;
	[tilespmem:$0x18600] =	vst v63  }
0x37d: {  	(v2sf) =	vpush v1, $0x9;
	s23 =	sadd.s32 s3, s17;
	s24 =	sand.u32 $0x1FFFFFF0, s22;
	s4 =	sand.u32 $0x1FFFFFF0, s28  }
0x37e: {  	[tilespmem:s31], [sflag:$0x2] =	stream.linear.gather [hbm4b:s23+s19], $0x80, $0x38;
	[tilespmem:$0x18600] =	vst v63  }
0x37f: {  	(v2sf) =	vpush v2, $0xA;
	s1 =	sadd.s32 s3, s24;
	s5 =	spop (v2sf);
	s6 =	sadd.s32 s3, s4  }
0x380: {  	[tilespmem:s11], [sflag:$0x2] =	stream.linear.gather [hbm4b:s1+s19], $0x80, $0x38;
	[tilespmem:$0x18600] =	vst v63  }
0x381: {  	(v2sf) =	vpush v1, $0xA;
	s9 =	sand.u32 $0x1FFFFFF0, s5;
	s11 =	smov.u32 s10;
	s10 =	spop (v2sf)  }
0x382: {  	s31 =	sld [smem:$0x7E4];
	s17 =	sadd.s32 s3, s9;
	s22 =	spop (v2sf)  }
0x383: {  	[tilespmem:s18], [sflag:$0x2] =	stream.linear.gather [hbm4b:s6+s19], $0x80, $0x38;
	[tilespmem:$0x18600] =	vst v63  }
0x384: {  	s9 =	sld [smem:$0x7E6];
	s18 =	sand.u32 $0x1FFFFFF0, s10;
	s24 =	sand.u32 $0x1FFFFFF0, s22  }
0x385: {  	(v2sf) =	vpush v2, $0xB;
	[tilespmem:s12], [sflag:$0x2] =	stream.linear.gather [hbm4b:s17+s19], $0x80, $0x38;
	[tilespmem:$0x18600] =	vst v63  }
0x386: {  	s10 =	sld [smem:$0x7E5];
	s23 =	sadd.s32 s3, s18;
	s28 =	spop (v2sf)  }
0x387: {  	(v2sf) =	vpush v1, $0xB;
	[tilespmem:s31], [sflag:$0x2] =	stream.linear.gather [hbm4b:s23+s19], $0x80, $0x38;
	[tilespmem:$0x18600] =	vst v63  }
0x388: {  	s22 =	sld [smem:$0x7E7];
	s5 =	sand.u32 $0x1FFFFFF0, s28;
	s6 =	spop (v2sf)  }
0x389: {  	s4 =	sadd.s32 s3, s24;
	s12 =	sadd.s32 s3, s5;
	s18 =	spop (v2sf)  }
0x38a: {  	(v2sf) =	vpush v2, $0xC;
	[tilespmem:s9], [sflag:$0x2] =	stream.linear.gather [hbm4b:s4+s19], $0x80, $0x38;
	[tilespmem:$0x18600] =	vst v63  }
0x38b: {  	s31 =	sld [smem:$0x7E8];
	s17 =	sand.u32 $0x1FFFFFF0, s6;
	s24 =	sand.u32 $0x1FFFFFF0, s18  }
0x38c: {  	(v2sf) =	vpush v1, $0xC;
	s23 =	sadd.s32 s3, s17;
	s28 =	spop (v2sf);
	s5 =	sadd.s32 s3, s24  }
0x38d: {  	[tilespmem:s22], [sflag:$0x2] =	stream.linear.gather [hbm4b:s12+s19], $0x80, $0x38;
	[tilespmem:$0x18600] =	vst v63  }
0x38e: {  	s6 =	sand.u32 $0x1FFFFFF0, s28;
	s9 =	spop (v2sf);
	s12 =	rddreg [dreg:$0x11]  }
0x38f: {  	[tilespmem:s31], [sflag:$0x2] =	stream.linear.gather [hbm4b:s23+s19], $0x80, $0x38;
	[tilespmem:$0x18600] =	vst v63  }
0x390: {  	s17 =	sadd.s32 s3, s6;
	s18 =	sand.u32 $0x1FFFFFF0, s9;
	s22 =	spop (v2sf)  }
0x391: {  	[tilespmem:s12], [sflag:$0x2] =	stream.linear.gather [hbm4b:s5+s19], $0x80, $0x38;
	[tilespmem:$0x18600] =	vst v63  }
0x392: {  	s23 =	rddreg [dreg:$0x19];
	s24 =	sadd.s32 s3, s18;
	s28 =	sand.u32 $0x1FFFFFF0, s22  }
0x393: {  	[tilespmem:s23], [sflag:$0x2] =	stream.linear.gather [hbm4b:s17+s19], $0x80, $0x38;
	[tilespmem:$0x18600] =	vst v63  }
0x394: {  	s5 =	rddreg [dreg:$0x15];
	s6 =	sadd.s32 s3, s28;
	s31 =	spop (v2sf)  }
0x395: {  	[tilespmem:s5], [sflag:$0x2] =	stream.linear.gather [hbm4b:s24+s19], $0x80, $0x38;
	[tilespmem:$0x18600] =	vst v63  }
0x396: {  	s9 =	sand.u32 $0x1FFFFFF0, s31;
	s12 =	spop (v2sf);
	s17 =	rddreg [dreg:$0x8]  }
0x397: {  	(v2sf) =	vpush v2, $0xD;
	[tilespmem:s17], [sflag:$0x2] =	stream.linear.gather [hbm4b:s6+s19], $0x80, $0x38;
	[tilespmem:$0x18600] =	vst v63  }
.Ltmp7:
0x398: {  	(v2sf) =	vpush v1, $0xD;
	s31 =	rddreg [dreg:$0xc];
	s18 =	sadd.s32 s3, s9;
	(pc) =	sbr.rel @p0 .LBB2_16-.Ltmp7, $4  }
0x399: {  	(v2sf) =	vpush v2, $0xE;
	s22 =	sand.u32 $0x1FFFFFF0, s12;
	s23 =	spop (v2sf);
	s24 =	rddreg [dreg:$0x1d]  }
0x39a: {  	(v2sf) =	vpush v1, $0xE;
	[tilespmem:s24], [sflag:$0x2] =	stream.linear.gather [hbm4b:s18+s19], $0x80, $0x38;
	[tilespmem:$0x18600] =	vst v63  }
0x39b: {  	(v2sf) =	vpush v2, $0xF;
	s28 =	sadd.s32 s3, s22;
	s0 =	sand.u32 $0x1FFFFFF0, s23;
	s1 =	spop (v2sf)  }
0x39c: {  	(v2sf) =	vpush v1, $0xF;
	[tilespmem:s31], [sflag:$0x2] =	stream.linear.gather [hbm4b:s28+s19], $0x80, $0x38;
	[tilespmem:$0x18600] =	vst v63  }
0x39d: {  	_ =	sdelay $0x4  }
0x39e: {  	s0 =	sadd.s32 s3, s0;
	s1 =	sand.u32 $0x1FFFFFF0, s1  }
0x39f: {  	[tilespmem:s30], [sflag:$0x2] =	stream.linear.gather [hbm4b:s0+s19], $0x80, $0x38;
	[tilespmem:$0x18600] =	vst v63  }
0x3a0: {  	s4 =	sadd.s32 s3, s1  }
0x3a1: {  	[tilespmem:s10], [sflag:$0x2] =	stream.linear.gather [hbm4b:s4+s19], $0x80, $0x38;
	[tilespmem:$0x18600] =	vst v63  }
0x3a2: {  	s2 =	spop (v2sf)  }
0x3a3: {  	s5 =	sand.u32 $0x1FFFFFF0, s2;
	s6 =	spop (v2sf)  }
0x3a4: {  	s9 =	sadd.s32 s3, s5;
	s10 =	sand.u32 $0x1FFFFFF0, s6;
	s12 =	spop (v2sf)  }
0x3a5: {  	[tilespmem:s11], [sflag:$0x2] =	stream.linear.gather [hbm4b:s9+s19], $0x80, $0x38;
	[tilespmem:$0x18600] =	vst v63  }
0x3a6: {  	s17 =	sadd.s32 s3, s10;
	s18 =	sand.u32 $0x1FFFFFF0, s12;
	s21 =	spop (v2sf)  }
0x3a7: {  	[tilespmem:s8], [sflag:$0x2] =	stream.linear.gather [hbm4b:s17+s19], $0x80, $0x38;
	[tilespmem:$0x18600] =	vst v63  }
0x3a8: {  	s22 =	sadd.s32 s3, s18;
	s23 =	sand.u32 $0x1FFFFFF0, s21;
	s24 =	spop (v2sf)  }
0x3a9: {  	[tilespmem:s29], [sflag:$0x2] =	stream.linear.gather [hbm4b:s22+s19], $0x80, $0x38;
	[tilespmem:$0x18600] =	vst v63  }
0x3aa: {  	s25 =	sadd.s32 s3, s23;
	s26 =	sand.u32 $0x1FFFFFF0, s24;
	s28 =	spop (v2sf)  }
0x3ab: {  	[tilespmem:s7], [sflag:$0x2] =	stream.linear.gather [hbm4b:s25+s19], $0x80, $0x38;
	[tilespmem:$0x18600] =	vst v63  }
0x3ac: {  	s1 =	sadd.s32 s3, s26;
	s2 =	sand.u32 $0x1FFFFFF0, s28;
	s29 =	sadd.s32 $0x10B80, s20  }
0x3ad: {  	[tilespmem:s29], [sflag:$0x2] =	stream.linear.gather [hbm4b:s1+s19], $0x80, $0x38;
	[tilespmem:$0x18600] =	vst v63  }
0x3ae: {  	s30 =	sadd.s32 $0x14B80, s20;
	s11 =	simm.s32 $0x0;
	s31 =	sadd.s32 s3, s2  }
0x3af: {  	[tilespmem:s30], [sflag:$0x2] =	stream.linear.gather [hbm4b:s31+s19], $0x80, $0x38;
	[tilespmem:$0x18600] =	vst v63  }
.LBB2_18:
0x3b0: {  	s20 =	sshll.u32 s19, $0x4;
	s0 =	simm.s32 $0x0  }
0x3b1: {  	v1 =	vmov s20;
	v2 =	vmov s0  }
0x3b2: {  	s1 =	simm.s32 $0x0;
	s2 =	simm.s32 $0x1;
	s4 =	simm.s32 $0x3;
	v2 =	vand.u32 $0x7C, v2  }
0x3b3: {  	s5 =	simm.s32 $0x180;
	s9 =	simm.s32 $0x2;
	s7 =	sand.u32 $0x7000, s1;
	v6 =	vmov s4;
	v3 =	vshll.u32 v1, $0x7;
	v4 =	vbroadcast v2, $0x0  }
0x3b4: {  	s6 =	simm.s32 $0x100;
	v5 =	vmov s2;
	s8 =	sand.u32 $0x380, s5;
	s0 =	sor.u32 $0xC00, s7;
	v6 =	vand.u32 $0x7F, v6;
	v2 =	vor.u32 v0, v3  }
0x3b5: {  	s10 =	sand.u32 $0x300, s6;
	s7 =	simm.s32 $0x80;
	v3 =	vand.u32 $0x7D, v5;
	s2 =	sor.u32 s8, s0;
	v6 =	vbroadcast v6, $0x0;
	v4 =	vor.u32 v2, v4  }
0x3b6: {  	v5 =	vmov s9;
	s12 =	sand.u32 $0x280, s7;
	s17 =	sor.u32 s10, s0;
	v3 =	vbroadcast v3, $0x0;
	v7 =	vld.idx.msk [tilespmem:v1+s2+$0x0 ss:$0x1], $0xffff  }
0x3b7: {  	s1 =	sand.u32 $0x200, s1;
	v5 =	vand.u32 $0x7E, v5;
	v6 =	vor.u32 v2, v6;
	s2 =	sor.u32 s12, s0;
	v8 =	vld.idx.msk [tilespmem:v1+s17+$0x0 ss:$0x1], $0xffff  }
0x3b8: {  	v5 =	vbroadcast v5, $0x0;
	v3 =	vor.u32 v2, v3;
	s0 =	sor.u32 s1, s0;
	v9 =	vld.idx.msk [tilespmem:v1+s2+$0x0 ss:$0x1], $0xffff  }
0x3b9: {  	v10 =	vld.idx.msk [tilespmem:v1+s0+$0x0 ss:$0x1], $0xffff  }
0x3ba: {  	v5 =	vor.u32 v2, v5;
	v11 =	vld.idx.msk [tilespmem:v4+s13+$0x0], $0xffff  }
0x3bb: {  	v4 =	vld.idx.msk [tilespmem:v4+s14+$0x0], $0xffff  }
0x3bc: {  	v16 =	vld.idx.msk [tilespmem:v6+s13+$0x0], $0xffff  }
0x3bd: {  	s18 =	simm.s32 $0x4;
	s22 =	simm.s32 $0x5;
	v12 =	vld.idx.msk [tilespmem:v3+s13+$0x0], $0xffff  }
0x3be: {  	v13 =	vmov s18;
	v15 =	vmov s22;
	v14 =	vld.idx.msk [tilespmem:v3+s14+$0x0], $0xffff  }
0x3bf: {  	s25 =	simm.s32 $0x7;
	v15 =	vand.u32 $0x7D, v15;
	s0 =	simm.s32 $0x800;
	v3 =	vand.u32 $0x7C, v13;
	v13 =	vld.idx.msk [tilespmem:v5+s13+$0x0], $0xffff  }
0x3c0: {  	s23 =	simm.s32 $0x380;
	s26 =	simm.s32 $0x300;
	s21 =	sand.u32 $0x7000, s0;
	v3 =	vbroadcast v3, $0x0;
	v18 =	vld.idx.msk [tilespmem:v5+s14+$0x0], $0xffff;
	v5 =	vmov s25;
	v10 =	vadd.f32 v10, v11  }
0x3c1: {  	s28 =	simm.s32 $0x6;
	s5 =	sand.u32 $0x300, s26;
	s1 =	sor.u32 $0xC00, s21;
	v20 =	vld.idx.msk [tilespmem:v6+s14+$0x0], $0xffff;
	v6 =	vand.u32 $0x7F, v5;
	v11 =	vbroadcast v15, $0x0  }
0x3c2: {  	s29 =	simm.s32 $0x280;
	s24 =	sand.u32 $0x380, s23;
	s5 =	sor.u32 s5, s1;
	v19 =	vor.u32 v2, v3;
	v15 =	vmov s28;
	v10 =	vsub.f32 v10, v4  }
0x3c3: {  	s30 =	simm.s32 $0x200;
	s31 =	sand.u32 $0x280, s29;
	s2 =	sor.u32 s24, s1;
	v5 =	vld.idx.msk [tilespmem:v1+s5+$0x0 ss:$0x1], $0xffff;
	v9 =	vadd.f32 v9, v12;
	v15 =	vand.u32 $0x7E, v15;
	v12 =	vor.u32 v2, v11  }
0x3c4: {  	s4 =	sor.u32 s31, s1;
	v3 =	vld.idx.msk [tilespmem:v1+s2+$0x0 ss:$0x1], $0xffff;
	s2 =	sand.u32 $0x200, s30;
	v8 =	vadd.f32 v8, v13;
	v13 =	vbroadcast v15, $0x0;
	v10 =	vmul.f32 v10, v10  }
0x3c5: {  	v17 =	vimm.f32 $0.0e+00;
	v6 =	vbroadcast v6, $0x0;
	s1 =	sor.u32 s2, s1;
	v4 =	vld.idx.msk [tilespmem:v1+s4+$0x0 ss:$0x1], $0xffff;
	v14 =	vsub.f32 v9, v14  }
0x3c6: {  	v16 =	vadd.f32 v7, v16;
	v9 =	vld.idx.msk [tilespmem:v1+s1+$0x0 ss:$0x1], $0xffff;
	v15 =	vadd.f32 v10, v17;
	v10 =	vor.u32 v2, v13  }
0x3c7: {  	v6 =	vor.u32 v2, v6;
	v11 =	vld.idx.msk [tilespmem:v19+s13+$0x0], $0xffff;
	v14 =	vmul.f32 v14, v14;
	v17 =	vsub.f32 v8, v18  }
0x3c8: {  	s5 =	simm.s32 $0x8;
	v7 =	vld.idx.msk [tilespmem:v19+s14+$0x0], $0xffff  }
0x3c9: {  	s2 =	simm.s32 $0xB;
	s4 =	simm.s32 $0x600;
	s1 =	simm.s32 $0x400;
	v13 =	vsub.f32 v16, v20;
	v8 =	vld.idx.msk [tilespmem:v12+s13+$0x0], $0xffff;
	v14 =	vadd.f32 v14, v15;
	v15 =	vmul.f32 v17, v17  }
.LBB2_19:
0x3ca: {  	p0 =	sne.s32 s4, $0x1E00;
	v16 =	vmov s5;
	v17 =	vmov s2;
	v18 =	vld.idx.msk [tilespmem:v12+s14+$0x0], $0xffff;
	s0 =	sadd.s32 $0x800, s0;
	v19 =	vmov v5  }
0x3cb: {  	s6 =	sadd.s32 $0xFFFFFFFE, s2;
	s7 =	sadd.s32 $0x180, s1;
	v5 =	vand.u32 $0x7C, v16;
	s5 =	sand.u32 $0x7000, s0;
	v16 =	vld.idx.msk [tilespmem:v10+s13+$0x0], $0xffff;
	v12 =	vadd.f32 v15, v14;
	v13 =	vmul.f32 v13, v13  }
0x3cc: {  	v14 =	vmov s6;
	v15 =	vand.u32 $0x7F, v17;
	s6 =	sand.u32 $0x380, s7;
	v5 =	vbroadcast v5, $0x0;
	s5 =	sor.u32 $0xC00, s5;
	v17 =	vld.idx.msk [tilespmem:v6+s13+$0x0], $0xffff  }
0x3cd: {  	s8 =	sadd.s32 $0x100, s1;
	s7 =	sadd.s32 $0xFFFFFFFF, s2;
	v14 =	vand.u32 $0x7D, v14;
	v9 =	vadd.f32 v9, v11;
	s6 =	sor.u32 s6, s5;
	v20 =	vld.idx.msk [tilespmem:v10+s14+$0x0], $0xffff;
	v13 =	vadd.f32 v13, v12  }
0x3ce: {  	s9 =	sadd.s32 $0x80, s1;
	v10 =	vmov s7;
	s7 =	sand.u32 $0x300, s8;
	v21 =	vor.u32 v2, v5;
	v5 =	vbroadcast v14, $0x0;
	v14 =	vld.idx.msk [tilespmem:v1+s6+$0x0 ss:$0x1], $0xffff  }
0x3cf: {  	s6 =	sand.u32 $0x280, s9;
	v10 =	vand.u32 $0x7E, v10;
	s7 =	sor.u32 s7, s5;
	v7 =	vsub.f32 v9, v7;
	v8 =	vadd.f32 v4, v8;
	v22 =	vld.idx.msk [tilespmem:v6+s14+$0x0], $0xffff  }
0x3d0: {  	v11 =	vbroadcast v15, $0x0;
	s8 =	sand.u32 $0x200, s1;
	s1 =	smov.u32 s4;
	s6 =	sor.u32 s6, s5;
	v6 =	vbroadcast v10, $0x0;
	v12 =	vor.u32 v2, v5;
	v5 =	vld.idx.msk [tilespmem:v1+s7+$0x0 ss:$0x1], $0xffff  }
.Ltmp8:
0x3d1: {  	s5 =	sor.u32 s8, s5;
	v7 =	vmul.f32 v7, v7;
	v8 =	vsub.f32 v8, v18;
	v15 =	vadd.f32 v19, v16;
	v4 =	vld.idx.msk [tilespmem:v1+s6+$0x0 ss:$0x1], $0xffff;
	(pc) =	sbr.rel @p0 .LBB2_19-.Ltmp8, $4  }
0x3d2: {  	v10 =	vor.u32 v2, v6;
	v6 =	vor.u32 v2, v11;
	v16 =	vadd.f32 v3, v17;
	v9 =	vld.idx.msk [tilespmem:v1+s5+$0x0 ss:$0x1], $0xffff  }
0x3d3: {  	v13 =	vadd.f32 v7, v13;
	v17 =	vmul.f32 v8, v8;
	v15 =	vsub.f32 v15, v20;
	v11 =	vld.idx.msk [tilespmem:v21+s13+$0x0], $0xffff  }
0x3d4: {  	s2 =	sadd.s32 $0x4, s2;
	v3 =	vmov v14;
	v7 =	vld.idx.msk [tilespmem:v21+s14+$0x0], $0xffff  }
0x3d5: {  	s4 =	sadd.s32 $0x200, s4;
	s5 =	sadd.s32 $0xFFFFFFFD, s2;
	v14 =	vadd.f32 v17, v13;
	v15 =	vmul.f32 v15, v15;
	v13 =	vsub.f32 v16, v22;
	v8 =	vld.idx.msk [tilespmem:v12+s13+$0x0], $0xffff  }
0x3d6: {  	_ =	sdelay $0x3  }
0x3d7: {  	v16 =	vmov s5;
	v12 =	vld.idx.msk [tilespmem:v12+s14+$0x0], $0xffff  }
0x3d8: {  	s0 =	sadd.s32 $0x800, s0;
	s4 =	sadd.s32 $0xFFFFFFFE, s2;
	v17 =	vld.idx.msk [tilespmem:v10+s13+$0x0], $0xffff;
	v16 =	vand.u32 $0x7C, v16  }
0x3d9: {  	s24 =	sadd.s32 $0x180, s1;
	v20 =	vld.idx.msk [tilespmem:v6+s13+$0x0], $0xffff;
	s26 =	sadd.s32 $0xFFFFFFFF, s2;
	s0 =	sand.u32 $0x7000, s0;
	v19 =	vmov s4;
	v16 =	vbroadcast v16, $0x0  }
0x3da: {  	v18 =	vmov s2;
	s28 =	sadd.s32 $0x100, s1;
	v44 =	vld.idx.msk [tilespmem:v10+s14+$0x0], $0xffff;
	s25 =	sand.u32 $0x380, s24;
	v14 =	vadd.f32 v15, v14;
	s0 =	sor.u32 $0xC00, s0;
	v43 =	vand.u32 $0x7D, v19  }
0x3db: {  	s6 =	sadd.s32 $0x80, s1;
	v48 =	vld.idx.msk [tilespmem:v6+s14+$0x0], $0xffff;
	v46 =	vmov s26;
	s29 =	sand.u32 $0x300, s28;
	s4 =	sor.u32 s25, s0;
	v15 =	vbroadcast v43, $0x0;
	v45 =	vor.u32 v2, v16  }
0x3dc: {  	v13 =	vmul.f32 v13, v13;
	s30 =	sand.u32 $0x280, s6;
	v9 =	vadd.f32 v9, v11;
	s2 =	sor.u32 s29, s0;
	v47 =	vld.idx.msk [tilespmem:v1+s4+$0x0 ss:$0x1], $0xffff;
	v16 =	vand.u32 $0x7E, v46  }
0x3dd: {  	s31 =	sand.u32 $0x200, s1;
	v18 =	vand.u32 $0x7F, v18;
	s4 =	sor.u32 s30, s0;
	v51 =	vld.idx.msk [tilespmem:v1+s2+$0x0 ss:$0x1], $0xffff;
	v49 =	vor.u32 v2, v15;
	v50 =	vbroadcast v16, $0x0  }
0x3de: {  	v52 =	vbroadcast v18, $0x0;
	v7 =	vsub.f32 v9, v7;
	v4 =	vadd.f32 v4, v8;
	s0 =	sor.u32 s31, s0;
	v53 =	vld.idx.msk [tilespmem:v1+s4+$0x0 ss:$0x1], $0xffff  }
0x3df: {  	v13 =	vadd.f32 v13, v14;
	v1 =	vld.idx.msk [tilespmem:v1+s0+$0x0 ss:$0x1], $0xffff;
	v5 =	vadd.f32 v5, v17;
	v54 =	vor.u32 v2, v50  }
0x3e0: {  	v7 =	vmul.f32 v7, v7;
	v4 =	vsub.f32 v4, v12;
	v2 =	vor.u32 v2, v52;
	v55 =	vld.idx.msk [tilespmem:v45+s13+$0x0], $0xffff  }
0x3e1: {  	v3 =	vadd.f32 v3, v20;
	v11 =	vld.idx.msk [tilespmem:v45+s14+$0x0], $0xffff  }
0x3e2: {  	v5 =	vsub.f32 v5, v44;
	v7 =	vadd.f32 v7, v13;
	v4 =	vmul.f32 v4, v4;
	v56 =	vld.idx.msk [tilespmem:v49+s13+$0x0], $0xffff  }
0x3e3: {  	v9 =	vld.idx.msk [tilespmem:v49+s14+$0x0], $0xffff  }
0x3e4: {  	v3 =	vsub.f32 v3, v48;
	v5 =	vmul.f32 v5, v5;
	v4 =	vadd.f32 v4, v7;
	v57 =	vld.idx.msk [tilespmem:v54+s13+$0x0], $0xffff  }
0x3e5: {  	v58 =	vld.idx.msk [tilespmem:v2+s13+$0x0], $0xffff;
	v1 =	vadd.f32 v1, v55  }
0x3e6: {  	v3 =	vmul.f32 v3, v3;
	v4 =	vadd.f32 v5, v4;
	v59 =	vld.idx.msk [tilespmem:v54+s14+$0x0], $0xffff  }
0x3e7: {  	v60 =	vadd.f32 v53, v56;
	v1 =	vsub.f32 v1, v11  }
0x3e8: {  	v2 =	vld.idx.msk [tilespmem:v2+s14+$0x0], $0xffff;
	v3 =	vadd.f32 v3, v4  }
0x3e9: {  	v61 =	vsub.f32 v60, v9;
	v6 =	vadd.f32 v51, v57;
	v1 =	vmul.f32 v1, v1  }
0x3ea: {  	v7 =	vadd.f32 v47, v58  }
0x3eb: {  	v62 =	vsub.f32 v6, v59;
	v1 =	vadd.f32 v1, v3;
	v3 =	vmul.f32 v61, v61;
	_ =	sdelay $0x1  }
0x3ec: {  	v2 =	vsub.f32 v7, v2;
	v1 =	vadd.f32 v3, v1;
	v3 =	vmul.f32 v62, v62;
	_ =	sdelay $0x1  }
0x3ed: {  	v2 =	vmul.f32 v2, v2;
	v1 =	vadd.f32 v3, v1;
	_ =	sdelay $0x1  }
0x3ee: {  	v1 =	vadd.f32 v2, v1;
	_ =	sdelay $0x1  }
0x3ef: {  	v2 =	vshra.s32 v1, $0x1;
	v3 =	vmul.f32 $5.000000000e-01, v1  }
0x3f0: {  	v2 =	vsub.s32 $0x5F3759DF, v2  }
0x3f1: {  	v63 =	vmul.f32 v2, v3;
	_ =	sdelay $0x1  }
0x3f2: {  	v4 =	vmul.f32 v2, v63;
	_ =	sdelay $0x1  }
0x3f3: {  	v4 =	vsub.f32 $1.500000000e+00, v4;
	_ =	sdelay $0x1  }
0x3f4: {  	v2 =	vmul.f32 v2, v4;
	_ =	sdelay $0x1  }
0x3f5: {  	v4 =	vmul.f32 v2, v3;
	_ =	sdelay $0x1  }
0x3f6: {  	v4 =	vmul.f32 v4, v2;
	_ =	sdelay $0x1  }
0x3f7: {  	v4 =	vsub.f32 $1.500000000e+00, v4;
	_ =	sdelay $0x1  }
0x3f8: {  	v2 =	vmul.f32 v4, v2;
	_ =	sdelay $0x1  }
0x3f9: {  	v3 =	vmul.f32 v2, v3;
	_ =	sdelay $0x1  }
0x3fa: {  	v3 =	vmul.f32 v3, v2;
	_ =	sdelay $0x1  }
0x3fb: {  	v3 =	vsub.f32 $1.500000000e+00, v3;
	_ =	sdelay $0x1  }
0x3fc: {  	s19 =	sadd.s32 $0x1, s19;
	v2 =	vmul.f32 v3, v2  }
0x3fd: {  	p0 =	sne.s32 s19, $0x8  }
.Ltmp9:
0x3fe: {  	v1 =	vmul.f32 v2, v1;
	(pc) =	sbr.rel @p0 .LBB2_18-.Ltmp9, $3  }
0x3ff: {  	_ = 	snop  }
0x400: {  	v1 =	vsub.f32 $0.0e+00, v1;
	_ =	sdelay $0x1  }
0x401: {  	[tilespmem:s20+$0x18500] =	vst v1  }
0x402: {  	s0 =	simm.s32 $0x2  }
0x403: {  	_ =	swait.ge [sflag:s0], $0x4000  }
0x404: {  	[sflag:s0] =	ssyncset.done $0x0  }
0x405: {  	[sflag:s0] =	ssyncadd.s32 $0xFFFFC000  }
0x406: {  	_ =	swait.ge [sflag:s0], $0x4000  }
0x407: {  	[sflag:s0] =	ssyncset.done $0x0  }
0x408: {  	s19 =	simm.s32 $0x0;
	s20 =	simm.s32 $0x0;
	[sflag:s0] =	ssyncadd.s32 $0xFFFFC000  }
.LBB2_22:
0x409: {  	s21 =	sshll.u32 s20, $0x4;
	s0 =	simm.s32 $0x0  }
0x40a: {  	v1 =	vmov s21;
	v2 =	vmov s0  }
0x40b: {  	s5 =	sand.u32 $0x7000, s19;
	s2 =	simm.s32 $0x3;
	v2 =	vand.u32 $0x7C, v2  }
0x40c: {  	s1 =	simm.s32 $0x1;
	s4 =	simm.s32 $0x180;
	s7 =	simm.s32 $0x2;
	v6 =	vmov s2;
	v3 =	vshll.u32 v1, $0x7;
	v4 =	vbroadcast v2, $0x0  }
0x40d: {  	s0 =	sadd.s32 $0x1000, s5;
	v5 =	vmov s1;
	s6 =	sand.u32 $0x380, s4;
	s5 =	simm.s32 $0x100;
	v6 =	vand.u32 $0x7F, v6;
	v2 =	vor.u32 v0, v3  }
0x40e: {  	s1 =	sor.u32 s6, s0;
	s6 =	simm.s32 $0x80;
	s8 =	sand.u32 $0x300, s5;
	v3 =	vand.u32 $0x7D, v5;
	v6 =	vbroadcast v6, $0x0;
	v4 =	vor.u32 v2, v4  }
0x40f: {  	v5 =	vmov s7;
	s9 =	sand.u32 $0x280, s6;
	s10 =	sor.u32 s8, s0;
	v3 =	vbroadcast v3, $0x0;
	v7 =	vld.idx.msk [tilespmem:v1+s1+$0x0 ss:$0x1], $0xffff  }
0x410: {  	s12 =	sand.u32 $0x200, s19;
	v5 =	vand.u32 $0x7E, v5;
	v6 =	vor.u32 v2, v6;
	s1 =	sor.u32 s9, s0;
	v8 =	vld.idx.msk [tilespmem:v1+s10+$0x0 ss:$0x1], $0xffff  }
0x411: {  	v5 =	vbroadcast v5, $0x0;
	v3 =	vor.u32 v2, v3;
	s0 =	sor.u32 s12, s0;
	v9 =	vld.idx.msk [tilespmem:v1+s1+$0x0 ss:$0x1], $0xffff  }
0x412: {  	v10 =	vld.idx.msk [tilespmem:v1+s0+$0x0 ss:$0x1], $0xffff  }
0x413: {  	v5 =	vor.u32 v2, v5;
	v11 =	vld.idx.msk [tilespmem:v4+s15+$0x0], $0xffff  }
0x414: {  	v4 =	vld.idx.msk [tilespmem:v4+s16+$0x0], $0xffff  }
0x415: {  	v16 =	vld.idx.msk [tilespmem:v6+s15+$0x0], $0xffff  }
0x416: {  	s17 =	simm.s32 $0x4;
	s22 =	simm.s32 $0x5;
	v12 =	vld.idx.msk [tilespmem:v3+s15+$0x0], $0xffff  }
0x417: {  	v13 =	vmov s17;
	v15 =	vmov s22;
	v14 =	vld.idx.msk [tilespmem:v3+s16+$0x0], $0xffff  }
0x418: {  	s25 =	simm.s32 $0x7;
	v15 =	vand.u32 $0x7D, v15;
	s0 =	simm.s32 $0x800;
	v3 =	vand.u32 $0x7C, v13;
	v13 =	vld.idx.msk [tilespmem:v5+s15+$0x0], $0xffff  }
0x419: {  	s23 =	simm.s32 $0x380;
	s26 =	simm.s32 $0x300;
	s18 =	sand.u32 $0x7000, s0;
	v3 =	vbroadcast v3, $0x0;
	v18 =	vld.idx.msk [tilespmem:v5+s16+$0x0], $0xffff;
	v5 =	vmov s25;
	v10 =	vadd.f32 v10, v11  }
0x41a: {  	s28 =	simm.s32 $0x6;
	s5 =	sand.u32 $0x300, s26;
	s1 =	sadd.s32 $0x1000, s18;
	v20 =	vld.idx.msk [tilespmem:v6+s16+$0x0], $0xffff;
	v6 =	vand.u32 $0x7F, v5;
	v11 =	vbroadcast v15, $0x0  }
0x41b: {  	s29 =	simm.s32 $0x280;
	s24 =	sand.u32 $0x380, s23;
	s5 =	sor.u32 s5, s1;
	v19 =	vor.u32 v2, v3;
	v15 =	vmov s28;
	v10 =	vsub.f32 v10, v4  }
0x41c: {  	s30 =	simm.s32 $0x200;
	s31 =	sand.u32 $0x280, s29;
	s2 =	sor.u32 s24, s1;
	v5 =	vld.idx.msk [tilespmem:v1+s5+$0x0 ss:$0x1], $0xffff;
	v9 =	vadd.f32 v9, v12;
	v15 =	vand.u32 $0x7E, v15;
	v12 =	vor.u32 v2, v11  }
0x41d: {  	s4 =	sor.u32 s31, s1;
	v3 =	vld.idx.msk [tilespmem:v1+s2+$0x0 ss:$0x1], $0xffff;
	s2 =	sand.u32 $0x200, s30;
	v8 =	vadd.f32 v8, v13;
	v13 =	vbroadcast v15, $0x0;
	v10 =	vmul.f32 v10, v10  }
0x41e: {  	v17 =	vimm.f32 $0.0e+00;
	v6 =	vbroadcast v6, $0x0;
	s1 =	sor.u32 s2, s1;
	v4 =	vld.idx.msk [tilespmem:v1+s4+$0x0 ss:$0x1], $0xffff;
	v14 =	vsub.f32 v9, v14  }
0x41f: {  	v16 =	vadd.f32 v7, v16;
	v9 =	vld.idx.msk [tilespmem:v1+s1+$0x0 ss:$0x1], $0xffff;
	v15 =	vadd.f32 v10, v17;
	v10 =	vor.u32 v2, v13  }
0x420: {  	v6 =	vor.u32 v2, v6;
	v11 =	vld.idx.msk [tilespmem:v19+s15+$0x0], $0xffff;
	v14 =	vmul.f32 v14, v14;
	v17 =	vsub.f32 v8, v18  }
0x421: {  	s5 =	simm.s32 $0x8;
	v7 =	vld.idx.msk [tilespmem:v19+s16+$0x0], $0xffff  }
0x422: {  	s2 =	simm.s32 $0xB;
	s4 =	simm.s32 $0x600;
	s1 =	simm.s32 $0x400;
	v13 =	vsub.f32 v16, v20;
	v8 =	vld.idx.msk [tilespmem:v12+s15+$0x0], $0xffff;
	v14 =	vadd.f32 v14, v15;
	v15 =	vmul.f32 v17, v17  }
.LBB2_23:
0x423: {  	p0 =	sne.s32 s4, $0x1E00;
	v16 =	vmov s5;
	v17 =	vmov s2;
	v18 =	vld.idx.msk [tilespmem:v12+s16+$0x0], $0xffff;
	s0 =	sadd.s32 $0x800, s0;
	v19 =	vmov v5  }
0x424: {  	s6 =	sadd.s32 $0xFFFFFFFE, s2;
	s7 =	sadd.s32 $0x180, s1;
	v5 =	vand.u32 $0x7C, v16;
	s5 =	sand.u32 $0x7000, s0;
	v16 =	vld.idx.msk [tilespmem:v10+s15+$0x0], $0xffff;
	v12 =	vadd.f32 v15, v14;
	v13 =	vmul.f32 v13, v13  }
0x425: {  	v14 =	vmov s6;
	v15 =	vand.u32 $0x7F, v17;
	s6 =	sand.u32 $0x380, s7;
	v5 =	vbroadcast v5, $0x0;
	s5 =	sadd.s32 $0x1000, s5;
	v17 =	vld.idx.msk [tilespmem:v6+s15+$0x0], $0xffff  }
0x426: {  	s8 =	sadd.s32 $0x100, s1;
	s7 =	sadd.s32 $0xFFFFFFFF, s2;
	v14 =	vand.u32 $0x7D, v14;
	v9 =	vadd.f32 v9, v11;
	s6 =	sor.u32 s6, s5;
	v20 =	vld.idx.msk [tilespmem:v10+s16+$0x0], $0xffff;
	v13 =	vadd.f32 v13, v12  }
0x427: {  	s9 =	sadd.s32 $0x80, s1;
	v10 =	vmov s7;
	s7 =	sand.u32 $0x300, s8;
	v21 =	vor.u32 v2, v5;
	v5 =	vbroadcast v14, $0x0;
	v14 =	vld.idx.msk [tilespmem:v1+s6+$0x0 ss:$0x1], $0xffff  }
0x428: {  	s6 =	sand.u32 $0x280, s9;
	v10 =	vand.u32 $0x7E, v10;
	s7 =	sor.u32 s7, s5;
	v7 =	vsub.f32 v9, v7;
	v8 =	vadd.f32 v4, v8;
	v22 =	vld.idx.msk [tilespmem:v6+s16+$0x0], $0xffff  }
0x429: {  	v11 =	vbroadcast v15, $0x0;
	s8 =	sand.u32 $0x200, s1;
	s1 =	smov.u32 s4;
	s6 =	sor.u32 s6, s5;
	v6 =	vbroadcast v10, $0x0;
	v12 =	vor.u32 v2, v5;
	v5 =	vld.idx.msk [tilespmem:v1+s7+$0x0 ss:$0x1], $0xffff  }
.Ltmp10:
0x42a: {  	s5 =	sor.u32 s8, s5;
	v7 =	vmul.f32 v7, v7;
	v8 =	vsub.f32 v8, v18;
	v15 =	vadd.f32 v19, v16;
	v4 =	vld.idx.msk [tilespmem:v1+s6+$0x0 ss:$0x1], $0xffff;
	(pc) =	sbr.rel @p0 .LBB2_23-.Ltmp10, $4  }
0x42b: {  	v10 =	vor.u32 v2, v6;
	v6 =	vor.u32 v2, v11;
	v16 =	vadd.f32 v3, v17;
	v9 =	vld.idx.msk [tilespmem:v1+s5+$0x0 ss:$0x1], $0xffff  }
0x42c: {  	v13 =	vadd.f32 v7, v13;
	v17 =	vmul.f32 v8, v8;
	v15 =	vsub.f32 v15, v20;
	v11 =	vld.idx.msk [tilespmem:v21+s15+$0x0], $0xffff  }
0x42d: {  	s2 =	sadd.s32 $0x4, s2;
	v3 =	vmov v14;
	v7 =	vld.idx.msk [tilespmem:v21+s16+$0x0], $0xffff  }
0x42e: {  	s4 =	sadd.s32 $0x200, s4;
	s5 =	sadd.s32 $0xFFFFFFFD, s2;
	v14 =	vadd.f32 v17, v13;
	v15 =	vmul.f32 v15, v15;
	v13 =	vsub.f32 v16, v22;
	v8 =	vld.idx.msk [tilespmem:v12+s15+$0x0], $0xffff  }
0x42f: {  	_ =	sdelay $0x3  }
0x430: {  	v16 =	vmov s5;
	v12 =	vld.idx.msk [tilespmem:v12+s16+$0x0], $0xffff  }
0x431: {  	s0 =	sadd.s32 $0x800, s0;
	s4 =	sadd.s32 $0xFFFFFFFE, s2;
	v17 =	vld.idx.msk [tilespmem:v10+s15+$0x0], $0xffff;
	v16 =	vand.u32 $0x7C, v16  }
0x432: {  	s24 =	sadd.s32 $0x180, s1;
	v20 =	vld.idx.msk [tilespmem:v6+s15+$0x0], $0xffff;
	s26 =	sadd.s32 $0xFFFFFFFF, s2;
	s0 =	sand.u32 $0x7000, s0;
	v19 =	vmov s4;
	v16 =	vbroadcast v16, $0x0  }
0x433: {  	v18 =	vmov s2;
	s28 =	sadd.s32 $0x100, s1;
	v44 =	vld.idx.msk [tilespmem:v10+s16+$0x0], $0xffff;
	s25 =	sand.u32 $0x380, s24;
	v14 =	vadd.f32 v15, v14;
	s0 =	sadd.s32 $0x1000, s0;
	v43 =	vand.u32 $0x7D, v19  }
0x434: {  	s6 =	sadd.s32 $0x80, s1;
	v48 =	vld.idx.msk [tilespmem:v6+s16+$0x0], $0xffff;
	v46 =	vmov s26;
	s29 =	sand.u32 $0x300, s28;
	s4 =	sor.u32 s25, s0;
	v15 =	vbroadcast v43, $0x0;
	v45 =	vor.u32 v2, v16  }
0x435: {  	v13 =	vmul.f32 v13, v13;
	s30 =	sand.u32 $0x280, s6;
	v9 =	vadd.f32 v9, v11;
	s2 =	sor.u32 s29, s0;
	v47 =	vld.idx.msk [tilespmem:v1+s4+$0x0 ss:$0x1], $0xffff;
	v16 =	vand.u32 $0x7E, v46  }
0x436: {  	s31 =	sand.u32 $0x200, s1;
	v18 =	vand.u32 $0x7F, v18;
	s4 =	sor.u32 s30, s0;
	v51 =	vld.idx.msk [tilespmem:v1+s2+$0x0 ss:$0x1], $0xffff;
	v49 =	vor.u32 v2, v15;
	v50 =	vbroadcast v16, $0x0  }
0x437: {  	v52 =	vbroadcast v18, $0x0;
	v7 =	vsub.f32 v9, v7;
	v4 =	vadd.f32 v4, v8;
	s0 =	sor.u32 s31, s0;
	v53 =	vld.idx.msk [tilespmem:v1+s4+$0x0 ss:$0x1], $0xffff  }
0x438: {  	v13 =	vadd.f32 v13, v14;
	v1 =	vld.idx.msk [tilespmem:v1+s0+$0x0 ss:$0x1], $0xffff;
	v5 =	vadd.f32 v5, v17;
	v54 =	vor.u32 v2, v50  }
0x439: {  	v7 =	vmul.f32 v7, v7;
	v4 =	vsub.f32 v4, v12;
	v2 =	vor.u32 v2, v52;
	v55 =	vld.idx.msk [tilespmem:v45+s15+$0x0], $0xffff  }
0x43a: {  	v3 =	vadd.f32 v3, v20;
	v11 =	vld.idx.msk [tilespmem:v45+s16+$0x0], $0xffff  }
0x43b: {  	v5 =	vsub.f32 v5, v44;
	v7 =	vadd.f32 v7, v13;
	v4 =	vmul.f32 v4, v4;
	v56 =	vld.idx.msk [tilespmem:v49+s15+$0x0], $0xffff  }
0x43c: {  	v9 =	vld.idx.msk [tilespmem:v49+s16+$0x0], $0xffff  }
0x43d: {  	v3 =	vsub.f32 v3, v48;
	v5 =	vmul.f32 v5, v5;
	v4 =	vadd.f32 v4, v7;
	v57 =	vld.idx.msk [tilespmem:v54+s15+$0x0], $0xffff  }
0x43e: {  	v58 =	vld.idx.msk [tilespmem:v2+s15+$0x0], $0xffff;
	v1 =	vadd.f32 v1, v55  }
0x43f: {  	v3 =	vmul.f32 v3, v3;
	v4 =	vadd.f32 v5, v4;
	v59 =	vld.idx.msk [tilespmem:v54+s16+$0x0], $0xffff  }
0x440: {  	v60 =	vadd.f32 v53, v56;
	v1 =	vsub.f32 v1, v11  }
0x441: {  	v2 =	vld.idx.msk [tilespmem:v2+s16+$0x0], $0xffff;
	v3 =	vadd.f32 v3, v4  }
0x442: {  	v61 =	vsub.f32 v60, v9;
	v6 =	vadd.f32 v51, v57;
	v1 =	vmul.f32 v1, v1  }
0x443: {  	v7 =	vadd.f32 v47, v58  }
0x444: {  	v62 =	vsub.f32 v6, v59;
	v1 =	vadd.f32 v1, v3;
	v3 =	vmul.f32 v61, v61;
	_ =	sdelay $0x1  }
0x445: {  	v2 =	vsub.f32 v7, v2;
	v1 =	vadd.f32 v3, v1;
	v3 =	vmul.f32 v62, v62;
	_ =	sdelay $0x1  }
0x446: {  	v2 =	vmul.f32 v2, v2;
	v1 =	vadd.f32 v3, v1;
	_ =	sdelay $0x1  }
0x447: {  	v1 =	vadd.f32 v2, v1;
	_ =	sdelay $0x1  }
0x448: {  	v2 =	vshra.s32 v1, $0x1;
	v3 =	vmul.f32 $5.000000000e-01, v1  }
0x449: {  	v2 =	vsub.s32 $0x5F3759DF, v2  }
0x44a: {  	v63 =	vmul.f32 v2, v3;
	_ =	sdelay $0x1  }
0x44b: {  	v4 =	vmul.f32 v2, v63;
	_ =	sdelay $0x1  }
0x44c: {  	v4 =	vsub.f32 $1.500000000e+00, v4;
	_ =	sdelay $0x1  }
0x44d: {  	v2 =	vmul.f32 v2, v4;
	_ =	sdelay $0x1  }
0x44e: {  	v4 =	vmul.f32 v2, v3;
	_ =	sdelay $0x1  }
0x44f: {  	v4 =	vmul.f32 v4, v2;
	_ =	sdelay $0x1  }
0x450: {  	v4 =	vsub.f32 $1.500000000e+00, v4;
	_ =	sdelay $0x1  }
0x451: {  	v2 =	vmul.f32 v4, v2;
	_ =	sdelay $0x1  }
0x452: {  	v3 =	vmul.f32 v2, v3;
	_ =	sdelay $0x1  }
0x453: {  	v3 =	vmul.f32 v3, v2;
	_ =	sdelay $0x1  }
0x454: {  	v3 =	vsub.f32 $1.500000000e+00, v3;
	_ =	sdelay $0x1  }
0x455: {  	s20 =	sadd.s32 $0x1, s20;
	v2 =	vmul.f32 v3, v2  }
0x456: {  	p0 =	sne.s32 s20, $0x8  }
.Ltmp11:
0x457: {  	v1 =	vmul.f32 v2, v1;
	(pc) =	sbr.rel @p0 .LBB2_22-.Ltmp11, $3  }
0x458: {  	_ = 	snop  }
0x459: {  	v1 =	vsub.f32 $0.0e+00, v1;
	_ =	sdelay $0x1  }
0x45a: {  	[tilespmem:s21+$0x18580] =	vst v1  }
0x45b: {  	s0 =	sld [smem:$0x7FC];
	_ =	sdelay $0x1  }
0x45c: {  	s1 =	simm.s32 $0x18400;
	s2 =	simm.s32 $0x3  }
0x45d: {  	[hbm4b:s0+s11] =	stream.linear.scatter [tilespmem:s1], [sflag:$0x3], $0x200, $0x38;
	[tilespmem:$0x18600] =	vst v63  }
0x45e: {  	_ =	swait.ge [sflag:s2], $0x200  }
0x45f: {  	s30 =	sld [smem:$0x7F8]  }
0x460: {  	s31 =	sld [smem:$0x7FD];
	_ =	sdelay $0x1  }
0x461: {  	s1 =	sadd.s32 $0x1, s30  }
0x462: {  	p0 =	sne.s32 s1, s31  }
.Ltmp12:
0x463: {  	_ = 	snop;
	(pc) =	sbr.rel @p0 .LBB2_1-.Ltmp12, $3  }
0x464: {  	_ =	sdelay $0x1  }
0x465: {  	[sflag:s2] =	ssyncset.done $0x0  }
0x466: {  	[sflag:s2] =	ssyncadd.s32 $0xFFFFFE00  }
0x467: {  	_ =	sfence.sel $0x180000  }
0x468: {  	[bflag:$0x0] =	sbarrier.arrive $0xFFFF  }
0x469: {  	_ =	strace $0x9000004A  }
0x46a: {  	s0 =	stileid.u32;
	[bflag:$0x2] =	sbarrier.arrive $0xFFFF  }
0x46b: {  	p0 =	sne.s32 s0, $0x0;
	s0 =	rddreg [dreg:$0x4]  }
0x46c: {  	s0 =	sadd.s32 @!p0 $0x100000, s0  }
0x46d: {  	[sflag:s0] =	ssyncadd.tile.s32 @!p0 $0x1;
	_ =	shalt  }
.Lfunc_end2:
_tile_overlayer_lowered:
.L_overlay_start_2:
0x46e: {  	(tag) =	ssettag $0x2  }
0x46f: {  	s0 =	rddreg [dreg:$0x0];
	s2 =	stileid.u32  }
0x470: {  	s1 =	rddreg [dreg:$0x1];
	p0 =	sne.s32 s2, $0x0  }
0x471: {  	s3 =	rddreg [dreg:$0x2];
	[bflag:$0x3] =	sbarrier.arrive $0xFFFF;
	s2 =	simm.s32 @!p0 $0x1C03  }
0x472: {  	[timem:s3], [sflag:s2] =	dma.local @!p0 [hbm:s0], s1  }
0x473: {  	s0 =	simm.s32 @!p0 $0x3  }
0x474: {  	_ =	swait.ge @!p0 [sflag:s0], s1  }
0x475: {  	s1 =	ssub.s32 @!p0 $0x0, s1;
	[sflag:s0] =	ssyncset.done @!p0 $0x0  }
0x476: {  	[sflag:s0] =	ssyncadd.s32 @!p0 s1  }
0x477: {  	[bflag:$0x3] =	sbarrier.arrive $0xFFFF  }
0x478: {  	_ =	shalt  }

</sc_bundles>
